<compile_context>
chip_gen: v7x
topology: tpu7x:2x2x1
jax: 0.10.2.dev20260603
libtpu: 0.0.44.dev20260713+nightly
codegen_flags: <defaults>
</compile_context>

<pallas_src>
import functools

import jax
import jax.numpy as jnp
from jax import lax
from jax.experimental import pallas as pl
from jax.experimental.pallas import tpu as pltpu
from jax.experimental.pallas import tpu_sc as plsc

F = 26
V = 100000
D = 32
B = 16384
LOG2_B = 14
PACK = 128 // D

NC = 2
NS = 16
NW = NC * NS
TOTAL_ROWS = F * B
RPW = TOTAL_ROWS // NW
CHUNK = 416
NCHUNK = RPW // CHUNK


def _sc_gather_body(tables_hbm, idx_hbm, out_hbm,
                    idx_a, idx_b, wide_a, wide_b, sem_a, sem_b):
    wid = lax.axis_index("s") * NC + lax.axis_index("c")
    base = pl.multiple_of(wid * RPW, CHUNK)
    idx_bufs = (idx_a, idx_b)
    wide_bufs = (wide_a, wide_b)
    sems = (sem_a, sem_b)

    def stage_indices(c, k):
        pltpu.sync_copy(idx_hbm.at[pl.ds(base + c * CHUNK, CHUNK)], idx_bufs[k])

        def fix(i, _):
            off = pl.multiple_of(i * 16, 16)
            pos = base + c * CHUNK + off + lax.iota(jnp.int32, 16)
            fld = lax.shift_right_logical(pos, LOG2_B)
            idx_bufs[k][pl.ds(off, 16)] = idx_bufs[k][pl.ds(off, 16)] + fld * V
            return 0

        lax.fori_loop(0, CHUNK // 16, fix, 0)

    def drain(c):
        k = c % 2
        pltpu.sync_copy(wide_bufs[k].at[:, pl.ds(0, D)],
                        out_hbm.at[pl.ds(base + c * CHUNK, CHUNK)])

    prev = None
    for c in range(NCHUNK):
        k = c % 2
        stage_indices(c, k)
        cp = pltpu.async_copy(tables_hbm.at[idx_bufs[k]], wide_bufs[k], sems[k])
        if prev is not None:
            prev.wait()
            drain(c - 1)
        prev = cp
    prev.wait()
    drain(NCHUNK - 1)


@functools.lru_cache(maxsize=None)
def _sc_gather():
    return pl.kernel(
        _sc_gather_body,
        mesh=plsc.VectorSubcoreMesh(core_axis_name="c", subcore_axis_name="s"),
        out_type=jax.ShapeDtypeStruct((TOTAL_ROWS, D), jnp.float32),
        scratch_types=[
            pltpu.VMEM((CHUNK,), jnp.int32),
            pltpu.VMEM((CHUNK,), jnp.int32),
            pltpu.VMEM((CHUNK, 128), jnp.float32),
            pltpu.VMEM((CHUNK, 128), jnp.float32),
            pltpu.SemaphoreType.DMA,
            pltpu.SemaphoreType.DMA,
        ],
        compiler_params=pltpu.CompilerParams(use_tc_tiling_on_sc=False),
    )


TV = 4096


def _transpose_body(xt_ref, out_ref):
    out_ref[0, :, pl.ds(0, D)] = xt_ref[0].T


def _transpose_tables(tables_t):
    return pl.pallas_call(
        _transpose_body,
        grid=(F, V // TV + 1),
        in_specs=[pl.BlockSpec((1, D, TV), lambda f, i: (f, 0, i))],
        out_specs=pl.BlockSpec((1, TV, 128), lambda f, i: (f, i, 0)),
        out_shape=jax.ShapeDtypeStruct((F, V, 128), jnp.float32),
    )(tables_t)


BT = 2048
BTP = BT // PACK


def _mlp_body(embs_ref, w1_ref, b1_ref, w2_ref, b2_ref, out_ref):
    acc = jnp.zeros((BTP, 128), jnp.float32)
    for f in range(F):
        acc = acc + jnp.dot(embs_ref[f], w1_ref[f],
                            preferred_element_type=jnp.float32)
    h = jnp.maximum(acc + b1_ref[...], 0.0)
    out_ref[...] = jnp.dot(h, w2_ref[...],
                           preferred_element_type=jnp.float32) + b2_ref[...]


def _mlp(embs_packed, W1p, b1p, W2p, b2p):
    return pl.pallas_call(
        _mlp_body,
        grid=(B // BT,),
        in_specs=[
            pl.BlockSpec((F, BTP, 128), lambda i: (0, i, 0)),
            pl.BlockSpec((F, 128, 128), lambda i: (0, 0, 0)),
            pl.BlockSpec((1, 128), lambda i: (0, 0)),
            pl.BlockSpec((128, 128), lambda i: (0, 0)),
            pl.BlockSpec((1, 128), lambda i: (0, 0)),
        ],
        out_specs=pl.BlockSpec((BTP, 128), lambda i: (i, 0)),
        out_shape=jax.ShapeDtypeStruct((B // PACK, 128), jnp.float32),
    )(embs_packed, W1p, b1p, W2p, b2p)


def kernel(indices, tables, W1, b1, W2, b2):
    tables_t = tables.transpose(0, 2, 1)
    tables_wide = _transpose_tables(tables_t).reshape(F * V, 128)
    idx_flat = indices.reshape(TOTAL_ROWS)
    embs = _sc_gather()(tables_wide, idx_flat)
    embs_packed = embs.reshape(F, B // PACK, 128)

    eye = jnp.eye(PACK, dtype=jnp.float32)
    W1p = jax.vmap(lambda w: jnp.kron(eye, w))(W1.reshape(F, D, D))
    W2p = jnp.kron(eye, W2)
    b1p = jnp.tile(b1.reshape(-1), PACK).reshape(1, 128)
    b2p = jnp.tile(b2.reshape(-1), PACK).reshape(1, 128)

    out_packed = _mlp(embs_packed, W1p, b1p, W2p, b2p)
    return out_packed.reshape(B, D)

# --- scband reference (transcript-rebuilt; emitter-appended) ---
"""Pipeline reference for scband-field-aware-factorization-machine-26680336843645 (READ-ONLY COPY).

The authoritative reference and input builder live on the scoring server;
editing this copy changes nothing except your own understanding.
"""

import jax, jax.numpy as jnp
import numpy as np

F = 26
V = 100000
D = 32
B = 16384

def setup_inputs(seed: int = 0) -> dict:
    key = jax.random.key(seed)
    ks = jax.random.split(key, 6)
    indices = jax.random.randint(ks[0], (F, B), 0, V, dtype=jnp.int32)
    tables = jax.random.normal(ks[1], (F, V, D), dtype=jnp.float32) * 0.02
    W1 = jax.random.normal(ks[2], (F * D, D), dtype=jnp.float32) * (1.0 / np.sqrt(F * D))
    b1 = jnp.zeros((D,), dtype=jnp.float32)
    W2 = jax.random.normal(ks[3], (D, D), dtype=jnp.float32) * (1.0 / np.sqrt(D))
    b2 = jnp.zeros((D,), dtype=jnp.float32)
    return {"indices": indices, "tables": tables, "W1": W1, "b1": b1, "W2": W2, "b2": b2}

def reference(indices, tables, W1, b1, W2, b2):
    # per-field embedding lookup: embs[f] = tables[f][indices[f]]
    embs = jax.vmap(lambda t, i: jnp.take(t, i, axis=0))(tables, indices)  # [F, B, D]
    embs = jnp.transpose(embs, (1, 0, 2)).reshape(B, F * D)  # concat over fields
    h = jnp.maximum(embs @ W1 + b1, 0.0)
    out = h @ W2 + b2
    return out

if __name__ == "__main__":
    import jax
    _d = setup_inputs()
    print(jax.jit(kernel)(*tuple(_d.values())))

</pallas_src>

<mosaic_0001>
#map = affine_map<(d0, d1) -> (0, 0)>
#map1 = affine_map<(d0, d1) -> (0)>
module attributes {stable_mosaic.version = 14 : i64} {
  func.func @_sc_gather_body(%arg0: i32, %arg1: i32, %arg2: memref<2600000x128xf32, #tpu.memory_space<hbm>>, %arg3: memref<425984xi32, #tpu.memory_space<hbm>>, %arg4: memref<425984x32xf32, #tpu.memory_space<hbm>>, %arg5: memref<416xi32, #tpu.memory_space<vmem>>, %arg6: memref<416xi32, #tpu.memory_space<vmem>>, %arg7: memref<416x128xf32, #tpu.memory_space<vmem>>, %arg8: memref<416x128xf32, #tpu.memory_space<vmem>>, %arg9: memref<!tpu.dma_semaphore, #tpu.memory_space<semaphore_mem>>, %arg10: memref<!tpu.dma_semaphore, #tpu.memory_space<semaphore_mem>>) attributes {dimension_semantics = [#tpu.dimension_semantics<core_parallel>, #tpu.dimension_semantics<subcore_parallel>], iteration_bounds = array<i64: 2, 16>, scalar_prefetch = 0 : i64, scratch_operands = 6 : i64, tpu.core_type = #tpu.core_type<sc_vector_subcore>, window_params = [{transform_indices = #map}, {transform_indices = #map1}, {transform_indices = #map}]} {
    %mul3A = arith.constant 2 : i32
    %mul3A_0 = arith.muli %arg1, %mul3A : i32
    %add3A = arith.addi %mul3A_0, %arg0 : i32
    %mul3A_1 = arith.constant 13312 : i32
    %mul3A_2 = arith.muli %add3A, %mul3A_1 : i32
    %multiple_of3A = tpu.assume_multiple %mul3A_2, 416 : i32
    %add3A_3 = arith.constant 0 : i32
    %add3A_4 = arith.addi %multiple_of3A, %add3A_3 : i32
    "tpu.region"() ({
      %run_scoped3A = tpu.sem_alloc : memref<!tpu.dma_semaphore, #tpu.memory_space<semaphore_mem>>
      %dma_start3A_544 = tpu.memref_slice %arg3[%add3A_4] : memref<425984xi32, #tpu.memory_space<hbm>> -> memref<416xi32, #tpu.memory_space<hbm>>
      %dma_start3A_545 = tpu.memref_slice %arg3[%add3A_4] : memref<425984xi32, #tpu.memory_space<hbm>> -> memref<416xi32, #tpu.memory_space<hbm>>
      tpu.enqueue_dma source(%dma_start3A_545 : memref<416xi32, #tpu.memory_space<hbm>>) target(%arg5 : memref<416xi32, #tpu.memory_space<vmem>>) target_semaphore(%run_scoped3A : memref<!tpu.dma_semaphore, #tpu.memory_space<semaphore_mem>>)
      %dma_wait3A_546 = tpu.memref_slice %arg3[%add3A_4] : memref<425984xi32, #tpu.memory_space<hbm>> -> memref<416xi32, #tpu.memory_space<hbm>>
      %dma_wait3A_547 = tpu.memref_slice %arg3[%add3A_4] : memref<425984xi32, #tpu.memory_space<hbm>> -> memref<416xi32, #tpu.memory_space<hbm>>
      tpu.wait_dma2 semaphore(%run_scoped3A : memref<!tpu.dma_semaphore, #tpu.memory_space<semaphore_mem>>) src(%dma_wait3A_547 : memref<416xi32, #tpu.memory_space<hbm>>) dst(%arg5 : memref<416xi32, #tpu.memory_space<vmem>>)
      tpu.yield
    }) : () -> ()
    %scan3A = arith.constant 0 : i32
    %scan3A_5 = arith.constant 0 : i32
    %scan3A_6 = arith.constant 26 : i32
    %scan3A_7 = arith.addi %scan3A_5, %scan3A_6 : i32
    %scan3A_8 = arith.constant 1 : i32
    %scan3A_9 = scf.for %scan3A_544 = %scan3A_5 to %scan3A_7 step %scan3A_8 iter_args(%scan3A_545 = %scan3A) -> (i32)  : i32 {
      %mul3A_546 = arith.constant 16 : i32
      %mul3A_547 = arith.muli %scan3A_544, %mul3A_546 : i32
      %multiple_of3A_548 = tpu.assume_multiple %mul3A_547, 16 : i32
      %add3A_549 = arith.constant 0 : i32
      %add3A_550 = arith.addi %multiple_of3A, %add3A_549 : i32
      %add3A_551 = arith.addi %add3A_550, %multiple_of3A_548 : i32
      %iota3A = tpu.iota {dimensions = array<i32: 0>} : vector<16xi32>
      %add3A_552 = vector.broadcast %add3A_551 : i32 to vector<16xi32>
      %add3A_553 = arith.addi %add3A_552, %iota3A : vector<16xi32>
      %shift_right_logical3A = arith.constant 14 : i32
      %shift_right_logical3A_554 = vector.broadcast %shift_right_logical3A : i32 to vector<16xi32>
      %shift_right_logical3A_555 = arith.shrui %add3A_553, %shift_right_logical3A_554 : vector<16xi32>
      %get3A = arith.index_cast %multiple_of3A_548 : i32 to index
      %get3A_556 = tpu.vector_load %arg5[%get3A] {strides = array<i32>} : memref<416xi32, #tpu.memory_space<vmem>>, vector<16xi32>,
      %get3A_557 = vector.shape_cast %get3A_556 : vector<16xi32> to vector<16xi32>
      %mul3A_558 = arith.constant 100000 : i32
      %mul3A_559 = vector.broadcast %mul3A_558 : i32 to vector<16xi32>
      %mul3A_560 = arith.muli %shift_right_logical3A_555, %mul3A_559 : vector<16xi32>
      %add3A_561 = arith.addi %get3A_557, %mul3A_560 : vector<16xi32>
      %swap3A = arith.index_cast %multiple_of3A_548 : i32 to index
      %swap3A_562 = tpu.vector_load %arg5[%swap3A] {strides = array<i32>} : memref<416xi32, #tpu.memory_space<vmem>>, vector<16xi32>,
      %swap3A_563 = vector.shape_cast %swap3A_562 : vector<16xi32> to vector<16xi32>
      %swap3A_564 = vector.shape_cast %add3A_561 : vector<16xi32> to vector<16xi32>
      tpu.vector_store %arg5[%swap3A], %swap3A_564 {strides = array<i32>} : memref<416xi32, #tpu.memory_space<vmem>>, vector<16xi32>,
      %scan3A_565 = arith.constant 0 : i32
      scf.yield %scan3A_565 : i32
    }
    %scan3A_10 = arith.constant 26 : i32
    %dma_start3A = arith.constant 0 : i32
    %dma_start3A_11 = arith.constant 0 : i32
    %dma_start3A_12 = tpu.memref_slice %arg2[%dma_start3A, %dma_start3A_11] : memref<2600000x128xf32, #tpu.memory_space<hbm>> -> memref<2600000x128xf32, #tpu.memory_space<hbm>>
    tpu.enqueue_indirect_dma source(%dma_start3A_12 : memref<2600000x128xf32, #tpu.memory_space<hbm>>) target(%arg7 : memref<416x128xf32, #tpu.memory_space<vmem>>) offsets(%arg5 : memref<416xi32, #tpu.memory_space<vmem>>) semaphore(%arg9 : memref<!tpu.dma_semaphore, #tpu.memory_space<semaphore_mem>>)
    %add3A_13 = arith.constant 416 : i32
    %add3A_14 = arith.addi %multiple_of3A, %add3A_13 : i32
    "tpu.region"() ({
      %run_scoped3A = tpu.sem_alloc : memref<!tpu.dma_semaphore, #tpu.memory_space<semaphore_mem>>
      %dma_start3A_544 = tpu.memref_slice %arg3[%add3A_14] : memref<425984xi32, #tpu.memory_space<hbm>> -> memref<416xi32, #tpu.memory_space<hbm>>
      %dma_start3A_545 = tpu.memref_slice %arg3[%add3A_14] : memref<425984xi32, #tpu.memory_space<hbm>> -> memref<416xi32, #tpu.memory_space<hbm>>
      tpu.enqueue_dma source(%dma_start3A_545 : memref<416xi32, #tpu.memory_space<hbm>>) target(%arg6 : memref<416xi32, #tpu.memory_space<vmem>>) target_semaphore(%run_scoped3A : memref<!tpu.dma_semaphore, #tpu.memory_space<semaphore_mem>>)
      %dma_wait3A_546 = tpu.memref_slice %arg3[%add3A_14] : memref<425984xi32, #tpu.memory_space<hbm>> -> memref<416xi32, #tpu.memory_space<hbm>>
      %dma_wait3A_547 = tpu.memref_slice %arg3[%add3A_14] : memref<425984xi32, #tpu.memory_space<hbm>> -> memref<416xi32, #tpu.memory_space<hbm>>
      tpu.wait_dma2 semaphore(%run_scoped3A : memref<!tpu.dma_semaphore, #tpu.memory_space<semaphore_mem>>) src(%dma_wait3A_547 : memref<416xi32, #tpu.memory_space<hbm>>) dst(%arg6 : memref<416xi32, #tpu.memory_space<vmem>>)
      tpu.yield
    }) : () -> ()
    %scan3A_15 = arith.constant 0 : i32
    %scan3A_16 = arith.constant 0 : i32
    %scan3A_17 = arith.constant 26 : i32
    %scan3A_18 = arith.addi %scan3A_16, %scan3A_17 : i32
    %scan3A_19 = arith.constant 1 : i32
    %scan3A_20 = scf.for %scan3A_544 = %scan3A_16 to %scan3A_18 step %scan3A_19 iter_args(%scan3A_545 = %scan3A_15) -> (i32)  : i32 {
      %mul3A_546 = arith.constant 16 : i32
      %mul3A_547 = arith.muli %scan3A_544, %mul3A_546 : i32
      %multiple_of3A_548 = tpu.assume_multiple %mul3A_547, 16 : i32
      %add3A_549 = arith.constant 416 : i32
      %add3A_550 = arith.addi %multiple_of3A, %add3A_549 : i32
      %add3A_551 = arith.addi %add3A_550, %multiple_of3A_548 : i32
      %iota3A = tpu.iota {dimensions = array<i32: 0>} : vector<16xi32>
      %add3A_552 = vector.broadcast %add3A_551 : i32 to vector<16xi32>
      %add3A_553 = arith.addi %add3A_552, %iota3A : vector<16xi32>
      %shift_right_logical3A = arith.constant 14 : i32
      %shift_right_logical3A_554 = vector.broadcast %shift_right_logical3A : i32 to vector<16xi32>
      %shift_right_logical3A_555 = arith.shrui %add3A_553, %shift_right_logical3A_554 : vector<16xi32>
      %get3A = arith.index_cast %multiple_of3A_548 : i32 to index
      %get3A_556 = tpu.vector_load %arg6[%get3A] {strides = array<i32>} : memref<416xi32, #tpu.memory_space<vmem>>, vector<16xi32>,
      %get3A_557 = vector.shape_cast %get3A_556 : vector<16xi32> to vector<16xi32>
      %mul3A_558 = arith.constant 100000 : i32
      %mul3A_559 = vector.broadcast %mul3A_558 : i32 to vector<16xi32>
      %mul3A_560 = arith.muli %shift_right_logical3A_555, %mul3A_559 : vector<16xi32>
      %add3A_561 = arith.addi %get3A_557, %mul3A_560 : vector<16xi32>
      %swap3A = arith.index_cast %multiple_of3A_548 : i32 to index
      %swap3A_562 = tpu.vector_load %arg6[%swap3A] {strides = array<i32>} : memref<416xi32, #tpu.memory_space<vmem>>, vector<16xi32>,
      %swap3A_563 = vector.shape_cast %swap3A_562 : vector<16xi32> to vector<16xi32>
      %swap3A_564 = vector.shape_cast %add3A_561 : vector<16xi32> to vector<16xi32>
      tpu.vector_store %arg6[%swap3A], %swap3A_564 {strides = array<i32>} : memref<416xi32, #tpu.memory_space<vmem>>, vector<16xi32>,
      %scan3A_565 = arith.constant 0 : i32
      scf.yield %scan3A_565 : i32
    }
    %scan3A_21 = arith.constant 26 : i32
    %dma_start3A_22 = arith.constant 0 : i32
    %dma_start3A_23 = arith.constant 0 : i32
    %dma_start3A_24 = tpu.memref_slice %arg2[%dma_start3A_22, %dma_start3A_23] : memref<2600000x128xf32, #tpu.memory_space<hbm>> -> memref<2600000x128xf32, #tpu.memory_space<hbm>>
    tpu.enqueue_indirect_dma source(%dma_start3A_24 : memref<2600000x128xf32, #tpu.memory_space<hbm>>) target(%arg8 : memref<416x128xf32, #tpu.memory_space<vmem>>) offsets(%arg6 : memref<416xi32, #tpu.memory_space<vmem>>) semaphore(%arg10 : memref<!tpu.dma_semaphore, #tpu.memory_space<semaphore_mem>>)
    %dma_wait3A = arith.constant 0 : i32
    %dma_wait3A_25 = arith.constant 0 : i32
    %dma_wait3A_26 = tpu.memref_slice %arg2[%dma_wait3A, %dma_wait3A_25] : memref<2600000x128xf32, #tpu.memory_space<hbm>> -> memref<2600000x128xf32, #tpu.memory_space<hbm>>
    tpu.wait_indirect_dma semaphore(%arg9 : memref<!tpu.dma_semaphore, #tpu.memory_space<semaphore_mem>>) src(%dma_wait3A_26 : memref<2600000x128xf32, #tpu.memory_space<hbm>>) dst(%arg7 : memref<416x128xf32, #tpu.memory_space<vmem>>)
    %add3A_27 = arith.constant 0 : i32
    %add3A_28 = arith.addi %multiple_of3A, %add3A_27 : i32
    "tpu.region"() ({
      %run_scoped3A = tpu.sem_alloc : memref<!tpu.dma_semaphore, #tpu.memory_space<semaphore_mem>>
      %dma_start3A_544 = arith.constant 0 : i32
      %dma_start3A_545 = arith.constant 0 : i32
      %dma_start3A_546 = tpu.memref_slice %arg7[%dma_start3A_544, %dma_start3A_545] : memref<416x128xf32, #tpu.memory_space<vmem>> -> memref<416x32xf32, #tpu.memory_space<vmem>>
      %dma_start3A_547 = arith.constant 0 : i32
      %dma_start3A_548 = tpu.memref_slice %arg4[%add3A_28, %dma_start3A_547] : memref<425984x32xf32, #tpu.memory_space<hbm>> -> memref<416x32xf32, #tpu.memory_space<hbm>>
      %dma_start3A_549 = arith.constant 0 : i32
      %dma_start3A_550 = tpu.memref_slice %arg4[%add3A_28, %dma_start3A_549] : memref<425984x32xf32, #tpu.memory_space<hbm>> -> memref<416x32xf32, #tpu.memory_space<hbm>>
      %dma_start3A_551 = arith.constant 0 : i32
      %dma_start3A_552 = arith.constant 0 : i32
      %dma_start3A_553 = tpu.memref_slice %arg7[%dma_start3A_551, %dma_start3A_552] : memref<416x128xf32, #tpu.memory_space<vmem>> -> memref<416x32xf32, #tpu.memory_space<vmem>>
      tpu.enqueue_dma source(%dma_start3A_553 : memref<416x32xf32, #tpu.memory_space<vmem>>) target(%dma_start3A_550 : memref<416x32xf32, #tpu.memory_space<hbm>>) target_semaphore(%run_scoped3A : memref<!tpu.dma_semaphore, #tpu.memory_space<semaphore_mem>>)
      %dma_wait3A_554 = arith.constant 0 : i32
      %dma_wait3A_555 = arith.constant 0 : i32
      %dma_wait3A_556 = tpu.memref_slice %arg7[%dma_wait3A_554, %dma_wait3A_555] : memref<416x128xf32, #tpu.memory_space<vmem>> -> memref<416x32xf32, #tpu.memory_space<vmem>>
      %dma_wait3A_557 = arith.constant 0 : i32
      %dma_wait3A_558 = tpu.memref_slice %arg4[%add3A_28, %dma_wait3A_557] : memref<425984x32xf32, #tpu.memory_space<hbm>> -> memref<416x32xf32, #tpu.memory_space<hbm>>
      %dma_wait3A_559 = arith.constant 0 : i32
      %dma_wait3A_560 = tpu.memref_slice %arg4[%add3A_28, %dma_wait3A_559] : memref<425984x32xf32, #tpu.memory_space<hbm>> -> memref<416x32xf32, #tpu.memory_space<hbm>>
      %dma_wait3A_561 = arith.constant 0 : i32
      %dma_wait3A_562 = arith.constant 0 : i32
      %dma_wait3A_563 = tpu.memref_slice %arg7[%dma_wait3A_561, %dma_wait3A_562] : memref<416x128xf32, #tpu.memory_space<vmem>> -> memref<416x32xf32, #tpu.memory_space<vmem>>
      tpu.wait_dma2 semaphore(%run_scoped3A : memref<!tpu.dma_semaphore, #tpu.memory_space<semaphore_mem>>) src(%dma_wait3A_563 : memref<416x32xf32, #tpu.memory_space<vmem>>) dst(%dma_wait3A_560 : memref<416x32xf32, #tpu.memory_space<hbm>>)
      tpu.yield
    }) : () -> ()
    %add3A_29 = arith.constant 832 : i32
    %add3A_30 = arith.addi %multiple_of3A, %add3A_29 : i32
    "tpu.region"() ({
      %run_scoped3A = tpu.sem_alloc : memref<!tpu.dma_semaphore, #tpu.memory_space<semaphore_mem>>
      %dma_start3A_544 = tpu.memref_slice %arg3[%add3A_30] : memref<425984xi32, #tpu.memory_space<hbm>> -> memref<416xi32, #tpu.memory_space<hbm>>
      %dma_start3A_545 = tpu.memref_slice %arg3[%add3A_30] : memref<425984xi32, #tpu.memory_space<hbm>> -> memref<416xi32, #tpu.memory_space<hbm>>
      tpu.enqueue_dma source(%dma_start3A_545 : memref<416xi32, #tpu.memory_space<hbm>>) target(%arg5 : memref<416xi32, #tpu.memory_space<vmem>>) target_semaphore(%run_scoped3A : memref<!tpu.dma_semaphore, #tpu.memory_space<semaphore_mem>>)
      %dma_wait3A_546 = tpu.memref_slice %arg3[%add3A_30] : memref<425984xi32, #tpu.memory_space<hbm>> -> memref<416xi32, #tpu.memory_space<hbm>>
      %dma_wait3A_547 = tpu.memref_slice %arg3[%add3A_30] : memref<425984xi32, #tpu.memory_space<hbm>> -> memref<416xi32, #tpu.memory_space<hbm>>
      tpu.wait_dma2 semaphore(%run_scoped3A : memref<!tpu.dma_semaphore, #tpu.memory_space<semaphore_mem>>) src(%dma_wait3A_547 : memref<416xi32, #tpu.memory_space<hbm>>) dst(%arg5 : memref<416xi32, #tpu.memory_space<vmem>>)
      tpu.yield
    }) : () -> ()
    %scan3A_31 = arith.constant 0 : i32
    %scan3A_32 = arith.constant 0 : i32
    %scan3A_33 = arith.constant 26 : i32
    %scan3A_34 = arith.addi %scan3A_32, %scan3A_33 : i32
    %scan3A_35 = arith.constant 1 : i32
    %scan3A_36 = scf.for %scan3A_544 = %scan3A_32 to %scan3A_34 step %scan3A_35 iter_args(%scan3A_545 = %scan3A_31) -> (i32)  : i32 {
      %mul3A_546 = arith.constant 16 : i32
      %mul3A_547 = arith.muli %scan3A_544, %mul3A_546 : i32
      %multiple_of3A_548 = tpu.assume_multiple %mul3A_547, 16 : i32
      %add3A_549 = arith.constant 832 : i32
      %add3A_550 = arith.addi %multiple_of3A, %add3A_549 : i32
      %add3A_551 = arith.addi %add3A_550, %multiple_of3A_548 : i32
      %iota3A = tpu.iota {dimensions = array<i32: 0>} : vector<16xi32>
      %add3A_552 = vector.broadcast %add3A_551 : i32 to vector<16xi32>
      %add3A_553 = arith.addi %add3A_552, %iota3A : vector<16xi32>
      %shift_right_logical3A = arith.constant 14 : i32
      %shift_right_logical3A_554 = vector.broadcast %shift_right_logical3A : i32 to vector<16xi32>
      %shift_right_logical3A_555 = arith.shrui %add3A_553, %shift_right_logical3A_554 : vector<16xi32>
      %get3A = arith.index_cast %multiple_of3A_548 : i32 to index
      %get3A_556 = tpu.vector_load %arg5[%get3A] {strides = array<i32>} : memref<416xi32, #tpu.memory_space<vmem>>, vector<16xi32>,
      %get3A_557 = vector.shape_cast %get3A_556 : vector<16xi32> to vector<16xi32>
      %mul3A_558 = arith.constant 100000 : i32
      %mul3A_559 = vector.broadcast %mul3A_558 : i32 to vector<16xi32>
      %mul3A_560 = arith.muli %shift_right_logical3A_555, %mul3A_559 : vector<16xi32>
      %add3A_561 = arith.addi %get3A_557, %mul3A_560 : vector<16xi32>
      %swap3A = arith.index_cast %multiple_of3A_548 : i32 to index
      %swap3A_562 = tpu.vector_load %arg5[%swap3A] {strides = array<i32>} : memref<416xi32, #tpu.memory_space<vmem>>, vector<16xi32>,
      %swap3A_563 = vector.shape_cast %swap3A_562 : vector<16xi32> to vector<16xi32>
      %swap3A_564 = vector.shape_cast %add3A_561 : vector<16xi32> to vector<16xi32>
      tpu.vector_store %arg5[%swap3A], %swap3A_564 {strides = array<i32>} : memref<416xi32, #tpu.memory_space<vmem>>, vector<16xi32>,
      %scan3A_565 = arith.constant 0 : i32
      scf.yield %scan3A_565 : i32
    }
    %scan3A_37 = arith.constant 26 : i32
    %dma_start3A_38 = arith.constant 0 : i32
    %dma_start3A_39 = arith.constant 0 : i32
    %dma_start3A_40 = tpu.memref_slice %arg2[%dma_start3A_38, %dma_start3A_39] : memref<2600000x128xf32, #tpu.memory_space<hbm>> -> memref<2600000x128xf32, #tpu.memory_space<hbm>>
    tpu.enqueue_indirect_dma source(%dma_start3A_40 : memref<2600000x128xf32, #tpu.memory_space<hbm>>) target(%arg7 : memref<416x128xf32, #tpu.memory_space<vmem>>) offsets(%arg5 : memref<416xi32, #tpu.memory_space<vmem>>) semaphore(%arg9 : memref<!tpu.dma_semaphore, #tpu.memory_space<semaphore_mem>>)
    %dma_wait3A_41 = arith.constant 0 : i32
    %dma_wait3A_42 = arith.constant 0 : i32
    %dma_wait3A_43 = tpu.memref_slice %arg2[%dma_wait3A_41, %dma_wait3A_42] : memref<2600000x128xf32, #tpu.memory_space<hbm>> -> memref<2600000x128xf32, #tpu.memory_space<hbm>>
    tpu.wait_indirect_dma semaphore(%arg10 : memref<!tpu.dma_semaphore, #tpu.memory_space<semaphore_mem>>) src(%dma_wait3A_43 : memref<2600000x128xf32, #tpu.memory_space<hbm>>) dst(%arg8 : memref<416x128xf32, #tpu.memory_space<vmem>>)
    %add3A_44 = arith.constant 416 : i32
    %add3A_45 = arith.addi %multiple_of3A, %add3A_44 : i32
    "tpu.region"() ({
      %run_scoped3A = tpu.sem_alloc : memref<!tpu.dma_semaphore, #tpu.memory_space<semaphore_mem>>
      %dma_start3A_544 = arith.constant 0 : i32
      %dma_start3A_545 = arith.constant 0 : i32
      %dma_start3A_546 = tpu.memref_slice %arg8[%dma_start3A_544, %dma_start3A_545] : memref<416x128xf32, #tpu.memory_space<vmem>> -> memref<416x32xf32, #tpu.memory_space<vmem>>
      %dma_start3A_547 = arith.constant 0 : i32
      %dma_start3A_548 = tpu.memref_slice %arg4[%add3A_45, %dma_start3A_547] : memref<425984x32xf32, #tpu.memory_space<hbm>> -> memref<416x32xf32, #tpu.memory_space<hbm>>
      %dma_start3A_549 = arith.constant 0 : i32
      %dma_start3A_550 = tpu.memref_slice %arg4[%add3A_45, %dma_start3A_549] : memref<425984x32xf32, #tpu.memory_space<hbm>> -> memref<416x32xf32, #tpu.memory_space<hbm>>
      %dma_start3A_551 = arith.constant 0 : i32
      %dma_start3A_552 = arith.constant 0 : i32
      %dma_start3A_553 = tpu.memref_slice %arg8[%dma_start3A_551, %dma_start3A_552] : memref<416x128xf32, #tpu.memory_space<vmem>> -> memref<416x32xf32, #tpu.memory_space<vmem>>
      tpu.enqueue_dma source(%dma_start3A_553 : memref<416x32xf32, #tpu.memory_space<vmem>>) target(%dma_start3A_550 : memref<416x32xf32, #tpu.memory_space<hbm>>) target_semaphore(%run_scoped3A : memref<!tpu.dma_semaphore, #tpu.memory_space<semaphore_mem>>)
      %dma_wait3A_554 = arith.constant 0 : i32
      %dma_wait3A_555 = arith.constant 0 : i32
      %dma_wait3A_556 = tpu.memref_slice %arg8[%dma_wait3A_554, %dma_wait3A_555] : memref<416x128xf32, #tpu.memory_space<vmem>> -> memref<416x32xf32, #tpu.memory_space<vmem>>
      %dma_wait3A_557 = arith.constant 0 : i32
      %dma_wait3A_558 = tpu.memref_slice %arg4[%add3A_45, %dma_wait3A_557] : memref<425984x32xf32, #tpu.memory_space<hbm>> -> memref<416x32xf32, #tpu.memory_space<hbm>>
      %dma_wait3A_559 = arith.constant 0 : i32
      %dma_wait3A_560 = tpu.memref_slice %arg4[%add3A_45, %dma_wait3A_559] : memref<425984x32xf32, #tpu.memory_space<hbm>> -> memref<416x32xf32, #tpu.memory_space<hbm>>
      %dma_wait3A_561 = arith.constant 0 : i32
      %dma_wait3A_562 = arith.constant 0 : i32
      %dma_wait3A_563 = tpu.memref_slice %arg8[%dma_wait3A_561, %dma_wait3A_562] : memref<416x128xf32, #tpu.memory_space<vmem>> -> memref<416x32xf32, #tpu.memory_space<vmem>>
      tpu.wait_dma2 semaphore(%run_scoped3A : memref<!tpu.dma_semaphore, #tpu.memory_space<semaphore_mem>>) src(%dma_wait3A_563 : memref<416x32xf32, #tpu.memory_space<vmem>>) dst(%dma_wait3A_560 : memref<416x32xf32, #tpu.memory_space<hbm>>)
      tpu.yield
    }) : () -> ()
    %add3A_46 = arith.constant 1248 : i32
    %add3A_47 = arith.addi %multiple_of3A, %add3A_46 : i32
    "tpu.region"() ({
      %run_scoped3A = tpu.sem_alloc : memref<!tpu.dma_semaphore, #tpu.memory_space<semaphore_mem>>
      %dma_start3A_544 = tpu.memref_slice %arg3[%add3A_47] : memref<425984xi32, #tpu.memory_space<hbm>> -> memref<416xi32, #tpu.memory_space<hbm>>
      %dma_start3A_545 = tpu.memref_slice %arg3[%add3A_47] : memref<425984xi32, #tpu.memory_space<hbm>> -> memref<416xi32, #tpu.memory_space<hbm>>
      tpu.enqueue_dma source(%dma_start3A_545 : memref<416xi32, #tpu.memory_space<hbm>>) target(%arg6 : memref<416xi32, #tpu.memory_space<vmem>>) target_semaphore(%run_scoped3A : memref<!tpu.dma_semaphore, #tpu.memory_space<semaphore_mem>>)
      %dma_wait3A_546 = tpu.memref_slice %arg3[%add3A_47] : memref<425984xi32, #tpu.memory_space<hbm>> -> memref<416xi32, #tpu.memory_space<hbm>>
      %dma_wait3A_547 = tpu.memref_slice %arg3[%add3A_47] : memref<425984xi32, #tpu.memory_space<hbm>> -> memref<416xi32, #tpu.memory_space<hbm>>
      tpu.wait_dma2 semaphore(%run_scoped3A : memref<!tpu.dma_semaphore, #tpu.memory_space<semaphore_mem>>) src(%dma_wait3A_547 : memref<416xi32, #tpu.memory_space<hbm>>) dst(%arg6 : memref<416xi32, #tpu.memory_space<vmem>>)
      tpu.yield
    }) : () -> ()
    %scan3A_48 = arith.constant 0 : i32
    %scan3A_49 = arith.constant 0 : i32
    %scan3A_50 = arith.constant 26 : i32
    %scan3A_51 = arith.addi %scan3A_49, %scan3A_50 : i32
    %scan3A_52 = arith.constant 1 : i32
    %scan3A_53 = scf.for %scan3A_544 = %scan3A_49 to %scan3A_51 step %scan3A_52 iter_args(%scan3A_545 = %scan3A_48) -> (i32)  : i32 {
      %mul3A_546 = arith.constant 16 : i32
      %mul3A_547 = arith.muli %scan3A_544, %mul3A_546 : i32
      %multiple_of3A_548 = tpu.assume_multiple %mul3A_547, 16 : i32
      %add3A_549 = arith.constant 1248 : i32
      %add3A_550 = arith.addi %multiple_of3A, %add3A_549 : i32
      %add3A_551 = arith.addi %add3A_550, %multiple_of3A_548 : i32
      %iota3A = tpu.iota {dimensions = array<i32: 0>} : vector<16xi32>
      %add3A_552 = vector.broadcast %add3A_551 : i32 to vector<16xi32>
      %add3A_553 = arith.addi %add3A_552, %iota3A : vector<16xi32>
      %shift_right_logical3A = arith.constant 14 : i32
      %shift_right_logical3A_554 = vector.broadcast %shift_right_logical3A : i32 to vector<16xi32>
      %shift_right_logical3A_555 = arith.shrui %add3A_553, %shift_right_logical3A_554 : vector<16xi32>
      %get3A = arith.index_cast %multiple_of3A_548 : i32 to index
      %get3A_556 = tpu.vector_load %arg6[%get3A] {strides = array<i32>} : memref<416xi32, #tpu.memory_space<vmem>>, vector<16xi32>,
      %get3A_557 = vector.shape_cast %get3A_556 : vector<16xi32> to vector<16xi32>
      %mul3A_558 = arith.constant 100000 : i32
      %mul3A_559 = vector.broadcast %mul3A_558 : i32 to vector<16xi32>
      %mul3A_560 = arith.muli %shift_right_logical3A_555, %mul3A_559 : vector<16xi32>
      %add3A_561 = arith.addi %get3A_557, %mul3A_560 : vector<16xi32>
      %swap3A = arith.index_cast %multiple_of3A_548 : i32 to index
      %swap3A_562 = tpu.vector_load %arg6[%swap3A] {strides = array<i32>} : memref<416xi32, #tpu.memory_space<vmem>>, vector<16xi32>,
      %swap3A_563 = vector.shape_cast %swap3A_562 : vector<16xi32> to vector<16xi32>
      %swap3A_564 = vector.shape_cast %add3A_561 : vector<16xi32> to vector<16xi32>
      tpu.vector_store %arg6[%swap3A], %swap3A_564 {strides = array<i32>} : memref<416xi32, #tpu.memory_space<vmem>>, vector<16xi32>,
      %scan3A_565 = arith.constant 0 : i32
      scf.yield %scan3A_565 : i32
    }
    %scan3A_54 = arith.constant 26 : i32
    %dma_start3A_55 = arith.constant 0 : i32
    %dma_start3A_56 = arith.constant 0 : i32
    %dma_start3A_57 = tpu.memref_slice %arg2[%dma_start3A_55, %dma_start3A_56] : memref<2600000x128xf32, #tpu.memory_space<hbm>> -> memref<2600000x128xf32, #tpu.memory_space<hbm>>
    tpu.enqueue_indirect_dma source(%dma_start3A_57 : memref<2600000x128xf32, #tpu.memory_space<hbm>>) target(%arg8 : memref<416x128xf32, #tpu.memory_space<vmem>>) offsets(%arg6 : memref<416xi32, #tpu.memory_space<vmem>>) semaphore(%arg10 : memref<!tpu.dma_semaphore, #tpu.memory_space<semaphore_mem>>)
    %dma_wait3A_58 = arith.constant 0 : i32
    %dma_wait3A_59 = arith.constant 0 : i32
    %dma_wait3A_60 = tpu.memref_slice %arg2[%dma_wait3A_58, %dma_wait3A_59] : memref<2600000x128xf32, #tpu.memory_space<hbm>> -> memref<2600000x128xf32, #tpu.memory_space<hbm>>
    tpu.wait_indirect_dma semaphore(%arg9 : memref<!tpu.dma_semaphore, #tpu.memory_space<semaphore_mem>>) src(%dma_wait3A_60 : memref<2600000x128xf32, #tpu.memory_space<hbm>>) dst(%arg7 : memref<416x128xf32, #tpu.memory_space<vmem>>)
    %add3A_61 = arith.constant 832 : i32
    %add3A_62 = arith.addi %multiple_of3A, %add3A_61 : i32
    "tpu.region"() ({
      %run_scoped3A = tpu.sem_alloc : memref<!tpu.dma_semaphore, #tpu.memory_space<semaphore_mem>>
      %dma_start3A_544 = arith.constant 0 : i32
      %dma_start3A_545 = arith.constant 0 : i32
      %dma_start3A_546 = tpu.memref_slice %arg7[%dma_start3A_544, %dma_start3A_545] : memref<416x128xf32, #tpu.memory_space<vmem>> -> memref<416x32xf32, #tpu.memory_space<vmem>>
      %dma_start3A_547 = arith.constant 0 : i32
      %dma_start3A_548 = tpu.memref_slice %arg4[%add3A_62, %dma_start3A_547] : memref<425984x32xf32, #tpu.memory_space<hbm>> -> memref<416x32xf32, #tpu.memory_space<hbm>>
      %dma_start3A_549 = arith.constant 0 : i32
      %dma_start3A_550 = tpu.memref_slice %arg4[%add3A_62, %dma_start3A_549] : memref<425984x32xf32, #tpu.memory_space<hbm>> -> memref<416x32xf32, #tpu.memory_space<hbm>>
      %dma_start3A_551 = arith.constant 0 : i32
      %dma_start3A_552 = arith.constant 0 : i32
      %dma_start3A_553 = tpu.memref_slice %arg7[%dma_start3A_551, %dma_start3A_552] : memref<416x128xf32, #tpu.memory_space<vmem>> -> memref<416x32xf32, #tpu.memory_space<vmem>>
      tpu.enqueue_dma source(%dma_start3A_553 : memref<416x32xf32, #tpu.memory_space<vmem>>) target(%dma_start3A_550 : memref<416x32xf32, #tpu.memory_space<hbm>>) target_semaphore(%run_scoped3A : memref<!tpu.dma_semaphore, #tpu.memory_space<semaphore_mem>>)
      %dma_wait3A_554 = arith.constant 0 : i32
      %dma_wait3A_555 = arith.constant 0 : i32
      %dma_wait3A_556 = tpu.memref_slice %arg7[%dma_wait3A_554, %dma_wait3A_555] : memref<416x128xf32, #tpu.memory_space<vmem>> -> memref<416x32xf32, #tpu.memory_space<vmem>>
      %dma_wait3A_557 = arith.constant 0 : i32
      %dma_wait3A_558 = tpu.memref_slice %arg4[%add3A_62, %dma_wait3A_557] : memref<425984x32xf32, #tpu.memory_space<hbm>> -> memref<416x32xf32, #tpu.memory_space<hbm>>
      %dma_wait3A_559 = arith.constant 0 : i32
      %dma_wait3A_560 = tpu.memref_slice %arg4[%add3A_62, %dma_wait3A_559] : memref<425984x32xf32, #tpu.memory_space<hbm>> -> memref<416x32xf32, #tpu.memory_space<hbm>>
      %dma_wait3A_561 = arith.constant 0 : i32
      %dma_wait3A_562 = arith.constant 0 : i32
      %dma_wait3A_563 = tpu.memref_slice %arg7[%dma_wait3A_561, %dma_wait3A_562] : memref<416x128xf32, #tpu.memory_space<vmem>> -> memref<416x32xf32, #tpu.memory_space<vmem>>
      tpu.wait_dma2 semaphore(%run_scoped3A : memref<!tpu.dma_semaphore, #tpu.memory_space<semaphore_mem>>) src(%dma_wait3A_563 : memref<416x32xf32, #tpu.memory_space<vmem>>) dst(%dma_wait3A_560 : memref<416x32xf32, #tpu.memory_space<hbm>>)
      tpu.yield
    }) : () -> ()
    %add3A_63 = arith.constant 1664 : i32
    %add3A_64 = arith.addi %multiple_of3A, %add3A_63 : i32
    "tpu.region"() ({
      %run_scoped3A = tpu.sem_alloc : memref<!tpu.dma_semaphore, #tpu.memory_space<semaphore_mem>>
      %dma_start3A_544 = tpu.memref_slice %arg3[%add3A_64] : memref<425984xi32, #tpu.memory_space<hbm>> -> memref<416xi32, #tpu.memory_space<hbm>>
      %dma_start3A_545 = tpu.memref_slice %arg3[%add3A_64] : memref<425984xi32, #tpu.memory_space<hbm>> -> memref<416xi32, #tpu.memory_space<hbm>>
      tpu.enqueue_dma source(%dma_start3A_545 : memref<416xi32, #tpu.memory_space<hbm>>) target(%arg5 : memref<416xi32, #tpu.memory_space<vmem>>) target_semaphore(%run_scoped3A : memref<!tpu.dma_semaphore, #tpu.memory_space<semaphore_mem>>)
      %dma_wait3A_546 = tpu.memref_slice %arg3[%add3A_64] : memref<425984xi32, #tpu.memory_space<hbm>> -> memref<416xi32, #tpu.memory_space<hbm>>
      %dma_wait3A_547 = tpu.memref_slice %arg3[%add3A_64] : memref<425984xi32, #tpu.memory_space<hbm>> -> memref<416xi32, #tpu.memory_space<hbm>>
      tpu.wait_dma2 semaphore(%run_scoped3A : memref<!tpu.dma_semaphore, #tpu.memory_space<semaphore_mem>>) src(%dma_wait3A_547 : memref<416xi32, #tpu.memory_space<hbm>>) dst(%arg5 : memref<416xi32, #tpu.memory_space<vmem>>)
      tpu.yield
    }) : () -> ()
    %scan3A_65 = arith.constant 0 : i32
    %scan3A_66 = arith.constant 0 : i32
    %scan3A_67 = arith.constant 26 : i32
    %scan3A_68 = arith.addi %scan3A_66, %scan3A_67 : i32
    %scan3A_69 = arith.constant 1 : i32
    %scan3A_70 = scf.for %scan3A_544 = %scan3A_66 to %scan3A_68 step %scan3A_69 iter_args(%scan3A_545 = %scan3A_65) -> (i32)  : i32 {
      %mul3A_546 = arith.constant 16 : i32
      %mul3A_547 = arith.muli %scan3A_544, %mul3A_546 : i32
      %multiple_of3A_548 = tpu.assume_multiple %mul3A_547, 16 : i32
      %add3A_549 = arith.constant 1664 : i32
      %add3A_550 = arith.addi %multiple_of3A, %add3A_549 : i32
      %add3A_551 = arith.addi %add3A_550, %multiple_of3A_548 : i32
      %iota3A = tpu.iota {dimensions = array<i32: 0>} : vector<16xi32>
      %add3A_552 = vector.broadcast %add3A_551 : i32 to vector<16xi32>
      %add3A_553 = arith.addi %add3A_552, %iota3A : vector<16xi32>
      %shift_right_logical3A = arith.constant 14 : i32
      %shift_right_logical3A_554 = vector.broadcast %shift_right_logical3A : i32 to vector<16xi32>
      %shift_right_logical3A_555 = arith.shrui %add3A_553, %shift_right_logical3A_554 : vector<16xi32>
      %get3A = arith.index_cast %multiple_of3A_548 : i32 to index
      %get3A_556 = tpu.vector_load %arg5[%get3A] {strides = array<i32>} : memref<416xi32, #tpu.memory_space<vmem>>, vector<16xi32>,
      %get3A_557 = vector.shape_cast %get3A_556 : vector<16xi32> to vector<16xi32>
      %mul3A_558 = arith.constant 100000 : i32
      %mul3A_559 = vector.broadcast %mul3A_558 : i32 to vector<16xi32>
      %mul3A_560 = arith.muli %shift_right_logical3A_555, %mul3A_559 : vector<16xi32>
      %add3A_561 = arith.addi %get3A_557, %mul3A_560 : vector<16xi32>
      %swap3A = arith.index_cast %multiple_of3A_548 : i32 to index
      %swap3A_562 = tpu.vector_load %arg5[%swap3A] {strides = array<i32>} : memref<416xi32, #tpu.memory_space<vmem>>, vector<16xi32>,
      %swap3A_563 = vector.shape_cast %swap3A_562 : vector<16xi32> to vector<16xi32>
      %swap3A_564 = vector.shape_cast %add3A_561 : vector<16xi32> to vector<16xi32>
      tpu.vector_store %arg5[%swap3A], %swap3A_564 {strides = array<i32>} : memref<416xi32, #tpu.memory_space<vmem>>, vector<16xi32>,
      %scan3A_565 = arith.constant 0 : i32
      scf.yield %scan3A_565 : i32
    }
    %scan3A_71 = arith.constant 26 : i32
    %dma_start3A_72 = arith.constant 0 : i32
    %dma_start3A_73 = arith.constant 0 : i32
    %dma_start3A_74 = tpu.memref_slice %arg2[%dma_start3A_72, %dma_start3A_73] : memref<2600000x128xf32, #tpu.memory_space<hbm>> -> memref<2600000x128xf32, #tpu.memory_space<hbm>>
    tpu.enqueue_indirect_dma source(%dma_start3A_74 : memref<2600000x128xf32, #tpu.memory_space<hbm>>) target(%arg7 : memref<416x128xf32, #tpu.memory_space<vmem>>) offsets(%arg5 : memref<416xi32, #tpu.memory_space<vmem>>) semaphore(%arg9 : memref<!tpu.dma_semaphore, #tpu.memory_space<semaphore_mem>>)
    %dma_wait3A_75 = arith.constant 0 : i32
    %dma_wait3A_76 = arith.constant 0 : i32
    %dma_wait3A_77 = tpu.memref_slice %arg2[%dma_wait3A_75, %dma_wait3A_76] : memref<2600000x128xf32, #tpu.memory_space<hbm>> -> memref<2600000x128xf32, #tpu.memory_space<hbm>>
    tpu.wait_indirect_dma semaphore(%arg10 : memref<!tpu.dma_semaphore, #tpu.memory_space<semaphore_mem>>) src(%dma_wait3A_77 : memref<2600000x128xf32, #tpu.memory_space<hbm>>) dst(%arg8 : memref<416x128xf32, #tpu.memory_space<vmem>>)
    %add3A_78 = arith.constant 1248 : i32
    %add3A_79 = arith.addi %multiple_of3A, %add3A_78 : i32
    "tpu.region"() ({
      %run_scoped3A = tpu.sem_alloc : memref<!tpu.dma_semaphore, #tpu.memory_space<semaphore_mem>>
      %dma_start3A_544 = arith.constant 0 : i32
      %dma_start3A_545 = arith.constant 0 : i32
      %dma_start3A_546 = tpu.memref_slice %arg8[%dma_start3A_544, %dma_start3A_545] : memref<416x128xf32, #tpu.memory_space<vmem>> -> memref<416x32xf32, #tpu.memory_space<vmem>>
      %dma_start3A_547 = arith.constant 0 : i32
      %dma_start3A_548 = tpu.memref_slice %arg4[%add3A_79, %dma_start3A_547] : memref<425984x32xf32, #tpu.memory_space<hbm>> -> memref<416x32xf32, #tpu.memory_space<hbm>>
      %dma_start3A_549 = arith.constant 0 : i32
      %dma_start3A_550 = tpu.memref_slice %arg4[%add3A_79, %dma_start3A_549] : memref<425984x32xf32, #tpu.memory_space<hbm>> -> memref<416x32xf32, #tpu.memory_space<hbm>>
      %dma_start3A_551 = arith.constant 0 : i32
      %dma_start3A_552 = arith.constant 0 : i32
      %dma_start3A_553 = tpu.memref_slice %arg8[%dma_start3A_551, %dma_start3A_552] : memref<416x128xf32, #tpu.memory_space<vmem>> -> memref<416x32xf32, #tpu.memory_space<vmem>>
      tpu.enqueue_dma source(%dma_start3A_553 : memref<416x32xf32, #tpu.memory_space<vmem>>) target(%dma_start3A_550 : memref<416x32xf32, #tpu.memory_space<hbm>>) target_semaphore(%run_scoped3A : memref<!tpu.dma_semaphore, #tpu.memory_space<semaphore_mem>>)
      %dma_wait3A_554 = arith.constant 0 : i32
      %dma_wait3A_555 = arith.constant 0 : i32
      %dma_wait3A_556 = tpu.memref_slice %arg8[%dma_wait3A_554, %dma_wait3A_555] : memref<416x128xf32, #tpu.memory_space<vmem>> -> memref<416x32xf32, #tpu.memory_space<vmem>>
      %dma_wait3A_557 = arith.constant 0 : i32
      %dma_wait3A_558 = tpu.memref_slice %arg4[%add3A_79, %dma_wait3A_557] : memref<425984x32xf32, #tpu.memory_space<hbm>> -> memref<416x32xf32, #tpu.memory_space<hbm>>
      %dma_wait3A_559 = arith.constant 0 : i32
      %dma_wait3A_560 = tpu.memref_slice %arg4[%add3A_79, %dma_wait3A_559] : memref<425984x32xf32, #tpu.memory_space<hbm>> -> memref<416x32xf32, #tpu.memory_space<hbm>>
      %dma_wait3A_561 = arith.constant 0 : i32
      %dma_wait3A_562 = arith.constant 0 : i32
      %dma_wait3A_563 = tpu.memref_slice %arg8[%dma_wait3A_561, %dma_wait3A_562] : memref<416x128xf32, #tpu.memory_space<vmem>> -> memref<416x32xf32, #tpu.memory_space<vmem>>
      tpu.wait_dma2 semaphore(%run_scoped3A : memref<!tpu.dma_semaphore, #tpu.memory_space<semaphore_mem>>) src(%dma_wait3A_563 : memref<416x32xf32, #tpu.memory_space<vmem>>) dst(%dma_wait3A_560 : memref<416x32xf32, #tpu.memory_space<hbm>>)
      tpu.yield
    }) : () -> ()
    %add3A_80 = arith.constant 2080 : i32
    %add3A_81 = arith.addi %multiple_of3A, %add3A_80 : i32
    "tpu.region"() ({
      %run_scoped3A = tpu.sem_alloc : memref<!tpu.dma_semaphore, #tpu.memory_space<semaphore_mem>>
      %dma_start3A_544 = tpu.memref_slice %arg3[%add3A_81] : memref<425984xi32, #tpu.memory_space<hbm>> -> memref<416xi32, #tpu.memory_space<hbm>>
      %dma_start3A_545 = tpu.memref_slice %arg3[%add3A_81] : memref<425984xi32, #tpu.memory_space<hbm>> -> memref<416xi32, #tpu.memory_space<hbm>>
      tpu.enqueue_dma source(%dma_start3A_545 : memref<416xi32, #tpu.memory_space<hbm>>) target(%arg6 : memref<416xi32, #tpu.memory_space<vmem>>) target_semaphore(%run_scoped3A : memref<!tpu.dma_semaphore, #tpu.memory_space<semaphore_mem>>)
      %dma_wait3A_546 = tpu.memref_slice %arg3[%add3A_81] : memref<425984xi32, #tpu.memory_space<hbm>> -> memref<416xi32, #tpu.memory_space<hbm>>
      %dma_wait3A_547 = tpu.memref_slice %arg3[%add3A_81] : memref<425984xi32, #tpu.memory_space<hbm>> -> memref<416xi32, #tpu.memory_space<hbm>>
      tpu.wait_dma2 semaphore(%run_scoped3A : memref<!tpu.dma_semaphore, #tpu.memory_space<semaphore_mem>>) src(%dma_wait3A_547 : memref<416xi32, #tpu.memory_space<hbm>>) dst(%arg6 : memref<416xi32, #tpu.memory_space<vmem>>)
      tpu.yield
    }) : () -> ()
    %scan3A_82 = arith.constant 0 : i32
    %scan3A_83 = arith.constant 0 : i32
    %scan3A_84 = arith.constant 26 : i32
    %scan3A_85 = arith.addi %scan3A_83, %scan3A_84 : i32
    %scan3A_86 = arith.constant 1 : i32
    %scan3A_87 = scf.for %scan3A_544 = %scan3A_83 to %scan3A_85 step %scan3A_86 iter_args(%scan3A_545 = %scan3A_82) -> (i32)  : i32 {
      %mul3A_546 = arith.constant 16 : i32
      %mul3A_547 = arith.muli %scan3A_544, %mul3A_546 : i32
      %multiple_of3A_548 = tpu.assume_multiple %mul3A_547, 16 : i32
      %add3A_549 = arith.constant 2080 : i32
      %add3A_550 = arith.addi %multiple_of3A, %add3A_549 : i32
      %add3A_551 = arith.addi %add3A_550, %multiple_of3A_548 : i32
      %iota3A = tpu.iota {dimensions = array<i32: 0>} : vector<16xi32>
      %add3A_552 = vector.broadcast %add3A_551 : i32 to vector<16xi32>
      %add3A_553 = arith.addi %add3A_552, %iota3A : vector<16xi32>
      %shift_right_logical3A = arith.constant 14 : i32
      %shift_right_logical3A_554 = vector.broadcast %shift_right_logical3A : i32 to vector<16xi32>
      %shift_right_logical3A_555 = arith.shrui %add3A_553, %shift_right_logical3A_554 : vector<16xi32>
      %get3A = arith.index_cast %multiple_of3A_548 : i32 to index
      %get3A_556 = tpu.vector_load %arg6[%get3A] {strides = array<i32>} : memref<416xi32, #tpu.memory_space<vmem>>, vector<16xi32>,
      %get3A_557 = vector.shape_cast %get3A_556 : vector<16xi32> to vector<16xi32>
      %mul3A_558 = arith.constant 100000 : i32
      %mul3A_559 = vector.broadcast %mul3A_558 : i32 to vector<16xi32>
      %mul3A_560 = arith.muli %shift_right_logical3A_555, %mul3A_559 : vector<16xi32>
      %add3A_561 = arith.addi %get3A_557, %mul3A_560 : vector<16xi32>
      %swap3A = arith.index_cast %multiple_of3A_548 : i32 to index
      %swap3A_562 = tpu.vector_load %arg6[%swap3A] {strides = array<i32>} : memref<416xi32, #tpu.memory_space<vmem>>, vector<16xi32>,
      %swap3A_563 = vector.shape_cast %swap3A_562 : vector<16xi32> to vector<16xi32>
      %swap3A_564 = vector.shape_cast %add3A_561 : vector<16xi32> to vector<16xi32>
      tpu.vector_store %arg6[%swap3A], %swap3A_564 {strides = array<i32>} : memref<416xi32, #tpu.memory_space<vmem>>, vector<16xi32>,
      %scan3A_565 = arith.constant 0 : i32
      scf.yield %scan3A_565 : i32
    }
    %scan3A_88 = arith.constant 26 : i32
    %dma_start3A_89 = arith.constant 0 : i32
    %dma_start3A_90 = arith.constant 0 : i32
    %dma_start3A_91 = tpu.memref_slice %arg2[%dma_start3A_89, %dma_start3A_90] : memref<2600000x128xf32, #tpu.memory_space<hbm>> -> memref<2600000x128xf32, #tpu.memory_space<hbm>>
    tpu.enqueue_indirect_dma source(%dma_start3A_91 : memref<2600000x128xf32, #tpu.memory_space<hbm>>) target(%arg8 : memref<416x128xf32, #tpu.memory_space<vmem>>) offsets(%arg6 : memref<416xi32, #tpu.memory_space<vmem>>) semaphore(%arg10 : memref<!tpu.dma_semaphore, #tpu.memory_space<semaphore_mem>>)
    %dma_wait3A_92 = arith.constant 0 : i32
    %dma_wait3A_93 = arith.constant 0 : i32
    %dma_wait3A_94 = tpu.memref_slice %arg2[%dma_wait3A_92, %dma_wait3A_93] : memref<2600000x128xf32, #tpu.memory_space<hbm>> -> memref<2600000x128xf32, #tpu.memory_space<hbm>>
    tpu.wait_indirect_dma semaphore(%arg9 : memref<!tpu.dma_semaphore, #tpu.memory_space<semaphore_mem>>) src(%dma_wait3A_94 : memref<2600000x128xf32, #tpu.memory_space<hbm>>) dst(%arg7 : memref<416x128xf32, #tpu.memory_space<vmem>>)
    %add3A_95 = arith.constant 1664 : i32
    %add3A_96 = arith.addi %multiple_of3A, %add3A_95 : i32
    "tpu.region"() ({
      %run_scoped3A = tpu.sem_alloc : memref<!tpu.dma_semaphore, #tpu.memory_space<semaphore_mem>>
      %dma_start3A_544 = arith.constant 0 : i32
      %dma_start3A_545 = arith.constant 0 : i32
      %dma_start3A_546 = tpu.memref_slice %arg7[%dma_start3A_544, %dma_start3A_545] : memref<416x128xf32, #tpu.memory_space<vmem>> -> memref<416x32xf32, #tpu.memory_space<vmem>>
      %dma_start3A_547 = arith.constant 0 : i32
      %dma_start3A_548 = tpu.memref_slice %arg4[%add3A_96, %dma_start3A_547] : memref<425984x32xf32, #tpu.memory_space<hbm>> -> memref<416x32xf32, #tpu.memory_space<hbm>>
      %dma_start3A_549 = arith.constant 0 : i32
      %dma_start3A_550 = tpu.memref_slice %arg4[%add3A_96, %dma_start3A_549] : memref<425984x32xf32, #tpu.memory_space<hbm>> -> memref<416x32xf32, #tpu.memory_space<hbm>>
      %dma_start3A_551 = arith.constant 0 : i32
      %dma_start3A_552 = arith.constant 0 : i32
      %dma_start3A_553 = tpu.memref_slice %arg7[%dma_start3A_551, %dma_start3A_552] : memref<416x128xf32, #tpu.memory_space<vmem>> -> memref<416x32xf32, #tpu.memory_space<vmem>>
      tpu.enqueue_dma source(%dma_start3A_553 : memref<416x32xf32, #tpu.memory_space<vmem>>) target(%dma_start3A_550 : memref<416x32xf32, #tpu.memory_space<hbm>>) target_semaphore(%run_scoped3A : memref<!tpu.dma_semaphore, #tpu.memory_space<semaphore_mem>>)
      %dma_wait3A_554 = arith.constant 0 : i32
      %dma_wait3A_555 = arith.constant 0 : i32
      %dma_wait3A_556 = tpu.memref_slice %arg7[%dma_wait3A_554, %dma_wait3A_555] : memref<416x128xf32, #tpu.memory_space<vmem>> -> memref<416x32xf32, #tpu.memory_space<vmem>>
      %dma_wait3A_557 = arith.constant 0 : i32
      %dma_wait3A_558 = tpu.memref_slice %arg4[%add3A_96, %dma_wait3A_557] : memref<425984x32xf32, #tpu.memory_space<hbm>> -> memref<416x32xf32, #tpu.memory_space<hbm>>
      %dma_wait3A_559 = arith.constant 0 : i32
      %dma_wait3A_560 = tpu.memref_slice %arg4[%add3A_96, %dma_wait3A_559] : memref<425984x32xf32, #tpu.memory_space<hbm>> -> memref<416x32xf32, #tpu.memory_space<hbm>>
      %dma_wait3A_561 = arith.constant 0 : i32
      %dma_wait3A_562 = arith.constant 0 : i32
      %dma_wait3A_563 = tpu.memref_slice %arg7[%dma_wait3A_561, %dma_wait3A_562] : memref<416x128xf32, #tpu.memory_space<vmem>> -> memref<416x32xf32, #tpu.memory_space<vmem>>
      tpu.wait_dma2 semaphore(%run_scoped3A : memref<!tpu.dma_semaphore, #tpu.memory_space<semaphore_mem>>) src(%dma_wait3A_563 : memref<416x32xf32, #tpu.memory_space<vmem>>) dst(%dma_wait3A_560 : memref<416x32xf32, #tpu.memory_space<hbm>>)
      tpu.yield
    }) : () -> ()
    %add3A_97 = arith.constant 2496 : i32
    %add3A_98 = arith.addi %multiple_of3A, %add3A_97 : i32
    "tpu.region"() ({
      %run_scoped3A = tpu.sem_alloc : memref<!tpu.dma_semaphore, #tpu.memory_space<semaphore_mem>>
      %dma_start3A_544 = tpu.memref_slice %arg3[%add3A_98] : memref<425984xi32, #tpu.memory_space<hbm>> -> memref<416xi32, #tpu.memory_space<hbm>>
      %dma_start3A_545 = tpu.memref_slice %arg3[%add3A_98] : memref<425984xi32, #tpu.memory_space<hbm>> -> memref<416xi32, #tpu.memory_space<hbm>>
      tpu.enqueue_dma source(%dma_start3A_545 : memref<416xi32, #tpu.memory_space<hbm>>) target(%arg5 : memref<416xi32, #tpu.memory_space<vmem>>) target_semaphore(%run_scoped3A : memref<!tpu.dma_semaphore, #tpu.memory_space<semaphore_mem>>)
      %dma_wait3A_546 = tpu.memref_slice %arg3[%add3A_98] : memref<425984xi32, #tpu.memory_space<hbm>> -> memref<416xi32, #tpu.memory_space<hbm>>
      %dma_wait3A_547 = tpu.memref_slice %arg3[%add3A_98] : memref<425984xi32, #tpu.memory_space<hbm>> -> memref<416xi32, #tpu.memory_space<hbm>>
      tpu.wait_dma2 semaphore(%run_scoped3A : memref<!tpu.dma_semaphore, #tpu.memory_space<semaphore_mem>>) src(%dma_wait3A_547 : memref<416xi32, #tpu.memory_space<hbm>>) dst(%arg5 : memref<416xi32, #tpu.memory_space<vmem>>)
      tpu.yield
    }) : () -> ()
    %scan3A_99 = arith.constant 0 : i32
    %scan3A_100 = arith.constant 0 : i32
    %scan3A_101 = arith.constant 26 : i32
    %scan3A_102 = arith.addi %scan3A_100, %scan3A_101 : i32
    %scan3A_103 = arith.constant 1 : i32
    %scan3A_104 = scf.for %scan3A_544 = %scan3A_100 to %scan3A_102 step %scan3A_103 iter_args(%scan3A_545 = %scan3A_99) -> (i32)  : i32 {
      %mul3A_546 = arith.constant 16 : i32
      %mul3A_547 = arith.muli %scan3A_544, %mul3A_546 : i32
      %multiple_of3A_548 = tpu.assume_multiple %mul3A_547, 16 : i32
      %add3A_549 = arith.constant 2496 : i32
      %add3A_550 = arith.addi %multiple_of3A, %add3A_549 : i32
      %add3A_551 = arith.addi %add3A_550, %multiple_of3A_548 : i32
      %iota3A = tpu.iota {dimensions = array<i32: 0>} : vector<16xi32>
      %add3A_552 = vector.broadcast %add3A_551 : i32 to vector<16xi32>
      %add3A_553 = arith.addi %add3A_552, %iota3A : vector<16xi32>
      %shift_right_logical3A = arith.constant 14 : i32
      %shift_right_logical3A_554 = vector.broadcast %shift_right_logical3A : i32 to vector<16xi32>
      %shift_right_logical3A_555 = arith.shrui %add3A_553, %shift_right_logical3A_554 : vector<16xi32>
      %get3A = arith.index_cast %multiple_of3A_548 : i32 to index
      %get3A_556 = tpu.vector_load %arg5[%get3A] {strides = array<i32>} : memref<416xi32, #tpu.memory_space<vmem>>, vector<16xi32>,
      %get3A_557 = vector.shape_cast %get3A_556 : vector<16xi32> to vector<16xi32>
      %mul3A_558 = arith.constant 100000 : i32
      %mul3A_559 = vector.broadcast %mul3A_558 : i32 to vector<16xi32>
      %mul3A_560 = arith.muli %shift_right_logical3A_555, %mul3A_559 : vector<16xi32>
      %add3A_561 = arith.addi %get3A_557, %mul3A_560 : vector<16xi32>
      %swap3A = arith.index_cast %multiple_of3A_548 : i32 to index
      %swap3A_562 = tpu.vector_load %arg5[%swap3A] {strides = array<i32>} : memref<416xi32, #tpu.memory_space<vmem>>, vector<16xi32>,
      %swap3A_563 = vector.shape_cast %swap3A_562 : vector<16xi32> to vector<16xi32>
      %swap3A_564 = vector.shape_cast %add3A_561 : vector<16xi32> to vector<16xi32>
      tpu.vector_store %arg5[%swap3A], %swap3A_564 {strides = array<i32>} : memref<416xi32, #tpu.memory_space<vmem>>, vector<16xi32>,
      %scan3A_565 = arith.constant 0 : i32
      scf.yield %scan3A_565 : i32
    }
    %scan3A_105 = arith.constant 26 : i32
    %dma_start3A_106 = arith.constant 0 : i32
    %dma_start3A_107 = arith.constant 0 : i32
    %dma_start3A_108 = tpu.memref_slice %arg2[%dma_start3A_106, %dma_start3A_107] : memref<2600000x128xf32, #tpu.memory_space<hbm>> -> memref<2600000x128xf32, #tpu.memory_space<hbm>>
    tpu.enqueue_indirect_dma source(%dma_start3A_108 : memref<2600000x128xf32, #tpu.memory_space<hbm>>) target(%arg7 : memref<416x128xf32, #tpu.memory_space<vmem>>) offsets(%arg5 : memref<416xi32, #tpu.memory_space<vmem>>) semaphore(%arg9 : memref<!tpu.dma_semaphore, #tpu.memory_space<semaphore_mem>>)
    %dma_wait3A_109 = arith.constant 0 : i32
    %dma_wait3A_110 = arith.constant 0 : i32
    %dma_wait3A_111 = tpu.memref_slice %arg2[%dma_wait3A_109, %dma_wait3A_110] : memref<2600000x128xf32, #tpu.memory_space<hbm>> -> memref<2600000x128xf32, #tpu.memory_space<hbm>>
    tpu.wait_indirect_dma semaphore(%arg10 : memref<!tpu.dma_semaphore, #tpu.memory_space<semaphore_mem>>) src(%dma_wait3A_111 : memref<2600000x128xf32, #tpu.memory_space<hbm>>) dst(%arg8 : memref<416x128xf32, #tpu.memory_space<vmem>>)
    %add3A_112 = arith.constant 2080 : i32
    %add3A_113 = arith.addi %multiple_of3A, %add3A_112 : i32
    "tpu.region"() ({
      %run_scoped3A = tpu.sem_alloc : memref<!tpu.dma_semaphore, #tpu.memory_space<semaphore_mem>>
      %dma_start3A_544 = arith.constant 0 : i32
      %dma_start3A_545 = arith.constant 0 : i32
      %dma_start3A_546 = tpu.memref_slice %arg8[%dma_start3A_544, %dma_start3A_545] : memref<416x128xf32, #tpu.memory_space<vmem>> -> memref<416x32xf32, #tpu.memory_space<vmem>>
      %dma_start3A_547 = arith.constant 0 : i32
      %dma_start3A_548 = tpu.memref_slice %arg4[%add3A_113, %dma_start3A_547] : memref<425984x32xf32, #tpu.memory_space<hbm>> -> memref<416x32xf32, #tpu.memory_space<hbm>>
      %dma_start3A_549 = arith.constant 0 : i32
      %dma_start3A_550 = tpu.memref_slice %arg4[%add3A_113, %dma_start3A_549] : memref<425984x32xf32, #tpu.memory_space<hbm>> -> memref<416x32xf32, #tpu.memory_space<hbm>>
      %dma_start3A_551 = arith.constant 0 : i32
      %dma_start3A_552 = arith.constant 0 : i32
      %dma_start3A_553 = tpu.memref_slice %arg8[%dma_start3A_551, %dma_start3A_552] : memref<416x128xf32, #tpu.memory_space<vmem>> -> memref<416x32xf32, #tpu.memory_space<vmem>>
      tpu.enqueue_dma source(%dma_start3A_553 : memref<416x32xf32, #tpu.memory_space<vmem>>) target(%dma_start3A_550 : memref<416x32xf32, #tpu.memory_space<hbm>>) target_semaphore(%run_scoped3A : memref<!tpu.dma_semaphore, #tpu.memory_space<semaphore_mem>>)
      %dma_wait3A_554 = arith.constant 0 : i32
      %dma_wait3A_555 = arith.constant 0 : i32
      %dma_wait3A_556 = tpu.memref_slice %arg8[%dma_wait3A_554, %dma_wait3A_555] : memref<416x128xf32, #tpu.memory_space<vmem>> -> memref<416x32xf32, #tpu.memory_space<vmem>>
      %dma_wait3A_557 = arith.constant 0 : i32
      %dma_wait3A_558 = tpu.memref_slice %arg4[%add3A_113, %dma_wait3A_557] : memref<425984x32xf32, #tpu.memory_space<hbm>> -> memref<416x32xf32, #tpu.memory_space<hbm>>
      %dma_wait3A_559 = arith.constant 0 : i32
      %dma_wait3A_560 = tpu.memref_slice %arg4[%add3A_113, %dma_wait3A_559] : memref<425984x32xf32, #tpu.memory_space<hbm>> -> memref<416x32xf32, #tpu.memory_space<hbm>>
      %dma_wait3A_561 = arith.constant 0 : i32
      %dma_wait3A_562 = arith.constant 0 : i32
      %dma_wait3A_563 = tpu.memref_slice %arg8[%dma_wait3A_561, %dma_wait3A_562] : memref<416x128xf32, #tpu.memory_space<vmem>> -> memref<416x32xf32, #tpu.memory_space<vmem>>
      tpu.wait_dma2 semaphore(%run_scoped3A : memref<!tpu.dma_semaphore, #tpu.memory_space<semaphore_mem>>) src(%dma_wait3A_563 : memref<416x32xf32, #tpu.memory_space<vmem>>) dst(%dma_wait3A_560 : memref<416x32xf32, #tpu.memory_space<hbm>>)
      tpu.yield
    }) : () -> ()
    %add3A_114 = arith.constant 2912 : i32
    %add3A_115 = arith.addi %multiple_of3A, %add3A_114 : i32
    "tpu.region"() ({
      %run_scoped3A = tpu.sem_alloc : memref<!tpu.dma_semaphore, #tpu.memory_space<semaphore_mem>>
      %dma_start3A_544 = tpu.memref_slice %arg3[%add3A_115] : memref<425984xi32, #tpu.memory_space<hbm>> -> memref<416xi32, #tpu.memory_space<hbm>>
      %dma_start3A_545 = tpu.memref_slice %arg3[%add3A_115] : memref<425984xi32, #tpu.memory_space<hbm>> -> memref<416xi32, #tpu.memory_space<hbm>>
      tpu.enqueue_dma source(%dma_start3A_545 : memref<416xi32, #tpu.memory_space<hbm>>) target(%arg6 : memref<416xi32, #tpu.memory_space<vmem>>) target_semaphore(%run_scoped3A : memref<!tpu.dma_semaphore, #tpu.memory_space<semaphore_mem>>)
      %dma_wait3A_546 = tpu.memref_slice %arg3[%add3A_115] : memref<425984xi32, #tpu.memory_space<hbm>> -> memref<416xi32, #tpu.memory_space<hbm>>
      %dma_wait3A_547 = tpu.memref_slice %arg3[%add3A_115] : memref<425984xi32, #tpu.memory_space<hbm>> -> memref<416xi32, #tpu.memory_space<hbm>>
      tpu.wait_dma2 semaphore(%run_scoped3A : memref<!tpu.dma_semaphore, #tpu.memory_space<semaphore_mem>>) src(%dma_wait3A_547 : memref<416xi32, #tpu.memory_space<hbm>>) dst(%arg6 : memref<416xi32, #tpu.memory_space<vmem>>)
      tpu.yield
    }) : () -> ()
    %scan3A_116 = arith.constant 0 : i32
    %scan3A_117 = arith.constant 0 : i32
    %scan3A_118 = arith.constant 26 : i32
    %scan3A_119 = arith.addi %scan3A_117, %scan3A_118 : i32
    %scan3A_120 = arith.constant 1 : i32
    %scan3A_121 = scf.for %scan3A_544 = %scan3A_117 to %scan3A_119 step %scan3A_120 iter_args(%scan3A_545 = %scan3A_116) -> (i32)  : i32 {
      %mul3A_546 = arith.constant 16 : i32
      %mul3A_547 = arith.muli %scan3A_544, %mul3A_546 : i32
      %multiple_of3A_548 = tpu.assume_multiple %mul3A_547, 16 : i32
      %add3A_549 = arith.constant 2912 : i32
      %add3A_550 = arith.addi %multiple_of3A, %add3A_549 : i32
      %add3A_551 = arith.addi %add3A_550, %multiple_of3A_548 : i32
      %iota3A = tpu.iota {dimensions = array<i32: 0>} : vector<16xi32>
      %add3A_552 = vector.broadcast %add3A_551 : i32 to vector<16xi32>
      %add3A_553 = arith.addi %add3A_552, %iota3A : vector<16xi32>
      %shift_right_logical3A = arith.constant 14 : i32
      %shift_right_logical3A_554 = vector.broadcast %shift_right_logical3A : i32 to vector<16xi32>
      %shift_right_logical3A_555 = arith.shrui %add3A_553, %shift_right_logical3A_554 : vector<16xi32>
      %get3A = arith.index_cast %multiple_of3A_548 : i32 to index
      %get3A_556 = tpu.vector_load %arg6[%get3A] {strides = array<i32>} : memref<416xi32, #tpu.memory_space<vmem>>, vector<16xi32>,
      %get3A_557 = vector.shape_cast %get3A_556 : vector<16xi32> to vector<16xi32>
      %mul3A_558 = arith.constant 100000 : i32
      %mul3A_559 = vector.broadcast %mul3A_558 : i32 to vector<16xi32>
      %mul3A_560 = arith.muli %shift_right_logical3A_555, %mul3A_559 : vector<16xi32>
      %add3A_561 = arith.addi %get3A_557, %mul3A_560 : vector<16xi32>
      %swap3A = arith.index_cast %multiple_of3A_548 : i32 to index
      %swap3A_562 = tpu.vector_load %arg6[%swap3A] {strides = array<i32>} : memref<416xi32, #tpu.memory_space<vmem>>, vector<16xi32>,
      %swap3A_563 = vector.shape_cast %swap3A_562 : vector<16xi32> to vector<16xi32>
      %swap3A_564 = vector.shape_cast %add3A_561 : vector<16xi32> to vector<16xi32>
      tpu.vector_store %arg6[%swap3A], %swap3A_564 {strides = array<i32>} : memref<416xi32, #tpu.memory_space<vmem>>, vector<16xi32>,
      %scan3A_565 = arith.constant 0 : i32
      scf.yield %scan3A_565 : i32
    }
    %scan3A_122 = arith.constant 26 : i32
    %dma_start3A_123 = arith.constant 0 : i32
    %dma_start3A_124 = arith.constant 0 : i32
    %dma_start3A_125 = tpu.memref_slice %arg2[%dma_start3A_123, %dma_start3A_124] : memref<2600000x128xf32, #tpu.memory_space<hbm>> -> memref<2600000x128xf32, #tpu.memory_space<hbm>>
    tpu.enqueue_indirect_dma source(%dma_start3A_125 : memref<2600000x128xf32, #tpu.memory_space<hbm>>) target(%arg8 : memref<416x128xf32, #tpu.memory_space<vmem>>) offsets(%arg6 : memref<416xi32, #tpu.memory_space<vmem>>) semaphore(%arg10 : memref<!tpu.dma_semaphore, #tpu.memory_space<semaphore_mem>>)
    %dma_wait3A_126 = arith.constant 0 : i32
    %dma_wait3A_127 = arith.constant 0 : i32
    %dma_wait3A_128 = tpu.memref_slice %arg2[%dma_wait3A_126, %dma_wait3A_127] : memref<2600000x128xf32, #tpu.memory_space<hbm>> -> memref<2600000x128xf32, #tpu.memory_space<hbm>>
    tpu.wait_indirect_dma semaphore(%arg9 : memref<!tpu.dma_semaphore, #tpu.memory_space<semaphore_mem>>) src(%dma_wait3A_128 : memref<2600000x128xf32, #tpu.memory_space<hbm>>) dst(%arg7 : memref<416x128xf32, #tpu.memory_space<vmem>>)
    %add3A_129 = arith.constant 2496 : i32
    %add3A_130 = arith.addi %multiple_of3A, %add3A_129 : i32
    "tpu.region"() ({
      %run_scoped3A = tpu.sem_alloc : memref<!tpu.dma_semaphore, #tpu.memory_space<semaphore_mem>>
      %dma_start3A_544 = arith.constant 0 : i32
      %dma_start3A_545 = arith.constant 0 : i32
      %dma_start3A_546 = tpu.memref_slice %arg7[%dma_start3A_544, %dma_start3A_545] : memref<416x128xf32, #tpu.memory_space<vmem>> -> memref<416x32xf32, #tpu.memory_space<vmem>>
      %dma_start3A_547 = arith.constant 0 : i32
      %dma_start3A_548 = tpu.memref_slice %arg4[%add3A_130, %dma_start3A_547] : memref<425984x32xf32, #tpu.memory_space<hbm>> -> memref<416x32xf32, #tpu.memory_space<hbm>>
      %dma_start3A_549 = arith.constant 0 : i32
      %dma_start3A_550 = tpu.memref_slice %arg4[%add3A_130, %dma_start3A_549] : memref<425984x32xf32, #tpu.memory_space<hbm>> -> memref<416x32xf32, #tpu.memory_space<hbm>>
      %dma_start3A_551 = arith.constant 0 : i32
      %dma_start3A_552 = arith.constant 0 : i32
      %dma_start3A_553 = tpu.memref_slice %arg7[%dma_start3A_551, %dma_start3A_552] : memref<416x128xf32, #tpu.memory_space<vmem>> -> memref<416x32xf32, #tpu.memory_space<vmem>>
      tpu.enqueue_dma source(%dma_start3A_553 : memref<416x32xf32, #tpu.memory_space<vmem>>) target(%dma_start3A_550 : memref<416x32xf32, #tpu.memory_space<hbm>>) target_semaphore(%run_scoped3A : memref<!tpu.dma_semaphore, #tpu.memory_space<semaphore_mem>>)
      %dma_wait3A_554 = arith.constant 0 : i32
      %dma_wait3A_555 = arith.constant 0 : i32
      %dma_wait3A_556 = tpu.memref_slice %arg7[%dma_wait3A_554, %dma_wait3A_555] : memref<416x128xf32, #tpu.memory_space<vmem>> -> memref<416x32xf32, #tpu.memory_space<vmem>>
      %dma_wait3A_557 = arith.constant 0 : i32
      %dma_wait3A_558 = tpu.memref_slice %arg4[%add3A_130, %dma_wait3A_557] : memref<425984x32xf32, #tpu.memory_space<hbm>> -> memref<416x32xf32, #tpu.memory_space<hbm>>
      %dma_wait3A_559 = arith.constant 0 : i32
      %dma_wait3A_560 = tpu.memref_slice %arg4[%add3A_130, %dma_wait3A_559] : memref<425984x32xf32, #tpu.memory_space<hbm>> -> memref<416x32xf32, #tpu.memory_space<hbm>>
      %dma_wait3A_561 = arith.constant 0 : i32
      %dma_wait3A_562 = arith.constant 0 : i32
      %dma_wait3A_563 = tpu.memref_slice %arg7[%dma_wait3A_561, %dma_wait3A_562] : memref<416x128xf32, #tpu.memory_space<vmem>> -> memref<416x32xf32, #tpu.memory_space<vmem>>
      tpu.wait_dma2 semaphore(%run_scoped3A : memref<!tpu.dma_semaphore, #tpu.memory_space<semaphore_mem>>) src(%dma_wait3A_563 : memref<416x32xf32, #tpu.memory_space<vmem>>) dst(%dma_wait3A_560 : memref<416x32xf32, #tpu.memory_space<hbm>>)
      tpu.yield
    }) : () -> ()
    %add3A_131 = arith.constant 3328 : i32
    %add3A_132 = arith.addi %multiple_of3A, %add3A_131 : i32
    "tpu.region"() ({
      %run_scoped3A = tpu.sem_alloc : memref<!tpu.dma_semaphore, #tpu.memory_space<semaphore_mem>>
      %dma_start3A_544 = tpu.memref_slice %arg3[%add3A_132] : memref<425984xi32, #tpu.memory_space<hbm>> -> memref<416xi32, #tpu.memory_space<hbm>>
      %dma_start3A_545 = tpu.memref_slice %arg3[%add3A_132] : memref<425984xi32, #tpu.memory_space<hbm>> -> memref<416xi32, #tpu.memory_space<hbm>>
      tpu.enqueue_dma source(%dma_start3A_545 : memref<416xi32, #tpu.memory_space<hbm>>) target(%arg5 : memref<416xi32, #tpu.memory_space<vmem>>) target_semaphore(%run_scoped3A : memref<!tpu.dma_semaphore, #tpu.memory_space<semaphore_mem>>)
      %dma_wait3A_546 = tpu.memref_slice %arg3[%add3A_132] : memref<425984xi32, #tpu.memory_space<hbm>> -> memref<416xi32, #tpu.memory_space<hbm>>
      %dma_wait3A_547 = tpu.memref_slice %arg3[%add3A_132] : memref<425984xi32, #tpu.memory_space<hbm>> -> memref<416xi32, #tpu.memory_space<hbm>>
      tpu.wait_dma2 semaphore(%run_scoped3A : memref<!tpu.dma_semaphore, #tpu.memory_space<semaphore_mem>>) src(%dma_wait3A_547 : memref<416xi32, #tpu.memory_space<hbm>>) dst(%arg5 : memref<416xi32, #tpu.memory_space<vmem>>)
      tpu.yield
    }) : () -> ()
    %scan3A_133 = arith.constant 0 : i32
    %scan3A_134 = arith.constant 0 : i32
    %scan3A_135 = arith.constant 26 : i32
    %scan3A_136 = arith.addi %scan3A_134, %scan3A_135 : i32
    %scan3A_137 = arith.constant 1 : i32
    %scan3A_138 = scf.for %scan3A_544 = %scan3A_134 to %scan3A_136 step %scan3A_137 iter_args(%scan3A_545 = %scan3A_133) -> (i32)  : i32 {
      %mul3A_546 = arith.constant 16 : i32
      %mul3A_547 = arith.muli %scan3A_544, %mul3A_546 : i32
      %multiple_of3A_548 = tpu.assume_multiple %mul3A_547, 16 : i32
      %add3A_549 = arith.constant 3328 : i32
      %add3A_550 = arith.addi %multiple_of3A, %add3A_549 : i32
      %add3A_551 = arith.addi %add3A_550, %multiple_of3A_548 : i32
      %iota3A = tpu.iota {dimensions = array<i32: 0>} : vector<16xi32>
      %add3A_552 = vector.broadcast %add3A_551 : i32 to vector<16xi32>
      %add3A_553 = arith.addi %add3A_552, %iota3A : vector<16xi32>
      %shift_right_logical3A = arith.constant 14 : i32
      %shift_right_logical3A_554 = vector.broadcast %shift_right_logical3A : i32 to vector<16xi32>
      %shift_right_logical3A_555 = arith.shrui %add3A_553, %shift_right_logical3A_554 : vector<16xi32>
      %get3A = arith.index_cast %multiple_of3A_548 : i32 to index
      %get3A_556 = tpu.vector_load %arg5[%get3A] {strides = array<i32>} : memref<416xi32, #tpu.memory_space<vmem>>, vector<16xi32>,
      %get3A_557 = vector.shape_cast %get3A_556 : vector<16xi32> to vector<16xi32>
      %mul3A_558 = arith.constant 100000 : i32
      %mul3A_559 = vector.broadcast %mul3A_558 : i32 to vector<16xi32>
      %mul3A_560 = arith.muli %shift_right_logical3A_555, %mul3A_559 : vector<16xi32>
      %add3A_561 = arith.addi %get3A_557, %mul3A_560 : vector<16xi32>
      %swap3A = arith.index_cast %multiple_of3A_548 : i32 to index
      %swap3A_562 = tpu.vector_load %arg5[%swap3A] {strides = array<i32>} : memref<416xi32, #tpu.memory_space<vmem>>, vector<16xi32>,
      %swap3A_563 = vector.shape_cast %swap3A_562 : vector<16xi32> to vector<16xi32>
      %swap3A_564 = vector.shape_cast %add3A_561 : vector<16xi32> to vector<16xi32>
      tpu.vector_store %arg5[%swap3A], %swap3A_564 {strides = array<i32>} : memref<416xi32, #tpu.memory_space<vmem>>, vector<16xi32>,
      %scan3A_565 = arith.constant 0 : i32
      scf.yield %scan3A_565 : i32
    }
    %scan3A_139 = arith.constant 26 : i32
    %dma_start3A_140 = arith.constant 0 : i32
    %dma_start3A_141 = arith.constant 0 : i32
    %dma_start3A_142 = tpu.memref_slice %arg2[%dma_start3A_140, %dma_start3A_141] : memref<2600000x128xf32, #tpu.memory_space<hbm>> -> memref<2600000x128xf32, #tpu.memory_space<hbm>>
    tpu.enqueue_indirect_dma source(%dma_start3A_142 : memref<2600000x128xf32, #tpu.memory_space<hbm>>) target(%arg7 : memref<416x128xf32, #tpu.memory_space<vmem>>) offsets(%arg5 : memref<416xi32, #tpu.memory_space<vmem>>) semaphore(%arg9 : memref<!tpu.dma_semaphore, #tpu.memory_space<semaphore_mem>>)
    %dma_wait3A_143 = arith.constant 0 : i32
    %dma_wait3A_144 = arith.constant 0 : i32
    %dma_wait3A_145 = tpu.memref_slice %arg2[%dma_wait3A_143, %dma_wait3A_144] : memref<2600000x128xf32, #tpu.memory_space<hbm>> -> memref<2600000x128xf32, #tpu.memory_space<hbm>>
    tpu.wait_indirect_dma semaphore(%arg10 : memref<!tpu.dma_semaphore, #tpu.memory_space<semaphore_mem>>) src(%dma_wait3A_145 : memref<2600000x128xf32, #tpu.memory_space<hbm>>) dst(%arg8 : memref<416x128xf32, #tpu.memory_space<vmem>>)
    %add3A_146 = arith.constant 2912 : i32
    %add3A_147 = arith.addi %multiple_of3A, %add3A_146 : i32
    "tpu.region"() ({
      %run_scoped3A = tpu.sem_alloc : memref<!tpu.dma_semaphore, #tpu.memory_space<semaphore_mem>>
      %dma_start3A_544 = arith.constant 0 : i32
      %dma_start3A_545 = arith.constant 0 : i32
      %dma_start3A_546 = tpu.memref_slice %arg8[%dma_start3A_544, %dma_start3A_545] : memref<416x128xf32, #tpu.memory_space<vmem>> -> memref<416x32xf32, #tpu.memory_space<vmem>>
      %dma_start3A_547 = arith.constant 0 : i32
      %dma_start3A_548 = tpu.memref_slice %arg4[%add3A_147, %dma_start3A_547] : memref<425984x32xf32, #tpu.memory_space<hbm>> -> memref<416x32xf32, #tpu.memory_space<hbm>>
      %dma_start3A_549 = arith.constant 0 : i32
      %dma_start3A_550 = tpu.memref_slice %arg4[%add3A_147, %dma_start3A_549] : memref<425984x32xf32, #tpu.memory_space<hbm>> -> memref<416x32xf32, #tpu.memory_space<hbm>>
      %dma_start3A_551 = arith.constant 0 : i32
      %dma_start3A_552 = arith.constant 0 : i32
      %dma_start3A_553 = tpu.memref_slice %arg8[%dma_start3A_551, %dma_start3A_552] : memref<416x128xf32, #tpu.memory_space<vmem>> -> memref<416x32xf32, #tpu.memory_space<vmem>>
      tpu.enqueue_dma source(%dma_start3A_553 : memref<416x32xf32, #tpu.memory_space<vmem>>) target(%dma_start3A_550 : memref<416x32xf32, #tpu.memory_space<hbm>>) target_semaphore(%run_scoped3A : memref<!tpu.dma_semaphore, #tpu.memory_space<semaphore_mem>>)
      %dma_wait3A_554 = arith.constant 0 : i32
      %dma_wait3A_555 = arith.constant 0 : i32
      %dma_wait3A_556 = tpu.memref_slice %arg8[%dma_wait3A_554, %dma_wait3A_555] : memref<416x128xf32, #tpu.memory_space<vmem>> -> memref<416x32xf32, #tpu.memory_space<vmem>>
      %dma_wait3A_557 = arith.constant 0 : i32
      %dma_wait3A_558 = tpu.memref_slice %arg4[%add3A_147, %dma_wait3A_557] : memref<425984x32xf32, #tpu.memory_space<hbm>> -> memref<416x32xf32, #tpu.memory_space<hbm>>
      %dma_wait3A_559 = arith.constant 0 : i32
      %dma_wait3A_560 = tpu.memref_slice %arg4[%add3A_147, %dma_wait3A_559] : memref<425984x32xf32, #tpu.memory_space<hbm>> -> memref<416x32xf32, #tpu.memory_space<hbm>>
      %dma_wait3A_561 = arith.constant 0 : i32
      %dma_wait3A_562 = arith.constant 0 : i32
      %dma_wait3A_563 = tpu.memref_slice %arg8[%dma_wait3A_561, %dma_wait3A_562] : memref<416x128xf32, #tpu.memory_space<vmem>> -> memref<416x32xf32, #tpu.memory_space<vmem>>
      tpu.wait_dma2 semaphore(%run_scoped3A : memref<!tpu.dma_semaphore, #tpu.memory_space<semaphore_mem>>) src(%dma_wait3A_563 : memref<416x32xf32, #tpu.memory_space<vmem>>) dst(%dma_wait3A_560 : memref<416x32xf32, #tpu.memory_space<hbm>>)
      tpu.yield
    }) : () -> ()
    %add3A_148 = arith.constant 3744 : i32
    %add3A_149 = arith.addi %multiple_of3A, %add3A_148 : i32
    "tpu.region"() ({
      %run_scoped3A = tpu.sem_alloc : memref<!tpu.dma_semaphore, #tpu.memory_space<semaphore_mem>>
      %dma_start3A_544 = tpu.memref_slice %arg3[%add3A_149] : memref<425984xi32, #tpu.memory_space<hbm>> -> memref<416xi32, #tpu.memory_space<hbm>>
      %dma_start3A_545 = tpu.memref_slice %arg3[%add3A_149] : memref<425984xi32, #tpu.memory_space<hbm>> -> memref<416xi32, #tpu.memory_space<hbm>>
      tpu.enqueue_dma source(%dma_start3A_545 : memref<416xi32, #tpu.memory_space<hbm>>) target(%arg6 : memref<416xi32, #tpu.memory_space<vmem>>) target_semaphore(%run_scoped3A : memref<!tpu.dma_semaphore, #tpu.memory_space<semaphore_mem>>)
      %dma_wait3A_546 = tpu.memref_slice %arg3[%add3A_149] : memref<425984xi32, #tpu.memory_space<hbm>> -> memref<416xi32, #tpu.memory_space<hbm>>
      %dma_wait3A_547 = tpu.memref_slice %arg3[%add3A_149] : memref<425984xi32, #tpu.memory_space<hbm>> -> memref<416xi32, #tpu.memory_space<hbm>>
      tpu.wait_dma2 semaphore(%run_scoped3A : memref<!tpu.dma_semaphore, #tpu.memory_space<semaphore_mem>>) src(%dma_wait3A_547 : memref<416xi32, #tpu.memory_space<hbm>>) dst(%arg6 : memref<416xi32, #tpu.memory_space<vmem>>)
      tpu.yield
    }) : () -> ()
    %scan3A_150 = arith.constant 0 : i32
    %scan3A_151 = arith.constant 0 : i32
    %scan3A_152 = arith.constant 26 : i32
    %scan3A_153 = arith.addi %scan3A_151, %scan3A_152 : i32
    %scan3A_154 = arith.constant 1 : i32
    %scan3A_155 = scf.for %scan3A_544 = %scan3A_151 to %scan3A_153 step %scan3A_154 iter_args(%scan3A_545 = %scan3A_150) -> (i32)  : i32 {
      %mul3A_546 = arith.constant 16 : i32
      %mul3A_547 = arith.muli %scan3A_544, %mul3A_546 : i32
      %multiple_of3A_548 = tpu.assume_multiple %mul3A_547, 16 : i32
      %add3A_549 = arith.constant 3744 : i32
      %add3A_550 = arith.addi %multiple_of3A, %add3A_549 : i32
      %add3A_551 = arith.addi %add3A_550, %multiple_of3A_548 : i32
      %iota3A = tpu.iota {dimensions = array<i32: 0>} : vector<16xi32>
      %add3A_552 = vector.broadcast %add3A_551 : i32 to vector<16xi32>
      %add3A_553 = arith.addi %add3A_552, %iota3A : vector<16xi32>
      %shift_right_logical3A = arith.constant 14 : i32
      %shift_right_logical3A_554 = vector.broadcast %shift_right_logical3A : i32 to vector<16xi32>
      %shift_right_logical3A_555 = arith.shrui %add3A_553, %shift_right_logical3A_554 : vector<16xi32>
      %get3A = arith.index_cast %multiple_of3A_548 : i32 to index
      %get3A_556 = tpu.vector_load %arg6[%get3A] {strides = array<i32>} : memref<416xi32, #tpu.memory_space<vmem>>, vector<16xi32>,
      %get3A_557 = vector.shape_cast %get3A_556 : vector<16xi32> to vector<16xi32>
      %mul3A_558 = arith.constant 100000 : i32
      %mul3A_559 = vector.broadcast %mul3A_558 : i32 to vector<16xi32>
      %mul3A_560 = arith.muli %shift_right_logical3A_555, %mul3A_559 : vector<16xi32>
      %add3A_561 = arith.addi %get3A_557, %mul3A_560 : vector<16xi32>
      %swap3A = arith.index_cast %multiple_of3A_548 : i32 to index
      %swap3A_562 = tpu.vector_load %arg6[%swap3A] {strides = array<i32>} : memref<416xi32, #tpu.memory_space<vmem>>, vector<16xi32>,
      %swap3A_563 = vector.shape_cast %swap3A_562 : vector<16xi32> to vector<16xi32>
      %swap3A_564 = vector.shape_cast %add3A_561 : vector<16xi32> to vector<16xi32>
      tpu.vector_store %arg6[%swap3A], %swap3A_564 {strides = array<i32>} : memref<416xi32, #tpu.memory_space<vmem>>, vector<16xi32>,
      %scan3A_565 = arith.constant 0 : i32
      scf.yield %scan3A_565 : i32
    }
    %scan3A_156 = arith.constant 26 : i32
    %dma_start3A_157 = arith.constant 0 : i32
    %dma_start3A_158 = arith.constant 0 : i32
    %dma_start3A_159 = tpu.memref_slice %arg2[%dma_start3A_157, %dma_start3A_158] : memref<2600000x128xf32, #tpu.memory_space<hbm>> -> memref<2600000x128xf32, #tpu.memory_space<hbm>>
    tpu.enqueue_indirect_dma source(%dma_start3A_159 : memref<2600000x128xf32, #tpu.memory_space<hbm>>) target(%arg8 : memref<416x128xf32, #tpu.memory_space<vmem>>) offsets(%arg6 : memref<416xi32, #tpu.memory_space<vmem>>) semaphore(%arg10 : memref<!tpu.dma_semaphore, #tpu.memory_space<semaphore_mem>>)
    %dma_wait3A_160 = arith.constant 0 : i32
    %dma_wait3A_161 = arith.constant 0 : i32
    %dma_wait3A_162 = tpu.memref_slice %arg2[%dma_wait3A_160, %dma_wait3A_161] : memref<2600000x128xf32, #tpu.memory_space<hbm>> -> memref<2600000x128xf32, #tpu.memory_space<hbm>>
    tpu.wait_indirect_dma semaphore(%arg9 : memref<!tpu.dma_semaphore, #tpu.memory_space<semaphore_mem>>) src(%dma_wait3A_162 : memref<2600000x128xf32, #tpu.memory_space<hbm>>) dst(%arg7 : memref<416x128xf32, #tpu.memory_space<vmem>>)
    %add3A_163 = arith.constant 3328 : i32
    %add3A_164 = arith.addi %multiple_of3A, %add3A_163 : i32
    "tpu.region"() ({
      %run_scoped3A = tpu.sem_alloc : memref<!tpu.dma_semaphore, #tpu.memory_space<semaphore_mem>>
      %dma_start3A_544 = arith.constant 0 : i32
      %dma_start3A_545 = arith.constant 0 : i32
      %dma_start3A_546 = tpu.memref_slice %arg7[%dma_start3A_544, %dma_start3A_545] : memref<416x128xf32, #tpu.memory_space<vmem>> -> memref<416x32xf32, #tpu.memory_space<vmem>>
      %dma_start3A_547 = arith.constant 0 : i32
      %dma_start3A_548 = tpu.memref_slice %arg4[%add3A_164, %dma_start3A_547] : memref<425984x32xf32, #tpu.memory_space<hbm>> -> memref<416x32xf32, #tpu.memory_space<hbm>>
      %dma_start3A_549 = arith.constant 0 : i32
      %dma_start3A_550 = tpu.memref_slice %arg4[%add3A_164, %dma_start3A_549] : memref<425984x32xf32, #tpu.memory_space<hbm>> -> memref<416x32xf32, #tpu.memory_space<hbm>>
      %dma_start3A_551 = arith.constant 0 : i32
      %dma_start3A_552 = arith.constant 0 : i32
      %dma_start3A_553 = tpu.memref_slice %arg7[%dma_start3A_551, %dma_start3A_552] : memref<416x128xf32, #tpu.memory_space<vmem>> -> memref<416x32xf32, #tpu.memory_space<vmem>>
      tpu.enqueue_dma source(%dma_start3A_553 : memref<416x32xf32, #tpu.memory_space<vmem>>) target(%dma_start3A_550 : memref<416x32xf32, #tpu.memory_space<hbm>>) target_semaphore(%run_scoped3A : memref<!tpu.dma_semaphore, #tpu.memory_space<semaphore_mem>>)
      %dma_wait3A_554 = arith.constant 0 : i32
      %dma_wait3A_555 = arith.constant 0 : i32
      %dma_wait3A_556 = tpu.memref_slice %arg7[%dma_wait3A_554, %dma_wait3A_555] : memref<416x128xf32, #tpu.memory_space<vmem>> -> memref<416x32xf32, #tpu.memory_space<vmem>>
      %dma_wait3A_557 = arith.constant 0 : i32
      %dma_wait3A_558 = tpu.memref_slice %arg4[%add3A_164, %dma_wait3A_557] : memref<425984x32xf32, #tpu.memory_space<hbm>> -> memref<416x32xf32, #tpu.memory_space<hbm>>
      %dma_wait3A_559 = arith.constant 0 : i32
      %dma_wait3A_560 = tpu.memref_slice %arg4[%add3A_164, %dma_wait3A_559] : memref<425984x32xf32, #tpu.memory_space<hbm>> -> memref<416x32xf32, #tpu.memory_space<hbm>>
      %dma_wait3A_561 = arith.constant 0 : i32
      %dma_wait3A_562 = arith.constant 0 : i32
      %dma_wait3A_563 = tpu.memref_slice %arg7[%dma_wait3A_561, %dma_wait3A_562] : memref<416x128xf32, #tpu.memory_space<vmem>> -> memref<416x32xf32, #tpu.memory_space<vmem>>
      tpu.wait_dma2 semaphore(%run_scoped3A : memref<!tpu.dma_semaphore, #tpu.memory_space<semaphore_mem>>) src(%dma_wait3A_563 : memref<416x32xf32, #tpu.memory_space<vmem>>) dst(%dma_wait3A_560 : memref<416x32xf32, #tpu.memory_space<hbm>>)
      tpu.yield
    }) : () -> ()
    %add3A_165 = arith.constant 4160 : i32
    %add3A_166 = arith.addi %multiple_of3A, %add3A_165 : i32
    "tpu.region"() ({
      %run_scoped3A = tpu.sem_alloc : memref<!tpu.dma_semaphore, #tpu.memory_space<semaphore_mem>>
      %dma_start3A_544 = tpu.memref_slice %arg3[%add3A_166] : memref<425984xi32, #tpu.memory_space<hbm>> -> memref<416xi32, #tpu.memory_space<hbm>>
      %dma_start3A_545 = tpu.memref_slice %arg3[%add3A_166] : memref<425984xi32, #tpu.memory_space<hbm>> -> memref<416xi32, #tpu.memory_space<hbm>>
      tpu.enqueue_dma source(%dma_start3A_545 : memref<416xi32, #tpu.memory_space<hbm>>) target(%arg5 : memref<416xi32, #tpu.memory_space<vmem>>) target_semaphore(%run_scoped3A : memref<!tpu.dma_semaphore, #tpu.memory_space<semaphore_mem>>)
      %dma_wait3A_546 = tpu.memref_slice %arg3[%add3A_166] : memref<425984xi32, #tpu.memory_space<hbm>> -> memref<416xi32, #tpu.memory_space<hbm>>
      %dma_wait3A_547 = tpu.memref_slice %arg3[%add3A_166] : memref<425984xi32, #tpu.memory_space<hbm>> -> memref<416xi32, #tpu.memory_space<hbm>>
      tpu.wait_dma2 semaphore(%run_scoped3A : memref<!tpu.dma_semaphore, #tpu.memory_space<semaphore_mem>>) src(%dma_wait3A_547 : memref<416xi32, #tpu.memory_space<hbm>>) dst(%arg5 : memref<416xi32, #tpu.memory_space<vmem>>)
      tpu.yield
    }) : () -> ()
    %scan3A_167 = arith.constant 0 : i32
    %scan3A_168 = arith.constant 0 : i32
    %scan3A_169 = arith.constant 26 : i32
    %scan3A_170 = arith.addi %scan3A_168, %scan3A_169 : i32
    %scan3A_171 = arith.constant 1 : i32
    %scan3A_172 = scf.for %scan3A_544 = %scan3A_168 to %scan3A_170 step %scan3A_171 iter_args(%scan3A_545 = %scan3A_167) -> (i32)  : i32 {
      %mul3A_546 = arith.constant 16 : i32
      %mul3A_547 = arith.muli %scan3A_544, %mul3A_546 : i32
      %multiple_of3A_548 = tpu.assume_multiple %mul3A_547, 16 : i32
      %add3A_549 = arith.constant 4160 : i32
      %add3A_550 = arith.addi %multiple_of3A, %add3A_549 : i32
      %add3A_551 = arith.addi %add3A_550, %multiple_of3A_548 : i32
      %iota3A = tpu.iota {dimensions = array<i32: 0>} : vector<16xi32>
      %add3A_552 = vector.broadcast %add3A_551 : i32 to vector<16xi32>
      %add3A_553 = arith.addi %add3A_552, %iota3A : vector<16xi32>
      %shift_right_logical3A = arith.constant 14 : i32
      %shift_right_logical3A_554 = vector.broadcast %shift_right_logical3A : i32 to vector<16xi32>
      %shift_right_logical3A_555 = arith.shrui %add3A_553, %shift_right_logical3A_554 : vector<16xi32>
      %get3A = arith.index_cast %multiple_of3A_548 : i32 to index
      %get3A_556 = tpu.vector_load %arg5[%get3A] {strides = array<i32>} : memref<416xi32, #tpu.memory_space<vmem>>, vector<16xi32>,
      %get3A_557 = vector.shape_cast %get3A_556 : vector<16xi32> to vector<16xi32>
      %mul3A_558 = arith.constant 100000 : i32
      %mul3A_559 = vector.broadcast %mul3A_558 : i32 to vector<16xi32>
      %mul3A_560 = arith.muli %shift_right_logical3A_555, %mul3A_559 : vector<16xi32>
      %add3A_561 = arith.addi %get3A_557, %mul3A_560 : vector<16xi32>
      %swap3A = arith.index_cast %multiple_of3A_548 : i32 to index
      %swap3A_562 = tpu.vector_load %arg5[%swap3A] {strides = array<i32>} : memref<416xi32, #tpu.memory_space<vmem>>, vector<16xi32>,
      %swap3A_563 = vector.shape_cast %swap3A_562 : vector<16xi32> to vector<16xi32>
      %swap3A_564 = vector.shape_cast %add3A_561 : vector<16xi32> to vector<16xi32>
      tpu.vector_store %arg5[%swap3A], %swap3A_564 {strides = array<i32>} : memref<416xi32, #tpu.memory_space<vmem>>, vector<16xi32>,
      %scan3A_565 = arith.constant 0 : i32
      scf.yield %scan3A_565 : i32
    }
    %scan3A_173 = arith.constant 26 : i32
    %dma_start3A_174 = arith.constant 0 : i32
    %dma_start3A_175 = arith.constant 0 : i32
    %dma_start3A_176 = tpu.memref_slice %arg2[%dma_start3A_174, %dma_start3A_175] : memref<2600000x128xf32, #tpu.memory_space<hbm>> -> memref<2600000x128xf32, #tpu.memory_space<hbm>>
    tpu.enqueue_indirect_dma source(%dma_start3A_176 : memref<2600000x128xf32, #tpu.memory_space<hbm>>) target(%arg7 : memref<416x128xf32, #tpu.memory_space<vmem>>) offsets(%arg5 : memref<416xi32, #tpu.memory_space<vmem>>) semaphore(%arg9 : memref<!tpu.dma_semaphore, #tpu.memory_space<semaphore_mem>>)
    %dma_wait3A_177 = arith.constant 0 : i32
    %dma_wait3A_178 = arith.constant 0 : i32
    %dma_wait3A_179 = tpu.memref_slice %arg2[%dma_wait3A_177, %dma_wait3A_178] : memref<2600000x128xf32, #tpu.memory_space<hbm>> -> memref<2600000x128xf32, #tpu.memory_space<hbm>>
    tpu.wait_indirect_dma semaphore(%arg10 : memref<!tpu.dma_semaphore, #tpu.memory_space<semaphore_mem>>) src(%dma_wait3A_179 : memref<2600000x128xf32, #tpu.memory_space<hbm>>) dst(%arg8 : memref<416x128xf32, #tpu.memory_space<vmem>>)
    %add3A_180 = arith.constant 3744 : i32
    %add3A_181 = arith.addi %multiple_of3A, %add3A_180 : i32
    "tpu.region"() ({
      %run_scoped3A = tpu.sem_alloc : memref<!tpu.dma_semaphore, #tpu.memory_space<semaphore_mem>>
      %dma_start3A_544 = arith.constant 0 : i32
      %dma_start3A_545 = arith.constant 0 : i32
      %dma_start3A_546 = tpu.memref_slice %arg8[%dma_start3A_544, %dma_start3A_545] : memref<416x128xf32, #tpu.memory_space<vmem>> -> memref<416x32xf32, #tpu.memory_space<vmem>>
      %dma_start3A_547 = arith.constant 0 : i32
      %dma_start3A_548 = tpu.memref_slice %arg4[%add3A_181, %dma_start3A_547] : memref<425984x32xf32, #tpu.memory_space<hbm>> -> memref<416x32xf32, #tpu.memory_space<hbm>>
      %dma_start3A_549 = arith.constant 0 : i32
      %dma_start3A_550 = tpu.memref_slice %arg4[%add3A_181, %dma_start3A_549] : memref<425984x32xf32, #tpu.memory_space<hbm>> -> memref<416x32xf32, #tpu.memory_space<hbm>>
      %dma_start3A_551 = arith.constant 0 : i32
      %dma_start3A_552 = arith.constant 0 : i32
      %dma_start3A_553 = tpu.memref_slice %arg8[%dma_start3A_551, %dma_start3A_552] : memref<416x128xf32, #tpu.memory_space<vmem>> -> memref<416x32xf32, #tpu.memory_space<vmem>>
      tpu.enqueue_dma source(%dma_start3A_553 : memref<416x32xf32, #tpu.memory_space<vmem>>) target(%dma_start3A_550 : memref<416x32xf32, #tpu.memory_space<hbm>>) target_semaphore(%run_scoped3A : memref<!tpu.dma_semaphore, #tpu.memory_space<semaphore_mem>>)
      %dma_wait3A_554 = arith.constant 0 : i32
      %dma_wait3A_555 = arith.constant 0 : i32
      %dma_wait3A_556 = tpu.memref_slice %arg8[%dma_wait3A_554, %dma_wait3A_555] : memref<416x128xf32, #tpu.memory_space<vmem>> -> memref<416x32xf32, #tpu.memory_space<vmem>>
      %dma_wait3A_557 = arith.constant 0 : i32
      %dma_wait3A_558 = tpu.memref_slice %arg4[%add3A_181, %dma_wait3A_557] : memref<425984x32xf32, #tpu.memory_space<hbm>> -> memref<416x32xf32, #tpu.memory_space<hbm>>
      %dma_wait3A_559 = arith.constant 0 : i32
      %dma_wait3A_560 = tpu.memref_slice %arg4[%add3A_181, %dma_wait3A_559] : memref<425984x32xf32, #tpu.memory_space<hbm>> -> memref<416x32xf32, #tpu.memory_space<hbm>>
      %dma_wait3A_561 = arith.constant 0 : i32
      %dma_wait3A_562 = arith.constant 0 : i32
      %dma_wait3A_563 = tpu.memref_slice %arg8[%dma_wait3A_561, %dma_wait3A_562] : memref<416x128xf32, #tpu.memory_space<vmem>> -> memref<416x32xf32, #tpu.memory_space<vmem>>
      tpu.wait_dma2 semaphore(%run_scoped3A : memref<!tpu.dma_semaphore, #tpu.memory_space<semaphore_mem>>) src(%dma_wait3A_563 : memref<416x32xf32, #tpu.memory_space<vmem>>) dst(%dma_wait3A_560 : memref<416x32xf32, #tpu.memory_space<hbm>>)
      tpu.yield
    }) : () -> ()
    %add3A_182 = arith.constant 4576 : i32
    %add3A_183 = arith.addi %multiple_of3A, %add3A_182 : i32
    "tpu.region"() ({
      %run_scoped3A = tpu.sem_alloc : memref<!tpu.dma_semaphore, #tpu.memory_space<semaphore_mem>>
      %dma_start3A_544 = tpu.memref_slice %arg3[%add3A_183] : memref<425984xi32, #tpu.memory_space<hbm>> -> memref<416xi32, #tpu.memory_space<hbm>>
      %dma_start3A_545 = tpu.memref_slice %arg3[%add3A_183] : memref<425984xi32, #tpu.memory_space<hbm>> -> memref<416xi32, #tpu.memory_space<hbm>>
      tpu.enqueue_dma source(%dma_start3A_545 : memref<416xi32, #tpu.memory_space<hbm>>) target(%arg6 : memref<416xi32, #tpu.memory_space<vmem>>) target_semaphore(%run_scoped3A : memref<!tpu.dma_semaphore, #tpu.memory_space<semaphore_mem>>)
      %dma_wait3A_546 = tpu.memref_slice %arg3[%add3A_183] : memref<425984xi32, #tpu.memory_space<hbm>> -> memref<416xi32, #tpu.memory_space<hbm>>
      %dma_wait3A_547 = tpu.memref_slice %arg3[%add3A_183] : memref<425984xi32, #tpu.memory_space<hbm>> -> memref<416xi32, #tpu.memory_space<hbm>>
      tpu.wait_dma2 semaphore(%run_scoped3A : memref<!tpu.dma_semaphore, #tpu.memory_space<semaphore_mem>>) src(%dma_wait3A_547 : memref<416xi32, #tpu.memory_space<hbm>>) dst(%arg6 : memref<416xi32, #tpu.memory_space<vmem>>)
      tpu.yield
    }) : () -> ()
    %scan3A_184 = arith.constant 0 : i32
    %scan3A_185 = arith.constant 0 : i32
    %scan3A_186 = arith.constant 26 : i32
    %scan3A_187 = arith.addi %scan3A_185, %scan3A_186 : i32
    %scan3A_188 = arith.constant 1 : i32
    %scan3A_189 = scf.for %scan3A_544 = %scan3A_185 to %scan3A_187 step %scan3A_188 iter_args(%scan3A_545 = %scan3A_184) -> (i32)  : i32 {
      %mul3A_546 = arith.constant 16 : i32
      %mul3A_547 = arith.muli %scan3A_544, %mul3A_546 : i32
      %multiple_of3A_548 = tpu.assume_multiple %mul3A_547, 16 : i32
      %add3A_549 = arith.constant 4576 : i32
      %add3A_550 = arith.addi %multiple_of3A, %add3A_549 : i32
      %add3A_551 = arith.addi %add3A_550, %multiple_of3A_548 : i32
      %iota3A = tpu.iota {dimensions = array<i32: 0>} : vector<16xi32>
      %add3A_552 = vector.broadcast %add3A_551 : i32 to vector<16xi32>
      %add3A_553 = arith.addi %add3A_552, %iota3A : vector<16xi32>
      %shift_right_logical3A = arith.constant 14 : i32
      %shift_right_logical3A_554 = vector.broadcast %shift_right_logical3A : i32 to vector<16xi32>
      %shift_right_logical3A_555 = arith.shrui %add3A_553, %shift_right_logical3A_554 : vector<16xi32>
      %get3A = arith.index_cast %multiple_of3A_548 : i32 to index
      %get3A_556 = tpu.vector_load %arg6[%get3A] {strides = array<i32>} : memref<416xi32, #tpu.memory_space<vmem>>, vector<16xi32>,
      %get3A_557 = vector.shape_cast %get3A_556 : vector<16xi32> to vector<16xi32>
      %mul3A_558 = arith.constant 100000 : i32
      %mul3A_559 = vector.broadcast %mul3A_558 : i32 to vector<16xi32>
      %mul3A_560 = arith.muli %shift_right_logical3A_555, %mul3A_559 : vector<16xi32>
      %add3A_561 = arith.addi %get3A_557, %mul3A_560 : vector<16xi32>
      %swap3A = arith.index_cast %multiple_of3A_548 : i32 to index
      %swap3A_562 = tpu.vector_load %arg6[%swap3A] {strides = array<i32>} : memref<416xi32, #tpu.memory_space<vmem>>, vector<16xi32>,
      %swap3A_563 = vector.shape_cast %swap3A_562 : vector<16xi32> to vector<16xi32>
      %swap3A_564 = vector.shape_cast %add3A_561 : vector<16xi32> to vector<16xi32>
      tpu.vector_store %arg6[%swap3A], %swap3A_564 {strides = array<i32>} : memref<416xi32, #tpu.memory_space<vmem>>, vector<16xi32>,
      %scan3A_565 = arith.constant 0 : i32
      scf.yield %scan3A_565 : i32
    }
    %scan3A_190 = arith.constant 26 : i32
    %dma_start3A_191 = arith.constant 0 : i32
    %dma_start3A_192 = arith.constant 0 : i32
    %dma_start3A_193 = tpu.memref_slice %arg2[%dma_start3A_191, %dma_start3A_192] : memref<2600000x128xf32, #tpu.memory_space<hbm>> -> memref<2600000x128xf32, #tpu.memory_space<hbm>>
    tpu.enqueue_indirect_dma source(%dma_start3A_193 : memref<2600000x128xf32, #tpu.memory_space<hbm>>) target(%arg8 : memref<416x128xf32, #tpu.memory_space<vmem>>) offsets(%arg6 : memref<416xi32, #tpu.memory_space<vmem>>) semaphore(%arg10 : memref<!tpu.dma_semaphore, #tpu.memory_space<semaphore_mem>>)
    %dma_wait3A_194 = arith.constant 0 : i32
    %dma_wait3A_195 = arith.constant 0 : i32
    %dma_wait3A_196 = tpu.memref_slice %arg2[%dma_wait3A_194, %dma_wait3A_195] : memref<2600000x128xf32, #tpu.memory_space<hbm>> -> memref<2600000x128xf32, #tpu.memory_space<hbm>>
    tpu.wait_indirect_dma semaphore(%arg9 : memref<!tpu.dma_semaphore, #tpu.memory_space<semaphore_mem>>) src(%dma_wait3A_196 : memref<2600000x128xf32, #tpu.memory_space<hbm>>) dst(%arg7 : memref<416x128xf32, #tpu.memory_space<vmem>>)
    %add3A_197 = arith.constant 4160 : i32
    %add3A_198 = arith.addi %multiple_of3A, %add3A_197 : i32
    "tpu.region"() ({
      %run_scoped3A = tpu.sem_alloc : memref<!tpu.dma_semaphore, #tpu.memory_space<semaphore_mem>>
      %dma_start3A_544 = arith.constant 0 : i32
      %dma_start3A_545 = arith.constant 0 : i32
      %dma_start3A_546 = tpu.memref_slice %arg7[%dma_start3A_544, %dma_start3A_545] : memref<416x128xf32, #tpu.memory_space<vmem>> -> memref<416x32xf32, #tpu.memory_space<vmem>>
      %dma_start3A_547 = arith.constant 0 : i32
      %dma_start3A_548 = tpu.memref_slice %arg4[%add3A_198, %dma_start3A_547] : memref<425984x32xf32, #tpu.memory_space<hbm>> -> memref<416x32xf32, #tpu.memory_space<hbm>>
      %dma_start3A_549 = arith.constant 0 : i32
      %dma_start3A_550 = tpu.memref_slice %arg4[%add3A_198, %dma_start3A_549] : memref<425984x32xf32, #tpu.memory_space<hbm>> -> memref<416x32xf32, #tpu.memory_space<hbm>>
      %dma_start3A_551 = arith.constant 0 : i32
      %dma_start3A_552 = arith.constant 0 : i32
      %dma_start3A_553 = tpu.memref_slice %arg7[%dma_start3A_551, %dma_start3A_552] : memref<416x128xf32, #tpu.memory_space<vmem>> -> memref<416x32xf32, #tpu.memory_space<vmem>>
      tpu.enqueue_dma source(%dma_start3A_553 : memref<416x32xf32, #tpu.memory_space<vmem>>) target(%dma_start3A_550 : memref<416x32xf32, #tpu.memory_space<hbm>>) target_semaphore(%run_scoped3A : memref<!tpu.dma_semaphore, #tpu.memory_space<semaphore_mem>>)
      %dma_wait3A_554 = arith.constant 0 : i32
      %dma_wait3A_555 = arith.constant 0 : i32
      %dma_wait3A_556 = tpu.memref_slice %arg7[%dma_wait3A_554, %dma_wait3A_555] : memref<416x128xf32, #tpu.memory_space<vmem>> -> memref<416x32xf32, #tpu.memory_space<vmem>>
      %dma_wait3A_557 = arith.constant 0 : i32
      %dma_wait3A_558 = tpu.memref_slice %arg4[%add3A_198, %dma_wait3A_557] : memref<425984x32xf32, #tpu.memory_space<hbm>> -> memref<416x32xf32, #tpu.memory_space<hbm>>
      %dma_wait3A_559 = arith.constant 0 : i32
      %dma_wait3A_560 = tpu.memref_slice %arg4[%add3A_198, %dma_wait3A_559] : memref<425984x32xf32, #tpu.memory_space<hbm>> -> memref<416x32xf32, #tpu.memory_space<hbm>>
      %dma_wait3A_561 = arith.constant 0 : i32
      %dma_wait3A_562 = arith.constant 0 : i32
      %dma_wait3A_563 = tpu.memref_slice %arg7[%dma_wait3A_561, %dma_wait3A_562] : memref<416x128xf32, #tpu.memory_space<vmem>> -> memref<416x32xf32, #tpu.memory_space<vmem>>
      tpu.wait_dma2 semaphore(%run_scoped3A : memref<!tpu.dma_semaphore, #tpu.memory_space<semaphore_mem>>) src(%dma_wait3A_563 : memref<416x32xf32, #tpu.memory_space<vmem>>) dst(%dma_wait3A_560 : memref<416x32xf32, #tpu.memory_space<hbm>>)
      tpu.yield
    }) : () -> ()
    %add3A_199 = arith.constant 4992 : i32
    %add3A_200 = arith.addi %multiple_of3A, %add3A_199 : i32
    "tpu.region"() ({
      %run_scoped3A = tpu.sem_alloc : memref<!tpu.dma_semaphore, #tpu.memory_space<semaphore_mem>>
      %dma_start3A_544 = tpu.memref_slice %arg3[%add3A_200] : memref<425984xi32, #tpu.memory_space<hbm>> -> memref<416xi32, #tpu.memory_space<hbm>>
      %dma_start3A_545 = tpu.memref_slice %arg3[%add3A_200] : memref<425984xi32, #tpu.memory_space<hbm>> -> memref<416xi32, #tpu.memory_space<hbm>>
      tpu.enqueue_dma source(%dma_start3A_545 : memref<416xi32, #tpu.memory_space<hbm>>) target(%arg5 : memref<416xi32, #tpu.memory_space<vmem>>) target_semaphore(%run_scoped3A : memref<!tpu.dma_semaphore, #tpu.memory_space<semaphore_mem>>)
      %dma_wait3A_546 = tpu.memref_slice %arg3[%add3A_200] : memref<425984xi32, #tpu.memory_space<hbm>> -> memref<416xi32, #tpu.memory_space<hbm>>
      %dma_wait3A_547 = tpu.memref_slice %arg3[%add3A_200] : memref<425984xi32, #tpu.memory_space<hbm>> -> memref<416xi32, #tpu.memory_space<hbm>>
      tpu.wait_dma2 semaphore(%run_scoped3A : memref<!tpu.dma_semaphore, #tpu.memory_space<semaphore_mem>>) src(%dma_wait3A_547 : memref<416xi32, #tpu.memory_space<hbm>>) dst(%arg5 : memref<416xi32, #tpu.memory_space<vmem>>)
      tpu.yield
    }) : () -> ()
    %scan3A_201 = arith.constant 0 : i32
    %scan3A_202 = arith.constant 0 : i32
    %scan3A_203 = arith.constant 26 : i32
    %scan3A_204 = arith.addi %scan3A_202, %scan3A_203 : i32
    %scan3A_205 = arith.constant 1 : i32
    %scan3A_206 = scf.for %scan3A_544 = %scan3A_202 to %scan3A_204 step %scan3A_205 iter_args(%scan3A_545 = %scan3A_201) -> (i32)  : i32 {
      %mul3A_546 = arith.constant 16 : i32
      %mul3A_547 = arith.muli %scan3A_544, %mul3A_546 : i32
      %multiple_of3A_548 = tpu.assume_multiple %mul3A_547, 16 : i32
      %add3A_549 = arith.constant 4992 : i32
      %add3A_550 = arith.addi %multiple_of3A, %add3A_549 : i32
      %add3A_551 = arith.addi %add3A_550, %multiple_of3A_548 : i32
      %iota3A = tpu.iota {dimensions = array<i32: 0>} : vector<16xi32>
      %add3A_552 = vector.broadcast %add3A_551 : i32 to vector<16xi32>
      %add3A_553 = arith.addi %add3A_552, %iota3A : vector<16xi32>
      %shift_right_logical3A = arith.constant 14 : i32
      %shift_right_logical3A_554 = vector.broadcast %shift_right_logical3A : i32 to vector<16xi32>
      %shift_right_logical3A_555 = arith.shrui %add3A_553, %shift_right_logical3A_554 : vector<16xi32>
      %get3A = arith.index_cast %multiple_of3A_548 : i32 to index
      %get3A_556 = tpu.vector_load %arg5[%get3A] {strides = array<i32>} : memref<416xi32, #tpu.memory_space<vmem>>, vector<16xi32>,
      %get3A_557 = vector.shape_cast %get3A_556 : vector<16xi32> to vector<16xi32>
      %mul3A_558 = arith.constant 100000 : i32
      %mul3A_559 = vector.broadcast %mul3A_558 : i32 to vector<16xi32>
      %mul3A_560 = arith.muli %shift_right_logical3A_555, %mul3A_559 : vector<16xi32>
      %add3A_561 = arith.addi %get3A_557, %mul3A_560 : vector<16xi32>
      %swap3A = arith.index_cast %multiple_of3A_548 : i32 to index
      %swap3A_562 = tpu.vector_load %arg5[%swap3A] {strides = array<i32>} : memref<416xi32, #tpu.memory_space<vmem>>, vector<16xi32>,
      %swap3A_563 = vector.shape_cast %swap3A_562 : vector<16xi32> to vector<16xi32>
      %swap3A_564 = vector.shape_cast %add3A_561 : vector<16xi32> to vector<16xi32>
      tpu.vector_store %arg5[%swap3A], %swap3A_564 {strides = array<i32>} : memref<416xi32, #tpu.memory_space<vmem>>, vector<16xi32>,
      %scan3A_565 = arith.constant 0 : i32
      scf.yield %scan3A_565 : i32
    }
    %scan3A_207 = arith.constant 26 : i32
    %dma_start3A_208 = arith.constant 0 : i32
    %dma_start3A_209 = arith.constant 0 : i32
    %dma_start3A_210 = tpu.memref_slice %arg2[%dma_start3A_208, %dma_start3A_209] : memref<2600000x128xf32, #tpu.memory_space<hbm>> -> memref<2600000x128xf32, #tpu.memory_space<hbm>>
    tpu.enqueue_indirect_dma source(%dma_start3A_210 : memref<2600000x128xf32, #tpu.memory_space<hbm>>) target(%arg7 : memref<416x128xf32, #tpu.memory_space<vmem>>) offsets(%arg5 : memref<416xi32, #tpu.memory_space<vmem>>) semaphore(%arg9 : memref<!tpu.dma_semaphore, #tpu.memory_space<semaphore_mem>>)
    %dma_wait3A_211 = arith.constant 0 : i32
    %dma_wait3A_212 = arith.constant 0 : i32
    %dma_wait3A_213 = tpu.memref_slice %arg2[%dma_wait3A_211, %dma_wait3A_212] : memref<2600000x128xf32, #tpu.memory_space<hbm>> -> memref<2600000x128xf32, #tpu.memory_space<hbm>>
    tpu.wait_indirect_dma semaphore(%arg10 : memref<!tpu.dma_semaphore, #tpu.memory_space<semaphore_mem>>) src(%dma_wait3A_213 : memref<2600000x128xf32, #tpu.memory_space<hbm>>) dst(%arg8 : memref<416x128xf32, #tpu.memory_space<vmem>>)
    %add3A_214 = arith.constant 4576 : i32
    %add3A_215 = arith.addi %multiple_of3A, %add3A_214 : i32
    "tpu.region"() ({
      %run_scoped3A = tpu.sem_alloc : memref<!tpu.dma_semaphore, #tpu.memory_space<semaphore_mem>>
      %dma_start3A_544 = arith.constant 0 : i32
      %dma_start3A_545 = arith.constant 0 : i32
      %dma_start3A_546 = tpu.memref_slice %arg8[%dma_start3A_544, %dma_start3A_545] : memref<416x128xf32, #tpu.memory_space<vmem>> -> memref<416x32xf32, #tpu.memory_space<vmem>>
      %dma_start3A_547 = arith.constant 0 : i32
      %dma_start3A_548 = tpu.memref_slice %arg4[%add3A_215, %dma_start3A_547] : memref<425984x32xf32, #tpu.memory_space<hbm>> -> memref<416x32xf32, #tpu.memory_space<hbm>>
      %dma_start3A_549 = arith.constant 0 : i32
      %dma_start3A_550 = tpu.memref_slice %arg4[%add3A_215, %dma_start3A_549] : memref<425984x32xf32, #tpu.memory_space<hbm>> -> memref<416x32xf32, #tpu.memory_space<hbm>>
      %dma_start3A_551 = arith.constant 0 : i32
      %dma_start3A_552 = arith.constant 0 : i32
      %dma_start3A_553 = tpu.memref_slice %arg8[%dma_start3A_551, %dma_start3A_552] : memref<416x128xf32, #tpu.memory_space<vmem>> -> memref<416x32xf32, #tpu.memory_space<vmem>>
      tpu.enqueue_dma source(%dma_start3A_553 : memref<416x32xf32, #tpu.memory_space<vmem>>) target(%dma_start3A_550 : memref<416x32xf32, #tpu.memory_space<hbm>>) target_semaphore(%run_scoped3A : memref<!tpu.dma_semaphore, #tpu.memory_space<semaphore_mem>>)
      %dma_wait3A_554 = arith.constant 0 : i32
      %dma_wait3A_555 = arith.constant 0 : i32
      %dma_wait3A_556 = tpu.memref_slice %arg8[%dma_wait3A_554, %dma_wait3A_555] : memref<416x128xf32, #tpu.memory_space<vmem>> -> memref<416x32xf32, #tpu.memory_space<vmem>>
      %dma_wait3A_557 = arith.constant 0 : i32
      %dma_wait3A_558 = tpu.memref_slice %arg4[%add3A_215, %dma_wait3A_557] : memref<425984x32xf32, #tpu.memory_space<hbm>> -> memref<416x32xf32, #tpu.memory_space<hbm>>
      %dma_wait3A_559 = arith.constant 0 : i32
      %dma_wait3A_560 = tpu.memref_slice %arg4[%add3A_215, %dma_wait3A_559] : memref<425984x32xf32, #tpu.memory_space<hbm>> -> memref<416x32xf32, #tpu.memory_space<hbm>>
      %dma_wait3A_561 = arith.constant 0 : i32
      %dma_wait3A_562 = arith.constant 0 : i32
      %dma_wait3A_563 = tpu.memref_slice %arg8[%dma_wait3A_561, %dma_wait3A_562] : memref<416x128xf32, #tpu.memory_space<vmem>> -> memref<416x32xf32, #tpu.memory_space<vmem>>
      tpu.wait_dma2 semaphore(%run_scoped3A : memref<!tpu.dma_semaphore, #tpu.memory_space<semaphore_mem>>) src(%dma_wait3A_563 : memref<416x32xf32, #tpu.memory_space<vmem>>) dst(%dma_wait3A_560 : memref<416x32xf32, #tpu.memory_space<hbm>>)
      tpu.yield
    }) : () -> ()
    %add3A_216 = arith.constant 5408 : i32
    %add3A_217 = arith.addi %multiple_of3A, %add3A_216 : i32
    "tpu.region"() ({
      %run_scoped3A = tpu.sem_alloc : memref<!tpu.dma_semaphore, #tpu.memory_space<semaphore_mem>>
      %dma_start3A_544 = tpu.memref_slice %arg3[%add3A_217] : memref<425984xi32, #tpu.memory_space<hbm>> -> memref<416xi32, #tpu.memory_space<hbm>>
      %dma_start3A_545 = tpu.memref_slice %arg3[%add3A_217] : memref<425984xi32, #tpu.memory_space<hbm>> -> memref<416xi32, #tpu.memory_space<hbm>>
      tpu.enqueue_dma source(%dma_start3A_545 : memref<416xi32, #tpu.memory_space<hbm>>) target(%arg6 : memref<416xi32, #tpu.memory_space<vmem>>) target_semaphore(%run_scoped3A : memref<!tpu.dma_semaphore, #tpu.memory_space<semaphore_mem>>)
      %dma_wait3A_546 = tpu.memref_slice %arg3[%add3A_217] : memref<425984xi32, #tpu.memory_space<hbm>> -> memref<416xi32, #tpu.memory_space<hbm>>
      %dma_wait3A_547 = tpu.memref_slice %arg3[%add3A_217] : memref<425984xi32, #tpu.memory_space<hbm>> -> memref<416xi32, #tpu.memory_space<hbm>>
      tpu.wait_dma2 semaphore(%run_scoped3A : memref<!tpu.dma_semaphore, #tpu.memory_space<semaphore_mem>>) src(%dma_wait3A_547 : memref<416xi32, #tpu.memory_space<hbm>>) dst(%arg6 : memref<416xi32, #tpu.memory_space<vmem>>)
      tpu.yield
    }) : () -> ()
    %scan3A_218 = arith.constant 0 : i32
    %scan3A_219 = arith.constant 0 : i32
    %scan3A_220 = arith.constant 26 : i32
    %scan3A_221 = arith.addi %scan3A_219, %scan3A_220 : i32
    %scan3A_222 = arith.constant 1 : i32
    %scan3A_223 = scf.for %scan3A_544 = %scan3A_219 to %scan3A_221 step %scan3A_222 iter_args(%scan3A_545 = %scan3A_218) -> (i32)  : i32 {
      %mul3A_546 = arith.constant 16 : i32
      %mul3A_547 = arith.muli %scan3A_544, %mul3A_546 : i32
      %multiple_of3A_548 = tpu.assume_multiple %mul3A_547, 16 : i32
      %add3A_549 = arith.constant 5408 : i32
      %add3A_550 = arith.addi %multiple_of3A, %add3A_549 : i32
      %add3A_551 = arith.addi %add3A_550, %multiple_of3A_548 : i32
      %iota3A = tpu.iota {dimensions = array<i32: 0>} : vector<16xi32>
      %add3A_552 = vector.broadcast %add3A_551 : i32 to vector<16xi32>
      %add3A_553 = arith.addi %add3A_552, %iota3A : vector<16xi32>
      %shift_right_logical3A = arith.constant 14 : i32
      %shift_right_logical3A_554 = vector.broadcast %shift_right_logical3A : i32 to vector<16xi32>
      %shift_right_logical3A_555 = arith.shrui %add3A_553, %shift_right_logical3A_554 : vector<16xi32>
      %get3A = arith.index_cast %multiple_of3A_548 : i32 to index
      %get3A_556 = tpu.vector_load %arg6[%get3A] {strides = array<i32>} : memref<416xi32, #tpu.memory_space<vmem>>, vector<16xi32>,
      %get3A_557 = vector.shape_cast %get3A_556 : vector<16xi32> to vector<16xi32>
      %mul3A_558 = arith.constant 100000 : i32
      %mul3A_559 = vector.broadcast %mul3A_558 : i32 to vector<16xi32>
      %mul3A_560 = arith.muli %shift_right_logical3A_555, %mul3A_559 : vector<16xi32>
      %add3A_561 = arith.addi %get3A_557, %mul3A_560 : vector<16xi32>
      %swap3A = arith.index_cast %multiple_of3A_548 : i32 to index
      %swap3A_562 = tpu.vector_load %arg6[%swap3A] {strides = array<i32>} : memref<416xi32, #tpu.memory_space<vmem>>, vector<16xi32>,
      %swap3A_563 = vector.shape_cast %swap3A_562 : vector<16xi32> to vector<16xi32>
      %swap3A_564 = vector.shape_cast %add3A_561 : vector<16xi32> to vector<16xi32>
      tpu.vector_store %arg6[%swap3A], %swap3A_564 {strides = array<i32>} : memref<416xi32, #tpu.memory_space<vmem>>, vector<16xi32>,
      %scan3A_565 = arith.constant 0 : i32
      scf.yield %scan3A_565 : i32
    }
    %scan3A_224 = arith.constant 26 : i32
    %dma_start3A_225 = arith.constant 0 : i32
    %dma_start3A_226 = arith.constant 0 : i32
    %dma_start3A_227 = tpu.memref_slice %arg2[%dma_start3A_225, %dma_start3A_226] : memref<2600000x128xf32, #tpu.memory_space<hbm>> -> memref<2600000x128xf32, #tpu.memory_space<hbm>>
    tpu.enqueue_indirect_dma source(%dma_start3A_227 : memref<2600000x128xf32, #tpu.memory_space<hbm>>) target(%arg8 : memref<416x128xf32, #tpu.memory_space<vmem>>) offsets(%arg6 : memref<416xi32, #tpu.memory_space<vmem>>) semaphore(%arg10 : memref<!tpu.dma_semaphore, #tpu.memory_space<semaphore_mem>>)
    %dma_wait3A_228 = arith.constant 0 : i32
    %dma_wait3A_229 = arith.constant 0 : i32
    %dma_wait3A_230 = tpu.memref_slice %arg2[%dma_wait3A_228, %dma_wait3A_229] : memref<2600000x128xf32, #tpu.memory_space<hbm>> -> memref<2600000x128xf32, #tpu.memory_space<hbm>>
    tpu.wait_indirect_dma semaphore(%arg9 : memref<!tpu.dma_semaphore, #tpu.memory_space<semaphore_mem>>) src(%dma_wait3A_230 : memref<2600000x128xf32, #tpu.memory_space<hbm>>) dst(%arg7 : memref<416x128xf32, #tpu.memory_space<vmem>>)
    %add3A_231 = arith.constant 4992 : i32
    %add3A_232 = arith.addi %multiple_of3A, %add3A_231 : i32
    "tpu.region"() ({
      %run_scoped3A = tpu.sem_alloc : memref<!tpu.dma_semaphore, #tpu.memory_space<semaphore_mem>>
      %dma_start3A_544 = arith.constant 0 : i32
      %dma_start3A_545 = arith.constant 0 : i32
      %dma_start3A_546 = tpu.memref_slice %arg7[%dma_start3A_544, %dma_start3A_545] : memref<416x128xf32, #tpu.memory_space<vmem>> -> memref<416x32xf32, #tpu.memory_space<vmem>>
      %dma_start3A_547 = arith.constant 0 : i32
      %dma_start3A_548 = tpu.memref_slice %arg4[%add3A_232, %dma_start3A_547] : memref<425984x32xf32, #tpu.memory_space<hbm>> -> memref<416x32xf32, #tpu.memory_space<hbm>>
      %dma_start3A_549 = arith.constant 0 : i32
      %dma_start3A_550 = tpu.memref_slice %arg4[%add3A_232, %dma_start3A_549] : memref<425984x32xf32, #tpu.memory_space<hbm>> -> memref<416x32xf32, #tpu.memory_space<hbm>>
      %dma_start3A_551 = arith.constant 0 : i32
      %dma_start3A_552 = arith.constant 0 : i32
      %dma_start3A_553 = tpu.memref_slice %arg7[%dma_start3A_551, %dma_start3A_552] : memref<416x128xf32, #tpu.memory_space<vmem>> -> memref<416x32xf32, #tpu.memory_space<vmem>>
      tpu.enqueue_dma source(%dma_start3A_553 : memref<416x32xf32, #tpu.memory_space<vmem>>) target(%dma_start3A_550 : memref<416x32xf32, #tpu.memory_space<hbm>>) target_semaphore(%run_scoped3A : memref<!tpu.dma_semaphore, #tpu.memory_space<semaphore_mem>>)
      %dma_wait3A_554 = arith.constant 0 : i32
      %dma_wait3A_555 = arith.constant 0 : i32
      %dma_wait3A_556 = tpu.memref_slice %arg7[%dma_wait3A_554, %dma_wait3A_555] : memref<416x128xf32, #tpu.memory_space<vmem>> -> memref<416x32xf32, #tpu.memory_space<vmem>>
      %dma_wait3A_557 = arith.constant 0 : i32
      %dma_wait3A_558 = tpu.memref_slice %arg4[%add3A_232, %dma_wait3A_557] : memref<425984x32xf32, #tpu.memory_space<hbm>> -> memref<416x32xf32, #tpu.memory_space<hbm>>
      %dma_wait3A_559 = arith.constant 0 : i32
      %dma_wait3A_560 = tpu.memref_slice %arg4[%add3A_232, %dma_wait3A_559] : memref<425984x32xf32, #tpu.memory_space<hbm>> -> memref<416x32xf32, #tpu.memory_space<hbm>>
      %dma_wait3A_561 = arith.constant 0 : i32
      %dma_wait3A_562 = arith.constant 0 : i32
      %dma_wait3A_563 = tpu.memref_slice %arg7[%dma_wait3A_561, %dma_wait3A_562] : memref<416x128xf32, #tpu.memory_space<vmem>> -> memref<416x32xf32, #tpu.memory_space<vmem>>
      tpu.wait_dma2 semaphore(%run_scoped3A : memref<!tpu.dma_semaphore, #tpu.memory_space<semaphore_mem>>) src(%dma_wait3A_563 : memref<416x32xf32, #tpu.memory_space<vmem>>) dst(%dma_wait3A_560 : memref<416x32xf32, #tpu.memory_space<hbm>>)
      tpu.yield
    }) : () -> ()
    %add3A_233 = arith.constant 5824 : i32
    %add3A_234 = arith.addi %multiple_of3A, %add3A_233 : i32
    "tpu.region"() ({
      %run_scoped3A = tpu.sem_alloc : memref<!tpu.dma_semaphore, #tpu.memory_space<semaphore_mem>>
      %dma_start3A_544 = tpu.memref_slice %arg3[%add3A_234] : memref<425984xi32, #tpu.memory_space<hbm>> -> memref<416xi32, #tpu.memory_space<hbm>>
      %dma_start3A_545 = tpu.memref_slice %arg3[%add3A_234] : memref<425984xi32, #tpu.memory_space<hbm>> -> memref<416xi32, #tpu.memory_space<hbm>>
      tpu.enqueue_dma source(%dma_start3A_545 : memref<416xi32, #tpu.memory_space<hbm>>) target(%arg5 : memref<416xi32, #tpu.memory_space<vmem>>) target_semaphore(%run_scoped3A : memref<!tpu.dma_semaphore, #tpu.memory_space<semaphore_mem>>)
      %dma_wait3A_546 = tpu.memref_slice %arg3[%add3A_234] : memref<425984xi32, #tpu.memory_space<hbm>> -> memref<416xi32, #tpu.memory_space<hbm>>
      %dma_wait3A_547 = tpu.memref_slice %arg3[%add3A_234] : memref<425984xi32, #tpu.memory_space<hbm>> -> memref<416xi32, #tpu.memory_space<hbm>>
      tpu.wait_dma2 semaphore(%run_scoped3A : memref<!tpu.dma_semaphore, #tpu.memory_space<semaphore_mem>>) src(%dma_wait3A_547 : memref<416xi32, #tpu.memory_space<hbm>>) dst(%arg5 : memref<416xi32, #tpu.memory_space<vmem>>)
      tpu.yield
    }) : () -> ()
    %scan3A_235 = arith.constant 0 : i32
    %scan3A_236 = arith.constant 0 : i32
    %scan3A_237 = arith.constant 26 : i32
    %scan3A_238 = arith.addi %scan3A_236, %scan3A_237 : i32
    %scan3A_239 = arith.constant 1 : i32
    %scan3A_240 = scf.for %scan3A_544 = %scan3A_236 to %scan3A_238 step %scan3A_239 iter_args(%scan3A_545 = %scan3A_235) -> (i32)  : i32 {
      %mul3A_546 = arith.constant 16 : i32
      %mul3A_547 = arith.muli %scan3A_544, %mul3A_546 : i32
      %multiple_of3A_548 = tpu.assume_multiple %mul3A_547, 16 : i32
      %add3A_549 = arith.constant 5824 : i32
      %add3A_550 = arith.addi %multiple_of3A, %add3A_549 : i32
      %add3A_551 = arith.addi %add3A_550, %multiple_of3A_548 : i32
      %iota3A = tpu.iota {dimensions = array<i32: 0>} : vector<16xi32>
      %add3A_552 = vector.broadcast %add3A_551 : i32 to vector<16xi32>
      %add3A_553 = arith.addi %add3A_552, %iota3A : vector<16xi32>
      %shift_right_logical3A = arith.constant 14 : i32
      %shift_right_logical3A_554 = vector.broadcast %shift_right_logical3A : i32 to vector<16xi32>
      %shift_right_logical3A_555 = arith.shrui %add3A_553, %shift_right_logical3A_554 : vector<16xi32>
      %get3A = arith.index_cast %multiple_of3A_548 : i32 to index
      %get3A_556 = tpu.vector_load %arg5[%get3A] {strides = array<i32>} : memref<416xi32, #tpu.memory_space<vmem>>, vector<16xi32>,
      %get3A_557 = vector.shape_cast %get3A_556 : vector<16xi32> to vector<16xi32>
      %mul3A_558 = arith.constant 100000 : i32
      %mul3A_559 = vector.broadcast %mul3A_558 : i32 to vector<16xi32>
      %mul3A_560 = arith.muli %shift_right_logical3A_555, %mul3A_559 : vector<16xi32>
      %add3A_561 = arith.addi %get3A_557, %mul3A_560 : vector<16xi32>
      %swap3A = arith.index_cast %multiple_of3A_548 : i32 to index
      %swap3A_562 = tpu.vector_load %arg5[%swap3A] {strides = array<i32>} : memref<416xi32, #tpu.memory_space<vmem>>, vector<16xi32>,
      %swap3A_563 = vector.shape_cast %swap3A_562 : vector<16xi32> to vector<16xi32>
      %swap3A_564 = vector.shape_cast %add3A_561 : vector<16xi32> to vector<16xi32>
      tpu.vector_store %arg5[%swap3A], %swap3A_564 {strides = array<i32>} : memref<416xi32, #tpu.memory_space<vmem>>, vector<16xi32>,
      %scan3A_565 = arith.constant 0 : i32
      scf.yield %scan3A_565 : i32
    }
    %scan3A_241 = arith.constant 26 : i32
    %dma_start3A_242 = arith.constant 0 : i32
    %dma_start3A_243 = arith.constant 0 : i32
    %dma_start3A_244 = tpu.memref_slice %arg2[%dma_start3A_242, %dma_start3A_243] : memref<2600000x128xf32, #tpu.memory_space<hbm>> -> memref<2600000x128xf32, #tpu.memory_space<hbm>>
    tpu.enqueue_indirect_dma source(%dma_start3A_244 : memref<2600000x128xf32, #tpu.memory_space<hbm>>) target(%arg7 : memref<416x128xf32, #tpu.memory_space<vmem>>) offsets(%arg5 : memref<416xi32, #tpu.memory_space<vmem>>) semaphore(%arg9 : memref<!tpu.dma_semaphore, #tpu.memory_space<semaphore_mem>>)
    %dma_wait3A_245 = arith.constant 0 : i32
    %dma_wait3A_246 = arith.constant 0 : i32
    %dma_wait3A_247 = tpu.memref_slice %arg2[%dma_wait3A_245, %dma_wait3A_246] : memref<2600000x128xf32, #tpu.memory_space<hbm>> -> memref<2600000x128xf32, #tpu.memory_space<hbm>>
    tpu.wait_indirect_dma semaphore(%arg10 : memref<!tpu.dma_semaphore, #tpu.memory_space<semaphore_mem>>) src(%dma_wait3A_247 : memref<2600000x128xf32, #tpu.memory_space<hbm>>) dst(%arg8 : memref<416x128xf32, #tpu.memory_space<vmem>>)
    %add3A_248 = arith.constant 5408 : i32
    %add3A_249 = arith.addi %multiple_of3A, %add3A_248 : i32
    "tpu.region"() ({
      %run_scoped3A = tpu.sem_alloc : memref<!tpu.dma_semaphore, #tpu.memory_space<semaphore_mem>>
      %dma_start3A_544 = arith.constant 0 : i32
      %dma_start3A_545 = arith.constant 0 : i32
      %dma_start3A_546 = tpu.memref_slice %arg8[%dma_start3A_544, %dma_start3A_545] : memref<416x128xf32, #tpu.memory_space<vmem>> -> memref<416x32xf32, #tpu.memory_space<vmem>>
      %dma_start3A_547 = arith.constant 0 : i32
      %dma_start3A_548 = tpu.memref_slice %arg4[%add3A_249, %dma_start3A_547] : memref<425984x32xf32, #tpu.memory_space<hbm>> -> memref<416x32xf32, #tpu.memory_space<hbm>>
      %dma_start3A_549 = arith.constant 0 : i32
      %dma_start3A_550 = tpu.memref_slice %arg4[%add3A_249, %dma_start3A_549] : memref<425984x32xf32, #tpu.memory_space<hbm>> -> memref<416x32xf32, #tpu.memory_space<hbm>>
      %dma_start3A_551 = arith.constant 0 : i32
      %dma_start3A_552 = arith.constant 0 : i32
      %dma_start3A_553 = tpu.memref_slice %arg8[%dma_start3A_551, %dma_start3A_552] : memref<416x128xf32, #tpu.memory_space<vmem>> -> memref<416x32xf32, #tpu.memory_space<vmem>>
      tpu.enqueue_dma source(%dma_start3A_553 : memref<416x32xf32, #tpu.memory_space<vmem>>) target(%dma_start3A_550 : memref<416x32xf32, #tpu.memory_space<hbm>>) target_semaphore(%run_scoped3A : memref<!tpu.dma_semaphore, #tpu.memory_space<semaphore_mem>>)
      %dma_wait3A_554 = arith.constant 0 : i32
      %dma_wait3A_555 = arith.constant 0 : i32
      %dma_wait3A_556 = tpu.memref_slice %arg8[%dma_wait3A_554, %dma_wait3A_555] : memref<416x128xf32, #tpu.memory_space<vmem>> -> memref<416x32xf32, #tpu.memory_space<vmem>>
      %dma_wait3A_557 = arith.constant 0 : i32
      %dma_wait3A_558 = tpu.memref_slice %arg4[%add3A_249, %dma_wait3A_557] : memref<425984x32xf32, #tpu.memory_space<hbm>> -> memref<416x32xf32, #tpu.memory_space<hbm>>
      %dma_wait3A_559 = arith.constant 0 : i32
      %dma_wait3A_560 = tpu.memref_slice %arg4[%add3A_249, %dma_wait3A_559] : memref<425984x32xf32, #tpu.memory_space<hbm>> -> memref<416x32xf32, #tpu.memory_space<hbm>>
      %dma_wait3A_561 = arith.constant 0 : i32
      %dma_wait3A_562 = arith.constant 0 : i32
      %dma_wait3A_563 = tpu.memref_slice %arg8[%dma_wait3A_561, %dma_wait3A_562] : memref<416x128xf32, #tpu.memory_space<vmem>> -> memref<416x32xf32, #tpu.memory_space<vmem>>
      tpu.wait_dma2 semaphore(%run_scoped3A : memref<!tpu.dma_semaphore, #tpu.memory_space<semaphore_mem>>) src(%dma_wait3A_563 : memref<416x32xf32, #tpu.memory_space<vmem>>) dst(%dma_wait3A_560 : memref<416x32xf32, #tpu.memory_space<hbm>>)
      tpu.yield
    }) : () -> ()
    %add3A_250 = arith.constant 6240 : i32
    %add3A_251 = arith.addi %multiple_of3A, %add3A_250 : i32
    "tpu.region"() ({
      %run_scoped3A = tpu.sem_alloc : memref<!tpu.dma_semaphore, #tpu.memory_space<semaphore_mem>>
      %dma_start3A_544 = tpu.memref_slice %arg3[%add3A_251] : memref<425984xi32, #tpu.memory_space<hbm>> -> memref<416xi32, #tpu.memory_space<hbm>>
      %dma_start3A_545 = tpu.memref_slice %arg3[%add3A_251] : memref<425984xi32, #tpu.memory_space<hbm>> -> memref<416xi32, #tpu.memory_space<hbm>>
      tpu.enqueue_dma source(%dma_start3A_545 : memref<416xi32, #tpu.memory_space<hbm>>) target(%arg6 : memref<416xi32, #tpu.memory_space<vmem>>) target_semaphore(%run_scoped3A : memref<!tpu.dma_semaphore, #tpu.memory_space<semaphore_mem>>)
      %dma_wait3A_546 = tpu.memref_slice %arg3[%add3A_251] : memref<425984xi32, #tpu.memory_space<hbm>> -> memref<416xi32, #tpu.memory_space<hbm>>
      %dma_wait3A_547 = tpu.memref_slice %arg3[%add3A_251] : memref<425984xi32, #tpu.memory_space<hbm>> -> memref<416xi32, #tpu.memory_space<hbm>>
      tpu.wait_dma2 semaphore(%run_scoped3A : memref<!tpu.dma_semaphore, #tpu.memory_space<semaphore_mem>>) src(%dma_wait3A_547 : memref<416xi32, #tpu.memory_space<hbm>>) dst(%arg6 : memref<416xi32, #tpu.memory_space<vmem>>)
      tpu.yield
    }) : () -> ()
    %scan3A_252 = arith.constant 0 : i32
    %scan3A_253 = arith.constant 0 : i32
    %scan3A_254 = arith.constant 26 : i32
    %scan3A_255 = arith.addi %scan3A_253, %scan3A_254 : i32
    %scan3A_256 = arith.constant 1 : i32
    %scan3A_257 = scf.for %scan3A_544 = %scan3A_253 to %scan3A_255 step %scan3A_256 iter_args(%scan3A_545 = %scan3A_252) -> (i32)  : i32 {
      %mul3A_546 = arith.constant 16 : i32
      %mul3A_547 = arith.muli %scan3A_544, %mul3A_546 : i32
      %multiple_of3A_548 = tpu.assume_multiple %mul3A_547, 16 : i32
      %add3A_549 = arith.constant 6240 : i32
      %add3A_550 = arith.addi %multiple_of3A, %add3A_549 : i32
      %add3A_551 = arith.addi %add3A_550, %multiple_of3A_548 : i32
      %iota3A = tpu.iota {dimensions = array<i32: 0>} : vector<16xi32>
      %add3A_552 = vector.broadcast %add3A_551 : i32 to vector<16xi32>
      %add3A_553 = arith.addi %add3A_552, %iota3A : vector<16xi32>
      %shift_right_logical3A = arith.constant 14 : i32
      %shift_right_logical3A_554 = vector.broadcast %shift_right_logical3A : i32 to vector<16xi32>
      %shift_right_logical3A_555 = arith.shrui %add3A_553, %shift_right_logical3A_554 : vector<16xi32>
      %get3A = arith.index_cast %multiple_of3A_548 : i32 to index
      %get3A_556 = tpu.vector_load %arg6[%get3A] {strides = array<i32>} : memref<416xi32, #tpu.memory_space<vmem>>, vector<16xi32>,
      %get3A_557 = vector.shape_cast %get3A_556 : vector<16xi32> to vector<16xi32>
      %mul3A_558 = arith.constant 100000 : i32
      %mul3A_559 = vector.broadcast %mul3A_558 : i32 to vector<16xi32>
      %mul3A_560 = arith.muli %shift_right_logical3A_555, %mul3A_559 : vector<16xi32>
      %add3A_561 = arith.addi %get3A_557, %mul3A_560 : vector<16xi32>
      %swap3A = arith.index_cast %multiple_of3A_548 : i32 to index
      %swap3A_562 = tpu.vector_load %arg6[%swap3A] {strides = array<i32>} : memref<416xi32, #tpu.memory_space<vmem>>, vector<16xi32>,
      %swap3A_563 = vector.shape_cast %swap3A_562 : vector<16xi32> to vector<16xi32>
      %swap3A_564 = vector.shape_cast %add3A_561 : vector<16xi32> to vector<16xi32>
      tpu.vector_store %arg6[%swap3A], %swap3A_564 {strides = array<i32>} : memref<416xi32, #tpu.memory_space<vmem>>, vector<16xi32>,
      %scan3A_565 = arith.constant 0 : i32
      scf.yield %scan3A_565 : i32
    }
    %scan3A_258 = arith.constant 26 : i32
    %dma_start3A_259 = arith.constant 0 : i32
    %dma_start3A_260 = arith.constant 0 : i32
    %dma_start3A_261 = tpu.memref_slice %arg2[%dma_start3A_259, %dma_start3A_260] : memref<2600000x128xf32, #tpu.memory_space<hbm>> -> memref<2600000x128xf32, #tpu.memory_space<hbm>>
    tpu.enqueue_indirect_dma source(%dma_start3A_261 : memref<2600000x128xf32, #tpu.memory_space<hbm>>) target(%arg8 : memref<416x128xf32, #tpu.memory_space<vmem>>) offsets(%arg6 : memref<416xi32, #tpu.memory_space<vmem>>) semaphore(%arg10 : memref<!tpu.dma_semaphore, #tpu.memory_space<semaphore_mem>>)
    %dma_wait3A_262 = arith.constant 0 : i32
    %dma_wait3A_263 = arith.constant 0 : i32
    %dma_wait3A_264 = tpu.memref_slice %arg2[%dma_wait3A_262, %dma_wait3A_263] : memref<2600000x128xf32, #tpu.memory_space<hbm>> -> memref<2600000x128xf32, #tpu.memory_space<hbm>>
    tpu.wait_indirect_dma semaphore(%arg9 : memref<!tpu.dma_semaphore, #tpu.memory_space<semaphore_mem>>) src(%dma_wait3A_264 : memref<2600000x128xf32, #tpu.memory_space<hbm>>) dst(%arg7 : memref<416x128xf32, #tpu.memory_space<vmem>>)
    %add3A_265 = arith.constant 5824 : i32
    %add3A_266 = arith.addi %multiple_of3A, %add3A_265 : i32
    "tpu.region"() ({
      %run_scoped3A = tpu.sem_alloc : memref<!tpu.dma_semaphore, #tpu.memory_space<semaphore_mem>>
      %dma_start3A_544 = arith.constant 0 : i32
      %dma_start3A_545 = arith.constant 0 : i32
      %dma_start3A_546 = tpu.memref_slice %arg7[%dma_start3A_544, %dma_start3A_545] : memref<416x128xf32, #tpu.memory_space<vmem>> -> memref<416x32xf32, #tpu.memory_space<vmem>>
      %dma_start3A_547 = arith.constant 0 : i32
      %dma_start3A_548 = tpu.memref_slice %arg4[%add3A_266, %dma_start3A_547] : memref<425984x32xf32, #tpu.memory_space<hbm>> -> memref<416x32xf32, #tpu.memory_space<hbm>>
      %dma_start3A_549 = arith.constant 0 : i32
      %dma_start3A_550 = tpu.memref_slice %arg4[%add3A_266, %dma_start3A_549] : memref<425984x32xf32, #tpu.memory_space<hbm>> -> memref<416x32xf32, #tpu.memory_space<hbm>>
      %dma_start3A_551 = arith.constant 0 : i32
      %dma_start3A_552 = arith.constant 0 : i32
      %dma_start3A_553 = tpu.memref_slice %arg7[%dma_start3A_551, %dma_start3A_552] : memref<416x128xf32, #tpu.memory_space<vmem>> -> memref<416x32xf32, #tpu.memory_space<vmem>>
      tpu.enqueue_dma source(%dma_start3A_553 : memref<416x32xf32, #tpu.memory_space<vmem>>) target(%dma_start3A_550 : memref<416x32xf32, #tpu.memory_space<hbm>>) target_semaphore(%run_scoped3A : memref<!tpu.dma_semaphore, #tpu.memory_space<semaphore_mem>>)
      %dma_wait3A_554 = arith.constant 0 : i32
      %dma_wait3A_555 = arith.constant 0 : i32
      %dma_wait3A_556 = tpu.memref_slice %arg7[%dma_wait3A_554, %dma_wait3A_555] : memref<416x128xf32, #tpu.memory_space<vmem>> -> memref<416x32xf32, #tpu.memory_space<vmem>>
      %dma_wait3A_557 = arith.constant 0 : i32
      %dma_wait3A_558 = tpu.memref_slice %arg4[%add3A_266, %dma_wait3A_557] : memref<425984x32xf32, #tpu.memory_space<hbm>> -> memref<416x32xf32, #tpu.memory_space<hbm>>
      %dma_wait3A_559 = arith.constant 0 : i32
      %dma_wait3A_560 = tpu.memref_slice %arg4[%add3A_266, %dma_wait3A_559] : memref<425984x32xf32, #tpu.memory_space<hbm>> -> memref<416x32xf32, #tpu.memory_space<hbm>>
      %dma_wait3A_561 = arith.constant 0 : i32
      %dma_wait3A_562 = arith.constant 0 : i32
      %dma_wait3A_563 = tpu.memref_slice %arg7[%dma_wait3A_561, %dma_wait3A_562] : memref<416x128xf32, #tpu.memory_space<vmem>> -> memref<416x32xf32, #tpu.memory_space<vmem>>
      tpu.wait_dma2 semaphore(%run_scoped3A : memref<!tpu.dma_semaphore, #tpu.memory_space<semaphore_mem>>) src(%dma_wait3A_563 : memref<416x32xf32, #tpu.memory_space<vmem>>) dst(%dma_wait3A_560 : memref<416x32xf32, #tpu.memory_space<hbm>>)
      tpu.yield
    }) : () -> ()
    %add3A_267 = arith.constant 6656 : i32
    %add3A_268 = arith.addi %multiple_of3A, %add3A_267 : i32
    "tpu.region"() ({
      %run_scoped3A = tpu.sem_alloc : memref<!tpu.dma_semaphore, #tpu.memory_space<semaphore_mem>>
      %dma_start3A_544 = tpu.memref_slice %arg3[%add3A_268] : memref<425984xi32, #tpu.memory_space<hbm>> -> memref<416xi32, #tpu.memory_space<hbm>>
      %dma_start3A_545 = tpu.memref_slice %arg3[%add3A_268] : memref<425984xi32, #tpu.memory_space<hbm>> -> memref<416xi32, #tpu.memory_space<hbm>>
      tpu.enqueue_dma source(%dma_start3A_545 : memref<416xi32, #tpu.memory_space<hbm>>) target(%arg5 : memref<416xi32, #tpu.memory_space<vmem>>) target_semaphore(%run_scoped3A : memref<!tpu.dma_semaphore, #tpu.memory_space<semaphore_mem>>)
      %dma_wait3A_546 = tpu.memref_slice %arg3[%add3A_268] : memref<425984xi32, #tpu.memory_space<hbm>> -> memref<416xi32, #tpu.memory_space<hbm>>
      %dma_wait3A_547 = tpu.memref_slice %arg3[%add3A_268] : memref<425984xi32, #tpu.memory_space<hbm>> -> memref<416xi32, #tpu.memory_space<hbm>>
      tpu.wait_dma2 semaphore(%run_scoped3A : memref<!tpu.dma_semaphore, #tpu.memory_space<semaphore_mem>>) src(%dma_wait3A_547 : memref<416xi32, #tpu.memory_space<hbm>>) dst(%arg5 : memref<416xi32, #tpu.memory_space<vmem>>)
      tpu.yield
    }) : () -> ()
    %scan3A_269 = arith.constant 0 : i32
    %scan3A_270 = arith.constant 0 : i32
    %scan3A_271 = arith.constant 26 : i32
    %scan3A_272 = arith.addi %scan3A_270, %scan3A_271 : i32
    %scan3A_273 = arith.constant 1 : i32
    %scan3A_274 = scf.for %scan3A_544 = %scan3A_270 to %scan3A_272 step %scan3A_273 iter_args(%scan3A_545 = %scan3A_269) -> (i32)  : i32 {
      %mul3A_546 = arith.constant 16 : i32
      %mul3A_547 = arith.muli %scan3A_544, %mul3A_546 : i32
      %multiple_of3A_548 = tpu.assume_multiple %mul3A_547, 16 : i32
      %add3A_549 = arith.constant 6656 : i32
      %add3A_550 = arith.addi %multiple_of3A, %add3A_549 : i32
      %add3A_551 = arith.addi %add3A_550, %multiple_of3A_548 : i32
      %iota3A = tpu.iota {dimensions = array<i32: 0>} : vector<16xi32>
      %add3A_552 = vector.broadcast %add3A_551 : i32 to vector<16xi32>
      %add3A_553 = arith.addi %add3A_552, %iota3A : vector<16xi32>
      %shift_right_logical3A = arith.constant 14 : i32
      %shift_right_logical3A_554 = vector.broadcast %shift_right_logical3A : i32 to vector<16xi32>
      %shift_right_logical3A_555 = arith.shrui %add3A_553, %shift_right_logical3A_554 : vector<16xi32>
      %get3A = arith.index_cast %multiple_of3A_548 : i32 to index
      %get3A_556 = tpu.vector_load %arg5[%get3A] {strides = array<i32>} : memref<416xi32, #tpu.memory_space<vmem>>, vector<16xi32>,
      %get3A_557 = vector.shape_cast %get3A_556 : vector<16xi32> to vector<16xi32>
      %mul3A_558 = arith.constant 100000 : i32
      %mul3A_559 = vector.broadcast %mul3A_558 : i32 to vector<16xi32>
      %mul3A_560 = arith.muli %shift_right_logical3A_555, %mul3A_559 : vector<16xi32>
      %add3A_561 = arith.addi %get3A_557, %mul3A_560 : vector<16xi32>
      %swap3A = arith.index_cast %multiple_of3A_548 : i32 to index
      %swap3A_562 = tpu.vector_load %arg5[%swap3A] {strides = array<i32>} : memref<416xi32, #tpu.memory_space<vmem>>, vector<16xi32>,
      %swap3A_563 = vector.shape_cast %swap3A_562 : vector<16xi32> to vector<16xi32>
      %swap3A_564 = vector.shape_cast %add3A_561 : vector<16xi32> to vector<16xi32>
      tpu.vector_store %arg5[%swap3A], %swap3A_564 {strides = array<i32>} : memref<416xi32, #tpu.memory_space<vmem>>, vector<16xi32>,
      %scan3A_565 = arith.constant 0 : i32
      scf.yield %scan3A_565 : i32
    }
    %scan3A_275 = arith.constant 26 : i32
    %dma_start3A_276 = arith.constant 0 : i32
    %dma_start3A_277 = arith.constant 0 : i32
    %dma_start3A_278 = tpu.memref_slice %arg2[%dma_start3A_276, %dma_start3A_277] : memref<2600000x128xf32, #tpu.memory_space<hbm>> -> memref<2600000x128xf32, #tpu.memory_space<hbm>>
    tpu.enqueue_indirect_dma source(%dma_start3A_278 : memref<2600000x128xf32, #tpu.memory_space<hbm>>) target(%arg7 : memref<416x128xf32, #tpu.memory_space<vmem>>) offsets(%arg5 : memref<416xi32, #tpu.memory_space<vmem>>) semaphore(%arg9 : memref<!tpu.dma_semaphore, #tpu.memory_space<semaphore_mem>>)
    %dma_wait3A_279 = arith.constant 0 : i32
    %dma_wait3A_280 = arith.constant 0 : i32
    %dma_wait3A_281 = tpu.memref_slice %arg2[%dma_wait3A_279, %dma_wait3A_280] : memref<2600000x128xf32, #tpu.memory_space<hbm>> -> memref<2600000x128xf32, #tpu.memory_space<hbm>>
    tpu.wait_indirect_dma semaphore(%arg10 : memref<!tpu.dma_semaphore, #tpu.memory_space<semaphore_mem>>) src(%dma_wait3A_281 : memref<2600000x128xf32, #tpu.memory_space<hbm>>) dst(%arg8 : memref<416x128xf32, #tpu.memory_space<vmem>>)
    %add3A_282 = arith.constant 6240 : i32
    %add3A_283 = arith.addi %multiple_of3A, %add3A_282 : i32
    "tpu.region"() ({
      %run_scoped3A = tpu.sem_alloc : memref<!tpu.dma_semaphore, #tpu.memory_space<semaphore_mem>>
      %dma_start3A_544 = arith.constant 0 : i32
      %dma_start3A_545 = arith.constant 0 : i32
      %dma_start3A_546 = tpu.memref_slice %arg8[%dma_start3A_544, %dma_start3A_545] : memref<416x128xf32, #tpu.memory_space<vmem>> -> memref<416x32xf32, #tpu.memory_space<vmem>>
      %dma_start3A_547 = arith.constant 0 : i32
      %dma_start3A_548 = tpu.memref_slice %arg4[%add3A_283, %dma_start3A_547] : memref<425984x32xf32, #tpu.memory_space<hbm>> -> memref<416x32xf32, #tpu.memory_space<hbm>>
      %dma_start3A_549 = arith.constant 0 : i32
      %dma_start3A_550 = tpu.memref_slice %arg4[%add3A_283, %dma_start3A_549] : memref<425984x32xf32, #tpu.memory_space<hbm>> -> memref<416x32xf32, #tpu.memory_space<hbm>>
      %dma_start3A_551 = arith.constant 0 : i32
      %dma_start3A_552 = arith.constant 0 : i32
      %dma_start3A_553 = tpu.memref_slice %arg8[%dma_start3A_551, %dma_start3A_552] : memref<416x128xf32, #tpu.memory_space<vmem>> -> memref<416x32xf32, #tpu.memory_space<vmem>>
      tpu.enqueue_dma source(%dma_start3A_553 : memref<416x32xf32, #tpu.memory_space<vmem>>) target(%dma_start3A_550 : memref<416x32xf32, #tpu.memory_space<hbm>>) target_semaphore(%run_scoped3A : memref<!tpu.dma_semaphore, #tpu.memory_space<semaphore_mem>>)
      %dma_wait3A_554 = arith.constant 0 : i32
      %dma_wait3A_555 = arith.constant 0 : i32
      %dma_wait3A_556 = tpu.memref_slice %arg8[%dma_wait3A_554, %dma_wait3A_555] : memref<416x128xf32, #tpu.memory_space<vmem>> -> memref<416x32xf32, #tpu.memory_space<vmem>>
      %dma_wait3A_557 = arith.constant 0 : i32
      %dma_wait3A_558 = tpu.memref_slice %arg4[%add3A_283, %dma_wait3A_557] : memref<425984x32xf32, #tpu.memory_space<hbm>> -> memref<416x32xf32, #tpu.memory_space<hbm>>
      %dma_wait3A_559 = arith.constant 0 : i32
      %dma_wait3A_560 = tpu.memref_slice %arg4[%add3A_283, %dma_wait3A_559] : memref<425984x32xf32, #tpu.memory_space<hbm>> -> memref<416x32xf32, #tpu.memory_space<hbm>>
      %dma_wait3A_561 = arith.constant 0 : i32
      %dma_wait3A_562 = arith.constant 0 : i32
      %dma_wait3A_563 = tpu.memref_slice %arg8[%dma_wait3A_561, %dma_wait3A_562] : memref<416x128xf32, #tpu.memory_space<vmem>> -> memref<416x32xf32, #tpu.memory_space<vmem>>
      tpu.wait_dma2 semaphore(%run_scoped3A : memref<!tpu.dma_semaphore, #tpu.memory_space<semaphore_mem>>) src(%dma_wait3A_563 : memref<416x32xf32, #tpu.memory_space<vmem>>) dst(%dma_wait3A_560 : memref<416x32xf32, #tpu.memory_space<hbm>>)
      tpu.yield
    }) : () -> ()
    %add3A_284 = arith.constant 7072 : i32
    %add3A_285 = arith.addi %multiple_of3A, %add3A_284 : i32
    "tpu.region"() ({
      %run_scoped3A = tpu.sem_alloc : memref<!tpu.dma_semaphore, #tpu.memory_space<semaphore_mem>>
      %dma_start3A_544 = tpu.memref_slice %arg3[%add3A_285] : memref<425984xi32, #tpu.memory_space<hbm>> -> memref<416xi32, #tpu.memory_space<hbm>>
      %dma_start3A_545 = tpu.memref_slice %arg3[%add3A_285] : memref<425984xi32, #tpu.memory_space<hbm>> -> memref<416xi32, #tpu.memory_space<hbm>>
      tpu.enqueue_dma source(%dma_start3A_545 : memref<416xi32, #tpu.memory_space<hbm>>) target(%arg6 : memref<416xi32, #tpu.memory_space<vmem>>) target_semaphore(%run_scoped3A : memref<!tpu.dma_semaphore, #tpu.memory_space<semaphore_mem>>)
      %dma_wait3A_546 = tpu.memref_slice %arg3[%add3A_285] : memref<425984xi32, #tpu.memory_space<hbm>> -> memref<416xi32, #tpu.memory_space<hbm>>
      %dma_wait3A_547 = tpu.memref_slice %arg3[%add3A_285] : memref<425984xi32, #tpu.memory_space<hbm>> -> memref<416xi32, #tpu.memory_space<hbm>>
      tpu.wait_dma2 semaphore(%run_scoped3A : memref<!tpu.dma_semaphore, #tpu.memory_space<semaphore_mem>>) src(%dma_wait3A_547 : memref<416xi32, #tpu.memory_space<hbm>>) dst(%arg6 : memref<416xi32, #tpu.memory_space<vmem>>)
      tpu.yield
    }) : () -> ()
    %scan3A_286 = arith.constant 0 : i32
    %scan3A_287 = arith.constant 0 : i32
    %scan3A_288 = arith.constant 26 : i32
    %scan3A_289 = arith.addi %scan3A_287, %scan3A_288 : i32
    %scan3A_290 = arith.constant 1 : i32
    %scan3A_291 = scf.for %scan3A_544 = %scan3A_287 to %scan3A_289 step %scan3A_290 iter_args(%scan3A_545 = %scan3A_286) -> (i32)  : i32 {
      %mul3A_546 = arith.constant 16 : i32
      %mul3A_547 = arith.muli %scan3A_544, %mul3A_546 : i32
      %multiple_of3A_548 = tpu.assume_multiple %mul3A_547, 16 : i32
      %add3A_549 = arith.constant 7072 : i32
      %add3A_550 = arith.addi %multiple_of3A, %add3A_549 : i32
      %add3A_551 = arith.addi %add3A_550, %multiple_of3A_548 : i32
      %iota3A = tpu.iota {dimensions = array<i32: 0>} : vector<16xi32>
      %add3A_552 = vector.broadcast %add3A_551 : i32 to vector<16xi32>
      %add3A_553 = arith.addi %add3A_552, %iota3A : vector<16xi32>
      %shift_right_logical3A = arith.constant 14 : i32
      %shift_right_logical3A_554 = vector.broadcast %shift_right_logical3A : i32 to vector<16xi32>
      %shift_right_logical3A_555 = arith.shrui %add3A_553, %shift_right_logical3A_554 : vector<16xi32>
      %get3A = arith.index_cast %multiple_of3A_548 : i32 to index
      %get3A_556 = tpu.vector_load %arg6[%get3A] {strides = array<i32>} : memref<416xi32, #tpu.memory_space<vmem>>, vector<16xi32>,
      %get3A_557 = vector.shape_cast %get3A_556 : vector<16xi32> to vector<16xi32>
      %mul3A_558 = arith.constant 100000 : i32
      %mul3A_559 = vector.broadcast %mul3A_558 : i32 to vector<16xi32>
      %mul3A_560 = arith.muli %shift_right_logical3A_555, %mul3A_559 : vector<16xi32>
      %add3A_561 = arith.addi %get3A_557, %mul3A_560 : vector<16xi32>
      %swap3A = arith.index_cast %multiple_of3A_548 : i32 to index
      %swap3A_562 = tpu.vector_load %arg6[%swap3A] {strides = array<i32>} : memref<416xi32, #tpu.memory_space<vmem>>, vector<16xi32>,
      %swap3A_563 = vector.shape_cast %swap3A_562 : vector<16xi32> to vector<16xi32>
      %swap3A_564 = vector.shape_cast %add3A_561 : vector<16xi32> to vector<16xi32>
      tpu.vector_store %arg6[%swap3A], %swap3A_564 {strides = array<i32>} : memref<416xi32, #tpu.memory_space<vmem>>, vector<16xi32>,
      %scan3A_565 = arith.constant 0 : i32
      scf.yield %scan3A_565 : i32
    }
    %scan3A_292 = arith.constant 26 : i32
    %dma_start3A_293 = arith.constant 0 : i32
    %dma_start3A_294 = arith.constant 0 : i32
    %dma_start3A_295 = tpu.memref_slice %arg2[%dma_start3A_293, %dma_start3A_294] : memref<2600000x128xf32, #tpu.memory_space<hbm>> -> memref<2600000x128xf32, #tpu.memory_space<hbm>>
    tpu.enqueue_indirect_dma source(%dma_start3A_295 : memref<2600000x128xf32, #tpu.memory_space<hbm>>) target(%arg8 : memref<416x128xf32, #tpu.memory_space<vmem>>) offsets(%arg6 : memref<416xi32, #tpu.memory_space<vmem>>) semaphore(%arg10 : memref<!tpu.dma_semaphore, #tpu.memory_space<semaphore_mem>>)
    %dma_wait3A_296 = arith.constant 0 : i32
    %dma_wait3A_297 = arith.constant 0 : i32
    %dma_wait3A_298 = tpu.memref_slice %arg2[%dma_wait3A_296, %dma_wait3A_297] : memref<2600000x128xf32, #tpu.memory_space<hbm>> -> memref<2600000x128xf32, #tpu.memory_space<hbm>>
    tpu.wait_indirect_dma semaphore(%arg9 : memref<!tpu.dma_semaphore, #tpu.memory_space<semaphore_mem>>) src(%dma_wait3A_298 : memref<2600000x128xf32, #tpu.memory_space<hbm>>) dst(%arg7 : memref<416x128xf32, #tpu.memory_space<vmem>>)
    %add3A_299 = arith.constant 6656 : i32
    %add3A_300 = arith.addi %multiple_of3A, %add3A_299 : i32
    "tpu.region"() ({
      %run_scoped3A = tpu.sem_alloc : memref<!tpu.dma_semaphore, #tpu.memory_space<semaphore_mem>>
      %dma_start3A_544 = arith.constant 0 : i32
      %dma_start3A_545 = arith.constant 0 : i32
      %dma_start3A_546 = tpu.memref_slice %arg7[%dma_start3A_544, %dma_start3A_545] : memref<416x128xf32, #tpu.memory_space<vmem>> -> memref<416x32xf32, #tpu.memory_space<vmem>>
      %dma_start3A_547 = arith.constant 0 : i32
      %dma_start3A_548 = tpu.memref_slice %arg4[%add3A_300, %dma_start3A_547] : memref<425984x32xf32, #tpu.memory_space<hbm>> -> memref<416x32xf32, #tpu.memory_space<hbm>>
      %dma_start3A_549 = arith.constant 0 : i32
      %dma_start3A_550 = tpu.memref_slice %arg4[%add3A_300, %dma_start3A_549] : memref<425984x32xf32, #tpu.memory_space<hbm>> -> memref<416x32xf32, #tpu.memory_space<hbm>>
      %dma_start3A_551 = arith.constant 0 : i32
      %dma_start3A_552 = arith.constant 0 : i32
      %dma_start3A_553 = tpu.memref_slice %arg7[%dma_start3A_551, %dma_start3A_552] : memref<416x128xf32, #tpu.memory_space<vmem>> -> memref<416x32xf32, #tpu.memory_space<vmem>>
      tpu.enqueue_dma source(%dma_start3A_553 : memref<416x32xf32, #tpu.memory_space<vmem>>) target(%dma_start3A_550 : memref<416x32xf32, #tpu.memory_space<hbm>>) target_semaphore(%run_scoped3A : memref<!tpu.dma_semaphore, #tpu.memory_space<semaphore_mem>>)
      %dma_wait3A_554 = arith.constant 0 : i32
      %dma_wait3A_555 = arith.constant 0 : i32
      %dma_wait3A_556 = tpu.memref_slice %arg7[%dma_wait3A_554, %dma_wait3A_555] : memref<416x128xf32, #tpu.memory_space<vmem>> -> memref<416x32xf32, #tpu.memory_space<vmem>>
      %dma_wait3A_557 = arith.constant 0 : i32
      %dma_wait3A_558 = tpu.memref_slice %arg4[%add3A_300, %dma_wait3A_557] : memref<425984x32xf32, #tpu.memory_space<hbm>> -> memref<416x32xf32, #tpu.memory_space<hbm>>
      %dma_wait3A_559 = arith.constant 0 : i32
      %dma_wait3A_560 = tpu.memref_slice %arg4[%add3A_300, %dma_wait3A_559] : memref<425984x32xf32, #tpu.memory_space<hbm>> -> memref<416x32xf32, #tpu.memory_space<hbm>>
      %dma_wait3A_561 = arith.constant 0 : i32
      %dma_wait3A_562 = arith.constant 0 : i32
      %dma_wait3A_563 = tpu.memref_slice %arg7[%dma_wait3A_561, %dma_wait3A_562] : memref<416x128xf32, #tpu.memory_space<vmem>> -> memref<416x32xf32, #tpu.memory_space<vmem>>
      tpu.wait_dma2 semaphore(%run_scoped3A : memref<!tpu.dma_semaphore, #tpu.memory_space<semaphore_mem>>) src(%dma_wait3A_563 : memref<416x32xf32, #tpu.memory_space<vmem>>) dst(%dma_wait3A_560 : memref<416x32xf32, #tpu.memory_space<hbm>>)
      tpu.yield
    }) : () -> ()
    %add3A_301 = arith.constant 7488 : i32
    %add3A_302 = arith.addi %multiple_of3A, %add3A_301 : i32
    "tpu.region"() ({
      %run_scoped3A = tpu.sem_alloc : memref<!tpu.dma_semaphore, #tpu.memory_space<semaphore_mem>>
      %dma_start3A_544 = tpu.memref_slice %arg3[%add3A_302] : memref<425984xi32, #tpu.memory_space<hbm>> -> memref<416xi32, #tpu.memory_space<hbm>>
      %dma_start3A_545 = tpu.memref_slice %arg3[%add3A_302] : memref<425984xi32, #tpu.memory_space<hbm>> -> memref<416xi32, #tpu.memory_space<hbm>>
      tpu.enqueue_dma source(%dma_start3A_545 : memref<416xi32, #tpu.memory_space<hbm>>) target(%arg5 : memref<416xi32, #tpu.memory_space<vmem>>) target_semaphore(%run_scoped3A : memref<!tpu.dma_semaphore, #tpu.memory_space<semaphore_mem>>)
      %dma_wait3A_546 = tpu.memref_slice %arg3[%add3A_302] : memref<425984xi32, #tpu.memory_space<hbm>> -> memref<416xi32, #tpu.memory_space<hbm>>
      %dma_wait3A_547 = tpu.memref_slice %arg3[%add3A_302] : memref<425984xi32, #tpu.memory_space<hbm>> -> memref<416xi32, #tpu.memory_space<hbm>>
      tpu.wait_dma2 semaphore(%run_scoped3A : memref<!tpu.dma_semaphore, #tpu.memory_space<semaphore_mem>>) src(%dma_wait3A_547 : memref<416xi32, #tpu.memory_space<hbm>>) dst(%arg5 : memref<416xi32, #tpu.memory_space<vmem>>)
      tpu.yield
    }) : () -> ()
    %scan3A_303 = arith.constant 0 : i32
    %scan3A_304 = arith.constant 0 : i32
    %scan3A_305 = arith.constant 26 : i32
    %scan3A_306 = arith.addi %scan3A_304, %scan3A_305 : i32
    %scan3A_307 = arith.constant 1 : i32
    %scan3A_308 = scf.for %scan3A_544 = %scan3A_304 to %scan3A_306 step %scan3A_307 iter_args(%scan3A_545 = %scan3A_303) -> (i32)  : i32 {
      %mul3A_546 = arith.constant 16 : i32
      %mul3A_547 = arith.muli %scan3A_544, %mul3A_546 : i32
      %multiple_of3A_548 = tpu.assume_multiple %mul3A_547, 16 : i32
      %add3A_549 = arith.constant 7488 : i32
      %add3A_550 = arith.addi %multiple_of3A, %add3A_549 : i32
      %add3A_551 = arith.addi %add3A_550, %multiple_of3A_548 : i32
      %iota3A = tpu.iota {dimensions = array<i32: 0>} : vector<16xi32>
      %add3A_552 = vector.broadcast %add3A_551 : i32 to vector<16xi32>
      %add3A_553 = arith.addi %add3A_552, %iota3A : vector<16xi32>
      %shift_right_logical3A = arith.constant 14 : i32
      %shift_right_logical3A_554 = vector.broadcast %shift_right_logical3A : i32 to vector<16xi32>
      %shift_right_logical3A_555 = arith.shrui %add3A_553, %shift_right_logical3A_554 : vector<16xi32>
      %get3A = arith.index_cast %multiple_of3A_548 : i32 to index
      %get3A_556 = tpu.vector_load %arg5[%get3A] {strides = array<i32>} : memref<416xi32, #tpu.memory_space<vmem>>, vector<16xi32>,
      %get3A_557 = vector.shape_cast %get3A_556 : vector<16xi32> to vector<16xi32>
      %mul3A_558 = arith.constant 100000 : i32
      %mul3A_559 = vector.broadcast %mul3A_558 : i32 to vector<16xi32>
      %mul3A_560 = arith.muli %shift_right_logical3A_555, %mul3A_559 : vector<16xi32>
      %add3A_561 = arith.addi %get3A_557, %mul3A_560 : vector<16xi32>
      %swap3A = arith.index_cast %multiple_of3A_548 : i32 to index
      %swap3A_562 = tpu.vector_load %arg5[%swap3A] {strides = array<i32>} : memref<416xi32, #tpu.memory_space<vmem>>, vector<16xi32>,
      %swap3A_563 = vector.shape_cast %swap3A_562 : vector<16xi32> to vector<16xi32>
      %swap3A_564 = vector.shape_cast %add3A_561 : vector<16xi32> to vector<16xi32>
      tpu.vector_store %arg5[%swap3A], %swap3A_564 {strides = array<i32>} : memref<416xi32, #tpu.memory_space<vmem>>, vector<16xi32>,
      %scan3A_565 = arith.constant 0 : i32
      scf.yield %scan3A_565 : i32
    }
    %scan3A_309 = arith.constant 26 : i32
    %dma_start3A_310 = arith.constant 0 : i32
    %dma_start3A_311 = arith.constant 0 : i32
    %dma_start3A_312 = tpu.memref_slice %arg2[%dma_start3A_310, %dma_start3A_311] : memref<2600000x128xf32, #tpu.memory_space<hbm>> -> memref<2600000x128xf32, #tpu.memory_space<hbm>>
    tpu.enqueue_indirect_dma source(%dma_start3A_312 : memref<2600000x128xf32, #tpu.memory_space<hbm>>) target(%arg7 : memref<416x128xf32, #tpu.memory_space<vmem>>) offsets(%arg5 : memref<416xi32, #tpu.memory_space<vmem>>) semaphore(%arg9 : memref<!tpu.dma_semaphore, #tpu.memory_space<semaphore_mem>>)
    %dma_wait3A_313 = arith.constant 0 : i32
    %dma_wait3A_314 = arith.constant 0 : i32
    %dma_wait3A_315 = tpu.memref_slice %arg2[%dma_wait3A_313, %dma_wait3A_314] : memref<2600000x128xf32, #tpu.memory_space<hbm>> -> memref<2600000x128xf32, #tpu.memory_space<hbm>>
    tpu.wait_indirect_dma semaphore(%arg10 : memref<!tpu.dma_semaphore, #tpu.memory_space<semaphore_mem>>) src(%dma_wait3A_315 : memref<2600000x128xf32, #tpu.memory_space<hbm>>) dst(%arg8 : memref<416x128xf32, #tpu.memory_space<vmem>>)
    %add3A_316 = arith.constant 7072 : i32
    %add3A_317 = arith.addi %multiple_of3A, %add3A_316 : i32
    "tpu.region"() ({
      %run_scoped3A = tpu.sem_alloc : memref<!tpu.dma_semaphore, #tpu.memory_space<semaphore_mem>>
      %dma_start3A_544 = arith.constant 0 : i32
      %dma_start3A_545 = arith.constant 0 : i32
      %dma_start3A_546 = tpu.memref_slice %arg8[%dma_start3A_544, %dma_start3A_545] : memref<416x128xf32, #tpu.memory_space<vmem>> -> memref<416x32xf32, #tpu.memory_space<vmem>>
      %dma_start3A_547 = arith.constant 0 : i32
      %dma_start3A_548 = tpu.memref_slice %arg4[%add3A_317, %dma_start3A_547] : memref<425984x32xf32, #tpu.memory_space<hbm>> -> memref<416x32xf32, #tpu.memory_space<hbm>>
      %dma_start3A_549 = arith.constant 0 : i32
      %dma_start3A_550 = tpu.memref_slice %arg4[%add3A_317, %dma_start3A_549] : memref<425984x32xf32, #tpu.memory_space<hbm>> -> memref<416x32xf32, #tpu.memory_space<hbm>>
      %dma_start3A_551 = arith.constant 0 : i32
      %dma_start3A_552 = arith.constant 0 : i32
      %dma_start3A_553 = tpu.memref_slice %arg8[%dma_start3A_551, %dma_start3A_552] : memref<416x128xf32, #tpu.memory_space<vmem>> -> memref<416x32xf32, #tpu.memory_space<vmem>>
      tpu.enqueue_dma source(%dma_start3A_553 : memref<416x32xf32, #tpu.memory_space<vmem>>) target(%dma_start3A_550 : memref<416x32xf32, #tpu.memory_space<hbm>>) target_semaphore(%run_scoped3A : memref<!tpu.dma_semaphore, #tpu.memory_space<semaphore_mem>>)
      %dma_wait3A_554 = arith.constant 0 : i32
      %dma_wait3A_555 = arith.constant 0 : i32
      %dma_wait3A_556 = tpu.memref_slice %arg8[%dma_wait3A_554, %dma_wait3A_555] : memref<416x128xf32, #tpu.memory_space<vmem>> -> memref<416x32xf32, #tpu.memory_space<vmem>>
      %dma_wait3A_557 = arith.constant 0 : i32
      %dma_wait3A_558 = tpu.memref_slice %arg4[%add3A_317, %dma_wait3A_557] : memref<425984x32xf32, #tpu.memory_space<hbm>> -> memref<416x32xf32, #tpu.memory_space<hbm>>
      %dma_wait3A_559 = arith.constant 0 : i32
      %dma_wait3A_560 = tpu.memref_slice %arg4[%add3A_317, %dma_wait3A_559] : memref<425984x32xf32, #tpu.memory_space<hbm>> -> memref<416x32xf32, #tpu.memory_space<hbm>>
      %dma_wait3A_561 = arith.constant 0 : i32
      %dma_wait3A_562 = arith.constant 0 : i32
      %dma_wait3A_563 = tpu.memref_slice %arg8[%dma_wait3A_561, %dma_wait3A_562] : memref<416x128xf32, #tpu.memory_space<vmem>> -> memref<416x32xf32, #tpu.memory_space<vmem>>
      tpu.wait_dma2 semaphore(%run_scoped3A : memref<!tpu.dma_semaphore, #tpu.memory_space<semaphore_mem>>) src(%dma_wait3A_563 : memref<416x32xf32, #tpu.memory_space<vmem>>) dst(%dma_wait3A_560 : memref<416x32xf32, #tpu.memory_space<hbm>>)
      tpu.yield
    }) : () -> ()
    %add3A_318 = arith.constant 7904 : i32
    %add3A_319 = arith.addi %multiple_of3A, %add3A_318 : i32
    "tpu.region"() ({
      %run_scoped3A = tpu.sem_alloc : memref<!tpu.dma_semaphore, #tpu.memory_space<semaphore_mem>>
      %dma_start3A_544 = tpu.memref_slice %arg3[%add3A_319] : memref<425984xi32, #tpu.memory_space<hbm>> -> memref<416xi32, #tpu.memory_space<hbm>>
      %dma_start3A_545 = tpu.memref_slice %arg3[%add3A_319] : memref<425984xi32, #tpu.memory_space<hbm>> -> memref<416xi32, #tpu.memory_space<hbm>>
      tpu.enqueue_dma source(%dma_start3A_545 : memref<416xi32, #tpu.memory_space<hbm>>) target(%arg6 : memref<416xi32, #tpu.memory_space<vmem>>) target_semaphore(%run_scoped3A : memref<!tpu.dma_semaphore, #tpu.memory_space<semaphore_mem>>)
      %dma_wait3A_546 = tpu.memref_slice %arg3[%add3A_319] : memref<425984xi32, #tpu.memory_space<hbm>> -> memref<416xi32, #tpu.memory_space<hbm>>
      %dma_wait3A_547 = tpu.memref_slice %arg3[%add3A_319] : memref<425984xi32, #tpu.memory_space<hbm>> -> memref<416xi32, #tpu.memory_space<hbm>>
      tpu.wait_dma2 semaphore(%run_scoped3A : memref<!tpu.dma_semaphore, #tpu.memory_space<semaphore_mem>>) src(%dma_wait3A_547 : memref<416xi32, #tpu.memory_space<hbm>>) dst(%arg6 : memref<416xi32, #tpu.memory_space<vmem>>)
      tpu.yield
    }) : () -> ()
    %scan3A_320 = arith.constant 0 : i32
    %scan3A_321 = arith.constant 0 : i32
    %scan3A_322 = arith.constant 26 : i32
    %scan3A_323 = arith.addi %scan3A_321, %scan3A_322 : i32
    %scan3A_324 = arith.constant 1 : i32
    %scan3A_325 = scf.for %scan3A_544 = %scan3A_321 to %scan3A_323 step %scan3A_324 iter_args(%scan3A_545 = %scan3A_320) -> (i32)  : i32 {
      %mul3A_546 = arith.constant 16 : i32
      %mul3A_547 = arith.muli %scan3A_544, %mul3A_546 : i32
      %multiple_of3A_548 = tpu.assume_multiple %mul3A_547, 16 : i32
      %add3A_549 = arith.constant 7904 : i32
      %add3A_550 = arith.addi %multiple_of3A, %add3A_549 : i32
      %add3A_551 = arith.addi %add3A_550, %multiple_of3A_548 : i32
      %iota3A = tpu.iota {dimensions = array<i32: 0>} : vector<16xi32>
      %add3A_552 = vector.broadcast %add3A_551 : i32 to vector<16xi32>
      %add3A_553 = arith.addi %add3A_552, %iota3A : vector<16xi32>
      %shift_right_logical3A = arith.constant 14 : i32
      %shift_right_logical3A_554 = vector.broadcast %shift_right_logical3A : i32 to vector<16xi32>
      %shift_right_logical3A_555 = arith.shrui %add3A_553, %shift_right_logical3A_554 : vector<16xi32>
      %get3A = arith.index_cast %multiple_of3A_548 : i32 to index
      %get3A_556 = tpu.vector_load %arg6[%get3A] {strides = array<i32>} : memref<416xi32, #tpu.memory_space<vmem>>, vector<16xi32>,
      %get3A_557 = vector.shape_cast %get3A_556 : vector<16xi32> to vector<16xi32>
      %mul3A_558 = arith.constant 100000 : i32
      %mul3A_559 = vector.broadcast %mul3A_558 : i32 to vector<16xi32>
      %mul3A_560 = arith.muli %shift_right_logical3A_555, %mul3A_559 : vector<16xi32>
      %add3A_561 = arith.addi %get3A_557, %mul3A_560 : vector<16xi32>
      %swap3A = arith.index_cast %multiple_of3A_548 : i32 to index
      %swap3A_562 = tpu.vector_load %arg6[%swap3A] {strides = array<i32>} : memref<416xi32, #tpu.memory_space<vmem>>, vector<16xi32>,
      %swap3A_563 = vector.shape_cast %swap3A_562 : vector<16xi32> to vector<16xi32>
      %swap3A_564 = vector.shape_cast %add3A_561 : vector<16xi32> to vector<16xi32>
      tpu.vector_store %arg6[%swap3A], %swap3A_564 {strides = array<i32>} : memref<416xi32, #tpu.memory_space<vmem>>, vector<16xi32>,
      %scan3A_565 = arith.constant 0 : i32
      scf.yield %scan3A_565 : i32
    }
    %scan3A_326 = arith.constant 26 : i32
    %dma_start3A_327 = arith.constant 0 : i32
    %dma_start3A_328 = arith.constant 0 : i32
    %dma_start3A_329 = tpu.memref_slice %arg2[%dma_start3A_327, %dma_start3A_328] : memref<2600000x128xf32, #tpu.memory_space<hbm>> -> memref<2600000x128xf32, #tpu.memory_space<hbm>>
    tpu.enqueue_indirect_dma source(%dma_start3A_329 : memref<2600000x128xf32, #tpu.memory_space<hbm>>) target(%arg8 : memref<416x128xf32, #tpu.memory_space<vmem>>) offsets(%arg6 : memref<416xi32, #tpu.memory_space<vmem>>) semaphore(%arg10 : memref<!tpu.dma_semaphore, #tpu.memory_space<semaphore_mem>>)
    %dma_wait3A_330 = arith.constant 0 : i32
    %dma_wait3A_331 = arith.constant 0 : i32
    %dma_wait3A_332 = tpu.memref_slice %arg2[%dma_wait3A_330, %dma_wait3A_331] : memref<2600000x128xf32, #tpu.memory_space<hbm>> -> memref<2600000x128xf32, #tpu.memory_space<hbm>>
    tpu.wait_indirect_dma semaphore(%arg9 : memref<!tpu.dma_semaphore, #tpu.memory_space<semaphore_mem>>) src(%dma_wait3A_332 : memref<2600000x128xf32, #tpu.memory_space<hbm>>) dst(%arg7 : memref<416x128xf32, #tpu.memory_space<vmem>>)
    %add3A_333 = arith.constant 7488 : i32
    %add3A_334 = arith.addi %multiple_of3A, %add3A_333 : i32
    "tpu.region"() ({
      %run_scoped3A = tpu.sem_alloc : memref<!tpu.dma_semaphore, #tpu.memory_space<semaphore_mem>>
      %dma_start3A_544 = arith.constant 0 : i32
      %dma_start3A_545 = arith.constant 0 : i32
      %dma_start3A_546 = tpu.memref_slice %arg7[%dma_start3A_544, %dma_start3A_545] : memref<416x128xf32, #tpu.memory_space<vmem>> -> memref<416x32xf32, #tpu.memory_space<vmem>>
      %dma_start3A_547 = arith.constant 0 : i32
      %dma_start3A_548 = tpu.memref_slice %arg4[%add3A_334, %dma_start3A_547] : memref<425984x32xf32, #tpu.memory_space<hbm>> -> memref<416x32xf32, #tpu.memory_space<hbm>>
      %dma_start3A_549 = arith.constant 0 : i32
      %dma_start3A_550 = tpu.memref_slice %arg4[%add3A_334, %dma_start3A_549] : memref<425984x32xf32, #tpu.memory_space<hbm>> -> memref<416x32xf32, #tpu.memory_space<hbm>>
      %dma_start3A_551 = arith.constant 0 : i32
      %dma_start3A_552 = arith.constant 0 : i32
      %dma_start3A_553 = tpu.memref_slice %arg7[%dma_start3A_551, %dma_start3A_552] : memref<416x128xf32, #tpu.memory_space<vmem>> -> memref<416x32xf32, #tpu.memory_space<vmem>>
      tpu.enqueue_dma source(%dma_start3A_553 : memref<416x32xf32, #tpu.memory_space<vmem>>) target(%dma_start3A_550 : memref<416x32xf32, #tpu.memory_space<hbm>>) target_semaphore(%run_scoped3A : memref<!tpu.dma_semaphore, #tpu.memory_space<semaphore_mem>>)
      %dma_wait3A_554 = arith.constant 0 : i32
      %dma_wait3A_555 = arith.constant 0 : i32
      %dma_wait3A_556 = tpu.memref_slice %arg7[%dma_wait3A_554, %dma_wait3A_555] : memref<416x128xf32, #tpu.memory_space<vmem>> -> memref<416x32xf32, #tpu.memory_space<vmem>>
      %dma_wait3A_557 = arith.constant 0 : i32
      %dma_wait3A_558 = tpu.memref_slice %arg4[%add3A_334, %dma_wait3A_557] : memref<425984x32xf32, #tpu.memory_space<hbm>> -> memref<416x32xf32, #tpu.memory_space<hbm>>
      %dma_wait3A_559 = arith.constant 0 : i32
      %dma_wait3A_560 = tpu.memref_slice %arg4[%add3A_334, %dma_wait3A_559] : memref<425984x32xf32, #tpu.memory_space<hbm>> -> memref<416x32xf32, #tpu.memory_space<hbm>>
      %dma_wait3A_561 = arith.constant 0 : i32
      %dma_wait3A_562 = arith.constant 0 : i32
      %dma_wait3A_563 = tpu.memref_slice %arg7[%dma_wait3A_561, %dma_wait3A_562] : memref<416x128xf32, #tpu.memory_space<vmem>> -> memref<416x32xf32, #tpu.memory_space<vmem>>
      tpu.wait_dma2 semaphore(%run_scoped3A : memref<!tpu.dma_semaphore, #tpu.memory_space<semaphore_mem>>) src(%dma_wait3A_563 : memref<416x32xf32, #tpu.memory_space<vmem>>) dst(%dma_wait3A_560 : memref<416x32xf32, #tpu.memory_space<hbm>>)
      tpu.yield
    }) : () -> ()
    %add3A_335 = arith.constant 8320 : i32
    %add3A_336 = arith.addi %multiple_of3A, %add3A_335 : i32
    "tpu.region"() ({
      %run_scoped3A = tpu.sem_alloc : memref<!tpu.dma_semaphore, #tpu.memory_space<semaphore_mem>>
      %dma_start3A_544 = tpu.memref_slice %arg3[%add3A_336] : memref<425984xi32, #tpu.memory_space<hbm>> -> memref<416xi32, #tpu.memory_space<hbm>>
      %dma_start3A_545 = tpu.memref_slice %arg3[%add3A_336] : memref<425984xi32, #tpu.memory_space<hbm>> -> memref<416xi32, #tpu.memory_space<hbm>>
      tpu.enqueue_dma source(%dma_start3A_545 : memref<416xi32, #tpu.memory_space<hbm>>) target(%arg5 : memref<416xi32, #tpu.memory_space<vmem>>) target_semaphore(%run_scoped3A : memref<!tpu.dma_semaphore, #tpu.memory_space<semaphore_mem>>)
      %dma_wait3A_546 = tpu.memref_slice %arg3[%add3A_336] : memref<425984xi32, #tpu.memory_space<hbm>> -> memref<416xi32, #tpu.memory_space<hbm>>
      %dma_wait3A_547 = tpu.memref_slice %arg3[%add3A_336] : memref<425984xi32, #tpu.memory_space<hbm>> -> memref<416xi32, #tpu.memory_space<hbm>>
      tpu.wait_dma2 semaphore(%run_scoped3A : memref<!tpu.dma_semaphore, #tpu.memory_space<semaphore_mem>>) src(%dma_wait3A_547 : memref<416xi32, #tpu.memory_space<hbm>>) dst(%arg5 : memref<416xi32, #tpu.memory_space<vmem>>)
      tpu.yield
    }) : () -> ()
    %scan3A_337 = arith.constant 0 : i32
    %scan3A_338 = arith.constant 0 : i32
    %scan3A_339 = arith.constant 26 : i32
    %scan3A_340 = arith.addi %scan3A_338, %scan3A_339 : i32
    %scan3A_341 = arith.constant 1 : i32
    %scan3A_342 = scf.for %scan3A_544 = %scan3A_338 to %scan3A_340 step %scan3A_341 iter_args(%scan3A_545 = %scan3A_337) -> (i32)  : i32 {
      %mul3A_546 = arith.constant 16 : i32
      %mul3A_547 = arith.muli %scan3A_544, %mul3A_546 : i32
      %multiple_of3A_548 = tpu.assume_multiple %mul3A_547, 16 : i32
      %add3A_549 = arith.constant 8320 : i32
      %add3A_550 = arith.addi %multiple_of3A, %add3A_549 : i32
      %add3A_551 = arith.addi %add3A_550, %multiple_of3A_548 : i32
      %iota3A = tpu.iota {dimensions = array<i32: 0>} : vector<16xi32>
      %add3A_552 = vector.broadcast %add3A_551 : i32 to vector<16xi32>
      %add3A_553 = arith.addi %add3A_552, %iota3A : vector<16xi32>
      %shift_right_logical3A = arith.constant 14 : i32
      %shift_right_logical3A_554 = vector.broadcast %shift_right_logical3A : i32 to vector<16xi32>
      %shift_right_logical3A_555 = arith.shrui %add3A_553, %shift_right_logical3A_554 : vector<16xi32>
      %get3A = arith.index_cast %multiple_of3A_548 : i32 to index
      %get3A_556 = tpu.vector_load %arg5[%get3A] {strides = array<i32>} : memref<416xi32, #tpu.memory_space<vmem>>, vector<16xi32>,
      %get3A_557 = vector.shape_cast %get3A_556 : vector<16xi32> to vector<16xi32>
      %mul3A_558 = arith.constant 100000 : i32
      %mul3A_559 = vector.broadcast %mul3A_558 : i32 to vector<16xi32>
      %mul3A_560 = arith.muli %shift_right_logical3A_555, %mul3A_559 : vector<16xi32>
      %add3A_561 = arith.addi %get3A_557, %mul3A_560 : vector<16xi32>
      %swap3A = arith.index_cast %multiple_of3A_548 : i32 to index
      %swap3A_562 = tpu.vector_load %arg5[%swap3A] {strides = array<i32>} : memref<416xi32, #tpu.memory_space<vmem>>, vector<16xi32>,
      %swap3A_563 = vector.shape_cast %swap3A_562 : vector<16xi32> to vector<16xi32>
      %swap3A_564 = vector.shape_cast %add3A_561 : vector<16xi32> to vector<16xi32>
      tpu.vector_store %arg5[%swap3A], %swap3A_564 {strides = array<i32>} : memref<416xi32, #tpu.memory_space<vmem>>, vector<16xi32>,
      %scan3A_565 = arith.constant 0 : i32
      scf.yield %scan3A_565 : i32
    }
    %scan3A_343 = arith.constant 26 : i32
    %dma_start3A_344 = arith.constant 0 : i32
    %dma_start3A_345 = arith.constant 0 : i32
    %dma_start3A_346 = tpu.memref_slice %arg2[%dma_start3A_344, %dma_start3A_345] : memref<2600000x128xf32, #tpu.memory_space<hbm>> -> memref<2600000x128xf32, #tpu.memory_space<hbm>>
    tpu.enqueue_indirect_dma source(%dma_start3A_346 : memref<2600000x128xf32, #tpu.memory_space<hbm>>) target(%arg7 : memref<416x128xf32, #tpu.memory_space<vmem>>) offsets(%arg5 : memref<416xi32, #tpu.memory_space<vmem>>) semaphore(%arg9 : memref<!tpu.dma_semaphore, #tpu.memory_space<semaphore_mem>>)
    %dma_wait3A_347 = arith.constant 0 : i32
    %dma_wait3A_348 = arith.constant 0 : i32
    %dma_wait3A_349 = tpu.memref_slice %arg2[%dma_wait3A_347, %dma_wait3A_348] : memref<2600000x128xf32, #tpu.memory_space<hbm>> -> memref<2600000x128xf32, #tpu.memory_space<hbm>>
    tpu.wait_indirect_dma semaphore(%arg10 : memref<!tpu.dma_semaphore, #tpu.memory_space<semaphore_mem>>) src(%dma_wait3A_349 : memref<2600000x128xf32, #tpu.memory_space<hbm>>) dst(%arg8 : memref<416x128xf32, #tpu.memory_space<vmem>>)
    %add3A_350 = arith.constant 7904 : i32
    %add3A_351 = arith.addi %multiple_of3A, %add3A_350 : i32
    "tpu.region"() ({
      %run_scoped3A = tpu.sem_alloc : memref<!tpu.dma_semaphore, #tpu.memory_space<semaphore_mem>>
      %dma_start3A_544 = arith.constant 0 : i32
      %dma_start3A_545 = arith.constant 0 : i32
      %dma_start3A_546 = tpu.memref_slice %arg8[%dma_start3A_544, %dma_start3A_545] : memref<416x128xf32, #tpu.memory_space<vmem>> -> memref<416x32xf32, #tpu.memory_space<vmem>>
      %dma_start3A_547 = arith.constant 0 : i32
      %dma_start3A_548 = tpu.memref_slice %arg4[%add3A_351, %dma_start3A_547] : memref<425984x32xf32, #tpu.memory_space<hbm>> -> memref<416x32xf32, #tpu.memory_space<hbm>>
      %dma_start3A_549 = arith.constant 0 : i32
      %dma_start3A_550 = tpu.memref_slice %arg4[%add3A_351, %dma_start3A_549] : memref<425984x32xf32, #tpu.memory_space<hbm>> -> memref<416x32xf32, #tpu.memory_space<hbm>>
      %dma_start3A_551 = arith.constant 0 : i32
      %dma_start3A_552 = arith.constant 0 : i32
      %dma_start3A_553 = tpu.memref_slice %arg8[%dma_start3A_551, %dma_start3A_552] : memref<416x128xf32, #tpu.memory_space<vmem>> -> memref<416x32xf32, #tpu.memory_space<vmem>>
      tpu.enqueue_dma source(%dma_start3A_553 : memref<416x32xf32, #tpu.memory_space<vmem>>) target(%dma_start3A_550 : memref<416x32xf32, #tpu.memory_space<hbm>>) target_semaphore(%run_scoped3A : memref<!tpu.dma_semaphore, #tpu.memory_space<semaphore_mem>>)
      %dma_wait3A_554 = arith.constant 0 : i32
      %dma_wait3A_555 = arith.constant 0 : i32
      %dma_wait3A_556 = tpu.memref_slice %arg8[%dma_wait3A_554, %dma_wait3A_555] : memref<416x128xf32, #tpu.memory_space<vmem>> -> memref<416x32xf32, #tpu.memory_space<vmem>>
      %dma_wait3A_557 = arith.constant 0 : i32
      %dma_wait3A_558 = tpu.memref_slice %arg4[%add3A_351, %dma_wait3A_557] : memref<425984x32xf32, #tpu.memory_space<hbm>> -> memref<416x32xf32, #tpu.memory_space<hbm>>
      %dma_wait3A_559 = arith.constant 0 : i32
      %dma_wait3A_560 = tpu.memref_slice %arg4[%add3A_351, %dma_wait3A_559] : memref<425984x32xf32, #tpu.memory_space<hbm>> -> memref<416x32xf32, #tpu.memory_space<hbm>>
      %dma_wait3A_561 = arith.constant 0 : i32
      %dma_wait3A_562 = arith.constant 0 : i32
      %dma_wait3A_563 = tpu.memref_slice %arg8[%dma_wait3A_561, %dma_wait3A_562] : memref<416x128xf32, #tpu.memory_space<vmem>> -> memref<416x32xf32, #tpu.memory_space<vmem>>
      tpu.wait_dma2 semaphore(%run_scoped3A : memref<!tpu.dma_semaphore, #tpu.memory_space<semaphore_mem>>) src(%dma_wait3A_563 : memref<416x32xf32, #tpu.memory_space<vmem>>) dst(%dma_wait3A_560 : memref<416x32xf32, #tpu.memory_space<hbm>>)
      tpu.yield
    }) : () -> ()
    %add3A_352 = arith.constant 8736 : i32
    %add3A_353 = arith.addi %multiple_of3A, %add3A_352 : i32
    "tpu.region"() ({
      %run_scoped3A = tpu.sem_alloc : memref<!tpu.dma_semaphore, #tpu.memory_space<semaphore_mem>>
      %dma_start3A_544 = tpu.memref_slice %arg3[%add3A_353] : memref<425984xi32, #tpu.memory_space<hbm>> -> memref<416xi32, #tpu.memory_space<hbm>>
      %dma_start3A_545 = tpu.memref_slice %arg3[%add3A_353] : memref<425984xi32, #tpu.memory_space<hbm>> -> memref<416xi32, #tpu.memory_space<hbm>>
      tpu.enqueue_dma source(%dma_start3A_545 : memref<416xi32, #tpu.memory_space<hbm>>) target(%arg6 : memref<416xi32, #tpu.memory_space<vmem>>) target_semaphore(%run_scoped3A : memref<!tpu.dma_semaphore, #tpu.memory_space<semaphore_mem>>)
      %dma_wait3A_546 = tpu.memref_slice %arg3[%add3A_353] : memref<425984xi32, #tpu.memory_space<hbm>> -> memref<416xi32, #tpu.memory_space<hbm>>
      %dma_wait3A_547 = tpu.memref_slice %arg3[%add3A_353] : memref<425984xi32, #tpu.memory_space<hbm>> -> memref<416xi32, #tpu.memory_space<hbm>>
      tpu.wait_dma2 semaphore(%run_scoped3A : memref<!tpu.dma_semaphore, #tpu.memory_space<semaphore_mem>>) src(%dma_wait3A_547 : memref<416xi32, #tpu.memory_space<hbm>>) dst(%arg6 : memref<416xi32, #tpu.memory_space<vmem>>)
      tpu.yield
    }) : () -> ()
    %scan3A_354 = arith.constant 0 : i32
    %scan3A_355 = arith.constant 0 : i32
    %scan3A_356 = arith.constant 26 : i32
    %scan3A_357 = arith.addi %scan3A_355, %scan3A_356 : i32
    %scan3A_358 = arith.constant 1 : i32
    %scan3A_359 = scf.for %scan3A_544 = %scan3A_355 to %scan3A_357 step %scan3A_358 iter_args(%scan3A_545 = %scan3A_354) -> (i32)  : i32 {
      %mul3A_546 = arith.constant 16 : i32
      %mul3A_547 = arith.muli %scan3A_544, %mul3A_546 : i32
      %multiple_of3A_548 = tpu.assume_multiple %mul3A_547, 16 : i32
      %add3A_549 = arith.constant 8736 : i32
      %add3A_550 = arith.addi %multiple_of3A, %add3A_549 : i32
      %add3A_551 = arith.addi %add3A_550, %multiple_of3A_548 : i32
      %iota3A = tpu.iota {dimensions = array<i32: 0>} : vector<16xi32>
      %add3A_552 = vector.broadcast %add3A_551 : i32 to vector<16xi32>
      %add3A_553 = arith.addi %add3A_552, %iota3A : vector<16xi32>
      %shift_right_logical3A = arith.constant 14 : i32
      %shift_right_logical3A_554 = vector.broadcast %shift_right_logical3A : i32 to vector<16xi32>
      %shift_right_logical3A_555 = arith.shrui %add3A_553, %shift_right_logical3A_554 : vector<16xi32>
      %get3A = arith.index_cast %multiple_of3A_548 : i32 to index
      %get3A_556 = tpu.vector_load %arg6[%get3A] {strides = array<i32>} : memref<416xi32, #tpu.memory_space<vmem>>, vector<16xi32>,
      %get3A_557 = vector.shape_cast %get3A_556 : vector<16xi32> to vector<16xi32>
      %mul3A_558 = arith.constant 100000 : i32
      %mul3A_559 = vector.broadcast %mul3A_558 : i32 to vector<16xi32>
      %mul3A_560 = arith.muli %shift_right_logical3A_555, %mul3A_559 : vector<16xi32>
      %add3A_561 = arith.addi %get3A_557, %mul3A_560 : vector<16xi32>
      %swap3A = arith.index_cast %multiple_of3A_548 : i32 to index
      %swap3A_562 = tpu.vector_load %arg6[%swap3A] {strides = array<i32>} : memref<416xi32, #tpu.memory_space<vmem>>, vector<16xi32>,
      %swap3A_563 = vector.shape_cast %swap3A_562 : vector<16xi32> to vector<16xi32>
      %swap3A_564 = vector.shape_cast %add3A_561 : vector<16xi32> to vector<16xi32>
      tpu.vector_store %arg6[%swap3A], %swap3A_564 {strides = array<i32>} : memref<416xi32, #tpu.memory_space<vmem>>, vector<16xi32>,
      %scan3A_565 = arith.constant 0 : i32
      scf.yield %scan3A_565 : i32
    }
    %scan3A_360 = arith.constant 26 : i32
    %dma_start3A_361 = arith.constant 0 : i32
    %dma_start3A_362 = arith.constant 0 : i32
    %dma_start3A_363 = tpu.memref_slice %arg2[%dma_start3A_361, %dma_start3A_362] : memref<2600000x128xf32, #tpu.memory_space<hbm>> -> memref<2600000x128xf32, #tpu.memory_space<hbm>>
    tpu.enqueue_indirect_dma source(%dma_start3A_363 : memref<2600000x128xf32, #tpu.memory_space<hbm>>) target(%arg8 : memref<416x128xf32, #tpu.memory_space<vmem>>) offsets(%arg6 : memref<416xi32, #tpu.memory_space<vmem>>) semaphore(%arg10 : memref<!tpu.dma_semaphore, #tpu.memory_space<semaphore_mem>>)
    %dma_wait3A_364 = arith.constant 0 : i32
    %dma_wait3A_365 = arith.constant 0 : i32
    %dma_wait3A_366 = tpu.memref_slice %arg2[%dma_wait3A_364, %dma_wait3A_365] : memref<2600000x128xf32, #tpu.memory_space<hbm>> -> memref<2600000x128xf32, #tpu.memory_space<hbm>>
    tpu.wait_indirect_dma semaphore(%arg9 : memref<!tpu.dma_semaphore, #tpu.memory_space<semaphore_mem>>) src(%dma_wait3A_366 : memref<2600000x128xf32, #tpu.memory_space<hbm>>) dst(%arg7 : memref<416x128xf32, #tpu.memory_space<vmem>>)
    %add3A_367 = arith.constant 8320 : i32
    %add3A_368 = arith.addi %multiple_of3A, %add3A_367 : i32
    "tpu.region"() ({
      %run_scoped3A = tpu.sem_alloc : memref<!tpu.dma_semaphore, #tpu.memory_space<semaphore_mem>>
      %dma_start3A_544 = arith.constant 0 : i32
      %dma_start3A_545 = arith.constant 0 : i32
      %dma_start3A_546 = tpu.memref_slice %arg7[%dma_start3A_544, %dma_start3A_545] : memref<416x128xf32, #tpu.memory_space<vmem>> -> memref<416x32xf32, #tpu.memory_space<vmem>>
      %dma_start3A_547 = arith.constant 0 : i32
      %dma_start3A_548 = tpu.memref_slice %arg4[%add3A_368, %dma_start3A_547] : memref<425984x32xf32, #tpu.memory_space<hbm>> -> memref<416x32xf32, #tpu.memory_space<hbm>>
      %dma_start3A_549 = arith.constant 0 : i32
      %dma_start3A_550 = tpu.memref_slice %arg4[%add3A_368, %dma_start3A_549] : memref<425984x32xf32, #tpu.memory_space<hbm>> -> memref<416x32xf32, #tpu.memory_space<hbm>>
      %dma_start3A_551 = arith.constant 0 : i32
      %dma_start3A_552 = arith.constant 0 : i32
      %dma_start3A_553 = tpu.memref_slice %arg7[%dma_start3A_551, %dma_start3A_552] : memref<416x128xf32, #tpu.memory_space<vmem>> -> memref<416x32xf32, #tpu.memory_space<vmem>>
      tpu.enqueue_dma source(%dma_start3A_553 : memref<416x32xf32, #tpu.memory_space<vmem>>) target(%dma_start3A_550 : memref<416x32xf32, #tpu.memory_space<hbm>>) target_semaphore(%run_scoped3A : memref<!tpu.dma_semaphore, #tpu.memory_space<semaphore_mem>>)
      %dma_wait3A_554 = arith.constant 0 : i32
      %dma_wait3A_555 = arith.constant 0 : i32
      %dma_wait3A_556 = tpu.memref_slice %arg7[%dma_wait3A_554, %dma_wait3A_555] : memref<416x128xf32, #tpu.memory_space<vmem>> -> memref<416x32xf32, #tpu.memory_space<vmem>>
      %dma_wait3A_557 = arith.constant 0 : i32
      %dma_wait3A_558 = tpu.memref_slice %arg4[%add3A_368, %dma_wait3A_557] : memref<425984x32xf32, #tpu.memory_space<hbm>> -> memref<416x32xf32, #tpu.memory_space<hbm>>
      %dma_wait3A_559 = arith.constant 0 : i32
      %dma_wait3A_560 = tpu.memref_slice %arg4[%add3A_368, %dma_wait3A_559] : memref<425984x32xf32, #tpu.memory_space<hbm>> -> memref<416x32xf32, #tpu.memory_space<hbm>>
      %dma_wait3A_561 = arith.constant 0 : i32
      %dma_wait3A_562 = arith.constant 0 : i32
      %dma_wait3A_563 = tpu.memref_slice %arg7[%dma_wait3A_561, %dma_wait3A_562] : memref<416x128xf32, #tpu.memory_space<vmem>> -> memref<416x32xf32, #tpu.memory_space<vmem>>
      tpu.wait_dma2 semaphore(%run_scoped3A : memref<!tpu.dma_semaphore, #tpu.memory_space<semaphore_mem>>) src(%dma_wait3A_563 : memref<416x32xf32, #tpu.memory_space<vmem>>) dst(%dma_wait3A_560 : memref<416x32xf32, #tpu.memory_space<hbm>>)
      tpu.yield
    }) : () -> ()
    %add3A_369 = arith.constant 9152 : i32
    %add3A_370 = arith.addi %multiple_of3A, %add3A_369 : i32
    "tpu.region"() ({
      %run_scoped3A = tpu.sem_alloc : memref<!tpu.dma_semaphore, #tpu.memory_space<semaphore_mem>>
      %dma_start3A_544 = tpu.memref_slice %arg3[%add3A_370] : memref<425984xi32, #tpu.memory_space<hbm>> -> memref<416xi32, #tpu.memory_space<hbm>>
      %dma_start3A_545 = tpu.memref_slice %arg3[%add3A_370] : memref<425984xi32, #tpu.memory_space<hbm>> -> memref<416xi32, #tpu.memory_space<hbm>>
      tpu.enqueue_dma source(%dma_start3A_545 : memref<416xi32, #tpu.memory_space<hbm>>) target(%arg5 : memref<416xi32, #tpu.memory_space<vmem>>) target_semaphore(%run_scoped3A : memref<!tpu.dma_semaphore, #tpu.memory_space<semaphore_mem>>)
      %dma_wait3A_546 = tpu.memref_slice %arg3[%add3A_370] : memref<425984xi32, #tpu.memory_space<hbm>> -> memref<416xi32, #tpu.memory_space<hbm>>
      %dma_wait3A_547 = tpu.memref_slice %arg3[%add3A_370] : memref<425984xi32, #tpu.memory_space<hbm>> -> memref<416xi32, #tpu.memory_space<hbm>>
      tpu.wait_dma2 semaphore(%run_scoped3A : memref<!tpu.dma_semaphore, #tpu.memory_space<semaphore_mem>>) src(%dma_wait3A_547 : memref<416xi32, #tpu.memory_space<hbm>>) dst(%arg5 : memref<416xi32, #tpu.memory_space<vmem>>)
      tpu.yield
    }) : () -> ()
    %scan3A_371 = arith.constant 0 : i32
    %scan3A_372 = arith.constant 0 : i32
    %scan3A_373 = arith.constant 26 : i32
    %scan3A_374 = arith.addi %scan3A_372, %scan3A_373 : i32
    %scan3A_375 = arith.constant 1 : i32
    %scan3A_376 = scf.for %scan3A_544 = %scan3A_372 to %scan3A_374 step %scan3A_375 iter_args(%scan3A_545 = %scan3A_371) -> (i32)  : i32 {
      %mul3A_546 = arith.constant 16 : i32
      %mul3A_547 = arith.muli %scan3A_544, %mul3A_546 : i32
      %multiple_of3A_548 = tpu.assume_multiple %mul3A_547, 16 : i32
      %add3A_549 = arith.constant 9152 : i32
      %add3A_550 = arith.addi %multiple_of3A, %add3A_549 : i32
      %add3A_551 = arith.addi %add3A_550, %multiple_of3A_548 : i32
      %iota3A = tpu.iota {dimensions = array<i32: 0>} : vector<16xi32>
      %add3A_552 = vector.broadcast %add3A_551 : i32 to vector<16xi32>
      %add3A_553 = arith.addi %add3A_552, %iota3A : vector<16xi32>
      %shift_right_logical3A = arith.constant 14 : i32
      %shift_right_logical3A_554 = vector.broadcast %shift_right_logical3A : i32 to vector<16xi32>
      %shift_right_logical3A_555 = arith.shrui %add3A_553, %shift_right_logical3A_554 : vector<16xi32>
      %get3A = arith.index_cast %multiple_of3A_548 : i32 to index
      %get3A_556 = tpu.vector_load %arg5[%get3A] {strides = array<i32>} : memref<416xi32, #tpu.memory_space<vmem>>, vector<16xi32>,
      %get3A_557 = vector.shape_cast %get3A_556 : vector<16xi32> to vector<16xi32>
      %mul3A_558 = arith.constant 100000 : i32
      %mul3A_559 = vector.broadcast %mul3A_558 : i32 to vector<16xi32>
      %mul3A_560 = arith.muli %shift_right_logical3A_555, %mul3A_559 : vector<16xi32>
      %add3A_561 = arith.addi %get3A_557, %mul3A_560 : vector<16xi32>
      %swap3A = arith.index_cast %multiple_of3A_548 : i32 to index
      %swap3A_562 = tpu.vector_load %arg5[%swap3A] {strides = array<i32>} : memref<416xi32, #tpu.memory_space<vmem>>, vector<16xi32>,
      %swap3A_563 = vector.shape_cast %swap3A_562 : vector<16xi32> to vector<16xi32>
      %swap3A_564 = vector.shape_cast %add3A_561 : vector<16xi32> to vector<16xi32>
      tpu.vector_store %arg5[%swap3A], %swap3A_564 {strides = array<i32>} : memref<416xi32, #tpu.memory_space<vmem>>, vector<16xi32>,
      %scan3A_565 = arith.constant 0 : i32
      scf.yield %scan3A_565 : i32
    }
    %scan3A_377 = arith.constant 26 : i32
    %dma_start3A_378 = arith.constant 0 : i32
    %dma_start3A_379 = arith.constant 0 : i32
    %dma_start3A_380 = tpu.memref_slice %arg2[%dma_start3A_378, %dma_start3A_379] : memref<2600000x128xf32, #tpu.memory_space<hbm>> -> memref<2600000x128xf32, #tpu.memory_space<hbm>>
    tpu.enqueue_indirect_dma source(%dma_start3A_380 : memref<2600000x128xf32, #tpu.memory_space<hbm>>) target(%arg7 : memref<416x128xf32, #tpu.memory_space<vmem>>) offsets(%arg5 : memref<416xi32, #tpu.memory_space<vmem>>) semaphore(%arg9 : memref<!tpu.dma_semaphore, #tpu.memory_space<semaphore_mem>>)
    %dma_wait3A_381 = arith.constant 0 : i32
    %dma_wait3A_382 = arith.constant 0 : i32
    %dma_wait3A_383 = tpu.memref_slice %arg2[%dma_wait3A_381, %dma_wait3A_382] : memref<2600000x128xf32, #tpu.memory_space<hbm>> -> memref<2600000x128xf32, #tpu.memory_space<hbm>>
    tpu.wait_indirect_dma semaphore(%arg10 : memref<!tpu.dma_semaphore, #tpu.memory_space<semaphore_mem>>) src(%dma_wait3A_383 : memref<2600000x128xf32, #tpu.memory_space<hbm>>) dst(%arg8 : memref<416x128xf32, #tpu.memory_space<vmem>>)
    %add3A_384 = arith.constant 8736 : i32
    %add3A_385 = arith.addi %multiple_of3A, %add3A_384 : i32
    "tpu.region"() ({
      %run_scoped3A = tpu.sem_alloc : memref<!tpu.dma_semaphore, #tpu.memory_space<semaphore_mem>>
      %dma_start3A_544 = arith.constant 0 : i32
      %dma_start3A_545 = arith.constant 0 : i32
      %dma_start3A_546 = tpu.memref_slice %arg8[%dma_start3A_544, %dma_start3A_545] : memref<416x128xf32, #tpu.memory_space<vmem>> -> memref<416x32xf32, #tpu.memory_space<vmem>>
      %dma_start3A_547 = arith.constant 0 : i32
      %dma_start3A_548 = tpu.memref_slice %arg4[%add3A_385, %dma_start3A_547] : memref<425984x32xf32, #tpu.memory_space<hbm>> -> memref<416x32xf32, #tpu.memory_space<hbm>>
      %dma_start3A_549 = arith.constant 0 : i32
      %dma_start3A_550 = tpu.memref_slice %arg4[%add3A_385, %dma_start3A_549] : memref<425984x32xf32, #tpu.memory_space<hbm>> -> memref<416x32xf32, #tpu.memory_space<hbm>>
      %dma_start3A_551 = arith.constant 0 : i32
      %dma_start3A_552 = arith.constant 0 : i32
      %dma_start3A_553 = tpu.memref_slice %arg8[%dma_start3A_551, %dma_start3A_552] : memref<416x128xf32, #tpu.memory_space<vmem>> -> memref<416x32xf32, #tpu.memory_space<vmem>>
      tpu.enqueue_dma source(%dma_start3A_553 : memref<416x32xf32, #tpu.memory_space<vmem>>) target(%dma_start3A_550 : memref<416x32xf32, #tpu.memory_space<hbm>>) target_semaphore(%run_scoped3A : memref<!tpu.dma_semaphore, #tpu.memory_space<semaphore_mem>>)
      %dma_wait3A_554 = arith.constant 0 : i32
      %dma_wait3A_555 = arith.constant 0 : i32
      %dma_wait3A_556 = tpu.memref_slice %arg8[%dma_wait3A_554, %dma_wait3A_555] : memref<416x128xf32, #tpu.memory_space<vmem>> -> memref<416x32xf32, #tpu.memory_space<vmem>>
      %dma_wait3A_557 = arith.constant 0 : i32
      %dma_wait3A_558 = tpu.memref_slice %arg4[%add3A_385, %dma_wait3A_557] : memref<425984x32xf32, #tpu.memory_space<hbm>> -> memref<416x32xf32, #tpu.memory_space<hbm>>
      %dma_wait3A_559 = arith.constant 0 : i32
      %dma_wait3A_560 = tpu.memref_slice %arg4[%add3A_385, %dma_wait3A_559] : memref<425984x32xf32, #tpu.memory_space<hbm>> -> memref<416x32xf32, #tpu.memory_space<hbm>>
      %dma_wait3A_561 = arith.constant 0 : i32
      %dma_wait3A_562 = arith.constant 0 : i32
      %dma_wait3A_563 = tpu.memref_slice %arg8[%dma_wait3A_561, %dma_wait3A_562] : memref<416x128xf32, #tpu.memory_space<vmem>> -> memref<416x32xf32, #tpu.memory_space<vmem>>
      tpu.wait_dma2 semaphore(%run_scoped3A : memref<!tpu.dma_semaphore, #tpu.memory_space<semaphore_mem>>) src(%dma_wait3A_563 : memref<416x32xf32, #tpu.memory_space<vmem>>) dst(%dma_wait3A_560 : memref<416x32xf32, #tpu.memory_space<hbm>>)
      tpu.yield
    }) : () -> ()
    %add3A_386 = arith.constant 9568 : i32
    %add3A_387 = arith.addi %multiple_of3A, %add3A_386 : i32
    "tpu.region"() ({
      %run_scoped3A = tpu.sem_alloc : memref<!tpu.dma_semaphore, #tpu.memory_space<semaphore_mem>>
      %dma_start3A_544 = tpu.memref_slice %arg3[%add3A_387] : memref<425984xi32, #tpu.memory_space<hbm>> -> memref<416xi32, #tpu.memory_space<hbm>>
      %dma_start3A_545 = tpu.memref_slice %arg3[%add3A_387] : memref<425984xi32, #tpu.memory_space<hbm>> -> memref<416xi32, #tpu.memory_space<hbm>>
      tpu.enqueue_dma source(%dma_start3A_545 : memref<416xi32, #tpu.memory_space<hbm>>) target(%arg6 : memref<416xi32, #tpu.memory_space<vmem>>) target_semaphore(%run_scoped3A : memref<!tpu.dma_semaphore, #tpu.memory_space<semaphore_mem>>)
      %dma_wait3A_546 = tpu.memref_slice %arg3[%add3A_387] : memref<425984xi32, #tpu.memory_space<hbm>> -> memref<416xi32, #tpu.memory_space<hbm>>
      %dma_wait3A_547 = tpu.memref_slice %arg3[%add3A_387] : memref<425984xi32, #tpu.memory_space<hbm>> -> memref<416xi32, #tpu.memory_space<hbm>>
      tpu.wait_dma2 semaphore(%run_scoped3A : memref<!tpu.dma_semaphore, #tpu.memory_space<semaphore_mem>>) src(%dma_wait3A_547 : memref<416xi32, #tpu.memory_space<hbm>>) dst(%arg6 : memref<416xi32, #tpu.memory_space<vmem>>)
      tpu.yield
    }) : () -> ()
    %scan3A_388 = arith.constant 0 : i32
    %scan3A_389 = arith.constant 0 : i32
    %scan3A_390 = arith.constant 26 : i32
    %scan3A_391 = arith.addi %scan3A_389, %scan3A_390 : i32
    %scan3A_392 = arith.constant 1 : i32
    %scan3A_393 = scf.for %scan3A_544 = %scan3A_389 to %scan3A_391 step %scan3A_392 iter_args(%scan3A_545 = %scan3A_388) -> (i32)  : i32 {
      %mul3A_546 = arith.constant 16 : i32
      %mul3A_547 = arith.muli %scan3A_544, %mul3A_546 : i32
      %multiple_of3A_548 = tpu.assume_multiple %mul3A_547, 16 : i32
      %add3A_549 = arith.constant 9568 : i32
      %add3A_550 = arith.addi %multiple_of3A, %add3A_549 : i32
      %add3A_551 = arith.addi %add3A_550, %multiple_of3A_548 : i32
      %iota3A = tpu.iota {dimensions = array<i32: 0>} : vector<16xi32>
      %add3A_552 = vector.broadcast %add3A_551 : i32 to vector<16xi32>
      %add3A_553 = arith.addi %add3A_552, %iota3A : vector<16xi32>
      %shift_right_logical3A = arith.constant 14 : i32
      %shift_right_logical3A_554 = vector.broadcast %shift_right_logical3A : i32 to vector<16xi32>
      %shift_right_logical3A_555 = arith.shrui %add3A_553, %shift_right_logical3A_554 : vector<16xi32>
      %get3A = arith.index_cast %multiple_of3A_548 : i32 to index
      %get3A_556 = tpu.vector_load %arg6[%get3A] {strides = array<i32>} : memref<416xi32, #tpu.memory_space<vmem>>, vector<16xi32>,
      %get3A_557 = vector.shape_cast %get3A_556 : vector<16xi32> to vector<16xi32>
      %mul3A_558 = arith.constant 100000 : i32
      %mul3A_559 = vector.broadcast %mul3A_558 : i32 to vector<16xi32>
      %mul3A_560 = arith.muli %shift_right_logical3A_555, %mul3A_559 : vector<16xi32>
      %add3A_561 = arith.addi %get3A_557, %mul3A_560 : vector<16xi32>
      %swap3A = arith.index_cast %multiple_of3A_548 : i32 to index
      %swap3A_562 = tpu.vector_load %arg6[%swap3A] {strides = array<i32>} : memref<416xi32, #tpu.memory_space<vmem>>, vector<16xi32>,
      %swap3A_563 = vector.shape_cast %swap3A_562 : vector<16xi32> to vector<16xi32>
      %swap3A_564 = vector.shape_cast %add3A_561 : vector<16xi32> to vector<16xi32>
      tpu.vector_store %arg6[%swap3A], %swap3A_564 {strides = array<i32>} : memref<416xi32, #tpu.memory_space<vmem>>, vector<16xi32>,
      %scan3A_565 = arith.constant 0 : i32
      scf.yield %scan3A_565 : i32
    }
    %scan3A_394 = arith.constant 26 : i32
    %dma_start3A_395 = arith.constant 0 : i32
    %dma_start3A_396 = arith.constant 0 : i32
    %dma_start3A_397 = tpu.memref_slice %arg2[%dma_start3A_395, %dma_start3A_396] : memref<2600000x128xf32, #tpu.memory_space<hbm>> -> memref<2600000x128xf32, #tpu.memory_space<hbm>>
    tpu.enqueue_indirect_dma source(%dma_start3A_397 : memref<2600000x128xf32, #tpu.memory_space<hbm>>) target(%arg8 : memref<416x128xf32, #tpu.memory_space<vmem>>) offsets(%arg6 : memref<416xi32, #tpu.memory_space<vmem>>) semaphore(%arg10 : memref<!tpu.dma_semaphore, #tpu.memory_space<semaphore_mem>>)
    %dma_wait3A_398 = arith.constant 0 : i32
    %dma_wait3A_399 = arith.constant 0 : i32
    %dma_wait3A_400 = tpu.memref_slice %arg2[%dma_wait3A_398, %dma_wait3A_399] : memref<2600000x128xf32, #tpu.memory_space<hbm>> -> memref<2600000x128xf32, #tpu.memory_space<hbm>>
    tpu.wait_indirect_dma semaphore(%arg9 : memref<!tpu.dma_semaphore, #tpu.memory_space<semaphore_mem>>) src(%dma_wait3A_400 : memref<2600000x128xf32, #tpu.memory_space<hbm>>) dst(%arg7 : memref<416x128xf32, #tpu.memory_space<vmem>>)
    %add3A_401 = arith.constant 9152 : i32
    %add3A_402 = arith.addi %multiple_of3A, %add3A_401 : i32
    "tpu.region"() ({
      %run_scoped3A = tpu.sem_alloc : memref<!tpu.dma_semaphore, #tpu.memory_space<semaphore_mem>>
      %dma_start3A_544 = arith.constant 0 : i32
      %dma_start3A_545 = arith.constant 0 : i32
      %dma_start3A_546 = tpu.memref_slice %arg7[%dma_start3A_544, %dma_start3A_545] : memref<416x128xf32, #tpu.memory_space<vmem>> -> memref<416x32xf32, #tpu.memory_space<vmem>>
      %dma_start3A_547 = arith.constant 0 : i32
      %dma_start3A_548 = tpu.memref_slice %arg4[%add3A_402, %dma_start3A_547] : memref<425984x32xf32, #tpu.memory_space<hbm>> -> memref<416x32xf32, #tpu.memory_space<hbm>>
      %dma_start3A_549 = arith.constant 0 : i32
      %dma_start3A_550 = tpu.memref_slice %arg4[%add3A_402, %dma_start3A_549] : memref<425984x32xf32, #tpu.memory_space<hbm>> -> memref<416x32xf32, #tpu.memory_space<hbm>>
      %dma_start3A_551 = arith.constant 0 : i32
      %dma_start3A_552 = arith.constant 0 : i32
      %dma_start3A_553 = tpu.memref_slice %arg7[%dma_start3A_551, %dma_start3A_552] : memref<416x128xf32, #tpu.memory_space<vmem>> -> memref<416x32xf32, #tpu.memory_space<vmem>>
      tpu.enqueue_dma source(%dma_start3A_553 : memref<416x32xf32, #tpu.memory_space<vmem>>) target(%dma_start3A_550 : memref<416x32xf32, #tpu.memory_space<hbm>>) target_semaphore(%run_scoped3A : memref<!tpu.dma_semaphore, #tpu.memory_space<semaphore_mem>>)
      %dma_wait3A_554 = arith.constant 0 : i32
      %dma_wait3A_555 = arith.constant 0 : i32
      %dma_wait3A_556 = tpu.memref_slice %arg7[%dma_wait3A_554, %dma_wait3A_555] : memref<416x128xf32, #tpu.memory_space<vmem>> -> memref<416x32xf32, #tpu.memory_space<vmem>>
      %dma_wait3A_557 = arith.constant 0 : i32
      %dma_wait3A_558 = tpu.memref_slice %arg4[%add3A_402, %dma_wait3A_557] : memref<425984x32xf32, #tpu.memory_space<hbm>> -> memref<416x32xf32, #tpu.memory_space<hbm>>
      %dma_wait3A_559 = arith.constant 0 : i32
      %dma_wait3A_560 = tpu.memref_slice %arg4[%add3A_402, %dma_wait3A_559] : memref<425984x32xf32, #tpu.memory_space<hbm>> -> memref<416x32xf32, #tpu.memory_space<hbm>>
      %dma_wait3A_561 = arith.constant 0 : i32
      %dma_wait3A_562 = arith.constant 0 : i32
      %dma_wait3A_563 = tpu.memref_slice %arg7[%dma_wait3A_561, %dma_wait3A_562] : memref<416x128xf32, #tpu.memory_space<vmem>> -> memref<416x32xf32, #tpu.memory_space<vmem>>
      tpu.wait_dma2 semaphore(%run_scoped3A : memref<!tpu.dma_semaphore, #tpu.memory_space<semaphore_mem>>) src(%dma_wait3A_563 : memref<416x32xf32, #tpu.memory_space<vmem>>) dst(%dma_wait3A_560 : memref<416x32xf32, #tpu.memory_space<hbm>>)
      tpu.yield
    }) : () -> ()
    %add3A_403 = arith.constant 9984 : i32
    %add3A_404 = arith.addi %multiple_of3A, %add3A_403 : i32
    "tpu.region"() ({
      %run_scoped3A = tpu.sem_alloc : memref<!tpu.dma_semaphore, #tpu.memory_space<semaphore_mem>>
      %dma_start3A_544 = tpu.memref_slice %arg3[%add3A_404] : memref<425984xi32, #tpu.memory_space<hbm>> -> memref<416xi32, #tpu.memory_space<hbm>>
      %dma_start3A_545 = tpu.memref_slice %arg3[%add3A_404] : memref<425984xi32, #tpu.memory_space<hbm>> -> memref<416xi32, #tpu.memory_space<hbm>>
      tpu.enqueue_dma source(%dma_start3A_545 : memref<416xi32, #tpu.memory_space<hbm>>) target(%arg5 : memref<416xi32, #tpu.memory_space<vmem>>) target_semaphore(%run_scoped3A : memref<!tpu.dma_semaphore, #tpu.memory_space<semaphore_mem>>)
      %dma_wait3A_546 = tpu.memref_slice %arg3[%add3A_404] : memref<425984xi32, #tpu.memory_space<hbm>> -> memref<416xi32, #tpu.memory_space<hbm>>
      %dma_wait3A_547 = tpu.memref_slice %arg3[%add3A_404] : memref<425984xi32, #tpu.memory_space<hbm>> -> memref<416xi32, #tpu.memory_space<hbm>>
      tpu.wait_dma2 semaphore(%run_scoped3A : memref<!tpu.dma_semaphore, #tpu.memory_space<semaphore_mem>>) src(%dma_wait3A_547 : memref<416xi32, #tpu.memory_space<hbm>>) dst(%arg5 : memref<416xi32, #tpu.memory_space<vmem>>)
      tpu.yield
    }) : () -> ()
    %scan3A_405 = arith.constant 0 : i32
    %scan3A_406 = arith.constant 0 : i32
    %scan3A_407 = arith.constant 26 : i32
    %scan3A_408 = arith.addi %scan3A_406, %scan3A_407 : i32
    %scan3A_409 = arith.constant 1 : i32
    %scan3A_410 = scf.for %scan3A_544 = %scan3A_406 to %scan3A_408 step %scan3A_409 iter_args(%scan3A_545 = %scan3A_405) -> (i32)  : i32 {
      %mul3A_546 = arith.constant 16 : i32
      %mul3A_547 = arith.muli %scan3A_544, %mul3A_546 : i32
      %multiple_of3A_548 = tpu.assume_multiple %mul3A_547, 16 : i32
      %add3A_549 = arith.constant 9984 : i32
      %add3A_550 = arith.addi %multiple_of3A, %add3A_549 : i32
      %add3A_551 = arith.addi %add3A_550, %multiple_of3A_548 : i32
      %iota3A = tpu.iota {dimensions = array<i32: 0>} : vector<16xi32>
      %add3A_552 = vector.broadcast %add3A_551 : i32 to vector<16xi32>
      %add3A_553 = arith.addi %add3A_552, %iota3A : vector<16xi32>
      %shift_right_logical3A = arith.constant 14 : i32
      %shift_right_logical3A_554 = vector.broadcast %shift_right_logical3A : i32 to vector<16xi32>
      %shift_right_logical3A_555 = arith.shrui %add3A_553, %shift_right_logical3A_554 : vector<16xi32>
      %get3A = arith.index_cast %multiple_of3A_548 : i32 to index
      %get3A_556 = tpu.vector_load %arg5[%get3A] {strides = array<i32>} : memref<416xi32, #tpu.memory_space<vmem>>, vector<16xi32>,
      %get3A_557 = vector.shape_cast %get3A_556 : vector<16xi32> to vector<16xi32>
      %mul3A_558 = arith.constant 100000 : i32
      %mul3A_559 = vector.broadcast %mul3A_558 : i32 to vector<16xi32>
      %mul3A_560 = arith.muli %shift_right_logical3A_555, %mul3A_559 : vector<16xi32>
      %add3A_561 = arith.addi %get3A_557, %mul3A_560 : vector<16xi32>
      %swap3A = arith.index_cast %multiple_of3A_548 : i32 to index
      %swap3A_562 = tpu.vector_load %arg5[%swap3A] {strides = array<i32>} : memref<416xi32, #tpu.memory_space<vmem>>, vector<16xi32>,
      %swap3A_563 = vector.shape_cast %swap3A_562 : vector<16xi32> to vector<16xi32>
      %swap3A_564 = vector.shape_cast %add3A_561 : vector<16xi32> to vector<16xi32>
      tpu.vector_store %arg5[%swap3A], %swap3A_564 {strides = array<i32>} : memref<416xi32, #tpu.memory_space<vmem>>, vector<16xi32>,
      %scan3A_565 = arith.constant 0 : i32
      scf.yield %scan3A_565 : i32
    }
    %scan3A_411 = arith.constant 26 : i32
    %dma_start3A_412 = arith.constant 0 : i32
    %dma_start3A_413 = arith.constant 0 : i32
    %dma_start3A_414 = tpu.memref_slice %arg2[%dma_start3A_412, %dma_start3A_413] : memref<2600000x128xf32, #tpu.memory_space<hbm>> -> memref<2600000x128xf32, #tpu.memory_space<hbm>>
    tpu.enqueue_indirect_dma source(%dma_start3A_414 : memref<2600000x128xf32, #tpu.memory_space<hbm>>) target(%arg7 : memref<416x128xf32, #tpu.memory_space<vmem>>) offsets(%arg5 : memref<416xi32, #tpu.memory_space<vmem>>) semaphore(%arg9 : memref<!tpu.dma_semaphore, #tpu.memory_space<semaphore_mem>>)
    %dma_wait3A_415 = arith.constant 0 : i32
    %dma_wait3A_416 = arith.constant 0 : i32
    %dma_wait3A_417 = tpu.memref_slice %arg2[%dma_wait3A_415, %dma_wait3A_416] : memref<2600000x128xf32, #tpu.memory_space<hbm>> -> memref<2600000x128xf32, #tpu.memory_space<hbm>>
    tpu.wait_indirect_dma semaphore(%arg10 : memref<!tpu.dma_semaphore, #tpu.memory_space<semaphore_mem>>) src(%dma_wait3A_417 : memref<2600000x128xf32, #tpu.memory_space<hbm>>) dst(%arg8 : memref<416x128xf32, #tpu.memory_space<vmem>>)
    %add3A_418 = arith.constant 9568 : i32
    %add3A_419 = arith.addi %multiple_of3A, %add3A_418 : i32
    "tpu.region"() ({
      %run_scoped3A = tpu.sem_alloc : memref<!tpu.dma_semaphore, #tpu.memory_space<semaphore_mem>>
      %dma_start3A_544 = arith.constant 0 : i32
      %dma_start3A_545 = arith.constant 0 : i32
      %dma_start3A_546 = tpu.memref_slice %arg8[%dma_start3A_544, %dma_start3A_545] : memref<416x128xf32, #tpu.memory_space<vmem>> -> memref<416x32xf32, #tpu.memory_space<vmem>>
      %dma_start3A_547 = arith.constant 0 : i32
      %dma_start3A_548 = tpu.memref_slice %arg4[%add3A_419, %dma_start3A_547] : memref<425984x32xf32, #tpu.memory_space<hbm>> -> memref<416x32xf32, #tpu.memory_space<hbm>>
      %dma_start3A_549 = arith.constant 0 : i32
      %dma_start3A_550 = tpu.memref_slice %arg4[%add3A_419, %dma_start3A_549] : memref<425984x32xf32, #tpu.memory_space<hbm>> -> memref<416x32xf32, #tpu.memory_space<hbm>>
      %dma_start3A_551 = arith.constant 0 : i32
      %dma_start3A_552 = arith.constant 0 : i32
      %dma_start3A_553 = tpu.memref_slice %arg8[%dma_start3A_551, %dma_start3A_552] : memref<416x128xf32, #tpu.memory_space<vmem>> -> memref<416x32xf32, #tpu.memory_space<vmem>>
      tpu.enqueue_dma source(%dma_start3A_553 : memref<416x32xf32, #tpu.memory_space<vmem>>) target(%dma_start3A_550 : memref<416x32xf32, #tpu.memory_space<hbm>>) target_semaphore(%run_scoped3A : memref<!tpu.dma_semaphore, #tpu.memory_space<semaphore_mem>>)
      %dma_wait3A_554 = arith.constant 0 : i32
      %dma_wait3A_555 = arith.constant 0 : i32
      %dma_wait3A_556 = tpu.memref_slice %arg8[%dma_wait3A_554, %dma_wait3A_555] : memref<416x128xf32, #tpu.memory_space<vmem>> -> memref<416x32xf32, #tpu.memory_space<vmem>>
      %dma_wait3A_557 = arith.constant 0 : i32
      %dma_wait3A_558 = tpu.memref_slice %arg4[%add3A_419, %dma_wait3A_557] : memref<425984x32xf32, #tpu.memory_space<hbm>> -> memref<416x32xf32, #tpu.memory_space<hbm>>
      %dma_wait3A_559 = arith.constant 0 : i32
      %dma_wait3A_560 = tpu.memref_slice %arg4[%add3A_419, %dma_wait3A_559] : memref<425984x32xf32, #tpu.memory_space<hbm>> -> memref<416x32xf32, #tpu.memory_space<hbm>>
      %dma_wait3A_561 = arith.constant 0 : i32
      %dma_wait3A_562 = arith.constant 0 : i32
      %dma_wait3A_563 = tpu.memref_slice %arg8[%dma_wait3A_561, %dma_wait3A_562] : memref<416x128xf32, #tpu.memory_space<vmem>> -> memref<416x32xf32, #tpu.memory_space<vmem>>
      tpu.wait_dma2 semaphore(%run_scoped3A : memref<!tpu.dma_semaphore, #tpu.memory_space<semaphore_mem>>) src(%dma_wait3A_563 : memref<416x32xf32, #tpu.memory_space<vmem>>) dst(%dma_wait3A_560 : memref<416x32xf32, #tpu.memory_space<hbm>>)
      tpu.yield
    }) : () -> ()
    %add3A_420 = arith.constant 10400 : i32
    %add3A_421 = arith.addi %multiple_of3A, %add3A_420 : i32
    "tpu.region"() ({
      %run_scoped3A = tpu.sem_alloc : memref<!tpu.dma_semaphore, #tpu.memory_space<semaphore_mem>>
      %dma_start3A_544 = tpu.memref_slice %arg3[%add3A_421] : memref<425984xi32, #tpu.memory_space<hbm>> -> memref<416xi32, #tpu.memory_space<hbm>>
      %dma_start3A_545 = tpu.memref_slice %arg3[%add3A_421] : memref<425984xi32, #tpu.memory_space<hbm>> -> memref<416xi32, #tpu.memory_space<hbm>>
      tpu.enqueue_dma source(%dma_start3A_545 : memref<416xi32, #tpu.memory_space<hbm>>) target(%arg6 : memref<416xi32, #tpu.memory_space<vmem>>) target_semaphore(%run_scoped3A : memref<!tpu.dma_semaphore, #tpu.memory_space<semaphore_mem>>)
      %dma_wait3A_546 = tpu.memref_slice %arg3[%add3A_421] : memref<425984xi32, #tpu.memory_space<hbm>> -> memref<416xi32, #tpu.memory_space<hbm>>
      %dma_wait3A_547 = tpu.memref_slice %arg3[%add3A_421] : memref<425984xi32, #tpu.memory_space<hbm>> -> memref<416xi32, #tpu.memory_space<hbm>>
      tpu.wait_dma2 semaphore(%run_scoped3A : memref<!tpu.dma_semaphore, #tpu.memory_space<semaphore_mem>>) src(%dma_wait3A_547 : memref<416xi32, #tpu.memory_space<hbm>>) dst(%arg6 : memref<416xi32, #tpu.memory_space<vmem>>)
      tpu.yield
    }) : () -> ()
    %scan3A_422 = arith.constant 0 : i32
    %scan3A_423 = arith.constant 0 : i32
    %scan3A_424 = arith.constant 26 : i32
    %scan3A_425 = arith.addi %scan3A_423, %scan3A_424 : i32
    %scan3A_426 = arith.constant 1 : i32
    %scan3A_427 = scf.for %scan3A_544 = %scan3A_423 to %scan3A_425 step %scan3A_426 iter_args(%scan3A_545 = %scan3A_422) -> (i32)  : i32 {
      %mul3A_546 = arith.constant 16 : i32
      %mul3A_547 = arith.muli %scan3A_544, %mul3A_546 : i32
      %multiple_of3A_548 = tpu.assume_multiple %mul3A_547, 16 : i32
      %add3A_549 = arith.constant 10400 : i32
      %add3A_550 = arith.addi %multiple_of3A, %add3A_549 : i32
      %add3A_551 = arith.addi %add3A_550, %multiple_of3A_548 : i32
      %iota3A = tpu.iota {dimensions = array<i32: 0>} : vector<16xi32>
      %add3A_552 = vector.broadcast %add3A_551 : i32 to vector<16xi32>
      %add3A_553 = arith.addi %add3A_552, %iota3A : vector<16xi32>
      %shift_right_logical3A = arith.constant 14 : i32
      %shift_right_logical3A_554 = vector.broadcast %shift_right_logical3A : i32 to vector<16xi32>
      %shift_right_logical3A_555 = arith.shrui %add3A_553, %shift_right_logical3A_554 : vector<16xi32>
      %get3A = arith.index_cast %multiple_of3A_548 : i32 to index
      %get3A_556 = tpu.vector_load %arg6[%get3A] {strides = array<i32>} : memref<416xi32, #tpu.memory_space<vmem>>, vector<16xi32>,
      %get3A_557 = vector.shape_cast %get3A_556 : vector<16xi32> to vector<16xi32>
      %mul3A_558 = arith.constant 100000 : i32
      %mul3A_559 = vector.broadcast %mul3A_558 : i32 to vector<16xi32>
      %mul3A_560 = arith.muli %shift_right_logical3A_555, %mul3A_559 : vector<16xi32>
      %add3A_561 = arith.addi %get3A_557, %mul3A_560 : vector<16xi32>
      %swap3A = arith.index_cast %multiple_of3A_548 : i32 to index
      %swap3A_562 = tpu.vector_load %arg6[%swap3A] {strides = array<i32>} : memref<416xi32, #tpu.memory_space<vmem>>, vector<16xi32>,
      %swap3A_563 = vector.shape_cast %swap3A_562 : vector<16xi32> to vector<16xi32>
      %swap3A_564 = vector.shape_cast %add3A_561 : vector<16xi32> to vector<16xi32>
      tpu.vector_store %arg6[%swap3A], %swap3A_564 {strides = array<i32>} : memref<416xi32, #tpu.memory_space<vmem>>, vector<16xi32>,
      %scan3A_565 = arith.constant 0 : i32
      scf.yield %scan3A_565 : i32
    }
    %scan3A_428 = arith.constant 26 : i32
    %dma_start3A_429 = arith.constant 0 : i32
    %dma_start3A_430 = arith.constant 0 : i32
    %dma_start3A_431 = tpu.memref_slice %arg2[%dma_start3A_429, %dma_start3A_430] : memref<2600000x128xf32, #tpu.memory_space<hbm>> -> memref<2600000x128xf32, #tpu.memory_space<hbm>>
    tpu.enqueue_indirect_dma source(%dma_start3A_431 : memref<2600000x128xf32, #tpu.memory_space<hbm>>) target(%arg8 : memref<416x128xf32, #tpu.memory_space<vmem>>) offsets(%arg6 : memref<416xi32, #tpu.memory_space<vmem>>) semaphore(%arg10 : memref<!tpu.dma_semaphore, #tpu.memory_space<semaphore_mem>>)
    %dma_wait3A_432 = arith.constant 0 : i32
    %dma_wait3A_433 = arith.constant 0 : i32
    %dma_wait3A_434 = tpu.memref_slice %arg2[%dma_wait3A_432, %dma_wait3A_433] : memref<2600000x128xf32, #tpu.memory_space<hbm>> -> memref<2600000x128xf32, #tpu.memory_space<hbm>>
    tpu.wait_indirect_dma semaphore(%arg9 : memref<!tpu.dma_semaphore, #tpu.memory_space<semaphore_mem>>) src(%dma_wait3A_434 : memref<2600000x128xf32, #tpu.memory_space<hbm>>) dst(%arg7 : memref<416x128xf32, #tpu.memory_space<vmem>>)
    %add3A_435 = arith.constant 9984 : i32
    %add3A_436 = arith.addi %multiple_of3A, %add3A_435 : i32
    "tpu.region"() ({
      %run_scoped3A = tpu.sem_alloc : memref<!tpu.dma_semaphore, #tpu.memory_space<semaphore_mem>>
      %dma_start3A_544 = arith.constant 0 : i32
      %dma_start3A_545 = arith.constant 0 : i32
      %dma_start3A_546 = tpu.memref_slice %arg7[%dma_start3A_544, %dma_start3A_545] : memref<416x128xf32, #tpu.memory_space<vmem>> -> memref<416x32xf32, #tpu.memory_space<vmem>>
      %dma_start3A_547 = arith.constant 0 : i32
      %dma_start3A_548 = tpu.memref_slice %arg4[%add3A_436, %dma_start3A_547] : memref<425984x32xf32, #tpu.memory_space<hbm>> -> memref<416x32xf32, #tpu.memory_space<hbm>>
      %dma_start3A_549 = arith.constant 0 : i32
      %dma_start3A_550 = tpu.memref_slice %arg4[%add3A_436, %dma_start3A_549] : memref<425984x32xf32, #tpu.memory_space<hbm>> -> memref<416x32xf32, #tpu.memory_space<hbm>>
      %dma_start3A_551 = arith.constant 0 : i32
      %dma_start3A_552 = arith.constant 0 : i32
      %dma_start3A_553 = tpu.memref_slice %arg7[%dma_start3A_551, %dma_start3A_552] : memref<416x128xf32, #tpu.memory_space<vmem>> -> memref<416x32xf32, #tpu.memory_space<vmem>>
      tpu.enqueue_dma source(%dma_start3A_553 : memref<416x32xf32, #tpu.memory_space<vmem>>) target(%dma_start3A_550 : memref<416x32xf32, #tpu.memory_space<hbm>>) target_semaphore(%run_scoped3A : memref<!tpu.dma_semaphore, #tpu.memory_space<semaphore_mem>>)
      %dma_wait3A_554 = arith.constant 0 : i32
      %dma_wait3A_555 = arith.constant 0 : i32
      %dma_wait3A_556 = tpu.memref_slice %arg7[%dma_wait3A_554, %dma_wait3A_555] : memref<416x128xf32, #tpu.memory_space<vmem>> -> memref<416x32xf32, #tpu.memory_space<vmem>>
      %dma_wait3A_557 = arith.constant 0 : i32
      %dma_wait3A_558 = tpu.memref_slice %arg4[%add3A_436, %dma_wait3A_557] : memref<425984x32xf32, #tpu.memory_space<hbm>> -> memref<416x32xf32, #tpu.memory_space<hbm>>
      %dma_wait3A_559 = arith.constant 0 : i32
      %dma_wait3A_560 = tpu.memref_slice %arg4[%add3A_436, %dma_wait3A_559] : memref<425984x32xf32, #tpu.memory_space<hbm>> -> memref<416x32xf32, #tpu.memory_space<hbm>>
      %dma_wait3A_561 = arith.constant 0 : i32
      %dma_wait3A_562 = arith.constant 0 : i32
      %dma_wait3A_563 = tpu.memref_slice %arg7[%dma_wait3A_561, %dma_wait3A_562] : memref<416x128xf32, #tpu.memory_space<vmem>> -> memref<416x32xf32, #tpu.memory_space<vmem>>
      tpu.wait_dma2 semaphore(%run_scoped3A : memref<!tpu.dma_semaphore, #tpu.memory_space<semaphore_mem>>) src(%dma_wait3A_563 : memref<416x32xf32, #tpu.memory_space<vmem>>) dst(%dma_wait3A_560 : memref<416x32xf32, #tpu.memory_space<hbm>>)
      tpu.yield
    }) : () -> ()
    %add3A_437 = arith.constant 10816 : i32
    %add3A_438 = arith.addi %multiple_of3A, %add3A_437 : i32
    "tpu.region"() ({
      %run_scoped3A = tpu.sem_alloc : memref<!tpu.dma_semaphore, #tpu.memory_space<semaphore_mem>>
      %dma_start3A_544 = tpu.memref_slice %arg3[%add3A_438] : memref<425984xi32, #tpu.memory_space<hbm>> -> memref<416xi32, #tpu.memory_space<hbm>>
      %dma_start3A_545 = tpu.memref_slice %arg3[%add3A_438] : memref<425984xi32, #tpu.memory_space<hbm>> -> memref<416xi32, #tpu.memory_space<hbm>>
      tpu.enqueue_dma source(%dma_start3A_545 : memref<416xi32, #tpu.memory_space<hbm>>) target(%arg5 : memref<416xi32, #tpu.memory_space<vmem>>) target_semaphore(%run_scoped3A : memref<!tpu.dma_semaphore, #tpu.memory_space<semaphore_mem>>)
      %dma_wait3A_546 = tpu.memref_slice %arg3[%add3A_438] : memref<425984xi32, #tpu.memory_space<hbm>> -> memref<416xi32, #tpu.memory_space<hbm>>
      %dma_wait3A_547 = tpu.memref_slice %arg3[%add3A_438] : memref<425984xi32, #tpu.memory_space<hbm>> -> memref<416xi32, #tpu.memory_space<hbm>>
      tpu.wait_dma2 semaphore(%run_scoped3A : memref<!tpu.dma_semaphore, #tpu.memory_space<semaphore_mem>>) src(%dma_wait3A_547 : memref<416xi32, #tpu.memory_space<hbm>>) dst(%arg5 : memref<416xi32, #tpu.memory_space<vmem>>)
      tpu.yield
    }) : () -> ()
    %scan3A_439 = arith.constant 0 : i32
    %scan3A_440 = arith.constant 0 : i32
    %scan3A_441 = arith.constant 26 : i32
    %scan3A_442 = arith.addi %scan3A_440, %scan3A_441 : i32
    %scan3A_443 = arith.constant 1 : i32
    %scan3A_444 = scf.for %scan3A_544 = %scan3A_440 to %scan3A_442 step %scan3A_443 iter_args(%scan3A_545 = %scan3A_439) -> (i32)  : i32 {
      %mul3A_546 = arith.constant 16 : i32
      %mul3A_547 = arith.muli %scan3A_544, %mul3A_546 : i32
      %multiple_of3A_548 = tpu.assume_multiple %mul3A_547, 16 : i32
      %add3A_549 = arith.constant 10816 : i32
      %add3A_550 = arith.addi %multiple_of3A, %add3A_549 : i32
      %add3A_551 = arith.addi %add3A_550, %multiple_of3A_548 : i32
      %iota3A = tpu.iota {dimensions = array<i32: 0>} : vector<16xi32>
      %add3A_552 = vector.broadcast %add3A_551 : i32 to vector<16xi32>
      %add3A_553 = arith.addi %add3A_552, %iota3A : vector<16xi32>
      %shift_right_logical3A = arith.constant 14 : i32
      %shift_right_logical3A_554 = vector.broadcast %shift_right_logical3A : i32 to vector<16xi32>
      %shift_right_logical3A_555 = arith.shrui %add3A_553, %shift_right_logical3A_554 : vector<16xi32>
      %get3A = arith.index_cast %multiple_of3A_548 : i32 to index
      %get3A_556 = tpu.vector_load %arg5[%get3A] {strides = array<i32>} : memref<416xi32, #tpu.memory_space<vmem>>, vector<16xi32>,
      %get3A_557 = vector.shape_cast %get3A_556 : vector<16xi32> to vector<16xi32>
      %mul3A_558 = arith.constant 100000 : i32
      %mul3A_559 = vector.broadcast %mul3A_558 : i32 to vector<16xi32>
      %mul3A_560 = arith.muli %shift_right_logical3A_555, %mul3A_559 : vector<16xi32>
      %add3A_561 = arith.addi %get3A_557, %mul3A_560 : vector<16xi32>
      %swap3A = arith.index_cast %multiple_of3A_548 : i32 to index
      %swap3A_562 = tpu.vector_load %arg5[%swap3A] {strides = array<i32>} : memref<416xi32, #tpu.memory_space<vmem>>, vector<16xi32>,
      %swap3A_563 = vector.shape_cast %swap3A_562 : vector<16xi32> to vector<16xi32>
      %swap3A_564 = vector.shape_cast %add3A_561 : vector<16xi32> to vector<16xi32>
      tpu.vector_store %arg5[%swap3A], %swap3A_564 {strides = array<i32>} : memref<416xi32, #tpu.memory_space<vmem>>, vector<16xi32>,
      %scan3A_565 = arith.constant 0 : i32
      scf.yield %scan3A_565 : i32
    }
    %scan3A_445 = arith.constant 26 : i32
    %dma_start3A_446 = arith.constant 0 : i32
    %dma_start3A_447 = arith.constant 0 : i32
    %dma_start3A_448 = tpu.memref_slice %arg2[%dma_start3A_446, %dma_start3A_447] : memref<2600000x128xf32, #tpu.memory_space<hbm>> -> memref<2600000x128xf32, #tpu.memory_space<hbm>>
    tpu.enqueue_indirect_dma source(%dma_start3A_448 : memref<2600000x128xf32, #tpu.memory_space<hbm>>) target(%arg7 : memref<416x128xf32, #tpu.memory_space<vmem>>) offsets(%arg5 : memref<416xi32, #tpu.memory_space<vmem>>) semaphore(%arg9 : memref<!tpu.dma_semaphore, #tpu.memory_space<semaphore_mem>>)
    %dma_wait3A_449 = arith.constant 0 : i32
    %dma_wait3A_450 = arith.constant 0 : i32
    %dma_wait3A_451 = tpu.memref_slice %arg2[%dma_wait3A_449, %dma_wait3A_450] : memref<2600000x128xf32, #tpu.memory_space<hbm>> -> memref<2600000x128xf32, #tpu.memory_space<hbm>>
    tpu.wait_indirect_dma semaphore(%arg10 : memref<!tpu.dma_semaphore, #tpu.memory_space<semaphore_mem>>) src(%dma_wait3A_451 : memref<2600000x128xf32, #tpu.memory_space<hbm>>) dst(%arg8 : memref<416x128xf32, #tpu.memory_space<vmem>>)
    %add3A_452 = arith.constant 10400 : i32
    %add3A_453 = arith.addi %multiple_of3A, %add3A_452 : i32
    "tpu.region"() ({
      %run_scoped3A = tpu.sem_alloc : memref<!tpu.dma_semaphore, #tpu.memory_space<semaphore_mem>>
      %dma_start3A_544 = arith.constant 0 : i32
      %dma_start3A_545 = arith.constant 0 : i32
      %dma_start3A_546 = tpu.memref_slice %arg8[%dma_start3A_544, %dma_start3A_545] : memref<416x128xf32, #tpu.memory_space<vmem>> -> memref<416x32xf32, #tpu.memory_space<vmem>>
      %dma_start3A_547 = arith.constant 0 : i32
      %dma_start3A_548 = tpu.memref_slice %arg4[%add3A_453, %dma_start3A_547] : memref<425984x32xf32, #tpu.memory_space<hbm>> -> memref<416x32xf32, #tpu.memory_space<hbm>>
      %dma_start3A_549 = arith.constant 0 : i32
      %dma_start3A_550 = tpu.memref_slice %arg4[%add3A_453, %dma_start3A_549] : memref<425984x32xf32, #tpu.memory_space<hbm>> -> memref<416x32xf32, #tpu.memory_space<hbm>>
      %dma_start3A_551 = arith.constant 0 : i32
      %dma_start3A_552 = arith.constant 0 : i32
      %dma_start3A_553 = tpu.memref_slice %arg8[%dma_start3A_551, %dma_start3A_552] : memref<416x128xf32, #tpu.memory_space<vmem>> -> memref<416x32xf32, #tpu.memory_space<vmem>>
      tpu.enqueue_dma source(%dma_start3A_553 : memref<416x32xf32, #tpu.memory_space<vmem>>) target(%dma_start3A_550 : memref<416x32xf32, #tpu.memory_space<hbm>>) target_semaphore(%run_scoped3A : memref<!tpu.dma_semaphore, #tpu.memory_space<semaphore_mem>>)
      %dma_wait3A_554 = arith.constant 0 : i32
      %dma_wait3A_555 = arith.constant 0 : i32
      %dma_wait3A_556 = tpu.memref_slice %arg8[%dma_wait3A_554, %dma_wait3A_555] : memref<416x128xf32, #tpu.memory_space<vmem>> -> memref<416x32xf32, #tpu.memory_space<vmem>>
      %dma_wait3A_557 = arith.constant 0 : i32
      %dma_wait3A_558 = tpu.memref_slice %arg4[%add3A_453, %dma_wait3A_557] : memref<425984x32xf32, #tpu.memory_space<hbm>> -> memref<416x32xf32, #tpu.memory_space<hbm>>
      %dma_wait3A_559 = arith.constant 0 : i32
      %dma_wait3A_560 = tpu.memref_slice %arg4[%add3A_453, %dma_wait3A_559] : memref<425984x32xf32, #tpu.memory_space<hbm>> -> memref<416x32xf32, #tpu.memory_space<hbm>>
      %dma_wait3A_561 = arith.constant 0 : i32
      %dma_wait3A_562 = arith.constant 0 : i32
      %dma_wait3A_563 = tpu.memref_slice %arg8[%dma_wait3A_561, %dma_wait3A_562] : memref<416x128xf32, #tpu.memory_space<vmem>> -> memref<416x32xf32, #tpu.memory_space<vmem>>
      tpu.wait_dma2 semaphore(%run_scoped3A : memref<!tpu.dma_semaphore, #tpu.memory_space<semaphore_mem>>) src(%dma_wait3A_563 : memref<416x32xf32, #tpu.memory_space<vmem>>) dst(%dma_wait3A_560 : memref<416x32xf32, #tpu.memory_space<hbm>>)
      tpu.yield
    }) : () -> ()
    %add3A_454 = arith.constant 11232 : i32
    %add3A_455 = arith.addi %multiple_of3A, %add3A_454 : i32
    "tpu.region"() ({
      %run_scoped3A = tpu.sem_alloc : memref<!tpu.dma_semaphore, #tpu.memory_space<semaphore_mem>>
      %dma_start3A_544 = tpu.memref_slice %arg3[%add3A_455] : memref<425984xi32, #tpu.memory_space<hbm>> -> memref<416xi32, #tpu.memory_space<hbm>>
      %dma_start3A_545 = tpu.memref_slice %arg3[%add3A_455] : memref<425984xi32, #tpu.memory_space<hbm>> -> memref<416xi32, #tpu.memory_space<hbm>>
      tpu.enqueue_dma source(%dma_start3A_545 : memref<416xi32, #tpu.memory_space<hbm>>) target(%arg6 : memref<416xi32, #tpu.memory_space<vmem>>) target_semaphore(%run_scoped3A : memref<!tpu.dma_semaphore, #tpu.memory_space<semaphore_mem>>)
      %dma_wait3A_546 = tpu.memref_slice %arg3[%add3A_455] : memref<425984xi32, #tpu.memory_space<hbm>> -> memref<416xi32, #tpu.memory_space<hbm>>
      %dma_wait3A_547 = tpu.memref_slice %arg3[%add3A_455] : memref<425984xi32, #tpu.memory_space<hbm>> -> memref<416xi32, #tpu.memory_space<hbm>>
      tpu.wait_dma2 semaphore(%run_scoped3A : memref<!tpu.dma_semaphore, #tpu.memory_space<semaphore_mem>>) src(%dma_wait3A_547 : memref<416xi32, #tpu.memory_space<hbm>>) dst(%arg6 : memref<416xi32, #tpu.memory_space<vmem>>)
      tpu.yield
    }) : () -> ()
    %scan3A_456 = arith.constant 0 : i32
    %scan3A_457 = arith.constant 0 : i32
    %scan3A_458 = arith.constant 26 : i32
    %scan3A_459 = arith.addi %scan3A_457, %scan3A_458 : i32
    %scan3A_460 = arith.constant 1 : i32
    %scan3A_461 = scf.for %scan3A_544 = %scan3A_457 to %scan3A_459 step %scan3A_460 iter_args(%scan3A_545 = %scan3A_456) -> (i32)  : i32 {
      %mul3A_546 = arith.constant 16 : i32
      %mul3A_547 = arith.muli %scan3A_544, %mul3A_546 : i32
      %multiple_of3A_548 = tpu.assume_multiple %mul3A_547, 16 : i32
      %add3A_549 = arith.constant 11232 : i32
      %add3A_550 = arith.addi %multiple_of3A, %add3A_549 : i32
      %add3A_551 = arith.addi %add3A_550, %multiple_of3A_548 : i32
      %iota3A = tpu.iota {dimensions = array<i32: 0>} : vector<16xi32>
      %add3A_552 = vector.broadcast %add3A_551 : i32 to vector<16xi32>
      %add3A_553 = arith.addi %add3A_552, %iota3A : vector<16xi32>
      %shift_right_logical3A = arith.constant 14 : i32
      %shift_right_logical3A_554 = vector.broadcast %shift_right_logical3A : i32 to vector<16xi32>
      %shift_right_logical3A_555 = arith.shrui %add3A_553, %shift_right_logical3A_554 : vector<16xi32>
      %get3A = arith.index_cast %multiple_of3A_548 : i32 to index
      %get3A_556 = tpu.vector_load %arg6[%get3A] {strides = array<i32>} : memref<416xi32, #tpu.memory_space<vmem>>, vector<16xi32>,
      %get3A_557 = vector.shape_cast %get3A_556 : vector<16xi32> to vector<16xi32>
      %mul3A_558 = arith.constant 100000 : i32
      %mul3A_559 = vector.broadcast %mul3A_558 : i32 to vector<16xi32>
      %mul3A_560 = arith.muli %shift_right_logical3A_555, %mul3A_559 : vector<16xi32>
      %add3A_561 = arith.addi %get3A_557, %mul3A_560 : vector<16xi32>
      %swap3A = arith.index_cast %multiple_of3A_548 : i32 to index
      %swap3A_562 = tpu.vector_load %arg6[%swap3A] {strides = array<i32>} : memref<416xi32, #tpu.memory_space<vmem>>, vector<16xi32>,
      %swap3A_563 = vector.shape_cast %swap3A_562 : vector<16xi32> to vector<16xi32>
      %swap3A_564 = vector.shape_cast %add3A_561 : vector<16xi32> to vector<16xi32>
      tpu.vector_store %arg6[%swap3A], %swap3A_564 {strides = array<i32>} : memref<416xi32, #tpu.memory_space<vmem>>, vector<16xi32>,
      %scan3A_565 = arith.constant 0 : i32
      scf.yield %scan3A_565 : i32
    }
    %scan3A_462 = arith.constant 26 : i32
    %dma_start3A_463 = arith.constant 0 : i32
    %dma_start3A_464 = arith.constant 0 : i32
    %dma_start3A_465 = tpu.memref_slice %arg2[%dma_start3A_463, %dma_start3A_464] : memref<2600000x128xf32, #tpu.memory_space<hbm>> -> memref<2600000x128xf32, #tpu.memory_space<hbm>>
    tpu.enqueue_indirect_dma source(%dma_start3A_465 : memref<2600000x128xf32, #tpu.memory_space<hbm>>) target(%arg8 : memref<416x128xf32, #tpu.memory_space<vmem>>) offsets(%arg6 : memref<416xi32, #tpu.memory_space<vmem>>) semaphore(%arg10 : memref<!tpu.dma_semaphore, #tpu.memory_space<semaphore_mem>>)
    %dma_wait3A_466 = arith.constant 0 : i32
    %dma_wait3A_467 = arith.constant 0 : i32
    %dma_wait3A_468 = tpu.memref_slice %arg2[%dma_wait3A_466, %dma_wait3A_467] : memref<2600000x128xf32, #tpu.memory_space<hbm>> -> memref<2600000x128xf32, #tpu.memory_space<hbm>>
    tpu.wait_indirect_dma semaphore(%arg9 : memref<!tpu.dma_semaphore, #tpu.memory_space<semaphore_mem>>) src(%dma_wait3A_468 : memref<2600000x128xf32, #tpu.memory_space<hbm>>) dst(%arg7 : memref<416x128xf32, #tpu.memory_space<vmem>>)
    %add3A_469 = arith.constant 10816 : i32
    %add3A_470 = arith.addi %multiple_of3A, %add3A_469 : i32
    "tpu.region"() ({
      %run_scoped3A = tpu.sem_alloc : memref<!tpu.dma_semaphore, #tpu.memory_space<semaphore_mem>>
      %dma_start3A_544 = arith.constant 0 : i32
      %dma_start3A_545 = arith.constant 0 : i32
      %dma_start3A_546 = tpu.memref_slice %arg7[%dma_start3A_544, %dma_start3A_545] : memref<416x128xf32, #tpu.memory_space<vmem>> -> memref<416x32xf32, #tpu.memory_space<vmem>>
      %dma_start3A_547 = arith.constant 0 : i32
      %dma_start3A_548 = tpu.memref_slice %arg4[%add3A_470, %dma_start3A_547] : memref<425984x32xf32, #tpu.memory_space<hbm>> -> memref<416x32xf32, #tpu.memory_space<hbm>>
      %dma_start3A_549 = arith.constant 0 : i32
      %dma_start3A_550 = tpu.memref_slice %arg4[%add3A_470, %dma_start3A_549] : memref<425984x32xf32, #tpu.memory_space<hbm>> -> memref<416x32xf32, #tpu.memory_space<hbm>>
      %dma_start3A_551 = arith.constant 0 : i32
      %dma_start3A_552 = arith.constant 0 : i32
      %dma_start3A_553 = tpu.memref_slice %arg7[%dma_start3A_551, %dma_start3A_552] : memref<416x128xf32, #tpu.memory_space<vmem>> -> memref<416x32xf32, #tpu.memory_space<vmem>>
      tpu.enqueue_dma source(%dma_start3A_553 : memref<416x32xf32, #tpu.memory_space<vmem>>) target(%dma_start3A_550 : memref<416x32xf32, #tpu.memory_space<hbm>>) target_semaphore(%run_scoped3A : memref<!tpu.dma_semaphore, #tpu.memory_space<semaphore_mem>>)
      %dma_wait3A_554 = arith.constant 0 : i32
      %dma_wait3A_555 = arith.constant 0 : i32
      %dma_wait3A_556 = tpu.memref_slice %arg7[%dma_wait3A_554, %dma_wait3A_555] : memref<416x128xf32, #tpu.memory_space<vmem>> -> memref<416x32xf32, #tpu.memory_space<vmem>>
      %dma_wait3A_557 = arith.constant 0 : i32
      %dma_wait3A_558 = tpu.memref_slice %arg4[%add3A_470, %dma_wait3A_557] : memref<425984x32xf32, #tpu.memory_space<hbm>> -> memref<416x32xf32, #tpu.memory_space<hbm>>
      %dma_wait3A_559 = arith.constant 0 : i32
      %dma_wait3A_560 = tpu.memref_slice %arg4[%add3A_470, %dma_wait3A_559] : memref<425984x32xf32, #tpu.memory_space<hbm>> -> memref<416x32xf32, #tpu.memory_space<hbm>>
      %dma_wait3A_561 = arith.constant 0 : i32
      %dma_wait3A_562 = arith.constant 0 : i32
      %dma_wait3A_563 = tpu.memref_slice %arg7[%dma_wait3A_561, %dma_wait3A_562] : memref<416x128xf32, #tpu.memory_space<vmem>> -> memref<416x32xf32, #tpu.memory_space<vmem>>
      tpu.wait_dma2 semaphore(%run_scoped3A : memref<!tpu.dma_semaphore, #tpu.memory_space<semaphore_mem>>) src(%dma_wait3A_563 : memref<416x32xf32, #tpu.memory_space<vmem>>) dst(%dma_wait3A_560 : memref<416x32xf32, #tpu.memory_space<hbm>>)
      tpu.yield
    }) : () -> ()
    %add3A_471 = arith.constant 11648 : i32
    %add3A_472 = arith.addi %multiple_of3A, %add3A_471 : i32
    "tpu.region"() ({
      %run_scoped3A = tpu.sem_alloc : memref<!tpu.dma_semaphore, #tpu.memory_space<semaphore_mem>>
      %dma_start3A_544 = tpu.memref_slice %arg3[%add3A_472] : memref<425984xi32, #tpu.memory_space<hbm>> -> memref<416xi32, #tpu.memory_space<hbm>>
      %dma_start3A_545 = tpu.memref_slice %arg3[%add3A_472] : memref<425984xi32, #tpu.memory_space<hbm>> -> memref<416xi32, #tpu.memory_space<hbm>>
      tpu.enqueue_dma source(%dma_start3A_545 : memref<416xi32, #tpu.memory_space<hbm>>) target(%arg5 : memref<416xi32, #tpu.memory_space<vmem>>) target_semaphore(%run_scoped3A : memref<!tpu.dma_semaphore, #tpu.memory_space<semaphore_mem>>)
      %dma_wait3A_546 = tpu.memref_slice %arg3[%add3A_472] : memref<425984xi32, #tpu.memory_space<hbm>> -> memref<416xi32, #tpu.memory_space<hbm>>
      %dma_wait3A_547 = tpu.memref_slice %arg3[%add3A_472] : memref<425984xi32, #tpu.memory_space<hbm>> -> memref<416xi32, #tpu.memory_space<hbm>>
      tpu.wait_dma2 semaphore(%run_scoped3A : memref<!tpu.dma_semaphore, #tpu.memory_space<semaphore_mem>>) src(%dma_wait3A_547 : memref<416xi32, #tpu.memory_space<hbm>>) dst(%arg5 : memref<416xi32, #tpu.memory_space<vmem>>)
      tpu.yield
    }) : () -> ()
    %scan3A_473 = arith.constant 0 : i32
    %scan3A_474 = arith.constant 0 : i32
    %scan3A_475 = arith.constant 26 : i32
    %scan3A_476 = arith.addi %scan3A_474, %scan3A_475 : i32
    %scan3A_477 = arith.constant 1 : i32
    %scan3A_478 = scf.for %scan3A_544 = %scan3A_474 to %scan3A_476 step %scan3A_477 iter_args(%scan3A_545 = %scan3A_473) -> (i32)  : i32 {
      %mul3A_546 = arith.constant 16 : i32
      %mul3A_547 = arith.muli %scan3A_544, %mul3A_546 : i32
      %multiple_of3A_548 = tpu.assume_multiple %mul3A_547, 16 : i32
      %add3A_549 = arith.constant 11648 : i32
      %add3A_550 = arith.addi %multiple_of3A, %add3A_549 : i32
      %add3A_551 = arith.addi %add3A_550, %multiple_of3A_548 : i32
      %iota3A = tpu.iota {dimensions = array<i32: 0>} : vector<16xi32>
      %add3A_552 = vector.broadcast %add3A_551 : i32 to vector<16xi32>
      %add3A_553 = arith.addi %add3A_552, %iota3A : vector<16xi32>
      %shift_right_logical3A = arith.constant 14 : i32
      %shift_right_logical3A_554 = vector.broadcast %shift_right_logical3A : i32 to vector<16xi32>
      %shift_right_logical3A_555 = arith.shrui %add3A_553, %shift_right_logical3A_554 : vector<16xi32>
      %get3A = arith.index_cast %multiple_of3A_548 : i32 to index
      %get3A_556 = tpu.vector_load %arg5[%get3A] {strides = array<i32>} : memref<416xi32, #tpu.memory_space<vmem>>, vector<16xi32>,
      %get3A_557 = vector.shape_cast %get3A_556 : vector<16xi32> to vector<16xi32>
      %mul3A_558 = arith.constant 100000 : i32
      %mul3A_559 = vector.broadcast %mul3A_558 : i32 to vector<16xi32>
      %mul3A_560 = arith.muli %shift_right_logical3A_555, %mul3A_559 : vector<16xi32>
      %add3A_561 = arith.addi %get3A_557, %mul3A_560 : vector<16xi32>
      %swap3A = arith.index_cast %multiple_of3A_548 : i32 to index
      %swap3A_562 = tpu.vector_load %arg5[%swap3A] {strides = array<i32>} : memref<416xi32, #tpu.memory_space<vmem>>, vector<16xi32>,
      %swap3A_563 = vector.shape_cast %swap3A_562 : vector<16xi32> to vector<16xi32>
      %swap3A_564 = vector.shape_cast %add3A_561 : vector<16xi32> to vector<16xi32>
      tpu.vector_store %arg5[%swap3A], %swap3A_564 {strides = array<i32>} : memref<416xi32, #tpu.memory_space<vmem>>, vector<16xi32>,
      %scan3A_565 = arith.constant 0 : i32
      scf.yield %scan3A_565 : i32
    }
    %scan3A_479 = arith.constant 26 : i32
    %dma_start3A_480 = arith.constant 0 : i32
    %dma_start3A_481 = arith.constant 0 : i32
    %dma_start3A_482 = tpu.memref_slice %arg2[%dma_start3A_480, %dma_start3A_481] : memref<2600000x128xf32, #tpu.memory_space<hbm>> -> memref<2600000x128xf32, #tpu.memory_space<hbm>>
    tpu.enqueue_indirect_dma source(%dma_start3A_482 : memref<2600000x128xf32, #tpu.memory_space<hbm>>) target(%arg7 : memref<416x128xf32, #tpu.memory_space<vmem>>) offsets(%arg5 : memref<416xi32, #tpu.memory_space<vmem>>) semaphore(%arg9 : memref<!tpu.dma_semaphore, #tpu.memory_space<semaphore_mem>>)
    %dma_wait3A_483 = arith.constant 0 : i32
    %dma_wait3A_484 = arith.constant 0 : i32
    %dma_wait3A_485 = tpu.memref_slice %arg2[%dma_wait3A_483, %dma_wait3A_484] : memref<2600000x128xf32, #tpu.memory_space<hbm>> -> memref<2600000x128xf32, #tpu.memory_space<hbm>>
    tpu.wait_indirect_dma semaphore(%arg10 : memref<!tpu.dma_semaphore, #tpu.memory_space<semaphore_mem>>) src(%dma_wait3A_485 : memref<2600000x128xf32, #tpu.memory_space<hbm>>) dst(%arg8 : memref<416x128xf32, #tpu.memory_space<vmem>>)
    %add3A_486 = arith.constant 11232 : i32
    %add3A_487 = arith.addi %multiple_of3A, %add3A_486 : i32
    "tpu.region"() ({
      %run_scoped3A = tpu.sem_alloc : memref<!tpu.dma_semaphore, #tpu.memory_space<semaphore_mem>>
      %dma_start3A_544 = arith.constant 0 : i32
      %dma_start3A_545 = arith.constant 0 : i32
      %dma_start3A_546 = tpu.memref_slice %arg8[%dma_start3A_544, %dma_start3A_545] : memref<416x128xf32, #tpu.memory_space<vmem>> -> memref<416x32xf32, #tpu.memory_space<vmem>>
      %dma_start3A_547 = arith.constant 0 : i32
      %dma_start3A_548 = tpu.memref_slice %arg4[%add3A_487, %dma_start3A_547] : memref<425984x32xf32, #tpu.memory_space<hbm>> -> memref<416x32xf32, #tpu.memory_space<hbm>>
      %dma_start3A_549 = arith.constant 0 : i32
      %dma_start3A_550 = tpu.memref_slice %arg4[%add3A_487, %dma_start3A_549] : memref<425984x32xf32, #tpu.memory_space<hbm>> -> memref<416x32xf32, #tpu.memory_space<hbm>>
      %dma_start3A_551 = arith.constant 0 : i32
      %dma_start3A_552 = arith.constant 0 : i32
      %dma_start3A_553 = tpu.memref_slice %arg8[%dma_start3A_551, %dma_start3A_552] : memref<416x128xf32, #tpu.memory_space<vmem>> -> memref<416x32xf32, #tpu.memory_space<vmem>>
      tpu.enqueue_dma source(%dma_start3A_553 : memref<416x32xf32, #tpu.memory_space<vmem>>) target(%dma_start3A_550 : memref<416x32xf32, #tpu.memory_space<hbm>>) target_semaphore(%run_scoped3A : memref<!tpu.dma_semaphore, #tpu.memory_space<semaphore_mem>>)
      %dma_wait3A_554 = arith.constant 0 : i32
      %dma_wait3A_555 = arith.constant 0 : i32
      %dma_wait3A_556 = tpu.memref_slice %arg8[%dma_wait3A_554, %dma_wait3A_555] : memref<416x128xf32, #tpu.memory_space<vmem>> -> memref<416x32xf32, #tpu.memory_space<vmem>>
      %dma_wait3A_557 = arith.constant 0 : i32
      %dma_wait3A_558 = tpu.memref_slice %arg4[%add3A_487, %dma_wait3A_557] : memref<425984x32xf32, #tpu.memory_space<hbm>> -> memref<416x32xf32, #tpu.memory_space<hbm>>
      %dma_wait3A_559 = arith.constant 0 : i32
      %dma_wait3A_560 = tpu.memref_slice %arg4[%add3A_487, %dma_wait3A_559] : memref<425984x32xf32, #tpu.memory_space<hbm>> -> memref<416x32xf32, #tpu.memory_space<hbm>>
      %dma_wait3A_561 = arith.constant 0 : i32
      %dma_wait3A_562 = arith.constant 0 : i32
      %dma_wait3A_563 = tpu.memref_slice %arg8[%dma_wait3A_561, %dma_wait3A_562] : memref<416x128xf32, #tpu.memory_space<vmem>> -> memref<416x32xf32, #tpu.memory_space<vmem>>
      tpu.wait_dma2 semaphore(%run_scoped3A : memref<!tpu.dma_semaphore, #tpu.memory_space<semaphore_mem>>) src(%dma_wait3A_563 : memref<416x32xf32, #tpu.memory_space<vmem>>) dst(%dma_wait3A_560 : memref<416x32xf32, #tpu.memory_space<hbm>>)
      tpu.yield
    }) : () -> ()
    %add3A_488 = arith.constant 12064 : i32
    %add3A_489 = arith.addi %multiple_of3A, %add3A_488 : i32
    "tpu.region"() ({
      %run_scoped3A = tpu.sem_alloc : memref<!tpu.dma_semaphore, #tpu.memory_space<semaphore_mem>>
      %dma_start3A_544 = tpu.memref_slice %arg3[%add3A_489] : memref<425984xi32, #tpu.memory_space<hbm>> -> memref<416xi32, #tpu.memory_space<hbm>>
      %dma_start3A_545 = tpu.memref_slice %arg3[%add3A_489] : memref<425984xi32, #tpu.memory_space<hbm>> -> memref<416xi32, #tpu.memory_space<hbm>>
      tpu.enqueue_dma source(%dma_start3A_545 : memref<416xi32, #tpu.memory_space<hbm>>) target(%arg6 : memref<416xi32, #tpu.memory_space<vmem>>) target_semaphore(%run_scoped3A : memref<!tpu.dma_semaphore, #tpu.memory_space<semaphore_mem>>)
      %dma_wait3A_546 = tpu.memref_slice %arg3[%add3A_489] : memref<425984xi32, #tpu.memory_space<hbm>> -> memref<416xi32, #tpu.memory_space<hbm>>
      %dma_wait3A_547 = tpu.memref_slice %arg3[%add3A_489] : memref<425984xi32, #tpu.memory_space<hbm>> -> memref<416xi32, #tpu.memory_space<hbm>>
      tpu.wait_dma2 semaphore(%run_scoped3A : memref<!tpu.dma_semaphore, #tpu.memory_space<semaphore_mem>>) src(%dma_wait3A_547 : memref<416xi32, #tpu.memory_space<hbm>>) dst(%arg6 : memref<416xi32, #tpu.memory_space<vmem>>)
      tpu.yield
    }) : () -> ()
    %scan3A_490 = arith.constant 0 : i32
    %scan3A_491 = arith.constant 0 : i32
    %scan3A_492 = arith.constant 26 : i32
    %scan3A_493 = arith.addi %scan3A_491, %scan3A_492 : i32
    %scan3A_494 = arith.constant 1 : i32
    %scan3A_495 = scf.for %scan3A_544 = %scan3A_491 to %scan3A_493 step %scan3A_494 iter_args(%scan3A_545 = %scan3A_490) -> (i32)  : i32 {
      %mul3A_546 = arith.constant 16 : i32
      %mul3A_547 = arith.muli %scan3A_544, %mul3A_546 : i32
      %multiple_of3A_548 = tpu.assume_multiple %mul3A_547, 16 : i32
      %add3A_549 = arith.constant 12064 : i32
      %add3A_550 = arith.addi %multiple_of3A, %add3A_549 : i32
      %add3A_551 = arith.addi %add3A_550, %multiple_of3A_548 : i32
      %iota3A = tpu.iota {dimensions = array<i32: 0>} : vector<16xi32>
      %add3A_552 = vector.broadcast %add3A_551 : i32 to vector<16xi32>
      %add3A_553 = arith.addi %add3A_552, %iota3A : vector<16xi32>
      %shift_right_logical3A = arith.constant 14 : i32
      %shift_right_logical3A_554 = vector.broadcast %shift_right_logical3A : i32 to vector<16xi32>
      %shift_right_logical3A_555 = arith.shrui %add3A_553, %shift_right_logical3A_554 : vector<16xi32>
      %get3A = arith.index_cast %multiple_of3A_548 : i32 to index
      %get3A_556 = tpu.vector_load %arg6[%get3A] {strides = array<i32>} : memref<416xi32, #tpu.memory_space<vmem>>, vector<16xi32>,
      %get3A_557 = vector.shape_cast %get3A_556 : vector<16xi32> to vector<16xi32>
      %mul3A_558 = arith.constant 100000 : i32
      %mul3A_559 = vector.broadcast %mul3A_558 : i32 to vector<16xi32>
      %mul3A_560 = arith.muli %shift_right_logical3A_555, %mul3A_559 : vector<16xi32>
      %add3A_561 = arith.addi %get3A_557, %mul3A_560 : vector<16xi32>
      %swap3A = arith.index_cast %multiple_of3A_548 : i32 to index
      %swap3A_562 = tpu.vector_load %arg6[%swap3A] {strides = array<i32>} : memref<416xi32, #tpu.memory_space<vmem>>, vector<16xi32>,
      %swap3A_563 = vector.shape_cast %swap3A_562 : vector<16xi32> to vector<16xi32>
      %swap3A_564 = vector.shape_cast %add3A_561 : vector<16xi32> to vector<16xi32>
      tpu.vector_store %arg6[%swap3A], %swap3A_564 {strides = array<i32>} : memref<416xi32, #tpu.memory_space<vmem>>, vector<16xi32>,
      %scan3A_565 = arith.constant 0 : i32
      scf.yield %scan3A_565 : i32
    }
    %scan3A_496 = arith.constant 26 : i32
    %dma_start3A_497 = arith.constant 0 : i32
    %dma_start3A_498 = arith.constant 0 : i32
    %dma_start3A_499 = tpu.memref_slice %arg2[%dma_start3A_497, %dma_start3A_498] : memref<2600000x128xf32, #tpu.memory_space<hbm>> -> memref<2600000x128xf32, #tpu.memory_space<hbm>>
    tpu.enqueue_indirect_dma source(%dma_start3A_499 : memref<2600000x128xf32, #tpu.memory_space<hbm>>) target(%arg8 : memref<416x128xf32, #tpu.memory_space<vmem>>) offsets(%arg6 : memref<416xi32, #tpu.memory_space<vmem>>) semaphore(%arg10 : memref<!tpu.dma_semaphore, #tpu.memory_space<semaphore_mem>>)
    %dma_wait3A_500 = arith.constant 0 : i32
    %dma_wait3A_501 = arith.constant 0 : i32
    %dma_wait3A_502 = tpu.memref_slice %arg2[%dma_wait3A_500, %dma_wait3A_501] : memref<2600000x128xf32, #tpu.memory_space<hbm>> -> memref<2600000x128xf32, #tpu.memory_space<hbm>>
    tpu.wait_indirect_dma semaphore(%arg9 : memref<!tpu.dma_semaphore, #tpu.memory_space<semaphore_mem>>) src(%dma_wait3A_502 : memref<2600000x128xf32, #tpu.memory_space<hbm>>) dst(%arg7 : memref<416x128xf32, #tpu.memory_space<vmem>>)
    %add3A_503 = arith.constant 11648 : i32
    %add3A_504 = arith.addi %multiple_of3A, %add3A_503 : i32
    "tpu.region"() ({
      %run_scoped3A = tpu.sem_alloc : memref<!tpu.dma_semaphore, #tpu.memory_space<semaphore_mem>>
      %dma_start3A_544 = arith.constant 0 : i32
      %dma_start3A_545 = arith.constant 0 : i32
      %dma_start3A_546 = tpu.memref_slice %arg7[%dma_start3A_544, %dma_start3A_545] : memref<416x128xf32, #tpu.memory_space<vmem>> -> memref<416x32xf32, #tpu.memory_space<vmem>>
      %dma_start3A_547 = arith.constant 0 : i32
      %dma_start3A_548 = tpu.memref_slice %arg4[%add3A_504, %dma_start3A_547] : memref<425984x32xf32, #tpu.memory_space<hbm>> -> memref<416x32xf32, #tpu.memory_space<hbm>>
      %dma_start3A_549 = arith.constant 0 : i32
      %dma_start3A_550 = tpu.memref_slice %arg4[%add3A_504, %dma_start3A_549] : memref<425984x32xf32, #tpu.memory_space<hbm>> -> memref<416x32xf32, #tpu.memory_space<hbm>>
      %dma_start3A_551 = arith.constant 0 : i32
      %dma_start3A_552 = arith.constant 0 : i32
      %dma_start3A_553 = tpu.memref_slice %arg7[%dma_start3A_551, %dma_start3A_552] : memref<416x128xf32, #tpu.memory_space<vmem>> -> memref<416x32xf32, #tpu.memory_space<vmem>>
      tpu.enqueue_dma source(%dma_start3A_553 : memref<416x32xf32, #tpu.memory_space<vmem>>) target(%dma_start3A_550 : memref<416x32xf32, #tpu.memory_space<hbm>>) target_semaphore(%run_scoped3A : memref<!tpu.dma_semaphore, #tpu.memory_space<semaphore_mem>>)
      %dma_wait3A_554 = arith.constant 0 : i32
      %dma_wait3A_555 = arith.constant 0 : i32
      %dma_wait3A_556 = tpu.memref_slice %arg7[%dma_wait3A_554, %dma_wait3A_555] : memref<416x128xf32, #tpu.memory_space<vmem>> -> memref<416x32xf32, #tpu.memory_space<vmem>>
      %dma_wait3A_557 = arith.constant 0 : i32
      %dma_wait3A_558 = tpu.memref_slice %arg4[%add3A_504, %dma_wait3A_557] : memref<425984x32xf32, #tpu.memory_space<hbm>> -> memref<416x32xf32, #tpu.memory_space<hbm>>
      %dma_wait3A_559 = arith.constant 0 : i32
      %dma_wait3A_560 = tpu.memref_slice %arg4[%add3A_504, %dma_wait3A_559] : memref<425984x32xf32, #tpu.memory_space<hbm>> -> memref<416x32xf32, #tpu.memory_space<hbm>>
      %dma_wait3A_561 = arith.constant 0 : i32
      %dma_wait3A_562 = arith.constant 0 : i32
      %dma_wait3A_563 = tpu.memref_slice %arg7[%dma_wait3A_561, %dma_wait3A_562] : memref<416x128xf32, #tpu.memory_space<vmem>> -> memref<416x32xf32, #tpu.memory_space<vmem>>
      tpu.wait_dma2 semaphore(%run_scoped3A : memref<!tpu.dma_semaphore, #tpu.memory_space<semaphore_mem>>) src(%dma_wait3A_563 : memref<416x32xf32, #tpu.memory_space<vmem>>) dst(%dma_wait3A_560 : memref<416x32xf32, #tpu.memory_space<hbm>>)
      tpu.yield
    }) : () -> ()
    %add3A_505 = arith.constant 12480 : i32
    %add3A_506 = arith.addi %multiple_of3A, %add3A_505 : i32
    "tpu.region"() ({
      %run_scoped3A = tpu.sem_alloc : memref<!tpu.dma_semaphore, #tpu.memory_space<semaphore_mem>>
      %dma_start3A_544 = tpu.memref_slice %arg3[%add3A_506] : memref<425984xi32, #tpu.memory_space<hbm>> -> memref<416xi32, #tpu.memory_space<hbm>>
      %dma_start3A_545 = tpu.memref_slice %arg3[%add3A_506] : memref<425984xi32, #tpu.memory_space<hbm>> -> memref<416xi32, #tpu.memory_space<hbm>>
      tpu.enqueue_dma source(%dma_start3A_545 : memref<416xi32, #tpu.memory_space<hbm>>) target(%arg5 : memref<416xi32, #tpu.memory_space<vmem>>) target_semaphore(%run_scoped3A : memref<!tpu.dma_semaphore, #tpu.memory_space<semaphore_mem>>)
      %dma_wait3A_546 = tpu.memref_slice %arg3[%add3A_506] : memref<425984xi32, #tpu.memory_space<hbm>> -> memref<416xi32, #tpu.memory_space<hbm>>
      %dma_wait3A_547 = tpu.memref_slice %arg3[%add3A_506] : memref<425984xi32, #tpu.memory_space<hbm>> -> memref<416xi32, #tpu.memory_space<hbm>>
      tpu.wait_dma2 semaphore(%run_scoped3A : memref<!tpu.dma_semaphore, #tpu.memory_space<semaphore_mem>>) src(%dma_wait3A_547 : memref<416xi32, #tpu.memory_space<hbm>>) dst(%arg5 : memref<416xi32, #tpu.memory_space<vmem>>)
      tpu.yield
    }) : () -> ()
    %scan3A_507 = arith.constant 0 : i32
    %scan3A_508 = arith.constant 0 : i32
    %scan3A_509 = arith.constant 26 : i32
    %scan3A_510 = arith.addi %scan3A_508, %scan3A_509 : i32
    %scan3A_511 = arith.constant 1 : i32
    %scan3A_512 = scf.for %scan3A_544 = %scan3A_508 to %scan3A_510 step %scan3A_511 iter_args(%scan3A_545 = %scan3A_507) -> (i32)  : i32 {
      %mul3A_546 = arith.constant 16 : i32
      %mul3A_547 = arith.muli %scan3A_544, %mul3A_546 : i32
      %multiple_of3A_548 = tpu.assume_multiple %mul3A_547, 16 : i32
      %add3A_549 = arith.constant 12480 : i32
      %add3A_550 = arith.addi %multiple_of3A, %add3A_549 : i32
      %add3A_551 = arith.addi %add3A_550, %multiple_of3A_548 : i32
      %iota3A = tpu.iota {dimensions = array<i32: 0>} : vector<16xi32>
      %add3A_552 = vector.broadcast %add3A_551 : i32 to vector<16xi32>
      %add3A_553 = arith.addi %add3A_552, %iota3A : vector<16xi32>
      %shift_right_logical3A = arith.constant 14 : i32
      %shift_right_logical3A_554 = vector.broadcast %shift_right_logical3A : i32 to vector<16xi32>
      %shift_right_logical3A_555 = arith.shrui %add3A_553, %shift_right_logical3A_554 : vector<16xi32>
      %get3A = arith.index_cast %multiple_of3A_548 : i32 to index
      %get3A_556 = tpu.vector_load %arg5[%get3A] {strides = array<i32>} : memref<416xi32, #tpu.memory_space<vmem>>, vector<16xi32>,
      %get3A_557 = vector.shape_cast %get3A_556 : vector<16xi32> to vector<16xi32>
      %mul3A_558 = arith.constant 100000 : i32
      %mul3A_559 = vector.broadcast %mul3A_558 : i32 to vector<16xi32>
      %mul3A_560 = arith.muli %shift_right_logical3A_555, %mul3A_559 : vector<16xi32>
      %add3A_561 = arith.addi %get3A_557, %mul3A_560 : vector<16xi32>
      %swap3A = arith.index_cast %multiple_of3A_548 : i32 to index
      %swap3A_562 = tpu.vector_load %arg5[%swap3A] {strides = array<i32>} : memref<416xi32, #tpu.memory_space<vmem>>, vector<16xi32>,
      %swap3A_563 = vector.shape_cast %swap3A_562 : vector<16xi32> to vector<16xi32>
      %swap3A_564 = vector.shape_cast %add3A_561 : vector<16xi32> to vector<16xi32>
      tpu.vector_store %arg5[%swap3A], %swap3A_564 {strides = array<i32>} : memref<416xi32, #tpu.memory_space<vmem>>, vector<16xi32>,
      %scan3A_565 = arith.constant 0 : i32
      scf.yield %scan3A_565 : i32
    }
    %scan3A_513 = arith.constant 26 : i32
    %dma_start3A_514 = arith.constant 0 : i32
    %dma_start3A_515 = arith.constant 0 : i32
    %dma_start3A_516 = tpu.memref_slice %arg2[%dma_start3A_514, %dma_start3A_515] : memref<2600000x128xf32, #tpu.memory_space<hbm>> -> memref<2600000x128xf32, #tpu.memory_space<hbm>>
    tpu.enqueue_indirect_dma source(%dma_start3A_516 : memref<2600000x128xf32, #tpu.memory_space<hbm>>) target(%arg7 : memref<416x128xf32, #tpu.memory_space<vmem>>) offsets(%arg5 : memref<416xi32, #tpu.memory_space<vmem>>) semaphore(%arg9 : memref<!tpu.dma_semaphore, #tpu.memory_space<semaphore_mem>>)
    %dma_wait3A_517 = arith.constant 0 : i32
    %dma_wait3A_518 = arith.constant 0 : i32
    %dma_wait3A_519 = tpu.memref_slice %arg2[%dma_wait3A_517, %dma_wait3A_518] : memref<2600000x128xf32, #tpu.memory_space<hbm>> -> memref<2600000x128xf32, #tpu.memory_space<hbm>>
    tpu.wait_indirect_dma semaphore(%arg10 : memref<!tpu.dma_semaphore, #tpu.memory_space<semaphore_mem>>) src(%dma_wait3A_519 : memref<2600000x128xf32, #tpu.memory_space<hbm>>) dst(%arg8 : memref<416x128xf32, #tpu.memory_space<vmem>>)
    %add3A_520 = arith.constant 12064 : i32
    %add3A_521 = arith.addi %multiple_of3A, %add3A_520 : i32
    "tpu.region"() ({
      %run_scoped3A = tpu.sem_alloc : memref<!tpu.dma_semaphore, #tpu.memory_space<semaphore_mem>>
      %dma_start3A_544 = arith.constant 0 : i32
      %dma_start3A_545 = arith.constant 0 : i32
      %dma_start3A_546 = tpu.memref_slice %arg8[%dma_start3A_544, %dma_start3A_545] : memref<416x128xf32, #tpu.memory_space<vmem>> -> memref<416x32xf32, #tpu.memory_space<vmem>>
      %dma_start3A_547 = arith.constant 0 : i32
      %dma_start3A_548 = tpu.memref_slice %arg4[%add3A_521, %dma_start3A_547] : memref<425984x32xf32, #tpu.memory_space<hbm>> -> memref<416x32xf32, #tpu.memory_space<hbm>>
      %dma_start3A_549 = arith.constant 0 : i32
      %dma_start3A_550 = tpu.memref_slice %arg4[%add3A_521, %dma_start3A_549] : memref<425984x32xf32, #tpu.memory_space<hbm>> -> memref<416x32xf32, #tpu.memory_space<hbm>>
      %dma_start3A_551 = arith.constant 0 : i32
      %dma_start3A_552 = arith.constant 0 : i32
      %dma_start3A_553 = tpu.memref_slice %arg8[%dma_start3A_551, %dma_start3A_552] : memref<416x128xf32, #tpu.memory_space<vmem>> -> memref<416x32xf32, #tpu.memory_space<vmem>>
      tpu.enqueue_dma source(%dma_start3A_553 : memref<416x32xf32, #tpu.memory_space<vmem>>) target(%dma_start3A_550 : memref<416x32xf32, #tpu.memory_space<hbm>>) target_semaphore(%run_scoped3A : memref<!tpu.dma_semaphore, #tpu.memory_space<semaphore_mem>>)
      %dma_wait3A_554 = arith.constant 0 : i32
      %dma_wait3A_555 = arith.constant 0 : i32
      %dma_wait3A_556 = tpu.memref_slice %arg8[%dma_wait3A_554, %dma_wait3A_555] : memref<416x128xf32, #tpu.memory_space<vmem>> -> memref<416x32xf32, #tpu.memory_space<vmem>>
      %dma_wait3A_557 = arith.constant 0 : i32
      %dma_wait3A_558 = tpu.memref_slice %arg4[%add3A_521, %dma_wait3A_557] : memref<425984x32xf32, #tpu.memory_space<hbm>> -> memref<416x32xf32, #tpu.memory_space<hbm>>
      %dma_wait3A_559 = arith.constant 0 : i32
      %dma_wait3A_560 = tpu.memref_slice %arg4[%add3A_521, %dma_wait3A_559] : memref<425984x32xf32, #tpu.memory_space<hbm>> -> memref<416x32xf32, #tpu.memory_space<hbm>>
      %dma_wait3A_561 = arith.constant 0 : i32
      %dma_wait3A_562 = arith.constant 0 : i32
      %dma_wait3A_563 = tpu.memref_slice %arg8[%dma_wait3A_561, %dma_wait3A_562] : memref<416x128xf32, #tpu.memory_space<vmem>> -> memref<416x32xf32, #tpu.memory_space<vmem>>
      tpu.wait_dma2 semaphore(%run_scoped3A : memref<!tpu.dma_semaphore, #tpu.memory_space<semaphore_mem>>) src(%dma_wait3A_563 : memref<416x32xf32, #tpu.memory_space<vmem>>) dst(%dma_wait3A_560 : memref<416x32xf32, #tpu.memory_space<hbm>>)
      tpu.yield
    }) : () -> ()
    %add3A_522 = arith.constant 12896 : i32
    %add3A_523 = arith.addi %multiple_of3A, %add3A_522 : i32
    "tpu.region"() ({
      %run_scoped3A = tpu.sem_alloc : memref<!tpu.dma_semaphore, #tpu.memory_space<semaphore_mem>>
      %dma_start3A_544 = tpu.memref_slice %arg3[%add3A_523] : memref<425984xi32, #tpu.memory_space<hbm>> -> memref<416xi32, #tpu.memory_space<hbm>>
      %dma_start3A_545 = tpu.memref_slice %arg3[%add3A_523] : memref<425984xi32, #tpu.memory_space<hbm>> -> memref<416xi32, #tpu.memory_space<hbm>>
      tpu.enqueue_dma source(%dma_start3A_545 : memref<416xi32, #tpu.memory_space<hbm>>) target(%arg6 : memref<416xi32, #tpu.memory_space<vmem>>) target_semaphore(%run_scoped3A : memref<!tpu.dma_semaphore, #tpu.memory_space<semaphore_mem>>)
      %dma_wait3A_546 = tpu.memref_slice %arg3[%add3A_523] : memref<425984xi32, #tpu.memory_space<hbm>> -> memref<416xi32, #tpu.memory_space<hbm>>
      %dma_wait3A_547 = tpu.memref_slice %arg3[%add3A_523] : memref<425984xi32, #tpu.memory_space<hbm>> -> memref<416xi32, #tpu.memory_space<hbm>>
      tpu.wait_dma2 semaphore(%run_scoped3A : memref<!tpu.dma_semaphore, #tpu.memory_space<semaphore_mem>>) src(%dma_wait3A_547 : memref<416xi32, #tpu.memory_space<hbm>>) dst(%arg6 : memref<416xi32, #tpu.memory_space<vmem>>)
      tpu.yield
    }) : () -> ()
    %scan3A_524 = arith.constant 0 : i32
    %scan3A_525 = arith.constant 0 : i32
    %scan3A_526 = arith.constant 26 : i32
    %scan3A_527 = arith.addi %scan3A_525, %scan3A_526 : i32
    %scan3A_528 = arith.constant 1 : i32
    %scan3A_529 = scf.for %scan3A_544 = %scan3A_525 to %scan3A_527 step %scan3A_528 iter_args(%scan3A_545 = %scan3A_524) -> (i32)  : i32 {
      %mul3A_546 = arith.constant 16 : i32
      %mul3A_547 = arith.muli %scan3A_544, %mul3A_546 : i32
      %multiple_of3A_548 = tpu.assume_multiple %mul3A_547, 16 : i32
      %add3A_549 = arith.constant 12896 : i32
      %add3A_550 = arith.addi %multiple_of3A, %add3A_549 : i32
      %add3A_551 = arith.addi %add3A_550, %multiple_of3A_548 : i32
      %iota3A = tpu.iota {dimensions = array<i32: 0>} : vector<16xi32>
      %add3A_552 = vector.broadcast %add3A_551 : i32 to vector<16xi32>
      %add3A_553 = arith.addi %add3A_552, %iota3A : vector<16xi32>
      %shift_right_logical3A = arith.constant 14 : i32
      %shift_right_logical3A_554 = vector.broadcast %shift_right_logical3A : i32 to vector<16xi32>
      %shift_right_logical3A_555 = arith.shrui %add3A_553, %shift_right_logical3A_554 : vector<16xi32>
      %get3A = arith.index_cast %multiple_of3A_548 : i32 to index
      %get3A_556 = tpu.vector_load %arg6[%get3A] {strides = array<i32>} : memref<416xi32, #tpu.memory_space<vmem>>, vector<16xi32>,
      %get3A_557 = vector.shape_cast %get3A_556 : vector<16xi32> to vector<16xi32>
      %mul3A_558 = arith.constant 100000 : i32
      %mul3A_559 = vector.broadcast %mul3A_558 : i32 to vector<16xi32>
      %mul3A_560 = arith.muli %shift_right_logical3A_555, %mul3A_559 : vector<16xi32>
      %add3A_561 = arith.addi %get3A_557, %mul3A_560 : vector<16xi32>
      %swap3A = arith.index_cast %multiple_of3A_548 : i32 to index
      %swap3A_562 = tpu.vector_load %arg6[%swap3A] {strides = array<i32>} : memref<416xi32, #tpu.memory_space<vmem>>, vector<16xi32>,
      %swap3A_563 = vector.shape_cast %swap3A_562 : vector<16xi32> to vector<16xi32>
      %swap3A_564 = vector.shape_cast %add3A_561 : vector<16xi32> to vector<16xi32>
      tpu.vector_store %arg6[%swap3A], %swap3A_564 {strides = array<i32>} : memref<416xi32, #tpu.memory_space<vmem>>, vector<16xi32>,
      %scan3A_565 = arith.constant 0 : i32
      scf.yield %scan3A_565 : i32
    }
    %scan3A_530 = arith.constant 26 : i32
    %dma_start3A_531 = arith.constant 0 : i32
    %dma_start3A_532 = arith.constant 0 : i32
    %dma_start3A_533 = tpu.memref_slice %arg2[%dma_start3A_531, %dma_start3A_532] : memref<2600000x128xf32, #tpu.memory_space<hbm>> -> memref<2600000x128xf32, #tpu.memory_space<hbm>>
    tpu.enqueue_indirect_dma source(%dma_start3A_533 : memref<2600000x128xf32, #tpu.memory_space<hbm>>) target(%arg8 : memref<416x128xf32, #tpu.memory_space<vmem>>) offsets(%arg6 : memref<416xi32, #tpu.memory_space<vmem>>) semaphore(%arg10 : memref<!tpu.dma_semaphore, #tpu.memory_space<semaphore_mem>>)
    %dma_wait3A_534 = arith.constant 0 : i32
    %dma_wait3A_535 = arith.constant 0 : i32
    %dma_wait3A_536 = tpu.memref_slice %arg2[%dma_wait3A_534, %dma_wait3A_535] : memref<2600000x128xf32, #tpu.memory_space<hbm>> -> memref<2600000x128xf32, #tpu.memory_space<hbm>>
    tpu.wait_indirect_dma semaphore(%arg9 : memref<!tpu.dma_semaphore, #tpu.memory_space<semaphore_mem>>) src(%dma_wait3A_536 : memref<2600000x128xf32, #tpu.memory_space<hbm>>) dst(%arg7 : memref<416x128xf32, #tpu.memory_space<vmem>>)
    %add3A_537 = arith.constant 12480 : i32
    %add3A_538 = arith.addi %multiple_of3A, %add3A_537 : i32
    "tpu.region"() ({
      %run_scoped3A = tpu.sem_alloc : memref<!tpu.dma_semaphore, #tpu.memory_space<semaphore_mem>>
      %dma_start3A_544 = arith.constant 0 : i32
      %dma_start3A_545 = arith.constant 0 : i32
      %dma_start3A_546 = tpu.memref_slice %arg7[%dma_start3A_544, %dma_start3A_545] : memref<416x128xf32, #tpu.memory_space<vmem>> -> memref<416x32xf32, #tpu.memory_space<vmem>>
      %dma_start3A_547 = arith.constant 0 : i32
      %dma_start3A_548 = tpu.memref_slice %arg4[%add3A_538, %dma_start3A_547] : memref<425984x32xf32, #tpu.memory_space<hbm>> -> memref<416x32xf32, #tpu.memory_space<hbm>>
      %dma_start3A_549 = arith.constant 0 : i32
      %dma_start3A_550 = tpu.memref_slice %arg4[%add3A_538, %dma_start3A_549] : memref<425984x32xf32, #tpu.memory_space<hbm>> -> memref<416x32xf32, #tpu.memory_space<hbm>>
      %dma_start3A_551 = arith.constant 0 : i32
      %dma_start3A_552 = arith.constant 0 : i32
      %dma_start3A_553 = tpu.memref_slice %arg7[%dma_start3A_551, %dma_start3A_552] : memref<416x128xf32, #tpu.memory_space<vmem>> -> memref<416x32xf32, #tpu.memory_space<vmem>>
      tpu.enqueue_dma source(%dma_start3A_553 : memref<416x32xf32, #tpu.memory_space<vmem>>) target(%dma_start3A_550 : memref<416x32xf32, #tpu.memory_space<hbm>>) target_semaphore(%run_scoped3A : memref<!tpu.dma_semaphore, #tpu.memory_space<semaphore_mem>>)
      %dma_wait3A_554 = arith.constant 0 : i32
      %dma_wait3A_555 = arith.constant 0 : i32
      %dma_wait3A_556 = tpu.memref_slice %arg7[%dma_wait3A_554, %dma_wait3A_555] : memref<416x128xf32, #tpu.memory_space<vmem>> -> memref<416x32xf32, #tpu.memory_space<vmem>>
      %dma_wait3A_557 = arith.constant 0 : i32
      %dma_wait3A_558 = tpu.memref_slice %arg4[%add3A_538, %dma_wait3A_557] : memref<425984x32xf32, #tpu.memory_space<hbm>> -> memref<416x32xf32, #tpu.memory_space<hbm>>
      %dma_wait3A_559 = arith.constant 0 : i32
      %dma_wait3A_560 = tpu.memref_slice %arg4[%add3A_538, %dma_wait3A_559] : memref<425984x32xf32, #tpu.memory_space<hbm>> -> memref<416x32xf32, #tpu.memory_space<hbm>>
      %dma_wait3A_561 = arith.constant 0 : i32
      %dma_wait3A_562 = arith.constant 0 : i32
      %dma_wait3A_563 = tpu.memref_slice %arg7[%dma_wait3A_561, %dma_wait3A_562] : memref<416x128xf32, #tpu.memory_space<vmem>> -> memref<416x32xf32, #tpu.memory_space<vmem>>
      tpu.wait_dma2 semaphore(%run_scoped3A : memref<!tpu.dma_semaphore, #tpu.memory_space<semaphore_mem>>) src(%dma_wait3A_563 : memref<416x32xf32, #tpu.memory_space<vmem>>) dst(%dma_wait3A_560 : memref<416x32xf32, #tpu.memory_space<hbm>>)
      tpu.yield
    }) : () -> ()
    %dma_wait3A_539 = arith.constant 0 : i32
    %dma_wait3A_540 = arith.constant 0 : i32
    %dma_wait3A_541 = tpu.memref_slice %arg2[%dma_wait3A_539, %dma_wait3A_540] : memref<2600000x128xf32, #tpu.memory_space<hbm>> -> memref<2600000x128xf32, #tpu.memory_space<hbm>>
    tpu.wait_indirect_dma semaphore(%arg10 : memref<!tpu.dma_semaphore, #tpu.memory_space<semaphore_mem>>) src(%dma_wait3A_541 : memref<2600000x128xf32, #tpu.memory_space<hbm>>) dst(%arg8 : memref<416x128xf32, #tpu.memory_space<vmem>>)
    %add3A_542 = arith.constant 12896 : i32
    %add3A_543 = arith.addi %multiple_of3A, %add3A_542 : i32
    "tpu.region"() ({
      %run_scoped3A = tpu.sem_alloc : memref<!tpu.dma_semaphore, #tpu.memory_space<semaphore_mem>>
      %dma_start3A_544 = arith.constant 0 : i32
      %dma_start3A_545 = arith.constant 0 : i32
      %dma_start3A_546 = tpu.memref_slice %arg8[%dma_start3A_544, %dma_start3A_545] : memref<416x128xf32, #tpu.memory_space<vmem>> -> memref<416x32xf32, #tpu.memory_space<vmem>>
      %dma_start3A_547 = arith.constant 0 : i32
      %dma_start3A_548 = tpu.memref_slice %arg4[%add3A_543, %dma_start3A_547] : memref<425984x32xf32, #tpu.memory_space<hbm>> -> memref<416x32xf32, #tpu.memory_space<hbm>>
      %dma_start3A_549 = arith.constant 0 : i32
      %dma_start3A_550 = tpu.memref_slice %arg4[%add3A_543, %dma_start3A_549] : memref<425984x32xf32, #tpu.memory_space<hbm>> -> memref<416x32xf32, #tpu.memory_space<hbm>>
      %dma_start3A_551 = arith.constant 0 : i32
      %dma_start3A_552 = arith.constant 0 : i32
      %dma_start3A_553 = tpu.memref_slice %arg8[%dma_start3A_551, %dma_start3A_552] : memref<416x128xf32, #tpu.memory_space<vmem>> -> memref<416x32xf32, #tpu.memory_space<vmem>>
      tpu.enqueue_dma source(%dma_start3A_553 : memref<416x32xf32, #tpu.memory_space<vmem>>) target(%dma_start3A_550 : memref<416x32xf32, #tpu.memory_space<hbm>>) target_semaphore(%run_scoped3A : memref<!tpu.dma_semaphore, #tpu.memory_space<semaphore_mem>>)
      %dma_wait3A_554 = arith.constant 0 : i32
      %dma_wait3A_555 = arith.constant 0 : i32
      %dma_wait3A_556 = tpu.memref_slice %arg8[%dma_wait3A_554, %dma_wait3A_555] : memref<416x128xf32, #tpu.memory_space<vmem>> -> memref<416x32xf32, #tpu.memory_space<vmem>>
      %dma_wait3A_557 = arith.constant 0 : i32
      %dma_wait3A_558 = tpu.memref_slice %arg4[%add3A_543, %dma_wait3A_557] : memref<425984x32xf32, #tpu.memory_space<hbm>> -> memref<416x32xf32, #tpu.memory_space<hbm>>
      %dma_wait3A_559 = arith.constant 0 : i32
      %dma_wait3A_560 = tpu.memref_slice %arg4[%add3A_543, %dma_wait3A_559] : memref<425984x32xf32, #tpu.memory_space<hbm>> -> memref<416x32xf32, #tpu.memory_space<hbm>>
      %dma_wait3A_561 = arith.constant 0 : i32
      %dma_wait3A_562 = arith.constant 0 : i32
      %dma_wait3A_563 = tpu.memref_slice %arg8[%dma_wait3A_561, %dma_wait3A_562] : memref<416x128xf32, #tpu.memory_space<vmem>> -> memref<416x32xf32, #tpu.memory_space<vmem>>
      tpu.wait_dma2 semaphore(%run_scoped3A : memref<!tpu.dma_semaphore, #tpu.memory_space<semaphore_mem>>) src(%dma_wait3A_563 : memref<416x32xf32, #tpu.memory_space<vmem>>) dst(%dma_wait3A_560 : memref<416x32xf32, #tpu.memory_space<hbm>>)
      tpu.yield
    }) : () -> ()
    return
  }
}

module attributes {stable_mosaic.version = 14 : i64} {
  func.func @_transpose_body(%arg0: i32, %arg1: i32, %arg2: memref<1x32x4096xf32, #tpu.memory_space<vmem>>, %arg3: memref<1x4096x128xf32, #tpu.memory_space<vmem>>) attributes {dimension_semantics = [#tpu.dimension_semantics<arbitrary>, #tpu.dimension_semantics<arbitrary>], iteration_bounds = array<i64: 26, 25>, scalar_prefetch = 0 : i64, scratch_operands = 0 : i64, tpu.core_type = #tpu.core_type<tc>, window_params = [{transform_indices = @transform_0, window_bounds = array<i64: 1, 32, 4096>}, {transform_indices = @transform_1, window_bounds = array<i64: 1, 4096, 128>}]} {
    %get3A = arith.constant 0 : index
    %get3A_0 = arith.constant 0 : index
    %get3A_1 = arith.constant 0 : index
    %get3A_2 = vector.load %arg2[%get3A, %get3A_0, %get3A_1] : memref<1x32x4096xf32, #tpu.memory_space<vmem>>, vector<1x32x4096xf32>
    %get3A_3 = vector.shape_cast %get3A_2 : vector<1x32x4096xf32> to vector<32x4096xf32>
    %transpose3A = tpu.transpose %get3A_3, [1, 0] : vector<32x4096xf32> -> vector<4096x32xf32>
    %swap3A = arith.constant 0 : index
    %swap3A_4 = arith.constant 0 : index
    %swap3A_5 = arith.constant 0 : index
    %swap3A_6 = vector.load %arg3[%swap3A, %swap3A_4, %swap3A_5] : memref<1x4096x128xf32, #tpu.memory_space<vmem>>, vector<1x4096x32xf32>
    %swap3A_7 = vector.shape_cast %swap3A_6 : vector<1x4096x32xf32> to vector<4096x32xf32>
    %swap3A_8 = vector.shape_cast %transpose3A : vector<4096x32xf32> to vector<1x4096x32xf32>
    tpu.vector_store %arg3[%swap3A, %swap3A_4, %swap3A_5], %swap3A_8 {strides = array<i32>} : memref<1x4096x128xf32, #tpu.memory_space<vmem>>, vector<1x4096x32xf32>,
    return
  }
  func.func @transform_0(%arg0: i32, %arg1: i32) -> (i32, i32, i32) {
    %c0_i32 = arith.constant 0 : i32
    %c0_i32_0 = arith.constant 0 : i32
    return %arg0, %c0_i32, %arg1 : i32, i32, i32
  }
  func.func @transform_1(%arg0: i32, %arg1: i32) -> (i32, i32, i32) {
    %c0_i32 = arith.constant 0 : i32
    %c0_i32_0 = arith.constant 0 : i32
    return %arg0, %arg1, %c0_i32 : i32, i32, i32
  }
}

module attributes {stable_mosaic.version = 14 : i64} {
  func.func @_mlp_body(%arg0: i32, %arg1: memref<26x512x128xf32, #tpu.memory_space<vmem>>, %arg2: memref<26x128x128xf32, #tpu.memory_space<vmem>>, %arg3: memref<1x128xf32, #tpu.memory_space<vmem>>, %arg4: memref<128x128xf32, #tpu.memory_space<vmem>>, %arg5: memref<1x128xf32, #tpu.memory_space<vmem>>, %arg6: memref<512x128xf32, #tpu.memory_space<vmem>>) attributes {dimension_semantics = [#tpu.dimension_semantics<arbitrary>], iteration_bounds = array<i64: 8>, scalar_prefetch = 0 : i64, scratch_operands = 0 : i64, tpu.core_type = #tpu.core_type<tc>, window_params = [{transform_indices = @transform_0, window_bounds = array<i64: 26, 512, 128>}, {pipeline_mode = #tpu.pipeline_mode<synchronous>, transform_indices = @transform_1, window_bounds = array<i64: 26, 128, 128>}, {pipeline_mode = #tpu.pipeline_mode<synchronous>, transform_indices = @transform_2, window_bounds = array<i64: 1, 128>}, {pipeline_mode = #tpu.pipeline_mode<synchronous>, transform_indices = @transform_3, window_bounds = array<i64: 128, 128>}, {pipeline_mode = #tpu.pipeline_mode<synchronous>, transform_indices = @transform_4, window_bounds = array<i64: 1, 128>}, {transform_indices = @transform_5, window_bounds = array<i64: 512, 128>}]} {
    %broadcast_in_dim3A = arith.constant 0.000000e+00 : f32
    %broadcast_in_dim3A_0 = vector.broadcast %broadcast_in_dim3A : f32 to vector<512x128xf32>
    %get3A = arith.constant 0 : index
    %get3A_1 = arith.constant 0 : index
    %get3A_2 = arith.constant 0 : index
    %get3A_3 = vector.load %arg1[%get3A, %get3A_1, %get3A_2] : memref<26x512x128xf32, #tpu.memory_space<vmem>>, vector<1x512x128xf32>
    %get3A_4 = vector.shape_cast %get3A_3 : vector<1x512x128xf32> to vector<512x128xf32>
    %get3A_5 = arith.constant 0 : index
    %get3A_6 = arith.constant 0 : index
    %get3A_7 = arith.constant 0 : index
    %get3A_8 = vector.load %arg2[%get3A_5, %get3A_6, %get3A_7] : memref<26x128x128xf32, #tpu.memory_space<vmem>>, vector<1x128x128xf32>
    %get3A_9 = vector.shape_cast %get3A_8 : vector<1x128x128xf32> to vector<128x128xf32>
    %dot_general3A = arith.constant dense<0.000000e+00> : vector<512x128xf32>
    %dot_general3A_10 = tpu.matmul %get3A_4, %get3A_9, %dot_general3A {dimension_numbers = #tpu.dot_dimension_numbers<[1], [0], [0], [1], [0, 0, 1, 1], [], []>, transpose_lhs_hint = false} : vector<512x128xf32>, vector<128x128xf32>, vector<512x128xf32> -> vector<512x128xf32>
    %add3A = arith.addf %broadcast_in_dim3A_0, %dot_general3A_10 : vector<512x128xf32>
    %get3A_11 = arith.constant 1 : index
    %get3A_12 = arith.constant 0 : index
    %get3A_13 = arith.constant 0 : index
    %get3A_14 = vector.load %arg1[%get3A_11, %get3A_12, %get3A_13] : memref<26x512x128xf32, #tpu.memory_space<vmem>>, vector<1x512x128xf32>
    %get3A_15 = vector.shape_cast %get3A_14 : vector<1x512x128xf32> to vector<512x128xf32>
    %get3A_16 = arith.constant 1 : index
    %get3A_17 = arith.constant 0 : index
    %get3A_18 = arith.constant 0 : index
    %get3A_19 = vector.load %arg2[%get3A_16, %get3A_17, %get3A_18] : memref<26x128x128xf32, #tpu.memory_space<vmem>>, vector<1x128x128xf32>
    %get3A_20 = vector.shape_cast %get3A_19 : vector<1x128x128xf32> to vector<128x128xf32>
    %dot_general3A_21 = arith.constant dense<0.000000e+00> : vector<512x128xf32>
    %dot_general3A_22 = tpu.matmul %get3A_15, %get3A_20, %dot_general3A_21 {dimension_numbers = #tpu.dot_dimension_numbers<[1], [0], [0], [1], [0, 0, 1, 1], [], []>, transpose_lhs_hint = false} : vector<512x128xf32>, vector<128x128xf32>, vector<512x128xf32> -> vector<512x128xf32>
    %add3A_23 = arith.addf %add3A, %dot_general3A_22 : vector<512x128xf32>
    %get3A_24 = arith.constant 2 : index
    %get3A_25 = arith.constant 0 : index
    %get3A_26 = arith.constant 0 : index
    %get3A_27 = vector.load %arg1[%get3A_24, %get3A_25, %get3A_26] : memref<26x512x128xf32, #tpu.memory_space<vmem>>, vector<1x512x128xf32>
    %get3A_28 = vector.shape_cast %get3A_27 : vector<1x512x128xf32> to vector<512x128xf32>
    %get3A_29 = arith.constant 2 : index
    %get3A_30 = arith.constant 0 : index
    %get3A_31 = arith.constant 0 : index
    %get3A_32 = vector.load %arg2[%get3A_29, %get3A_30, %get3A_31] : memref<26x128x128xf32, #tpu.memory_space<vmem>>, vector<1x128x128xf32>
    %get3A_33 = vector.shape_cast %get3A_32 : vector<1x128x128xf32> to vector<128x128xf32>
    %dot_general3A_34 = arith.constant dense<0.000000e+00> : vector<512x128xf32>
    %dot_general3A_35 = tpu.matmul %get3A_28, %get3A_33, %dot_general3A_34 {dimension_numbers = #tpu.dot_dimension_numbers<[1], [0], [0], [1], [0, 0, 1, 1], [], []>, transpose_lhs_hint = false} : vector<512x128xf32>, vector<128x128xf32>, vector<512x128xf32> -> vector<512x128xf32>
    %add3A_36 = arith.addf %add3A_23, %dot_general3A_35 : vector<512x128xf32>
    %get3A_37 = arith.constant 3 : index
    %get3A_38 = arith.constant 0 : index
    %get3A_39 = arith.constant 0 : index
    %get3A_40 = vector.load %arg1[%get3A_37, %get3A_38, %get3A_39] : memref<26x512x128xf32, #tpu.memory_space<vmem>>, vector<1x512x128xf32>
    %get3A_41 = vector.shape_cast %get3A_40 : vector<1x512x128xf32> to vector<512x128xf32>
    %get3A_42 = arith.constant 3 : index
    %get3A_43 = arith.constant 0 : index
    %get3A_44 = arith.constant 0 : index
    %get3A_45 = vector.load %arg2[%get3A_42, %get3A_43, %get3A_44] : memref<26x128x128xf32, #tpu.memory_space<vmem>>, vector<1x128x128xf32>
    %get3A_46 = vector.shape_cast %get3A_45 : vector<1x128x128xf32> to vector<128x128xf32>
    %dot_general3A_47 = arith.constant dense<0.000000e+00> : vector<512x128xf32>
    %dot_general3A_48 = tpu.matmul %get3A_41, %get3A_46, %dot_general3A_47 {dimension_numbers = #tpu.dot_dimension_numbers<[1], [0], [0], [1], [0, 0, 1, 1], [], []>, transpose_lhs_hint = false} : vector<512x128xf32>, vector<128x128xf32>, vector<512x128xf32> -> vector<512x128xf32>
    %add3A_49 = arith.addf %add3A_36, %dot_general3A_48 : vector<512x128xf32>
    %get3A_50 = arith.constant 4 : index
    %get3A_51 = arith.constant 0 : index
    %get3A_52 = arith.constant 0 : index
    %get3A_53 = vector.load %arg1[%get3A_50, %get3A_51, %get3A_52] : memref<26x512x128xf32, #tpu.memory_space<vmem>>, vector<1x512x128xf32>
    %get3A_54 = vector.shape_cast %get3A_53 : vector<1x512x128xf32> to vector<512x128xf32>
    %get3A_55 = arith.constant 4 : index
    %get3A_56 = arith.constant 0 : index
    %get3A_57 = arith.constant 0 : index
    %get3A_58 = vector.load %arg2[%get3A_55, %get3A_56, %get3A_57] : memref<26x128x128xf32, #tpu.memory_space<vmem>>, vector<1x128x128xf32>
    %get3A_59 = vector.shape_cast %get3A_58 : vector<1x128x128xf32> to vector<128x128xf32>
    %dot_general3A_60 = arith.constant dense<0.000000e+00> : vector<512x128xf32>
    %dot_general3A_61 = tpu.matmul %get3A_54, %get3A_59, %dot_general3A_60 {dimension_numbers = #tpu.dot_dimension_numbers<[1], [0], [0], [1], [0, 0, 1, 1], [], []>, transpose_lhs_hint = false} : vector<512x128xf32>, vector<128x128xf32>, vector<512x128xf32> -> vector<512x128xf32>
    %add3A_62 = arith.addf %add3A_49, %dot_general3A_61 : vector<512x128xf32>
    %get3A_63 = arith.constant 5 : index
    %get3A_64 = arith.constant 0 : index
    %get3A_65 = arith.constant 0 : index
    %get3A_66 = vector.load %arg1[%get3A_63, %get3A_64, %get3A_65] : memref<26x512x128xf32, #tpu.memory_space<vmem>>, vector<1x512x128xf32>
    %get3A_67 = vector.shape_cast %get3A_66 : vector<1x512x128xf32> to vector<512x128xf32>
    %get3A_68 = arith.constant 5 : index
    %get3A_69 = arith.constant 0 : index
    %get3A_70 = arith.constant 0 : index
    %get3A_71 = vector.load %arg2[%get3A_68, %get3A_69, %get3A_70] : memref<26x128x128xf32, #tpu.memory_space<vmem>>, vector<1x128x128xf32>
    %get3A_72 = vector.shape_cast %get3A_71 : vector<1x128x128xf32> to vector<128x128xf32>
    %dot_general3A_73 = arith.constant dense<0.000000e+00> : vector<512x128xf32>
    %dot_general3A_74 = tpu.matmul %get3A_67, %get3A_72, %dot_general3A_73 {dimension_numbers = #tpu.dot_dimension_numbers<[1], [0], [0], [1], [0, 0, 1, 1], [], []>, transpose_lhs_hint = false} : vector<512x128xf32>, vector<128x128xf32>, vector<512x128xf32> -> vector<512x128xf32>
    %add3A_75 = arith.addf %add3A_62, %dot_general3A_74 : vector<512x128xf32>
    %get3A_76 = arith.constant 6 : index
    %get3A_77 = arith.constant 0 : index
    %get3A_78 = arith.constant 0 : index
    %get3A_79 = vector.load %arg1[%get3A_76, %get3A_77, %get3A_78] : memref<26x512x128xf32, #tpu.memory_space<vmem>>, vector<1x512x128xf32>
    %get3A_80 = vector.shape_cast %get3A_79 : vector<1x512x128xf32> to vector<512x128xf32>
    %get3A_81 = arith.constant 6 : index
    %get3A_82 = arith.constant 0 : index
    %get3A_83 = arith.constant 0 : index
    %get3A_84 = vector.load %arg2[%get3A_81, %get3A_82, %get3A_83] : memref<26x128x128xf32, #tpu.memory_space<vmem>>, vector<1x128x128xf32>
    %get3A_85 = vector.shape_cast %get3A_84 : vector<1x128x128xf32> to vector<128x128xf32>
    %dot_general3A_86 = arith.constant dense<0.000000e+00> : vector<512x128xf32>
    %dot_general3A_87 = tpu.matmul %get3A_80, %get3A_85, %dot_general3A_86 {dimension_numbers = #tpu.dot_dimension_numbers<[1], [0], [0], [1], [0, 0, 1, 1], [], []>, transpose_lhs_hint = false} : vector<512x128xf32>, vector<128x128xf32>, vector<512x128xf32> -> vector<512x128xf32>
    %add3A_88 = arith.addf %add3A_75, %dot_general3A_87 : vector<512x128xf32>
    %get3A_89 = arith.constant 7 : index
    %get3A_90 = arith.constant 0 : index
    %get3A_91 = arith.constant 0 : index
    %get3A_92 = vector.load %arg1[%get3A_89, %get3A_90, %get3A_91] : memref<26x512x128xf32, #tpu.memory_space<vmem>>, vector<1x512x128xf32>
    %get3A_93 = vector.shape_cast %get3A_92 : vector<1x512x128xf32> to vector<512x128xf32>
    %get3A_94 = arith.constant 7 : index
    %get3A_95 = arith.constant 0 : index
    %get3A_96 = arith.constant 0 : index
    %get3A_97 = vector.load %arg2[%get3A_94, %get3A_95, %get3A_96] : memref<26x128x128xf32, #tpu.memory_space<vmem>>, vector<1x128x128xf32>
    %get3A_98 = vector.shape_cast %get3A_97 : vector<1x128x128xf32> to vector<128x128xf32>
    %dot_general3A_99 = arith.constant dense<0.000000e+00> : vector<512x128xf32>
    %dot_general3A_100 = tpu.matmul %get3A_93, %get3A_98, %dot_general3A_99 {dimension_numbers = #tpu.dot_dimension_numbers<[1], [0], [0], [1], [0, 0, 1, 1], [], []>, transpose_lhs_hint = false} : vector<512x128xf32>, vector<128x128xf32>, vector<512x128xf32> -> vector<512x128xf32>
    %add3A_101 = arith.addf %add3A_88, %dot_general3A_100 : vector<512x128xf32>
    %get3A_102 = arith.constant 8 : index
    %get3A_103 = arith.constant 0 : index
    %get3A_104 = arith.constant 0 : index
    %get3A_105 = vector.load %arg1[%get3A_102, %get3A_103, %get3A_104] : memref<26x512x128xf32, #tpu.memory_space<vmem>>, vector<1x512x128xf32>
    %get3A_106 = vector.shape_cast %get3A_105 : vector<1x512x128xf32> to vector<512x128xf32>
    %get3A_107 = arith.constant 8 : index
    %get3A_108 = arith.constant 0 : index
    %get3A_109 = arith.constant 0 : index
    %get3A_110 = vector.load %arg2[%get3A_107, %get3A_108, %get3A_109] : memref<26x128x128xf32, #tpu.memory_space<vmem>>, vector<1x128x128xf32>
    %get3A_111 = vector.shape_cast %get3A_110 : vector<1x128x128xf32> to vector<128x128xf32>
    %dot_general3A_112 = arith.constant dense<0.000000e+00> : vector<512x128xf32>
    %dot_general3A_113 = tpu.matmul %get3A_106, %get3A_111, %dot_general3A_112 {dimension_numbers = #tpu.dot_dimension_numbers<[1], [0], [0], [1], [0, 0, 1, 1], [], []>, transpose_lhs_hint = false} : vector<512x128xf32>, vector<128x128xf32>, vector<512x128xf32> -> vector<512x128xf32>
    %add3A_114 = arith.addf %add3A_101, %dot_general3A_113 : vector<512x128xf32>
    %get3A_115 = arith.constant 9 : index
    %get3A_116 = arith.constant 0 : index
    %get3A_117 = arith.constant 0 : index
    %get3A_118 = vector.load %arg1[%get3A_115, %get3A_116, %get3A_117] : memref<26x512x128xf32, #tpu.memory_space<vmem>>, vector<1x512x128xf32>
    %get3A_119 = vector.shape_cast %get3A_118 : vector<1x512x128xf32> to vector<512x128xf32>
    %get3A_120 = arith.constant 9 : index
    %get3A_121 = arith.constant 0 : index
    %get3A_122 = arith.constant 0 : index
    %get3A_123 = vector.load %arg2[%get3A_120, %get3A_121, %get3A_122] : memref<26x128x128xf32, #tpu.memory_space<vmem>>, vector<1x128x128xf32>
    %get3A_124 = vector.shape_cast %get3A_123 : vector<1x128x128xf32> to vector<128x128xf32>
    %dot_general3A_125 = arith.constant dense<0.000000e+00> : vector<512x128xf32>
    %dot_general3A_126 = tpu.matmul %get3A_119, %get3A_124, %dot_general3A_125 {dimension_numbers = #tpu.dot_dimension_numbers<[1], [0], [0], [1], [0, 0, 1, 1], [], []>, transpose_lhs_hint = false} : vector<512x128xf32>, vector<128x128xf32>, vector<512x128xf32> -> vector<512x128xf32>
    %add3A_127 = arith.addf %add3A_114, %dot_general3A_126 : vector<512x128xf32>
    %get3A_128 = arith.constant 10 : index
    %get3A_129 = arith.constant 0 : index
    %get3A_130 = arith.constant 0 : index
    %get3A_131 = vector.load %arg1[%get3A_128, %get3A_129, %get3A_130] : memref<26x512x128xf32, #tpu.memory_space<vmem>>, vector<1x512x128xf32>
    %get3A_132 = vector.shape_cast %get3A_131 : vector<1x512x128xf32> to vector<512x128xf32>
    %get3A_133 = arith.constant 10 : index
    %get3A_134 = arith.constant 0 : index
    %get3A_135 = arith.constant 0 : index
    %get3A_136 = vector.load %arg2[%get3A_133, %get3A_134, %get3A_135] : memref<26x128x128xf32, #tpu.memory_space<vmem>>, vector<1x128x128xf32>
    %get3A_137 = vector.shape_cast %get3A_136 : vector<1x128x128xf32> to vector<128x128xf32>
    %dot_general3A_138 = arith.constant dense<0.000000e+00> : vector<512x128xf32>
    %dot_general3A_139 = tpu.matmul %get3A_132, %get3A_137, %dot_general3A_138 {dimension_numbers = #tpu.dot_dimension_numbers<[1], [0], [0], [1], [0, 0, 1, 1], [], []>, transpose_lhs_hint = false} : vector<512x128xf32>, vector<128x128xf32>, vector<512x128xf32> -> vector<512x128xf32>
    %add3A_140 = arith.addf %add3A_127, %dot_general3A_139 : vector<512x128xf32>
    %get3A_141 = arith.constant 11 : index
    %get3A_142 = arith.constant 0 : index
    %get3A_143 = arith.constant 0 : index
    %get3A_144 = vector.load %arg1[%get3A_141, %get3A_142, %get3A_143] : memref<26x512x128xf32, #tpu.memory_space<vmem>>, vector<1x512x128xf32>
    %get3A_145 = vector.shape_cast %get3A_144 : vector<1x512x128xf32> to vector<512x128xf32>
    %get3A_146 = arith.constant 11 : index
    %get3A_147 = arith.constant 0 : index
    %get3A_148 = arith.constant 0 : index
    %get3A_149 = vector.load %arg2[%get3A_146, %get3A_147, %get3A_148] : memref<26x128x128xf32, #tpu.memory_space<vmem>>, vector<1x128x128xf32>
    %get3A_150 = vector.shape_cast %get3A_149 : vector<1x128x128xf32> to vector<128x128xf32>
    %dot_general3A_151 = arith.constant dense<0.000000e+00> : vector<512x128xf32>
    %dot_general3A_152 = tpu.matmul %get3A_145, %get3A_150, %dot_general3A_151 {dimension_numbers = #tpu.dot_dimension_numbers<[1], [0], [0], [1], [0, 0, 1, 1], [], []>, transpose_lhs_hint = false} : vector<512x128xf32>, vector<128x128xf32>, vector<512x128xf32> -> vector<512x128xf32>
    %add3A_153 = arith.addf %add3A_140, %dot_general3A_152 : vector<512x128xf32>
    %get3A_154 = arith.constant 12 : index
    %get3A_155 = arith.constant 0 : index
    %get3A_156 = arith.constant 0 : index
    %get3A_157 = vector.load %arg1[%get3A_154, %get3A_155, %get3A_156] : memref<26x512x128xf32, #tpu.memory_space<vmem>>, vector<1x512x128xf32>
    %get3A_158 = vector.shape_cast %get3A_157 : vector<1x512x128xf32> to vector<512x128xf32>
    %get3A_159 = arith.constant 12 : index
    %get3A_160 = arith.constant 0 : index
    %get3A_161 = arith.constant 0 : index
    %get3A_162 = vector.load %arg2[%get3A_159, %get3A_160, %get3A_161] : memref<26x128x128xf32, #tpu.memory_space<vmem>>, vector<1x128x128xf32>
    %get3A_163 = vector.shape_cast %get3A_162 : vector<1x128x128xf32> to vector<128x128xf32>
    %dot_general3A_164 = arith.constant dense<0.000000e+00> : vector<512x128xf32>
    %dot_general3A_165 = tpu.matmul %get3A_158, %get3A_163, %dot_general3A_164 {dimension_numbers = #tpu.dot_dimension_numbers<[1], [0], [0], [1], [0, 0, 1, 1], [], []>, transpose_lhs_hint = false} : vector<512x128xf32>, vector<128x128xf32>, vector<512x128xf32> -> vector<512x128xf32>
    %add3A_166 = arith.addf %add3A_153, %dot_general3A_165 : vector<512x128xf32>
    %get3A_167 = arith.constant 13 : index
    %get3A_168 = arith.constant 0 : index
    %get3A_169 = arith.constant 0 : index
    %get3A_170 = vector.load %arg1[%get3A_167, %get3A_168, %get3A_169] : memref<26x512x128xf32, #tpu.memory_space<vmem>>, vector<1x512x128xf32>
    %get3A_171 = vector.shape_cast %get3A_170 : vector<1x512x128xf32> to vector<512x128xf32>
    %get3A_172 = arith.constant 13 : index
    %get3A_173 = arith.constant 0 : index
    %get3A_174 = arith.constant 0 : index
    %get3A_175 = vector.load %arg2[%get3A_172, %get3A_173, %get3A_174] : memref<26x128x128xf32, #tpu.memory_space<vmem>>, vector<1x128x128xf32>
    %get3A_176 = vector.shape_cast %get3A_175 : vector<1x128x128xf32> to vector<128x128xf32>
    %dot_general3A_177 = arith.constant dense<0.000000e+00> : vector<512x128xf32>
    %dot_general3A_178 = tpu.matmul %get3A_171, %get3A_176, %dot_general3A_177 {dimension_numbers = #tpu.dot_dimension_numbers<[1], [0], [0], [1], [0, 0, 1, 1], [], []>, transpose_lhs_hint = false} : vector<512x128xf32>, vector<128x128xf32>, vector<512x128xf32> -> vector<512x128xf32>
    %add3A_179 = arith.addf %add3A_166, %dot_general3A_178 : vector<512x128xf32>
    %get3A_180 = arith.constant 14 : index
    %get3A_181 = arith.constant 0 : index
    %get3A_182 = arith.constant 0 : index
    %get3A_183 = vector.load %arg1[%get3A_180, %get3A_181, %get3A_182] : memref<26x512x128xf32, #tpu.memory_space<vmem>>, vector<1x512x128xf32>
    %get3A_184 = vector.shape_cast %get3A_183 : vector<1x512x128xf32> to vector<512x128xf32>
    %get3A_185 = arith.constant 14 : index
    %get3A_186 = arith.constant 0 : index
    %get3A_187 = arith.constant 0 : index
    %get3A_188 = vector.load %arg2[%get3A_185, %get3A_186, %get3A_187] : memref<26x128x128xf32, #tpu.memory_space<vmem>>, vector<1x128x128xf32>
    %get3A_189 = vector.shape_cast %get3A_188 : vector<1x128x128xf32> to vector<128x128xf32>
    %dot_general3A_190 = arith.constant dense<0.000000e+00> : vector<512x128xf32>
    %dot_general3A_191 = tpu.matmul %get3A_184, %get3A_189, %dot_general3A_190 {dimension_numbers = #tpu.dot_dimension_numbers<[1], [0], [0], [1], [0, 0, 1, 1], [], []>, transpose_lhs_hint = false} : vector<512x128xf32>, vector<128x128xf32>, vector<512x128xf32> -> vector<512x128xf32>
    %add3A_192 = arith.addf %add3A_179, %dot_general3A_191 : vector<512x128xf32>
    %get3A_193 = arith.constant 15 : index
    %get3A_194 = arith.constant 0 : index
    %get3A_195 = arith.constant 0 : index
    %get3A_196 = vector.load %arg1[%get3A_193, %get3A_194, %get3A_195] : memref<26x512x128xf32, #tpu.memory_space<vmem>>, vector<1x512x128xf32>
    %get3A_197 = vector.shape_cast %get3A_196 : vector<1x512x128xf32> to vector<512x128xf32>
    %get3A_198 = arith.constant 15 : index
    %get3A_199 = arith.constant 0 : index
    %get3A_200 = arith.constant 0 : index
    %get3A_201 = vector.load %arg2[%get3A_198, %get3A_199, %get3A_200] : memref<26x128x128xf32, #tpu.memory_space<vmem>>, vector<1x128x128xf32>
    %get3A_202 = vector.shape_cast %get3A_201 : vector<1x128x128xf32> to vector<128x128xf32>
    %dot_general3A_203 = arith.constant dense<0.000000e+00> : vector<512x128xf32>
    %dot_general3A_204 = tpu.matmul %get3A_197, %get3A_202, %dot_general3A_203 {dimension_numbers = #tpu.dot_dimension_numbers<[1], [0], [0], [1], [0, 0, 1, 1], [], []>, transpose_lhs_hint = false} : vector<512x128xf32>, vector<128x128xf32>, vector<512x128xf32> -> vector<512x128xf32>
    %add3A_205 = arith.addf %add3A_192, %dot_general3A_204 : vector<512x128xf32>
    %get3A_206 = arith.constant 16 : index
    %get3A_207 = arith.constant 0 : index
    %get3A_208 = arith.constant 0 : index
    %get3A_209 = vector.load %arg1[%get3A_206, %get3A_207, %get3A_208] : memref<26x512x128xf32, #tpu.memory_space<vmem>>, vector<1x512x128xf32>
    %get3A_210 = vector.shape_cast %get3A_209 : vector<1x512x128xf32> to vector<512x128xf32>
    %get3A_211 = arith.constant 16 : index
    %get3A_212 = arith.constant 0 : index
    %get3A_213 = arith.constant 0 : index
    %get3A_214 = vector.load %arg2[%get3A_211, %get3A_212, %get3A_213] : memref<26x128x128xf32, #tpu.memory_space<vmem>>, vector<1x128x128xf32>
    %get3A_215 = vector.shape_cast %get3A_214 : vector<1x128x128xf32> to vector<128x128xf32>
    %dot_general3A_216 = arith.constant dense<0.000000e+00> : vector<512x128xf32>
    %dot_general3A_217 = tpu.matmul %get3A_210, %get3A_215, %dot_general3A_216 {dimension_numbers = #tpu.dot_dimension_numbers<[1], [0], [0], [1], [0, 0, 1, 1], [], []>, transpose_lhs_hint = false} : vector<512x128xf32>, vector<128x128xf32>, vector<512x128xf32> -> vector<512x128xf32>
    %add3A_218 = arith.addf %add3A_205, %dot_general3A_217 : vector<512x128xf32>
    %get3A_219 = arith.constant 17 : index
    %get3A_220 = arith.constant 0 : index
    %get3A_221 = arith.constant 0 : index
    %get3A_222 = vector.load %arg1[%get3A_219, %get3A_220, %get3A_221] : memref<26x512x128xf32, #tpu.memory_space<vmem>>, vector<1x512x128xf32>
    %get3A_223 = vector.shape_cast %get3A_222 : vector<1x512x128xf32> to vector<512x128xf32>
    %get3A_224 = arith.constant 17 : index
    %get3A_225 = arith.constant 0 : index
    %get3A_226 = arith.constant 0 : index
    %get3A_227 = vector.load %arg2[%get3A_224, %get3A_225, %get3A_226] : memref<26x128x128xf32, #tpu.memory_space<vmem>>, vector<1x128x128xf32>
    %get3A_228 = vector.shape_cast %get3A_227 : vector<1x128x128xf32> to vector<128x128xf32>
    %dot_general3A_229 = arith.constant dense<0.000000e+00> : vector<512x128xf32>
    %dot_general3A_230 = tpu.matmul %get3A_223, %get3A_228, %dot_general3A_229 {dimension_numbers = #tpu.dot_dimension_numbers<[1], [0], [0], [1], [0, 0, 1, 1], [], []>, transpose_lhs_hint = false} : vector<512x128xf32>, vector<128x128xf32>, vector<512x128xf32> -> vector<512x128xf32>
    %add3A_231 = arith.addf %add3A_218, %dot_general3A_230 : vector<512x128xf32>
    %get3A_232 = arith.constant 18 : index
    %get3A_233 = arith.constant 0 : index
    %get3A_234 = arith.constant 0 : index
    %get3A_235 = vector.load %arg1[%get3A_232, %get3A_233, %get3A_234] : memref<26x512x128xf32, #tpu.memory_space<vmem>>, vector<1x512x128xf32>
    %get3A_236 = vector.shape_cast %get3A_235 : vector<1x512x128xf32> to vector<512x128xf32>
    %get3A_237 = arith.constant 18 : index
    %get3A_238 = arith.constant 0 : index
    %get3A_239 = arith.constant 0 : index
    %get3A_240 = vector.load %arg2[%get3A_237, %get3A_238, %get3A_239] : memref<26x128x128xf32, #tpu.memory_space<vmem>>, vector<1x128x128xf32>
    %get3A_241 = vector.shape_cast %get3A_240 : vector<1x128x128xf32> to vector<128x128xf32>
    %dot_general3A_242 = arith.constant dense<0.000000e+00> : vector<512x128xf32>
    %dot_general3A_243 = tpu.matmul %get3A_236, %get3A_241, %dot_general3A_242 {dimension_numbers = #tpu.dot_dimension_numbers<[1], [0], [0], [1], [0, 0, 1, 1], [], []>, transpose_lhs_hint = false} : vector<512x128xf32>, vector<128x128xf32>, vector<512x128xf32> -> vector<512x128xf32>
    %add3A_244 = arith.addf %add3A_231, %dot_general3A_243 : vector<512x128xf32>
    %get3A_245 = arith.constant 19 : index
    %get3A_246 = arith.constant 0 : index
    %get3A_247 = arith.constant 0 : index
    %get3A_248 = vector.load %arg1[%get3A_245, %get3A_246, %get3A_247] : memref<26x512x128xf32, #tpu.memory_space<vmem>>, vector<1x512x128xf32>
    %get3A_249 = vector.shape_cast %get3A_248 : vector<1x512x128xf32> to vector<512x128xf32>
    %get3A_250 = arith.constant 19 : index
    %get3A_251 = arith.constant 0 : index
    %get3A_252 = arith.constant 0 : index
    %get3A_253 = vector.load %arg2[%get3A_250, %get3A_251, %get3A_252] : memref<26x128x128xf32, #tpu.memory_space<vmem>>, vector<1x128x128xf32>
    %get3A_254 = vector.shape_cast %get3A_253 : vector<1x128x128xf32> to vector<128x128xf32>
    %dot_general3A_255 = arith.constant dense<0.000000e+00> : vector<512x128xf32>
    %dot_general3A_256 = tpu.matmul %get3A_249, %get3A_254, %dot_general3A_255 {dimension_numbers = #tpu.dot_dimension_numbers<[1], [0], [0], [1], [0, 0, 1, 1], [], []>, transpose_lhs_hint = false} : vector<512x128xf32>, vector<128x128xf32>, vector<512x128xf32> -> vector<512x128xf32>
    %add3A_257 = arith.addf %add3A_244, %dot_general3A_256 : vector<512x128xf32>
    %get3A_258 = arith.constant 20 : index
    %get3A_259 = arith.constant 0 : index
    %get3A_260 = arith.constant 0 : index
    %get3A_261 = vector.load %arg1[%get3A_258, %get3A_259, %get3A_260] : memref<26x512x128xf32, #tpu.memory_space<vmem>>, vector<1x512x128xf32>
    %get3A_262 = vector.shape_cast %get3A_261 : vector<1x512x128xf32> to vector<512x128xf32>
    %get3A_263 = arith.constant 20 : index
    %get3A_264 = arith.constant 0 : index
    %get3A_265 = arith.constant 0 : index
    %get3A_266 = vector.load %arg2[%get3A_263, %get3A_264, %get3A_265] : memref<26x128x128xf32, #tpu.memory_space<vmem>>, vector<1x128x128xf32>
    %get3A_267 = vector.shape_cast %get3A_266 : vector<1x128x128xf32> to vector<128x128xf32>
    %dot_general3A_268 = arith.constant dense<0.000000e+00> : vector<512x128xf32>
    %dot_general3A_269 = tpu.matmul %get3A_262, %get3A_267, %dot_general3A_268 {dimension_numbers = #tpu.dot_dimension_numbers<[1], [0], [0], [1], [0, 0, 1, 1], [], []>, transpose_lhs_hint = false} : vector<512x128xf32>, vector<128x128xf32>, vector<512x128xf32> -> vector<512x128xf32>
    %add3A_270 = arith.addf %add3A_257, %dot_general3A_269 : vector<512x128xf32>
    %get3A_271 = arith.constant 21 : index
    %get3A_272 = arith.constant 0 : index
    %get3A_273 = arith.constant 0 : index
    %get3A_274 = vector.load %arg1[%get3A_271, %get3A_272, %get3A_273] : memref<26x512x128xf32, #tpu.memory_space<vmem>>, vector<1x512x128xf32>
    %get3A_275 = vector.shape_cast %get3A_274 : vector<1x512x128xf32> to vector<512x128xf32>
    %get3A_276 = arith.constant 21 : index
    %get3A_277 = arith.constant 0 : index
    %get3A_278 = arith.constant 0 : index
    %get3A_279 = vector.load %arg2[%get3A_276, %get3A_277, %get3A_278] : memref<26x128x128xf32, #tpu.memory_space<vmem>>, vector<1x128x128xf32>
    %get3A_280 = vector.shape_cast %get3A_279 : vector<1x128x128xf32> to vector<128x128xf32>
    %dot_general3A_281 = arith.constant dense<0.000000e+00> : vector<512x128xf32>
    %dot_general3A_282 = tpu.matmul %get3A_275, %get3A_280, %dot_general3A_281 {dimension_numbers = #tpu.dot_dimension_numbers<[1], [0], [0], [1], [0, 0, 1, 1], [], []>, transpose_lhs_hint = false} : vector<512x128xf32>, vector<128x128xf32>, vector<512x128xf32> -> vector<512x128xf32>
    %add3A_283 = arith.addf %add3A_270, %dot_general3A_282 : vector<512x128xf32>
    %get3A_284 = arith.constant 22 : index
    %get3A_285 = arith.constant 0 : index
    %get3A_286 = arith.constant 0 : index
    %get3A_287 = vector.load %arg1[%get3A_284, %get3A_285, %get3A_286] : memref<26x512x128xf32, #tpu.memory_space<vmem>>, vector<1x512x128xf32>
    %get3A_288 = vector.shape_cast %get3A_287 : vector<1x512x128xf32> to vector<512x128xf32>
    %get3A_289 = arith.constant 22 : index
    %get3A_290 = arith.constant 0 : index
    %get3A_291 = arith.constant 0 : index
    %get3A_292 = vector.load %arg2[%get3A_289, %get3A_290, %get3A_291] : memref<26x128x128xf32, #tpu.memory_space<vmem>>, vector<1x128x128xf32>
    %get3A_293 = vector.shape_cast %get3A_292 : vector<1x128x128xf32> to vector<128x128xf32>
    %dot_general3A_294 = arith.constant dense<0.000000e+00> : vector<512x128xf32>
    %dot_general3A_295 = tpu.matmul %get3A_288, %get3A_293, %dot_general3A_294 {dimension_numbers = #tpu.dot_dimension_numbers<[1], [0], [0], [1], [0, 0, 1, 1], [], []>, transpose_lhs_hint = false} : vector<512x128xf32>, vector<128x128xf32>, vector<512x128xf32> -> vector<512x128xf32>
    %add3A_296 = arith.addf %add3A_283, %dot_general3A_295 : vector<512x128xf32>
    %get3A_297 = arith.constant 23 : index
    %get3A_298 = arith.constant 0 : index
    %get3A_299 = arith.constant 0 : index
    %get3A_300 = vector.load %arg1[%get3A_297, %get3A_298, %get3A_299] : memref<26x512x128xf32, #tpu.memory_space<vmem>>, vector<1x512x128xf32>
    %get3A_301 = vector.shape_cast %get3A_300 : vector<1x512x128xf32> to vector<512x128xf32>
    %get3A_302 = arith.constant 23 : index
    %get3A_303 = arith.constant 0 : index
    %get3A_304 = arith.constant 0 : index
    %get3A_305 = vector.load %arg2[%get3A_302, %get3A_303, %get3A_304] : memref<26x128x128xf32, #tpu.memory_space<vmem>>, vector<1x128x128xf32>
    %get3A_306 = vector.shape_cast %get3A_305 : vector<1x128x128xf32> to vector<128x128xf32>
    %dot_general3A_307 = arith.constant dense<0.000000e+00> : vector<512x128xf32>
    %dot_general3A_308 = tpu.matmul %get3A_301, %get3A_306, %dot_general3A_307 {dimension_numbers = #tpu.dot_dimension_numbers<[1], [0], [0], [1], [0, 0, 1, 1], [], []>, transpose_lhs_hint = false} : vector<512x128xf32>, vector<128x128xf32>, vector<512x128xf32> -> vector<512x128xf32>
    %add3A_309 = arith.addf %add3A_296, %dot_general3A_308 : vector<512x128xf32>
    %get3A_310 = arith.constant 24 : index
    %get3A_311 = arith.constant 0 : index
    %get3A_312 = arith.constant 0 : index
    %get3A_313 = vector.load %arg1[%get3A_310, %get3A_311, %get3A_312] : memref<26x512x128xf32, #tpu.memory_space<vmem>>, vector<1x512x128xf32>
    %get3A_314 = vector.shape_cast %get3A_313 : vector<1x512x128xf32> to vector<512x128xf32>
    %get3A_315 = arith.constant 24 : index
    %get3A_316 = arith.constant 0 : index
    %get3A_317 = arith.constant 0 : index
    %get3A_318 = vector.load %arg2[%get3A_315, %get3A_316, %get3A_317] : memref<26x128x128xf32, #tpu.memory_space<vmem>>, vector<1x128x128xf32>
    %get3A_319 = vector.shape_cast %get3A_318 : vector<1x128x128xf32> to vector<128x128xf32>
    %dot_general3A_320 = arith.constant dense<0.000000e+00> : vector<512x128xf32>
    %dot_general3A_321 = tpu.matmul %get3A_314, %get3A_319, %dot_general3A_320 {dimension_numbers = #tpu.dot_dimension_numbers<[1], [0], [0], [1], [0, 0, 1, 1], [], []>, transpose_lhs_hint = false} : vector<512x128xf32>, vector<128x128xf32>, vector<512x128xf32> -> vector<512x128xf32>
    %add3A_322 = arith.addf %add3A_309, %dot_general3A_321 : vector<512x128xf32>
    %get3A_323 = arith.constant 25 : index
    %get3A_324 = arith.constant 0 : index
    %get3A_325 = arith.constant 0 : index
    %get3A_326 = vector.load %arg1[%get3A_323, %get3A_324, %get3A_325] : memref<26x512x128xf32, #tpu.memory_space<vmem>>, vector<1x512x128xf32>
    %get3A_327 = vector.shape_cast %get3A_326 : vector<1x512x128xf32> to vector<512x128xf32>
    %get3A_328 = arith.constant 25 : index
    %get3A_329 = arith.constant 0 : index
    %get3A_330 = arith.constant 0 : index
    %get3A_331 = vector.load %arg2[%get3A_328, %get3A_329, %get3A_330] : memref<26x128x128xf32, #tpu.memory_space<vmem>>, vector<1x128x128xf32>
    %get3A_332 = vector.shape_cast %get3A_331 : vector<1x128x128xf32> to vector<128x128xf32>
    %dot_general3A_333 = arith.constant dense<0.000000e+00> : vector<512x128xf32>
    %dot_general3A_334 = tpu.matmul %get3A_327, %get3A_332, %dot_general3A_333 {dimension_numbers = #tpu.dot_dimension_numbers<[1], [0], [0], [1], [0, 0, 1, 1], [], []>, transpose_lhs_hint = false} : vector<512x128xf32>, vector<128x128xf32>, vector<512x128xf32> -> vector<512x128xf32>
    %add3A_335 = arith.addf %add3A_322, %dot_general3A_334 : vector<512x128xf32>
    %get3A_336 = arith.constant 0 : index
    %get3A_337 = arith.constant 0 : index
    %get3A_338 = vector.load %arg3[%get3A_336, %get3A_337] : memref<1x128xf32, #tpu.memory_space<vmem>>, vector<1x128xf32>
    %add3A_339 = vector.broadcast %get3A_338 : vector<1x128xf32> to vector<512x128xf32>
    %add3A_340 = arith.addf %add3A_335, %add3A_339 : vector<512x128xf32>
    %max3A = arith.constant 0.000000e+00 : f32
    %max3A_341 = vector.broadcast %max3A : f32 to vector<512x128xf32>
    %max3A_342 = arith.maximumf %add3A_340, %max3A_341 : vector<512x128xf32>
    %get3A_343 = arith.constant 0 : index
    %get3A_344 = arith.constant 0 : index
    %get3A_345 = vector.load %arg4[%get3A_343, %get3A_344] : memref<128x128xf32, #tpu.memory_space<vmem>>, vector<128x128xf32>
    %dot_general3A_346 = arith.constant dense<0.000000e+00> : vector<512x128xf32>
    %dot_general3A_347 = tpu.matmul %max3A_342, %get3A_345, %dot_general3A_346 {dimension_numbers = #tpu.dot_dimension_numbers<[1], [0], [0], [1], [0, 0, 1, 1], [], []>, transpose_lhs_hint = false} : vector<512x128xf32>, vector<128x128xf32>, vector<512x128xf32> -> vector<512x128xf32>
    %get3A_348 = arith.constant 0 : index
    %get3A_349 = arith.constant 0 : index
    %get3A_350 = vector.load %arg5[%get3A_348, %get3A_349] : memref<1x128xf32, #tpu.memory_space<vmem>>, vector<1x128xf32>
    %add3A_351 = vector.broadcast %get3A_350 : vector<1x128xf32> to vector<512x128xf32>
    %add3A_352 = arith.addf %dot_general3A_347, %add3A_351 : vector<512x128xf32>
    %swap3A = arith.constant 0 : index
    %swap3A_353 = arith.constant 0 : index
    %swap3A_354 = vector.load %arg6[%swap3A, %swap3A_353] : memref<512x128xf32, #tpu.memory_space<vmem>>, vector<512x128xf32>
    tpu.vector_store %arg6[%swap3A, %swap3A_353], %add3A_352 {strides = array<i32>} : memref<512x128xf32, #tpu.memory_space<vmem>>, vector<512x128xf32>,
    return
  }
  func.func @transform_0(%arg0: i32) -> (i32, i32, i32) {
    %c0_i32 = arith.constant 0 : i32
    %c0_i32_0 = arith.constant 0 : i32
    %c0_i32_1 = arith.constant 0 : i32
    return %c0_i32, %arg0, %c0_i32_0 : i32, i32, i32
  }
  func.func @transform_1(%arg0: i32) -> (i32, i32, i32) {
    %c0_i32 = arith.constant 0 : i32
    %c0_i32_0 = arith.constant 0 : i32
    %c0_i32_1 = arith.constant 0 : i32
    %c0_i32_2 = arith.constant 0 : i32
    return %c0_i32, %c0_i32_0, %c0_i32_1 : i32, i32, i32
  }
  func.func @transform_2(%arg0: i32) -> (i32, i32) {
    %c0_i32 = arith.constant 0 : i32
    %c0_i32_0 = arith.constant 0 : i32
    %c0_i32_1 = arith.constant 0 : i32
    return %c0_i32, %c0_i32_0 : i32, i32
  }
  func.func @transform_3(%arg0: i32) -> (i32, i32) {
    %c0_i32 = arith.constant 0 : i32
    %c0_i32_0 = arith.constant 0 : i32
    %c0_i32_1 = arith.constant 0 : i32
    return %c0_i32, %c0_i32_0 : i32, i32
  }
  func.func @transform_4(%arg0: i32) -> (i32, i32) {
    %c0_i32 = arith.constant 0 : i32
    %c0_i32_0 = arith.constant 0 : i32
    %c0_i32_1 = arith.constant 0 : i32
    return %c0_i32, %c0_i32_0 : i32, i32
  }
  func.func @transform_5(%arg0: i32) -> (i32, i32) {
    %c0_i32 = arith.constant 0 : i32
    %c0_i32_0 = arith.constant 0 : i32
    return %arg0, %c0_i32 : i32, i32
  }
}

</mosaic_0001>

<sc_bundles>
// kernel: kernel.5.cloned.1.call-start
scs
__scs_entry_jumppad:
0x0: {  	(pc) =	sbr.rel $0x88, $3  }
0x1: {  	(tag) =	ssettag $0x0;
	lr =	simm.s32 $0x1  }
0x2: {  	[smem:$0x3F9B] =	sst lr;
	_ =	strace $0xD0000000  }
0x3: {  	_ = 	snop  }
0x4: {  	_ = 	snop  }
0x5: {  	_ = 	snop  }
0x6: {  	_ = 	snop  }
0x7: {  	_ = 	snop  }
__scs_overlays_trampoline_lowered:
0x8: {  	[smem:$0x3FAA] =	sst s0  }
0x9: {  	[smem:$0x3FAB] =	sst s1  }
0xa: {  	[smem:$0x3FAC] =	sst s2  }
0xb: {  	[smem:$0x3FAD] =	sst s3  }
0xc: {  	[smem:$0x3FAE] =	sst s4  }
0xd: {  	[smem:$0x3FAF] =	sst s5  }
0xe: {  	[smem:$0x3FB0] =	sst s6  }
0xf: {  	[smem:$0x3FB1] =	sst s7  }
0x10: {  	[smem:$0x3FB2] =	sst s8  }
0x11: {  	[smem:$0x3FB3] =	sst s9;
	s0 =	simm.s32 @!p0 $0x0  }
0x12: {  	s1 =	sld [smem:$0x3F99];
	s0 =	simm.s32 @p0 $0x1  }
0x13: {  	[smem:$0x3FB4] =	sst s0;
	s0 =	simm.s32 @!p1 $0x0  }
0x14: {  	s2 =	sld [smem:$0x3F98];
	s0 =	simm.s32 @p1 $0x1  }
0x15: {  	[smem:$0x3FB5] =	sst s0;
	s0 =	simm.s32 @!p2 $0x0  }
0x16: {  	s3 =	sld [smem:$0x3FDB];
	s0 =	simm.s32 @p2 $0x1  }
0x17: {  	s4 =	simm.s32 $0x1BF5;
	[smem:$0x3FB7] =	sst s0  }
0x18: {  	s0 =	sld [smem:$0x3F9A];
	_ =	swait.ge [sflag:s4], $0x0  }
0x19: {  	s7 =	sld [smem:$0x3F9B]  }
0x1a: {  	s8 =	sadd.s32 $0xFFFFE003, lr  }
0x1b: {  	s9 =	sadd.s32 $0xFFFFFEF7, lr;
	s5 =	simm.s32 $0xFFFFFFFF;
	p2 =	slt.u32 s8, $0xFFFFF086  }
0x1c: {  	p1 =	slt.u32 s9, $0xF7A;
	s5 =	simm.s32 @!p2 $0x0  }
0x1d: {  	s5 =	simm.s32 @p1 $0x1;
	p0 =	seq.s32 s7, s2  }
0x1e: {  	s7 =	smul.u32 @!p0 $0xF7A, s2;
	p2 =	seq.s32 @!p0 s5, $0x0  }
0x1f: {  	s9 =	smul.u32 $0xF7A, s1;
	s8 =	simm.s32 @!p0 $0x1BF5;
	p2 =	por !p2, p0  }
0x20: {  	[sflag:s8] =	ssyncset.s32 @!p0 $0xFFFFF086;
	s6 =	sadd.s32 @!p0 s3, s7;
	s7 =	simm.s32 @!p0 $0x108  }
0x21: {  	s3 =	sadd.s32 s3, s9;
	s6 =	sadd.s32 @!p0 $0x88, s6;
	s7 =	simm.s32 @p2 $0x1082  }
0x22: {  	[simem:s7], [sflag:s8] =	dma.local @!p0 [hbm:s6], $0xF7A  }
0x23: {  	s9 =	sor.u32 $0xD0000000, s2;
	s6 =	simm.s32 $0x108;
	_ =	swait.ge @!p0 [sflag:s8], $0x0  }
0x24: {  	s3 =	sadd.s32 $0x88, s3;
	s6 =	simm.s32 @!p1 $0x1082;
	[sflag:s4] =	ssyncset.s32 $0xFFFFF086  }
0x25: {  	[simem:s6], [sflag:s4] =	dma.local [hbm:s3], $0xF7A  }
0x26: {  	[smem:$0x3F9B] =	sst s1;
	(tag) =	ssettag s2;
	_ =	strace s9  }
0x27: {  	s1 =	sld [smem:$0x3FAB]  }
0x28: {  	s2 =	sld [smem:$0x3FAC]  }
0x29: {  	s4 =	sld [smem:$0x3FAE]  }
0x2a: {  	p0 =	seq.s32 s5, $0x0;
	s5 =	sld [smem:$0x3FAF]  }
0x2b: {  	s6 =	sld [smem:$0x3FB0]  }
0x2c: {  	s7 =	sld [smem:$0x3FB1]  }
0x2d: {  	s3 =	simm.s32 $0x108;
	s8 =	sld [smem:$0x3FB2]  }
0x2e: {  	s3 =	simm.s32 @!p0 $0x1082;
	s9 =	sld [smem:$0x3FB3]  }
0x2f: {  	lr =	sadd.s32 s0, s3;
	s0 =	sld [smem:$0x3FAA]  }
0x30: {  	s3 =	sld [smem:$0x3FAD]  }
0x31: {  	[smem:$0x3FB6] =	sst s10  }
0x32: {  	s10 =	sld [smem:$0x3FB4];
	_ =	sdelay $0x3  }
0x33: {  	p0 =	seq.s32 s10, $0x1;
	s10 =	sld [smem:$0x3FB6];
	_ =	sdelay $0x3  }
0x34: {  	[smem:$0x3FB6] =	sst s10  }
0x35: {  	s10 =	sld [smem:$0x3FB5];
	_ =	sdelay $0x3  }
0x36: {  	p1 =	seq.s32 s10, $0x1;
	s10 =	sld [smem:$0x3FB6];
	_ =	sdelay $0x3  }
0x37: {  	[smem:$0x3FB6] =	sst s10  }
0x38: {  	s10 =	sld [smem:$0x3FB7]  }
0x39: {  	_ = 	snop;
	(pc) =	sbr.ind lr, $3  }
0x3a: {  	_ = 	snop  }
0x3b: {  	_ = 	snop  }
0x3c: {  	p2 =	seq.s32 s10, $0x1;
	s10 =	sld [smem:$0x3FB6]  }
0x3d: {  	_ =	shalt  }
0x3e: {  	_ =	shalt  }
0x3f: {  	_ =	shalt  }
0x40: {  	_ =	shalt  }
0x41: {  	_ =	shalt  }
0x42: {  	_ =	shalt  }
0x43: {  	_ =	shalt  }
0x44: {  	_ =	shalt  }
0x45: {  	_ =	shalt  }
0x46: {  	_ =	shalt  }
0x47: {  	_ =	shalt  }
0x48: {  	_ =	shalt  }
0x49: {  	_ =	shalt  }
0x4a: {  	_ =	shalt  }
0x4b: {  	_ =	shalt  }
0x4c: {  	_ =	shalt  }
0x4d: {  	_ =	shalt  }
0x4e: {  	_ =	shalt  }
0x4f: {  	_ =	shalt  }
0x50: {  	_ =	shalt  }
0x51: {  	_ =	shalt  }
0x52: {  	_ =	shalt  }
0x53: {  	_ =	shalt  }
0x54: {  	_ =	shalt  }
0x55: {  	_ =	shalt  }
0x56: {  	_ =	shalt  }
0x57: {  	_ =	shalt  }
0x58: {  	_ =	shalt  }
0x59: {  	_ =	shalt  }
0x5a: {  	_ =	shalt  }
0x5b: {  	_ =	shalt  }
0x5c: {  	_ =	shalt  }
0x5d: {  	_ =	shalt  }
0x5e: {  	_ =	shalt  }
0x5f: {  	_ =	shalt  }
0x60: {  	_ =	shalt  }
0x61: {  	_ =	shalt  }
0x62: {  	_ =	shalt  }
0x63: {  	_ =	shalt  }
0x64: {  	_ =	shalt  }
0x65: {  	_ =	shalt  }
0x66: {  	_ =	shalt  }
0x67: {  	_ =	shalt  }
0x68: {  	_ =	shalt  }
0x69: {  	_ =	shalt  }
0x6a: {  	_ =	shalt  }
0x6b: {  	_ =	shalt  }
0x6c: {  	_ =	shalt  }
0x6d: {  	_ =	shalt  }
0x6e: {  	_ =	shalt  }
0x6f: {  	_ =	shalt  }
0x70: {  	_ =	shalt  }
0x71: {  	_ =	shalt  }
0x72: {  	_ =	shalt  }
0x73: {  	_ =	shalt  }
0x74: {  	_ =	shalt  }
0x75: {  	_ =	shalt  }
0x76: {  	_ =	shalt  }
0x77: {  	_ =	shalt  }
0x78: {  	_ =	shalt  }
0x79: {  	_ =	shalt  }
0x7a: {  	_ =	shalt  }
0x7b: {  	_ =	shalt  }
0x7c: {  	_ =	shalt  }
0x7d: {  	_ =	shalt  }
0x7e: {  	_ =	shalt  }
0x7f: {  	_ =	shalt  }
0x80: {  	_ =	shalt  }
0x81: {  	_ =	shalt  }
0x82: {  	_ =	shalt  }
0x83: {  	_ =	shalt  }
0x84: {  	_ =	shalt  }
0x85: {  	_ =	shalt  }
0x86: {  	_ =	shalt  }
0x87: {  	_ =	shalt  }
.Lfunc_end0:
.L_simem_size_0:
called_computation_lowered:
.L_overlay_start_0:
0x88: {  	s2 =	sld [smem:$0x3FD9]  }
0x89: {  	s3 =	sld [smem:$0x3FFE];
	_ =	sdelay $0x1  }
0x8a: {  	s1 =	srdreg.scid  }
0x8b: {  	s0 =	sand.u32 $0x1, s1  }
0x8c: {  	s17 =	sshll.u32 s0, $0xA;
	s2 =	sadd.s32 s3, s2  }
0x8d: {  	s2 =	sadd.s32 s2, s17  }
0x8e: {  	[smem:$0x3FC2] =	sst s2  }
0x8f: {  	_ = 	snop  }
0x90: {  	s2 =	sld [smem:$0x3FD0];
	(tm) =	ssettm $0x1  }
0x91: {  	s18 =	sld [smem:$0x3FFB];
	_ =	sdelay $0x3  }
0x92: {  	_ =	strace s18  }
0x93: {  	s3 =	sld [smem:$0x3FFC];
	_ =	sdelay $0x3  }
0x94: {  	_ =	strace s3  }
0x95: {  	s3 =	sld [smem:$0x3FFD];
	_ =	sdelay $0x3  }
0x96: {  	_ =	strace s3  }
0x97: {  	_ =	strace $0x8FFFFFFF  }
0x98: {  	s19 =	sld [smem:$0x3FDB];
	_ =	sdelay $0x1  }
0x99: {  	s4 =	simm.s32 $_scs_section_size  }
0x9a: {  	s5 =	simm.s32 $_size__tile_overlayer_lowered;
	s6 =	simm.s32 $_tile_overlayer_lowered  }
0x9b: {  	s22 =	simm.s32 $0x1BFF;
	s21 =	sshll.u32 s6, $0x1;
	s3 =	sadd.s32 s4, s19  }
0x9c: {  	s7 =	simm.s32 $0x0;
	s20 =	sshll.u32 s5, $0x1;
	s5 =	sadd.s32 s21, s3  }
0x9d: {  	[timem:s7], [sflag:s22] =	dma.local [hbm:s5], s20  }
0x9e: {  	_ =	swait.ge [sflag:s22], s20  }
0x9f: {  	s4 =	ssub.s32 $0x0, s20;
	[sflag:s22] =	ssyncset.done $0x0  }
0xa0: {  	[sflag:s22] =	ssyncadd.s32 s4;
	_ =	sdelay $0x1  }
0xa1: {  	s23 =	simm.s32 $0x1B8B  }
0xa2: {  	_ =	swait.ge [sflag:s23], $0x1  }
0xa3: {  	[sflag:s23] =	ssyncset.done $0x0  }
0xa4: {  	s25 =	simm.s32 $0x1B8E;
	s24 =	sld [smem:$0x3FFE];
	[sflag:s23] =	ssyncadd.s32 $0xFFFFFFFF  }
0xa5: {  	s26 =	simm.s32 $execute0_lowered;
	[smem:$0x3FD2] =	sst s25  }
0xa6: {  	s5 =	sshll.u32 s26, $0x1;
	_ =	strace $0x80000046;
	[dreg:$0x1] =	wrdreg $0xFFFFFFFF  }
0xa7: {  	s28 =	simm.s32 $_size_execute0_lowered;
	s3 =	sadd.s32 s3, s5;
	[dreg:$0x0] =	wrdreg $0x0  }
0xa8: {  	s5 =	sshll.u32 s28, $0x1;
	[dreg:$0x2] =	wrdreg s3  }
0xa9: {  	[dreg:$0x3] =	wrdreg s5  }
0xaa: {  	[dreg:$0x4] =	wrdreg $0xC0  }
0xab: {  	_ =	task [dreg:s7], $0x5FFFF  }
0xac: {  	[dreg:$0x1] =	wrdreg $0xFFFFFFFF  }
0xad: {  	[dreg:$0x0] =	wrdreg $0x60  }
0xae: {  	[dreg:$0x2] =	wrdreg s24  }
0xaf: {  	[dreg:$0x3] =	wrdreg s2  }
0xb0: {  	[dreg:$0x4] =	wrdreg $0x9  }
0xb1: {  	_ =	task.clear_ibuf [dreg:s7], $0x5FFFF;
	_ =	strace $0x90000046  }
0xb2: {  	s29 =	simm.s32 $0x9;
	_ =	strace $0x80000048  }
0xb3: {  	_ =	swait.ge [sflag:s29], $0x1  }
0xb4: {  	[sflag:s29] =	ssyncadd.s32 $0xFFFFFFFF  }
0xb5: {  	_ =	strace $0x90000048  }
0xb6: {  	_ =	sfence  }
0xb7: {  	s30 =	sld [smem:$0x0];
	_ =	sdelay $0x2  }
0xb8: {  	s31 =	sshll.u32 s1, $0xD;
	s1 =	sshrl.u32 s1, $0x2  }
0xb9: {  	s3 =	sand.u32 $0x4000, s31;
	s1 =	sadd.s32 s1, s30  }
0xba: {  	s0 =	sor.u32 s3, s0;
	s1 =	sshll.u32 s1, $0x11  }
0xbb: {  	s0 =	sor.u32 s1, s0  }
0xbc: {  	s0 =	sadd.s32 $0x8F2B, s0  }
0xbd: {  	[sflag:s0] =	ssyncadd.remote.s32 $0x1  }
0xbe: {  	_ =	sfence.sel $0xFFFF  }
0xbf: {  	[dreg:$0x0] =	wrdreg $0xFFFFFFFF;
	(pc) =	sbr.abs _section_cstart, $3  }
0xc0: {  	[dreg:$0x1] =	wrdreg $0xFFFFFFFF  }
0xc1: {  	_ =	task.clear_ibuf [dreg:s7], $0x2FFFF;
	_ =	strace $0x9FFFFFFF  }
0xc2: {  	(tm) =	ssettm $0x7FFFFFFF  }
0xc3: {  	_ =	shalt  }
tec
execute0_lowered:
.L_overlay_start_1:
0x0: {  	(tag) =	ssettag $0x1  }
0x1: {  	s0 =	srdreg.scid;
	s1 =	stileid.u32  }
0x2: {  	s3 =	sand.u32 $0x1, s0;
	s19 =	sshll.u32 s1, $0x1  }
0x3: {  	s2 =	sor.u32 s3, s19  }
0x4: {  	[smem:$0x7D3] =	sst s3;
	s3 =	ssub.s32 $0x2, s3;
	s1 =	smul.u32 $0x3400, s2  }
0x5: {  	s0 =	rddreg [dreg:$0x1];
	s4 =	sshrl.u32 s3, $0x1  }
0x6: {  	s2 =	smul.u32 $0xD000, s2;
	s3 =	ssub.s32 s3, s4;
	s5 =	sshrl.u32 s1, $0x3  }
0x7: {  	s9 =	sor.u32 $0x1A0, s1;
	[smem:$0x7D6] =	sst s3;
	s10 =	sadd.s32 $0x4E0, s1  }
0x8: {  	[smem:$0x7C9] =	sst s2;
	s25 =	sadd.s32 $0x680, s1;
	s7 =	sadd.s32 $0x820, s1  }
0x9: {  	s26 =	sadd.s32 $0x9C0, s1;
	s11 =	sadd.s32 $0xD00, s1;
	s12 =	sadd.s32 $0xEA0, s1  }
0xa: {  	s28 =	sadd.s32 $0x2700, s1;
	s29 =	sadd.s32 $0x28A0, s1;
	s30 =	sadd.s32 $0x2A40, s1  }
0xb: {  	s31 =	sadd.s32 $0x2BE0, s1;
	s20 =	sadd.s32 s0, s5;
	s21 =	sshrl.u32 s9, $0x3  }
0xc: {  	s5 =	sor.u32 $0x340, s1;
	s23 =	sshrl.u32 s10, $0x3;
	[smem:$0x7CC] =	sst s25  }
0xd: {  	[smem:$0x7CE] =	sst s26;
	s4 =	sshrl.u32 s7, $0x3;
	s13 =	sshrl.u32 s11, $0x3  }
0xe: {  	s14 =	sshrl.u32 s12, $0x3;
	[dreg:$0x3] =	wrdreg s20;
	s3 =	sadd.s32 s0, s21  }
0xf: {  	s22 =	sshrl.u32 s5, $0x3;
	s24 =	sadd.s32 s0, s23;
	s15 =	sadd.s32 s0, s14  }
0x10: {  	s14 =	sadd.s32 $0x11E0, s1;
	s5 =	sshll.u32 s5, $0x2;
	[dreg:$0x4] =	wrdreg s3  }
0x11: {  	s2 =	sadd.s32 s0, s22;
	[dreg:$0x6] =	wrdreg s24;
	s3 =	sshrl.u32 s26, $0x3  }
0x12: {  	[dreg:$0xc] =	wrdreg s15;
	s15 =	sadd.s32 $0x1380, s1;
	s17 =	sshrl.u32 s14, $0x3  }
0x13: {  	s14 =	sshll.u32 s14, $0x2;
	[dreg:$0x5] =	wrdreg s2;
	s2 =	sshrl.u32 s25, $0x3  }
0x14: {  	s6 =	sadd.s32 s0, s3;
	s18 =	sshrl.u32 s15, $0x3;
	s15 =	sshll.u32 s15, $0x2  }
0x15: {  	s2 =	sadd.s32 s0, s2;
	[dreg:$0x9] =	wrdreg s6;
	s6 =	sadd.s32 $0xB60, s1  }
0x16: {  	s19 =	sadd.s32 s0, s18;
	s18 =	sadd.s32 $0x1860, s1;
	[dreg:$0x7] =	wrdreg s2  }
0x17: {  	s2 =	sadd.s32 s0, s4;
	s8 =	sshrl.u32 s6, $0x3;
	[dreg:$0xf] =	wrdreg s19  }
0x18: {  	s22 =	sshrl.u32 s18, $0x3;
	s19 =	sadd.s32 $0x1A00, s1;
	s6 =	sshll.u32 s6, $0x2  }
0x19: {  	s18 =	sshll.u32 s18, $0x2;
	[dreg:$0x8] =	wrdreg s2;
	s2 =	sadd.s32 s0, s8  }
0x1a: {  	s23 =	sadd.s32 s0, s22;
	s24 =	sshrl.u32 s19, $0x3;
	s22 =	sadd.s32 $0x1EE0, s1  }
0x1b: {  	s19 =	sshll.u32 s19, $0x2;
	[dreg:$0xa] =	wrdreg s2;
	s2 =	sadd.s32 s0, s13  }
0x1c: {  	s13 =	sadd.s32 $0x1040, s1;
	[dreg:$0x12] =	wrdreg s23;
	s4 =	sshrl.u32 s22, $0x3  }
0x1d: {  	s23 =	sadd.s32 $0x2080, s1;
	s22 =	sshll.u32 s22, $0x2;
	s16 =	sshrl.u32 s13, $0x3  }
0x1e: {  	[dreg:$0xb] =	wrdreg s2;
	s8 =	sshrl.u32 s23, $0x3;
	s2 =	sadd.s32 s0, s16  }
0x1f: {  	s23 =	sshll.u32 s23, $0x2;
	s16 =	sadd.s32 $0x1520, s1;
	[dreg:$0xd] =	wrdreg s2  }
0x20: {  	s2 =	sadd.s32 s0, s17;
	s20 =	sshrl.u32 s16, $0x3;
	s17 =	sadd.s32 $0x16C0, s1  }
0x21: {  	s16 =	sshll.u32 s16, $0x2;
	[dreg:$0xe] =	wrdreg s2;
	s2 =	sadd.s32 s0, s20  }
0x22: {  	s21 =	sshrl.u32 s17, $0x3;
	s20 =	sadd.s32 $0x1BA0, s1;
	[dreg:$0x10] =	wrdreg s2  }
0x23: {  	s2 =	sadd.s32 s0, s21;
	s21 =	sadd.s32 $0x1D40, s1;
	s25 =	sshrl.u32 s20, $0x3  }
0x24: {  	[dreg:$0x11] =	wrdreg s2;
	s2 =	sadd.s32 s0, s24;
	s26 =	sshrl.u32 s21, $0x3  }
0x25: {  	s24 =	sadd.s32 $0x2220, s1;
	[dreg:$0x13] =	wrdreg s2;
	s2 =	sadd.s32 s0, s25  }
0x26: {  	s3 =	sadd.s32 s0, s26;
	s25 =	sshrl.u32 s24, $0x3;
	[dreg:$0x14] =	wrdreg s2  }
0x27: {  	[dreg:$0x15] =	wrdreg s3;
	s2 =	sadd.s32 s0, s4;
	s26 =	sadd.s32 s0, s25  }
0x28: {  	s25 =	sadd.s32 $0x23C0, s1;
	[dreg:$0x16] =	wrdreg s2;
	s2 =	sadd.s32 s0, s8  }
0x29: {  	[dreg:$0x18] =	wrdreg s26;
	s3 =	sshrl.u32 s25, $0x3;
	s26 =	sadd.s32 $0x2560, s1  }
0x2a: {  	[dreg:$0x17] =	wrdreg s2;
	s2 =	sadd.s32 s0, s3;
	s4 =	sshrl.u32 s26, $0x3  }
0x2b: {  	s8 =	sshrl.u32 s28, $0x3;
	[dreg:$0x19] =	wrdreg s2;
	s2 =	sadd.s32 s0, s4  }
0x2c: {  	s4 =	sadd.s32 s0, s8;
	s8 =	sshrl.u32 s29, $0x3;
	[dreg:$0x1a] =	wrdreg s2  }
0x2d: {  	s3 =	sshrl.u32 s30, $0x3;
	[dreg:$0x1b] =	wrdreg s4;
	s2 =	sadd.s32 s0, s8  }
0x2e: {  	s4 =	sshrl.u32 s31, $0x3;
	[dreg:$0x1c] =	wrdreg s2;
	s2 =	sadd.s32 s0, s3  }
0x2f: {  	s17 =	sshll.u32 s17, $0x2;
	s8 =	sadd.s32 s0, s4;
	[dreg:$0x1d] =	wrdreg s2  }
0x30: {  	s20 =	sshll.u32 s20, $0x2;
	s3 =	sadd.s32 $0x2D80, s1;
	[dreg:$0x1e] =	wrdreg s8  }
0x31: {  	[smem:$0x7D2] =	sst s3;
	s4 =	sshrl.u32 s3, $0x3;
	s2 =	sadd.s32 $0x30C0, s1  }
0x32: {  	s8 =	sadd.s32 $0x2F20, s1;
	[smem:$0x7D4] =	sst s2;
	s3 =	sadd.s32 s0, s4  }
0x33: {  	s4 =	sshrl.u32 s8, $0x3;
	s2 =	sshrl.u32 s2, $0x3;
	[dreg:$0x1f] =	wrdreg s3  }
0x34: {  	s3 =	sadd.s32 s0, s4;
	s4 =	sadd.s32 s0, s2;
	s2 =	rddreg [dreg:$0x0]  }
0x35: {  	s21 =	sshll.u32 s21, $0x2;
	s24 =	sshll.u32 s24, $0x2;
	[smem:$0x7C6] =	sst s3  }
0x36: {  	[smem:$0x7C7] =	sst s4;
	s3 =	sadd.s32 $0x3260, s1;
	s1 =	simm.s32 $0x0  }
0x37: {  	s25 =	sshll.u32 s25, $0x2;
	s4 =	sshrl.u32 s3, $0x3;
	[smem:$0x7FF] =	sst s1  }
0x38: {  	s0 =	sadd.s32 s0, s4;
	s4 =	sadd.s32 $0x27AD200, s2;
	s2 =	sld [smem:$0x7C9]  }
0x39: {  	s26 =	sshll.u32 s26, $0x2;
	[smem:$0x7C8] =	sst s0;
	s5 =	sadd.s32 s4, s5  }
0x3a: {  	s6 =	sadd.s32 s4, s6;
	s14 =	sadd.s32 s4, s14;
	s15 =	sadd.s32 s4, s15  }
0x3b: {  	s16 =	sadd.s32 s4, s16;
	s17 =	sadd.s32 s4, s17;
	s18 =	sadd.s32 s4, s18  }
0x3c: {  	s19 =	sadd.s32 s4, s19;
	s20 =	sadd.s32 s4, s20;
	[smem:$0x7CB] =	sst s5  }
0x3d: {  	s5 =	sld [smem:$0x7CC];
	s0 =	sadd.s32 s4, s2;
	s2 =	sshll.u32 s9, $0x2  }
0x3e: {  	s21 =	sadd.s32 s4, s21;
	s9 =	sadd.s32 s4, s2;
	s2 =	sshll.u32 s10, $0x2  }
0x3f: {  	s22 =	sadd.s32 s4, s22;
	[smem:$0x7CA] =	sst s0;
	s10 =	sadd.s32 s4, s2  }
0x40: {  	s0 =	sshll.u32 s5, $0x2;
	s2 =	sshll.u32 s7, $0x2;
	s5 =	sld [smem:$0x7CE]  }
0x41: {  	s0 =	sadd.s32 s4, s0;
	s7 =	sadd.s32 s4, s2;
	s2 =	sshll.u32 s11, $0x2  }
0x42: {  	[smem:$0x7CD] =	sst s0;
	s11 =	smov.u32 s7;
	s2 =	sadd.s32 s4, s2  }
0x43: {  	s7 =	sshll.u32 s13, $0x2;
	s0 =	sshll.u32 s5, $0x2;
	[smem:$0x7D0] =	sst s2  }
0x44: {  	s5 =	sshll.u32 s12, $0x2;
	s12 =	smov.u32 s6;
	s2 =	sshll.u32 s28, $0x2  }
0x45: {  	s0 =	sadd.s32 s4, s0;
	s28 =	sadd.s32 s4, s2;
	s2 =	sld [smem:$0x7D2]  }
0x46: {  	s6 =	sadd.s32 s4, s5;
	[smem:$0x7CF] =	sst s0;
	s0 =	sadd.s32 s4, s7  }
0x47: {  	s13 =	smov.u32 s6;
	s6 =	sshll.u32 s30, $0x2;
	[smem:$0x7D1] =	sst s0  }
0x48: {  	s7 =	sshll.u32 s31, $0x2;
	s30 =	sadd.s32 s4, s6;
	s6 =	sld [smem:$0x7D3]  }
0x49: {  	s23 =	sadd.s32 s4, s23;
	s31 =	sadd.s32 s4, s7;
	s7 =	sld [smem:$0x7D4]  }
0x4a: {  	s24 =	sadd.s32 s4, s24;
	_ =	strace $0x80000047;
	[smem:$0x7F8] =	sst s9  }
0x4b: {  	s25 =	sadd.s32 s4, s25;
	s5 =	sshll.u32 s29, $0x2;
	[smem:$0x7F9] =	sst s10  }
0x4c: {  	s26 =	sadd.s32 s4, s26;
	s29 =	sadd.s32 s4, s5;
	[smem:$0x7FA] =	sst s11  }
0x4d: {  	s5 =	sshll.u32 s8, $0x2;
	s8 =	stileid.u32;
	[smem:$0x7FB] =	sst s12  }
0x4e: {  	s8 =	smul.u32 $0x6800, s8;
	s0 =	sshll.u32 s2, $0x2;
	[smem:$0x7FC] =	sst s13  }
0x4f: {  	s2 =	sadd.s32 s4, s5;
	[smem:$0x7FD] =	sst s14;
	s0 =	sadd.s32 s4, s0  }
0x50: {  	s5 =	smul.u32 $0x3400, s6;
	s6 =	sshll.u32 s7, $0x2;
	s7 =	sshll.u32 s3, $0x2  }
0x51: {  	s3 =	sadd.s32 s4, s6;
	s4 =	sadd.s32 s4, s7;
	s7 =	rddreg [dreg:$0x0]  }
0x52: {  	s5 =	sadd.s32 s5, s8;
	s6 =	sadd.s32 $0xE00, s7;
	s8 =	sld [smem:$0x7D6]  }
0x53: {  	[smem:$0x7D5] =	sst s6  }
0x54: {  	s7 =	sor.u32 $0x1A0, s5;
	[smem:$0x7F6] =	sst s5  }
0x55: {  	[smem:$0x7D8] =	sst s7;
	s7 =	sadd.s32 $0x4E0, s5  }
0x56: {  	s6 =	smax.u32 s8, $0x1;
	[smem:$0x7DA] =	sst s7  }
0x57: {  	s8 =	sor.u32 $0x340, s5;
	[smem:$0x7D7] =	sst s6  }
0x58: {  	s7 =	sadd.s32 $0x820, s5;
	[smem:$0x7D9] =	sst s8  }
0x59: {  	s8 =	sadd.s32 $0x680, s5;
	[smem:$0x7DC] =	sst s7  }
0x5a: {  	s7 =	sadd.s32 $0xB60, s5;
	[smem:$0x7DB] =	sst s8  }
0x5b: {  	s8 =	sadd.s32 $0x9C0, s5;
	[smem:$0x7DE] =	sst s7  }
0x5c: {  	s7 =	sadd.s32 $0xEA0, s5;
	[smem:$0x7DD] =	sst s8  }
0x5d: {  	s8 =	sadd.s32 $0xD00, s5;
	[smem:$0x7E0] =	sst s7  }
0x5e: {  	s7 =	sadd.s32 $0x11E0, s5;
	[smem:$0x7DF] =	sst s8  }
0x5f: {  	s8 =	sadd.s32 $0x1040, s5;
	[smem:$0x7E2] =	sst s7  }
0x60: {  	s7 =	sadd.s32 $0x1520, s5;
	[smem:$0x7E1] =	sst s8  }
0x61: {  	s8 =	sadd.s32 $0x1380, s5;
	[smem:$0x7E4] =	sst s7  }
0x62: {  	s7 =	sadd.s32 $0x1860, s5;
	[smem:$0x7E3] =	sst s8  }
0x63: {  	s8 =	sadd.s32 $0x16C0, s5;
	[smem:$0x7E6] =	sst s7  }
0x64: {  	s7 =	sadd.s32 $0x1BA0, s5;
	[smem:$0x7E5] =	sst s8  }
0x65: {  	s8 =	sadd.s32 $0x1A00, s5;
	[smem:$0x7E8] =	sst s7  }
0x66: {  	s7 =	sadd.s32 $0x1EE0, s5;
	[smem:$0x7E7] =	sst s8  }
0x67: {  	s8 =	sadd.s32 $0x1D40, s5;
	[smem:$0x7EA] =	sst s7  }
0x68: {  	s7 =	sadd.s32 $0x2220, s5;
	[smem:$0x7E9] =	sst s8  }
0x69: {  	s8 =	sadd.s32 $0x2080, s5;
	[smem:$0x7EC] =	sst s7  }
0x6a: {  	s7 =	sadd.s32 $0x2560, s5;
	[smem:$0x7EB] =	sst s8  }
0x6b: {  	s8 =	sadd.s32 $0x23C0, s5;
	[smem:$0x7EE] =	sst s7  }
0x6c: {  	s7 =	sadd.s32 $0x28A0, s5;
	[smem:$0x7ED] =	sst s8  }
0x6d: {  	s8 =	sadd.s32 $0x2700, s5;
	[smem:$0x7F0] =	sst s7  }
0x6e: {  	s7 =	sadd.s32 $0x2BE0, s5;
	[smem:$0x7EF] =	sst s8  }
0x6f: {  	s8 =	sadd.s32 $0x2A40, s5;
	[smem:$0x7F2] =	sst s7  }
0x70: {  	s7 =	sadd.s32 $0x2F20, s5;
	[smem:$0x7F1] =	sst s8  }
0x71: {  	s8 =	sadd.s32 $0x2D80, s5;
	[smem:$0x7F4] =	sst s7  }
0x72: {  	[smem:$0x7F3] =	sst s8;
	s8 =	sadd.s32 $0x30C0, s5  }
0x73: {  	s5 =	sadd.s32 $0x3260, s5;
	[smem:$0x7F5] =	sst s8  }
0x74: {  	s6 =	simm.s32 $0x0;
	[smem:$0x7F7] =	sst s5;
	s8 =	simm.s32 $0x3  }
.LBB2_1:
0x75: {  	[smem:$0x7C5] =	sst s6  }
0x76: {  	s5 =	rddreg [dreg:$0x3]  }
0x77: {  	[tilespmem:s1], [sflag:$0x3] =	stream.linear.gather [hbm4b:s5+s1], $0x1A0, $0x38;
	[tilespmem:$0x1A340] =	vst v63  }
0x78: {  	_ =	swait.ge [sflag:s8], $0x1A0  }
0x79: {  	s7 =	sld [smem:$0x7F6];
	_ =	sdelay $0x1  }
0x7a: {  	[sflag:s8] =	ssyncset.done $0x0  }
0x7b: {  	s6 =	simm.s32 $0x40;
	s5 =	simm.s32 $0x0;
	[sflag:s8] =	ssyncadd.s32 $0xFFFFFE60;
	v0 =	vmov s7  }
.LBB2_2:
0x7c: {  	p0 =	sne.s32 s6, $0x640;
	v0 =	vshrl.u32 v0, $0xE;
	v1 =	vld [tilespmem:s5+$0x0]  }
0x7d: {  	v0 =	vmul.u32 $0x186A0, v0  }
.Ltmp0:
0x7e: {  	(pc) =	sbr.rel @p0 .LBB2_2-.Ltmp0, $3  }
0x7f: {  	v0 =	vbroadcast v0, $0x0;
	_ =	sdelay $0x1  }
0x80: {  	s7 =	sadd.s32 $0x10, s7;
	v1 =	vadd.s32 v0, v1  }
0x81: {  	v0 =	vmov s7;
	[tilespmem:s5+$0x0] =	vst v1;
	s5 =	sshra.s32 s6, $0x2;
	s6 =	sadd.s32 $0x40, s6  }
0x82: {  	v0 =	vshrl.u32 v0, $0xE;
	v1 =	vld [tilespmem:s5+$0x0]  }
0x83: {  	v0 =	vmul.u32 $0x186A0, v0;
	_ =	sdelay $0x1  }
0x84: {  	v0 =	vbroadcast v0, $0x0  }
0x85: {  	s6 =	sld [smem:$0x7D5]  }
0x86: {  	v0 =	vadd.s32 v0, v1  }
0x87: {  	s13 =	simm.s32 $0x0;
	s7 =	simm.s32 $0x1A0;
	s9 =	simm.s32 $0x340;
	[tilespmem:s5+$0x0] =	vst v0  }
0x88: {  	[tilespmem:s9], [sflag:$0x1] =	stream.indirect.gather [hbm4b:s6+s7], $0x80, s13, s7, $0xb8;
	[tilespmem:$0x1A340] =	vst v63  }
0x89: {  	s14 =	rddreg [dreg:$0x4]  }
0x8a: {  	[tilespmem:s7], [sflag:$0x3] =	stream.linear.gather [hbm4b:s14+s13], $0x1A0, $0x38;
	[tilespmem:$0x1A340] =	vst v63  }
0x8b: {  	_ =	swait.ge [sflag:s8], $0x1A0  }
0x8c: {  	s7 =	sld [smem:$0x7D8];
	_ =	sdelay $0x1  }
0x8d: {  	s5 =	simm.s32 $0x0;
	[sflag:s8] =	ssyncset.done $0x0  }
0x8e: {  	s6 =	simm.s32 $0x40;
	s9 =	sld [smem:$0x7CA];
	[sflag:s8] =	ssyncadd.s32 $0xFFFFFE60;
	v0 =	vmov s7  }
.LBB2_4:
0x8f: {  	p0 =	sne.s32 s6, $0x640;
	v0 =	vshrl.u32 v0, $0xE;
	v1 =	vld [tilespmem:s5+$0x1A0]  }
0x90: {  	v0 =	vmul.u32 $0x186A0, v0  }
.Ltmp1:
0x91: {  	(pc) =	sbr.rel @p0 .LBB2_4-.Ltmp1, $3  }
0x92: {  	v0 =	vbroadcast v0, $0x0;
	_ =	sdelay $0x1  }
0x93: {  	s7 =	sadd.s32 $0x10, s7;
	v1 =	vadd.s32 v0, v1  }
0x94: {  	v0 =	vmov s7;
	[tilespmem:s5+$0x1A0] =	vst v1;
	s5 =	sshra.s32 s6, $0x2;
	s6 =	sadd.s32 $0x40, s6  }
0x95: {  	v0 =	vshrl.u32 v0, $0xE;
	v1 =	vld [tilespmem:s5+$0x1A0]  }
0x96: {  	v0 =	vmul.u32 $0x186A0, v0;
	_ =	sdelay $0x1  }
0x97: {  	v0 =	vbroadcast v0, $0x0  }
0x98: {  	s13 =	sld [smem:$0x7D5]  }
0x99: {  	v0 =	vadd.s32 v0, v1  }
0x9a: {  	s6 =	simm.s32 $0x1A0;
	s7 =	simm.s32 $0xD340;
	s14 =	simm.s32 $0x1;
	[tilespmem:s5+$0x1A0] =	vst v0  }
0x9b: {  	[tilespmem:s7], [sflag:$0x2] =	stream.indirect.gather [hbm4b:s13+s6], $0x80, s6, s6, $0xb8;
	[tilespmem:$0x1A340] =	vst v63  }
0x9c: {  	_ =	swait.ge [sflag:s14], $0xD000  }
0x9d: {  	s8 =	sadd.s32 $0x0, s9;
	s5 =	simm.s32 $0x340;
	[sflag:s14] =	ssyncset.done $0x0  }
0x9e: {  	s6 =	simm.s32 $0x4;
	s7 =	simm.s32 $0x3C0;
	[sflag:s14] =	ssyncadd.s32 $0xFFFF3000  }
.LBB2_6:
0x9f: {  	[hbm4b:s8+s1] =	stream.linear.scatter [tilespmem:s5], [sflag:$0x3], $0x20, $0x38;
	[tilespmem:$0x1A340] =	vst v63  }
0xa0: {  	s8 =	smov.u32 s6;
	s5 =	smov.u32 s7;
	p0 =	sne.s32 s6, $0x67C  }
.Ltmp2:
0xa1: {  	s6 =	sadd.s32 $0x4, s6;
	(pc) =	sbr.rel @p0 .LBB2_6-.Ltmp2, $2  }
0xa2: {  	_ =	sdelay $0x2  }
0xa3: {  	s7 =	sadd.s32 $0x80, s7;
	s8 =	sadd.s32 s8, s9  }
0xa4: {  	[hbm4b:s8+s1] =	stream.linear.scatter [tilespmem:s5], [sflag:$0x3], $0x20, $0x38;
	[tilespmem:$0x1A340] =	vst v63  }
0xa5: {  	s7 =	simm.s32 $0x3  }
0xa6: {  	_ =	swait.ge [sflag:s7], $0x3400  }
0xa7: {  	[sflag:s7] =	ssyncset.done $0x0  }
0xa8: {  	s14 =	simm.s32 $0x0;
	s6 =	rddreg [dreg:$0x5];
	[sflag:s7] =	ssyncadd.s32 $0xFFFFCC00  }
0xa9: {  	[tilespmem:s14], [sflag:$0x3] =	stream.linear.gather [hbm4b:s6+s14], $0x1A0, $0x38;
	[tilespmem:$0x1A340] =	vst v63  }
0xaa: {  	_ =	swait.ge [sflag:s7], $0x1A0  }
0xab: {  	[sflag:s7] =	ssyncset.done $0x0  }
0xac: {  	[sflag:s7] =	ssyncadd.s32 $0xFFFFFE60;
	s7 =	sld [smem:$0x7D9];
	_ =	sdelay $0x2  }
0xad: {  	s5 =	simm.s32 $0x0;
	s6 =	simm.s32 $0x40;
	v0 =	vmov s7  }
.LBB2_8:
0xae: {  	p0 =	sne.s32 s6, $0x640;
	v0 =	vshrl.u32 v0, $0xE;
	v1 =	vld [tilespmem:s5+$0x0]  }
0xaf: {  	v0 =	vmul.u32 $0x186A0, v0  }
.Ltmp3:
0xb0: {  	(pc) =	sbr.rel @p0 .LBB2_8-.Ltmp3, $3  }
0xb1: {  	v0 =	vbroadcast v0, $0x0;
	_ =	sdelay $0x1  }
0xb2: {  	s7 =	sadd.s32 $0x10, s7;
	v1 =	vadd.s32 v0, v1  }
0xb3: {  	v0 =	vmov s7;
	[tilespmem:s5+$0x0] =	vst v1;
	s5 =	sshra.s32 s6, $0x2;
	s6 =	sadd.s32 $0x40, s6  }
0xb4: {  	v0 =	vshrl.u32 v0, $0xE;
	v1 =	vld [tilespmem:s5+$0x0]  }
0xb5: {  	v0 =	vmul.u32 $0x186A0, v0;
	_ =	sdelay $0x1  }
0xb6: {  	v0 =	vbroadcast v0, $0x0  }
0xb7: {  	s6 =	sld [smem:$0x7D5]  }
0xb8: {  	s13 =	simm.s32 $0x0;
	v0 =	vadd.s32 v0, v1  }
0xb9: {  	s7 =	simm.s32 $0x1A0;
	s8 =	simm.s32 $0x340;
	s14 =	simm.s32 $0x2;
	[tilespmem:s5+$0x0] =	vst v0  }
0xba: {  	[tilespmem:s8], [sflag:$0x1] =	stream.indirect.gather [hbm4b:s6+s7], $0x80, s13, s7, $0xb8;
	[tilespmem:$0x1A340] =	vst v63  }
0xbb: {  	_ =	swait.ge [sflag:s14], $0xD000  }
0xbc: {  	s9 =	sld [smem:$0x7F8];
	_ =	sdelay $0x1  }
0xbd: {  	s5 =	simm.s32 $0xD340;
	s6 =	simm.s32 $0x4;
	[sflag:s14] =	ssyncset.done $0x0  }
0xbe: {  	s7 =	simm.s32 $0xD3C0;
	[sflag:s14] =	ssyncadd.s32 $0xFFFF3000;
	s8 =	sadd.s32 $0x0, s9  }
.LBB2_10:
0xbf: {  	[hbm4b:s8+s1] =	stream.linear.scatter [tilespmem:s5], [sflag:$0x3], $0x20, $0x38;
	[tilespmem:$0x1A340] =	vst v63  }
0xc0: {  	s8 =	smov.u32 s6;
	s5 =	smov.u32 s7;
	p0 =	sne.s32 s6, $0x67C  }
.Ltmp4:
0xc1: {  	s6 =	sadd.s32 $0x4, s6;
	(pc) =	sbr.rel @p0 .LBB2_10-.Ltmp4, $2  }
0xc2: {  	_ =	sdelay $0x2  }
0xc3: {  	s7 =	sadd.s32 $0x80, s7;
	s8 =	sadd.s32 s8, s9  }
0xc4: {  	[hbm4b:s8+s1] =	stream.linear.scatter [tilespmem:s5], [sflag:$0x3], $0x20, $0x38;
	[tilespmem:$0x1A340] =	vst v63  }
0xc5: {  	s7 =	simm.s32 $0x3  }
0xc6: {  	_ =	swait.ge [sflag:s7], $0x3400  }
0xc7: {  	s13 =	simm.s32 $0x0;
	[sflag:s7] =	ssyncset.done $0x0  }
0xc8: {  	s14 =	simm.s32 $0x1A0;
	s6 =	rddreg [dreg:$0x6];
	[sflag:s7] =	ssyncadd.s32 $0xFFFFCC00  }
0xc9: {  	[tilespmem:s14], [sflag:$0x3] =	stream.linear.gather [hbm4b:s6+s13], $0x1A0, $0x38;
	[tilespmem:$0x1A340] =	vst v63  }
0xca: {  	_ =	swait.ge [sflag:s7], $0x1A0  }
0xcb: {  	[sflag:s7] =	ssyncset.done $0x0  }
0xcc: {  	[sflag:s7] =	ssyncadd.s32 $0xFFFFFE60;
	s7 =	sld [smem:$0x7DA];
	_ =	sdelay $0x2  }
0xcd: {  	s5 =	simm.s32 $0x0;
	s6 =	simm.s32 $0x40;
	v0 =	vmov s7  }
.LBB2_12:
0xce: {  	p0 =	sne.s32 s6, $0x640;
	v0 =	vshrl.u32 v0, $0xE;
	v1 =	vld [tilespmem:s5+$0x1A0]  }
0xcf: {  	v0 =	vmul.u32 $0x186A0, v0  }
.Ltmp5:
0xd0: {  	(pc) =	sbr.rel @p0 .LBB2_12-.Ltmp5, $3  }
0xd1: {  	v0 =	vbroadcast v0, $0x0;
	_ =	sdelay $0x1  }
0xd2: {  	s7 =	sadd.s32 $0x10, s7;
	v1 =	vadd.s32 v0, v1  }
0xd3: {  	v0 =	vmov s7;
	[tilespmem:s5+$0x1A0] =	vst v1;
	s5 =	sshra.s32 s6, $0x2;
	s6 =	sadd.s32 $0x40, s6  }
0xd4: {  	v0 =	vshrl.u32 v0, $0xE;
	v1 =	vld [tilespmem:s5+$0x1A0]  }
0xd5: {  	v0 =	vmul.u32 $0x186A0, v0;
	_ =	sdelay $0x1  }
0xd6: {  	v0 =	vbroadcast v0, $0x0  }
0xd7: {  	s13 =	sld [smem:$0x7D5]  }
0xd8: {  	v0 =	vadd.s32 v0, v1  }
0xd9: {  	s6 =	simm.s32 $0x1A0;
	s7 =	simm.s32 $0xD340;
	s14 =	simm.s32 $0x1;
	[tilespmem:s5+$0x1A0] =	vst v0  }
0xda: {  	[tilespmem:s7], [sflag:$0x2] =	stream.indirect.gather [hbm4b:s13+s6], $0x80, s6, s6, $0xb8;
	[tilespmem:$0x1A340] =	vst v63  }
0xdb: {  	_ =	swait.ge [sflag:s14], $0xD000  }
0xdc: {  	s10 =	sld [smem:$0x7CB];
	_ =	sdelay $0x1  }
0xdd: {  	s5 =	simm.s32 $0x340;
	s6 =	simm.s32 $0x4;
	[sflag:s14] =	ssyncset.done $0x0  }
0xde: {  	s7 =	simm.s32 $0x3C0;
	[sflag:s14] =	ssyncadd.s32 $0xFFFF3000;
	s8 =	sadd.s32 $0x0, s10  }
.LBB2_14:
0xdf: {  	[hbm4b:s8+s1] =	stream.linear.scatter [tilespmem:s5], [sflag:$0x3], $0x20, $0x38;
	[tilespmem:$0x1A340] =	vst v63  }
0xe0: {  	s8 =	smov.u32 s6;
	s5 =	smov.u32 s7;
	p0 =	sne.s32 s6, $0x67C  }
.Ltmp6:
0xe1: {  	s6 =	sadd.s32 $0x4, s6;
	(pc) =	sbr.rel @p0 .LBB2_14-.Ltmp6, $2  }
0xe2: {  	_ =	sdelay $0x2  }
0xe3: {  	s7 =	sadd.s32 $0x80, s7;
	s8 =	sadd.s32 s8, s10  }
0xe4: {  	[hbm4b:s8+s1] =	stream.linear.scatter [tilespmem:s5], [sflag:$0x3], $0x20, $0x38;
	[tilespmem:$0x1A340] =	vst v63  }
0xe5: {  	s7 =	simm.s32 $0x3  }
0xe6: {  	_ =	swait.ge [sflag:s7], $0x3400  }
0xe7: {  	[sflag:s7] =	ssyncset.done $0x0  }
0xe8: {  	s14 =	simm.s32 $0x0;
	s6 =	rddreg [dreg:$0x7];
	[sflag:s7] =	ssyncadd.s32 $0xFFFFCC00  }
0xe9: {  	[tilespmem:s14], [sflag:$0x3] =	stream.linear.gather [hbm4b:s6+s14], $0x1A0, $0x38;
	[tilespmem:$0x1A340] =	vst v63  }
0xea: {  	_ =	swait.ge [sflag:s7], $0x1A0  }
0xeb: {  	[sflag:s7] =	ssyncset.done $0x0  }
0xec: {  	[sflag:s7] =	ssyncadd.s32 $0xFFFFFE60;
	s7 =	sld [smem:$0x7DB];
	_ =	sdelay $0x2  }
0xed: {  	s5 =	simm.s32 $0x0;
	s6 =	simm.s32 $0x40;
	v0 =	vmov s7  }
.LBB2_16:
0xee: {  	p0 =	sne.s32 s6, $0x640;
	v0 =	vshrl.u32 v0, $0xE;
	v1 =	vld [tilespmem:s5+$0x0]  }
0xef: {  	v0 =	vmul.u32 $0x186A0, v0  }
.Ltmp7:
0xf0: {  	(pc) =	sbr.rel @p0 .LBB2_16-.Ltmp7, $3  }
0xf1: {  	v0 =	vbroadcast v0, $0x0;
	_ =	sdelay $0x1  }
0xf2: {  	s7 =	sadd.s32 $0x10, s7;
	v1 =	vadd.s32 v0, v1  }
0xf3: {  	v0 =	vmov s7;
	[tilespmem:s5+$0x0] =	vst v1;
	s5 =	sshra.s32 s6, $0x2;
	s6 =	sadd.s32 $0x40, s6  }
0xf4: {  	v0 =	vshrl.u32 v0, $0xE;
	v1 =	vld [tilespmem:s5+$0x0]  }
0xf5: {  	v0 =	vmul.u32 $0x186A0, v0;
	_ =	sdelay $0x1  }
0xf6: {  	v0 =	vbroadcast v0, $0x0  }
0xf7: {  	s6 =	sld [smem:$0x7D5]  }
0xf8: {  	s13 =	simm.s32 $0x0;
	v0 =	vadd.s32 v0, v1  }
0xf9: {  	s7 =	simm.s32 $0x1A0;
	s8 =	simm.s32 $0x340;
	s14 =	simm.s32 $0x2;
	[tilespmem:s5+$0x0] =	vst v0  }
0xfa: {  	[tilespmem:s8], [sflag:$0x1] =	stream.indirect.gather [hbm4b:s6+s7], $0x80, s13, s7, $0xb8;
	[tilespmem:$0x1A340] =	vst v63  }
0xfb: {  	_ =	swait.ge [sflag:s14], $0xD000  }
0xfc: {  	s10 =	sld [smem:$0x7F9];
	_ =	sdelay $0x1  }
0xfd: {  	s5 =	simm.s32 $0xD340;
	s6 =	simm.s32 $0x4;
	[sflag:s14] =	ssyncset.done $0x0  }
0xfe: {  	s7 =	simm.s32 $0xD3C0;
	[sflag:s14] =	ssyncadd.s32 $0xFFFF3000;
	s8 =	sadd.s32 $0x0, s10  }
.LBB2_18:
0xff: {  	[hbm4b:s8+s1] =	stream.linear.scatter [tilespmem:s5], [sflag:$0x3], $0x20, $0x38;
	[tilespmem:$0x1A340] =	vst v63  }
0x100: {  	s8 =	smov.u32 s6;
	s5 =	smov.u32 s7;
	p0 =	sne.s32 s6, $0x67C  }
.Ltmp8:
0x101: {  	s6 =	sadd.s32 $0x4, s6;
	(pc) =	sbr.rel @p0 .LBB2_18-.Ltmp8, $2  }
0x102: {  	_ =	sdelay $0x2  }
0x103: {  	s7 =	sadd.s32 $0x80, s7;
	s8 =	sadd.s32 s8, s10  }
0x104: {  	[hbm4b:s8+s1] =	stream.linear.scatter [tilespmem:s5], [sflag:$0x3], $0x20, $0x38;
	[tilespmem:$0x1A340] =	vst v63  }
0x105: {  	s7 =	simm.s32 $0x3  }
0x106: {  	_ =	swait.ge [sflag:s7], $0x3400  }
0x107: {  	s13 =	simm.s32 $0x0;
	[sflag:s7] =	ssyncset.done $0x0  }
0x108: {  	s14 =	simm.s32 $0x1A0;
	s6 =	rddreg [dreg:$0x8];
	[sflag:s7] =	ssyncadd.s32 $0xFFFFCC00  }
0x109: {  	[tilespmem:s14], [sflag:$0x3] =	stream.linear.gather [hbm4b:s6+s13], $0x1A0, $0x38;
	[tilespmem:$0x1A340] =	vst v63  }
0x10a: {  	_ =	swait.ge [sflag:s7], $0x1A0  }
0x10b: {  	[sflag:s7] =	ssyncset.done $0x0  }
0x10c: {  	[sflag:s7] =	ssyncadd.s32 $0xFFFFFE60;
	s7 =	sld [smem:$0x7DC];
	_ =	sdelay $0x2  }
0x10d: {  	s5 =	simm.s32 $0x0;
	s6 =	simm.s32 $0x40;
	v0 =	vmov s7  }
.LBB2_20:
0x10e: {  	p0 =	sne.s32 s6, $0x640;
	v0 =	vshrl.u32 v0, $0xE;
	v1 =	vld [tilespmem:s5+$0x1A0]  }
0x10f: {  	v0 =	vmul.u32 $0x186A0, v0  }
.Ltmp9:
0x110: {  	(pc) =	sbr.rel @p0 .LBB2_20-.Ltmp9, $3  }
0x111: {  	v0 =	vbroadcast v0, $0x0;
	_ =	sdelay $0x1  }
0x112: {  	s7 =	sadd.s32 $0x10, s7;
	v1 =	vadd.s32 v0, v1  }
0x113: {  	v0 =	vmov s7;
	[tilespmem:s5+$0x1A0] =	vst v1;
	s5 =	sshra.s32 s6, $0x2;
	s6 =	sadd.s32 $0x40, s6  }
0x114: {  	v0 =	vshrl.u32 v0, $0xE;
	v1 =	vld [tilespmem:s5+$0x1A0]  }
0x115: {  	v0 =	vmul.u32 $0x186A0, v0;
	_ =	sdelay $0x1  }
0x116: {  	v0 =	vbroadcast v0, $0x0  }
0x117: {  	s13 =	sld [smem:$0x7D5]  }
0x118: {  	v0 =	vadd.s32 v0, v1  }
0x119: {  	s6 =	simm.s32 $0x1A0;
	s7 =	simm.s32 $0xD340;
	s14 =	simm.s32 $0x1;
	[tilespmem:s5+$0x1A0] =	vst v0  }
0x11a: {  	[tilespmem:s7], [sflag:$0x2] =	stream.indirect.gather [hbm4b:s13+s6], $0x80, s6, s6, $0xb8;
	[tilespmem:$0x1A340] =	vst v63  }
0x11b: {  	_ =	swait.ge [sflag:s14], $0xD000  }
0x11c: {  	s11 =	sld [smem:$0x7CD];
	_ =	sdelay $0x1  }
0x11d: {  	s5 =	simm.s32 $0x340;
	s6 =	simm.s32 $0x4;
	[sflag:s14] =	ssyncset.done $0x0  }
0x11e: {  	s7 =	simm.s32 $0x3C0;
	[sflag:s14] =	ssyncadd.s32 $0xFFFF3000;
	s8 =	sadd.s32 $0x0, s11  }
.LBB2_22:
0x11f: {  	[hbm4b:s8+s1] =	stream.linear.scatter [tilespmem:s5], [sflag:$0x3], $0x20, $0x38;
	[tilespmem:$0x1A340] =	vst v63  }
0x120: {  	s8 =	smov.u32 s6;
	s5 =	smov.u32 s7;
	p0 =	sne.s32 s6, $0x67C  }
.Ltmp10:
0x121: {  	s6 =	sadd.s32 $0x4, s6;
	(pc) =	sbr.rel @p0 .LBB2_22-.Ltmp10, $2  }
0x122: {  	_ =	sdelay $0x2  }
0x123: {  	s7 =	sadd.s32 $0x80, s7;
	s8 =	sadd.s32 s8, s11  }
0x124: {  	[hbm4b:s8+s1] =	stream.linear.scatter [tilespmem:s5], [sflag:$0x3], $0x20, $0x38;
	[tilespmem:$0x1A340] =	vst v63  }
0x125: {  	s7 =	simm.s32 $0x3  }
0x126: {  	_ =	swait.ge [sflag:s7], $0x3400  }
0x127: {  	[sflag:s7] =	ssyncset.done $0x0  }
0x128: {  	s14 =	simm.s32 $0x0;
	s6 =	rddreg [dreg:$0x9];
	[sflag:s7] =	ssyncadd.s32 $0xFFFFCC00  }
0x129: {  	[tilespmem:s14], [sflag:$0x3] =	stream.linear.gather [hbm4b:s6+s14], $0x1A0, $0x38;
	[tilespmem:$0x1A340] =	vst v63  }
0x12a: {  	_ =	swait.ge [sflag:s7], $0x1A0  }
0x12b: {  	[sflag:s7] =	ssyncset.done $0x0  }
0x12c: {  	[sflag:s7] =	ssyncadd.s32 $0xFFFFFE60;
	s7 =	sld [smem:$0x7DD];
	_ =	sdelay $0x2  }
0x12d: {  	s5 =	simm.s32 $0x0;
	s6 =	simm.s32 $0x40;
	v0 =	vmov s7  }
.LBB2_24:
0x12e: {  	p0 =	sne.s32 s6, $0x640;
	v0 =	vshrl.u32 v0, $0xE;
	v1 =	vld [tilespmem:s5+$0x0]  }
0x12f: {  	v0 =	vmul.u32 $0x186A0, v0  }
.Ltmp11:
0x130: {  	(pc) =	sbr.rel @p0 .LBB2_24-.Ltmp11, $3  }
0x131: {  	v0 =	vbroadcast v0, $0x0;
	_ =	sdelay $0x1  }
0x132: {  	s7 =	sadd.s32 $0x10, s7;
	v1 =	vadd.s32 v0, v1  }
0x133: {  	v0 =	vmov s7;
	[tilespmem:s5+$0x0] =	vst v1;
	s5 =	sshra.s32 s6, $0x2;
	s6 =	sadd.s32 $0x40, s6  }
0x134: {  	v0 =	vshrl.u32 v0, $0xE;
	v1 =	vld [tilespmem:s5+$0x0]  }
0x135: {  	v0 =	vmul.u32 $0x186A0, v0;
	_ =	sdelay $0x1  }
0x136: {  	v0 =	vbroadcast v0, $0x0  }
0x137: {  	s6 =	sld [smem:$0x7D5]  }
0x138: {  	s13 =	simm.s32 $0x0;
	v0 =	vadd.s32 v0, v1  }
0x139: {  	s7 =	simm.s32 $0x1A0;
	s8 =	simm.s32 $0x340;
	s14 =	simm.s32 $0x2;
	[tilespmem:s5+$0x0] =	vst v0  }
0x13a: {  	[tilespmem:s8], [sflag:$0x1] =	stream.indirect.gather [hbm4b:s6+s7], $0x80, s13, s7, $0xb8;
	[tilespmem:$0x1A340] =	vst v63  }
0x13b: {  	_ =	swait.ge [sflag:s14], $0xD000  }
0x13c: {  	s11 =	sld [smem:$0x7FA];
	_ =	sdelay $0x1  }
0x13d: {  	s5 =	simm.s32 $0xD340;
	s6 =	simm.s32 $0x4;
	[sflag:s14] =	ssyncset.done $0x0  }
0x13e: {  	s7 =	simm.s32 $0xD3C0;
	[sflag:s14] =	ssyncadd.s32 $0xFFFF3000;
	s8 =	sadd.s32 $0x0, s11  }
.LBB2_26:
0x13f: {  	[hbm4b:s8+s1] =	stream.linear.scatter [tilespmem:s5], [sflag:$0x3], $0x20, $0x38;
	[tilespmem:$0x1A340] =	vst v63  }
0x140: {  	s8 =	smov.u32 s6;
	s5 =	smov.u32 s7;
	p0 =	sne.s32 s6, $0x67C  }
.Ltmp12:
0x141: {  	s6 =	sadd.s32 $0x4, s6;
	(pc) =	sbr.rel @p0 .LBB2_26-.Ltmp12, $2  }
0x142: {  	_ =	sdelay $0x2  }
0x143: {  	s7 =	sadd.s32 $0x80, s7;
	s8 =	sadd.s32 s8, s11  }
0x144: {  	[hbm4b:s8+s1] =	stream.linear.scatter [tilespmem:s5], [sflag:$0x3], $0x20, $0x38;
	[tilespmem:$0x1A340] =	vst v63  }
0x145: {  	s7 =	simm.s32 $0x3  }
0x146: {  	_ =	swait.ge [sflag:s7], $0x3400  }
0x147: {  	s13 =	simm.s32 $0x0;
	[sflag:s7] =	ssyncset.done $0x0  }
0x148: {  	s14 =	simm.s32 $0x1A0;
	s6 =	rddreg [dreg:$0xa];
	[sflag:s7] =	ssyncadd.s32 $0xFFFFCC00  }
0x149: {  	[tilespmem:s14], [sflag:$0x3] =	stream.linear.gather [hbm4b:s6+s13], $0x1A0, $0x38;
	[tilespmem:$0x1A340] =	vst v63  }
0x14a: {  	_ =	swait.ge [sflag:s7], $0x1A0  }
0x14b: {  	[sflag:s7] =	ssyncset.done $0x0  }
0x14c: {  	[sflag:s7] =	ssyncadd.s32 $0xFFFFFE60;
	s7 =	sld [smem:$0x7DE];
	_ =	sdelay $0x2  }
0x14d: {  	s5 =	simm.s32 $0x0;
	s6 =	simm.s32 $0x40;
	v0 =	vmov s7  }
.LBB2_28:
0x14e: {  	p0 =	sne.s32 s6, $0x640;
	v0 =	vshrl.u32 v0, $0xE;
	v1 =	vld [tilespmem:s5+$0x1A0]  }
0x14f: {  	v0 =	vmul.u32 $0x186A0, v0  }
.Ltmp13:
0x150: {  	(pc) =	sbr.rel @p0 .LBB2_28-.Ltmp13, $3  }
0x151: {  	v0 =	vbroadcast v0, $0x0;
	_ =	sdelay $0x1  }
0x152: {  	s7 =	sadd.s32 $0x10, s7;
	v1 =	vadd.s32 v0, v1  }
0x153: {  	v0 =	vmov s7;
	[tilespmem:s5+$0x1A0] =	vst v1;
	s5 =	sshra.s32 s6, $0x2;
	s6 =	sadd.s32 $0x40, s6  }
0x154: {  	v0 =	vshrl.u32 v0, $0xE;
	v1 =	vld [tilespmem:s5+$0x1A0]  }
0x155: {  	v0 =	vmul.u32 $0x186A0, v0;
	_ =	sdelay $0x1  }
0x156: {  	v0 =	vbroadcast v0, $0x0  }
0x157: {  	s13 =	sld [smem:$0x7D5]  }
0x158: {  	v0 =	vadd.s32 v0, v1  }
0x159: {  	s6 =	simm.s32 $0x1A0;
	s7 =	simm.s32 $0xD340;
	s14 =	simm.s32 $0x1;
	[tilespmem:s5+$0x1A0] =	vst v0  }
0x15a: {  	[tilespmem:s7], [sflag:$0x2] =	stream.indirect.gather [hbm4b:s13+s6], $0x80, s6, s6, $0xb8;
	[tilespmem:$0x1A340] =	vst v63  }
0x15b: {  	_ =	swait.ge [sflag:s14], $0xD000  }
0x15c: {  	s12 =	sld [smem:$0x7CF];
	_ =	sdelay $0x1  }
0x15d: {  	s5 =	simm.s32 $0x340;
	s6 =	simm.s32 $0x4;
	[sflag:s14] =	ssyncset.done $0x0  }
0x15e: {  	s7 =	simm.s32 $0x3C0;
	[sflag:s14] =	ssyncadd.s32 $0xFFFF3000;
	s8 =	sadd.s32 $0x0, s12  }
.LBB2_30:
0x15f: {  	[hbm4b:s8+s1] =	stream.linear.scatter [tilespmem:s5], [sflag:$0x3], $0x20, $0x38;
	[tilespmem:$0x1A340] =	vst v63  }
0x160: {  	s8 =	smov.u32 s6;
	s5 =	smov.u32 s7;
	p0 =	sne.s32 s6, $0x67C  }
.Ltmp14:
0x161: {  	s6 =	sadd.s32 $0x4, s6;
	(pc) =	sbr.rel @p0 .LBB2_30-.Ltmp14, $2  }
0x162: {  	_ =	sdelay $0x2  }
0x163: {  	s7 =	sadd.s32 $0x80, s7;
	s8 =	sadd.s32 s8, s12  }
0x164: {  	[hbm4b:s8+s1] =	stream.linear.scatter [tilespmem:s5], [sflag:$0x3], $0x20, $0x38;
	[tilespmem:$0x1A340] =	vst v63  }
0x165: {  	s7 =	simm.s32 $0x3  }
0x166: {  	_ =	swait.ge [sflag:s7], $0x3400  }
0x167: {  	[sflag:s7] =	ssyncset.done $0x0  }
0x168: {  	s14 =	simm.s32 $0x0;
	s6 =	rddreg [dreg:$0xb];
	[sflag:s7] =	ssyncadd.s32 $0xFFFFCC00  }
0x169: {  	[tilespmem:s14], [sflag:$0x3] =	stream.linear.gather [hbm4b:s6+s14], $0x1A0, $0x38;
	[tilespmem:$0x1A340] =	vst v63  }
0x16a: {  	_ =	swait.ge [sflag:s7], $0x1A0  }
0x16b: {  	[sflag:s7] =	ssyncset.done $0x0  }
0x16c: {  	[sflag:s7] =	ssyncadd.s32 $0xFFFFFE60;
	s7 =	sld [smem:$0x7DF];
	_ =	sdelay $0x2  }
0x16d: {  	s5 =	simm.s32 $0x0;
	s6 =	simm.s32 $0x40;
	v0 =	vmov s7  }
.LBB2_32:
0x16e: {  	p0 =	sne.s32 s6, $0x640;
	v0 =	vshrl.u32 v0, $0xE;
	v1 =	vld [tilespmem:s5+$0x0]  }
0x16f: {  	v0 =	vmul.u32 $0x186A0, v0  }
.Ltmp15:
0x170: {  	(pc) =	sbr.rel @p0 .LBB2_32-.Ltmp15, $3  }
0x171: {  	v0 =	vbroadcast v0, $0x0;
	_ =	sdelay $0x1  }
0x172: {  	s7 =	sadd.s32 $0x10, s7;
	v1 =	vadd.s32 v0, v1  }
0x173: {  	v0 =	vmov s7;
	[tilespmem:s5+$0x0] =	vst v1;
	s5 =	sshra.s32 s6, $0x2;
	s6 =	sadd.s32 $0x40, s6  }
0x174: {  	v0 =	vshrl.u32 v0, $0xE;
	v1 =	vld [tilespmem:s5+$0x0]  }
0x175: {  	v0 =	vmul.u32 $0x186A0, v0;
	_ =	sdelay $0x1  }
0x176: {  	v0 =	vbroadcast v0, $0x0  }
0x177: {  	s6 =	sld [smem:$0x7D5]  }
0x178: {  	s13 =	simm.s32 $0x0;
	v0 =	vadd.s32 v0, v1  }
0x179: {  	s7 =	simm.s32 $0x1A0;
	s8 =	simm.s32 $0x340;
	s14 =	simm.s32 $0x2;
	[tilespmem:s5+$0x0] =	vst v0  }
0x17a: {  	[tilespmem:s8], [sflag:$0x1] =	stream.indirect.gather [hbm4b:s6+s7], $0x80, s13, s7, $0xb8;
	[tilespmem:$0x1A340] =	vst v63  }
0x17b: {  	_ =	swait.ge [sflag:s14], $0xD000  }
0x17c: {  	s12 =	sld [smem:$0x7FB];
	_ =	sdelay $0x1  }
0x17d: {  	s5 =	simm.s32 $0xD340;
	s6 =	simm.s32 $0x4;
	[sflag:s14] =	ssyncset.done $0x0  }
0x17e: {  	s7 =	simm.s32 $0xD3C0;
	[sflag:s14] =	ssyncadd.s32 $0xFFFF3000;
	s8 =	sadd.s32 $0x0, s12  }
.LBB2_34:
0x17f: {  	[hbm4b:s8+s1] =	stream.linear.scatter [tilespmem:s5], [sflag:$0x3], $0x20, $0x38;
	[tilespmem:$0x1A340] =	vst v63  }
0x180: {  	s8 =	smov.u32 s6;
	s5 =	smov.u32 s7;
	p0 =	sne.s32 s6, $0x67C  }
.Ltmp16:
0x181: {  	s6 =	sadd.s32 $0x4, s6;
	(pc) =	sbr.rel @p0 .LBB2_34-.Ltmp16, $2  }
0x182: {  	_ =	sdelay $0x2  }
0x183: {  	s7 =	sadd.s32 $0x80, s7;
	s8 =	sadd.s32 s8, s12  }
0x184: {  	[hbm4b:s8+s1] =	stream.linear.scatter [tilespmem:s5], [sflag:$0x3], $0x20, $0x38;
	[tilespmem:$0x1A340] =	vst v63  }
0x185: {  	s7 =	simm.s32 $0x3  }
0x186: {  	_ =	swait.ge [sflag:s7], $0x3400  }
0x187: {  	s13 =	simm.s32 $0x0;
	[sflag:s7] =	ssyncset.done $0x0  }
0x188: {  	s14 =	simm.s32 $0x1A0;
	s6 =	rddreg [dreg:$0xc];
	[sflag:s7] =	ssyncadd.s32 $0xFFFFCC00  }
0x189: {  	[tilespmem:s14], [sflag:$0x3] =	stream.linear.gather [hbm4b:s6+s13], $0x1A0, $0x38;
	[tilespmem:$0x1A340] =	vst v63  }
0x18a: {  	_ =	swait.ge [sflag:s7], $0x1A0  }
0x18b: {  	[sflag:s7] =	ssyncset.done $0x0  }
0x18c: {  	[sflag:s7] =	ssyncadd.s32 $0xFFFFFE60;
	s7 =	sld [smem:$0x7E0];
	_ =	sdelay $0x2  }
0x18d: {  	s5 =	simm.s32 $0x0;
	s6 =	simm.s32 $0x40;
	v0 =	vmov s7  }
.LBB2_36:
0x18e: {  	p0 =	sne.s32 s6, $0x640;
	v0 =	vshrl.u32 v0, $0xE;
	v1 =	vld [tilespmem:s5+$0x1A0]  }
0x18f: {  	v0 =	vmul.u32 $0x186A0, v0  }
.Ltmp17:
0x190: {  	(pc) =	sbr.rel @p0 .LBB2_36-.Ltmp17, $3  }
0x191: {  	v0 =	vbroadcast v0, $0x0;
	_ =	sdelay $0x1  }
0x192: {  	s7 =	sadd.s32 $0x10, s7;
	v1 =	vadd.s32 v0, v1  }
0x193: {  	v0 =	vmov s7;
	[tilespmem:s5+$0x1A0] =	vst v1;
	s5 =	sshra.s32 s6, $0x2;
	s6 =	sadd.s32 $0x40, s6  }
0x194: {  	v0 =	vshrl.u32 v0, $0xE;
	v1 =	vld [tilespmem:s5+$0x1A0]  }
0x195: {  	v0 =	vmul.u32 $0x186A0, v0;
	_ =	sdelay $0x1  }
0x196: {  	v0 =	vbroadcast v0, $0x0  }
0x197: {  	s13 =	sld [smem:$0x7D5]  }
0x198: {  	v0 =	vadd.s32 v0, v1  }
0x199: {  	s6 =	simm.s32 $0x1A0;
	s7 =	simm.s32 $0xD340;
	s14 =	simm.s32 $0x1;
	[tilespmem:s5+$0x1A0] =	vst v0  }
0x19a: {  	[tilespmem:s7], [sflag:$0x2] =	stream.indirect.gather [hbm4b:s13+s6], $0x80, s6, s6, $0xb8;
	[tilespmem:$0x1A340] =	vst v63  }
0x19b: {  	_ =	swait.ge [sflag:s14], $0xD000  }
0x19c: {  	s13 =	sld [smem:$0x7D0];
	_ =	sdelay $0x1  }
0x19d: {  	s5 =	simm.s32 $0x340;
	s6 =	simm.s32 $0x4;
	[sflag:s14] =	ssyncset.done $0x0  }
0x19e: {  	s7 =	simm.s32 $0x3C0;
	[sflag:s14] =	ssyncadd.s32 $0xFFFF3000;
	s8 =	sadd.s32 $0x0, s13  }
.LBB2_38:
0x19f: {  	[hbm4b:s8+s1] =	stream.linear.scatter [tilespmem:s5], [sflag:$0x3], $0x20, $0x38;
	[tilespmem:$0x1A340] =	vst v63  }
0x1a0: {  	s8 =	smov.u32 s6;
	s5 =	smov.u32 s7;
	p0 =	sne.s32 s6, $0x67C  }
.Ltmp18:
0x1a1: {  	s6 =	sadd.s32 $0x4, s6;
	(pc) =	sbr.rel @p0 .LBB2_38-.Ltmp18, $2  }
0x1a2: {  	_ =	sdelay $0x2  }
0x1a3: {  	s7 =	sadd.s32 $0x80, s7;
	s8 =	sadd.s32 s8, s13  }
0x1a4: {  	[hbm4b:s8+s1] =	stream.linear.scatter [tilespmem:s5], [sflag:$0x3], $0x20, $0x38;
	[tilespmem:$0x1A340] =	vst v63  }
0x1a5: {  	s7 =	simm.s32 $0x3  }
0x1a6: {  	_ =	swait.ge [sflag:s7], $0x3400  }
0x1a7: {  	[sflag:s7] =	ssyncset.done $0x0  }
0x1a8: {  	s14 =	simm.s32 $0x0;
	s6 =	rddreg [dreg:$0xd];
	[sflag:s7] =	ssyncadd.s32 $0xFFFFCC00  }
0x1a9: {  	[tilespmem:s14], [sflag:$0x3] =	stream.linear.gather [hbm4b:s6+s14], $0x1A0, $0x38;
	[tilespmem:$0x1A340] =	vst v63  }
0x1aa: {  	_ =	swait.ge [sflag:s7], $0x1A0  }
0x1ab: {  	[sflag:s7] =	ssyncset.done $0x0  }
0x1ac: {  	[sflag:s7] =	ssyncadd.s32 $0xFFFFFE60;
	s7 =	sld [smem:$0x7E1];
	_ =	sdelay $0x2  }
0x1ad: {  	s5 =	simm.s32 $0x0;
	s6 =	simm.s32 $0x40;
	v0 =	vmov s7  }
.LBB2_40:
0x1ae: {  	p0 =	sne.s32 s6, $0x640;
	v0 =	vshrl.u32 v0, $0xE;
	v1 =	vld [tilespmem:s5+$0x0]  }
0x1af: {  	v0 =	vmul.u32 $0x186A0, v0  }
.Ltmp19:
0x1b0: {  	(pc) =	sbr.rel @p0 .LBB2_40-.Ltmp19, $3  }
0x1b1: {  	v0 =	vbroadcast v0, $0x0;
	_ =	sdelay $0x1  }
0x1b2: {  	s7 =	sadd.s32 $0x10, s7;
	v1 =	vadd.s32 v0, v1  }
0x1b3: {  	v0 =	vmov s7;
	[tilespmem:s5+$0x0] =	vst v1;
	s5 =	sshra.s32 s6, $0x2;
	s6 =	sadd.s32 $0x40, s6  }
0x1b4: {  	v0 =	vshrl.u32 v0, $0xE;
	v1 =	vld [tilespmem:s5+$0x0]  }
0x1b5: {  	v0 =	vmul.u32 $0x186A0, v0;
	_ =	sdelay $0x1  }
0x1b6: {  	v0 =	vbroadcast v0, $0x0  }
0x1b7: {  	s6 =	sld [smem:$0x7D5]  }
0x1b8: {  	s13 =	simm.s32 $0x0;
	v0 =	vadd.s32 v0, v1  }
0x1b9: {  	s7 =	simm.s32 $0x1A0;
	s8 =	simm.s32 $0x340;
	s14 =	simm.s32 $0x2;
	[tilespmem:s5+$0x0] =	vst v0  }
0x1ba: {  	[tilespmem:s8], [sflag:$0x1] =	stream.indirect.gather [hbm4b:s6+s7], $0x80, s13, s7, $0xb8;
	[tilespmem:$0x1A340] =	vst v63  }
0x1bb: {  	_ =	swait.ge [sflag:s14], $0xD000  }
0x1bc: {  	s13 =	sld [smem:$0x7FC];
	_ =	sdelay $0x1  }
0x1bd: {  	s5 =	simm.s32 $0xD340;
	s6 =	simm.s32 $0x4;
	[sflag:s14] =	ssyncset.done $0x0  }
0x1be: {  	s7 =	simm.s32 $0xD3C0;
	[sflag:s14] =	ssyncadd.s32 $0xFFFF3000;
	s8 =	sadd.s32 $0x0, s13  }
.LBB2_42:
0x1bf: {  	[hbm4b:s8+s1] =	stream.linear.scatter [tilespmem:s5], [sflag:$0x3], $0x20, $0x38;
	[tilespmem:$0x1A340] =	vst v63  }
0x1c0: {  	s8 =	smov.u32 s6;
	s5 =	smov.u32 s7;
	p0 =	sne.s32 s6, $0x67C  }
.Ltmp20:
0x1c1: {  	s6 =	sadd.s32 $0x4, s6;
	(pc) =	sbr.rel @p0 .LBB2_42-.Ltmp20, $2  }
0x1c2: {  	_ =	sdelay $0x2  }
0x1c3: {  	s7 =	sadd.s32 $0x80, s7;
	s8 =	sadd.s32 s8, s13  }
0x1c4: {  	[hbm4b:s8+s1] =	stream.linear.scatter [tilespmem:s5], [sflag:$0x3], $0x20, $0x38;
	[tilespmem:$0x1A340] =	vst v63  }
0x1c5: {  	s7 =	simm.s32 $0x3  }
0x1c6: {  	_ =	swait.ge [sflag:s7], $0x3400  }
0x1c7: {  	s13 =	simm.s32 $0x0;
	[sflag:s7] =	ssyncset.done $0x0  }
0x1c8: {  	s14 =	simm.s32 $0x1A0;
	s6 =	rddreg [dreg:$0xe];
	[sflag:s7] =	ssyncadd.s32 $0xFFFFCC00  }
0x1c9: {  	[tilespmem:s14], [sflag:$0x3] =	stream.linear.gather [hbm4b:s6+s13], $0x1A0, $0x38;
	[tilespmem:$0x1A340] =	vst v63  }
0x1ca: {  	_ =	swait.ge [sflag:s7], $0x1A0  }
0x1cb: {  	[sflag:s7] =	ssyncset.done $0x0  }
0x1cc: {  	[sflag:s7] =	ssyncadd.s32 $0xFFFFFE60;
	s7 =	sld [smem:$0x7E2];
	_ =	sdelay $0x2  }
0x1cd: {  	s5 =	simm.s32 $0x0;
	s6 =	simm.s32 $0x40;
	v0 =	vmov s7  }
.LBB2_44:
0x1ce: {  	p0 =	sne.s32 s6, $0x640;
	v0 =	vshrl.u32 v0, $0xE;
	v1 =	vld [tilespmem:s5+$0x1A0]  }
0x1cf: {  	v0 =	vmul.u32 $0x186A0, v0  }
.Ltmp21:
0x1d0: {  	(pc) =	sbr.rel @p0 .LBB2_44-.Ltmp21, $3  }
0x1d1: {  	v0 =	vbroadcast v0, $0x0;
	_ =	sdelay $0x1  }
0x1d2: {  	s7 =	sadd.s32 $0x10, s7;
	v1 =	vadd.s32 v0, v1  }
0x1d3: {  	v0 =	vmov s7;
	[tilespmem:s5+$0x1A0] =	vst v1;
	s5 =	sshra.s32 s6, $0x2;
	s6 =	sadd.s32 $0x40, s6  }
0x1d4: {  	v0 =	vshrl.u32 v0, $0xE;
	v1 =	vld [tilespmem:s5+$0x1A0]  }
0x1d5: {  	v0 =	vmul.u32 $0x186A0, v0;
	_ =	sdelay $0x1  }
0x1d6: {  	v0 =	vbroadcast v0, $0x0  }
0x1d7: {  	s13 =	sld [smem:$0x7D5]  }
0x1d8: {  	v0 =	vadd.s32 v0, v1  }
0x1d9: {  	s6 =	simm.s32 $0x1A0;
	s7 =	simm.s32 $0xD340;
	s14 =	simm.s32 $0x1;
	[tilespmem:s5+$0x1A0] =	vst v0  }
0x1da: {  	[tilespmem:s7], [sflag:$0x2] =	stream.indirect.gather [hbm4b:s13+s6], $0x80, s6, s6, $0xb8;
	[tilespmem:$0x1A340] =	vst v63  }
0x1db: {  	_ =	swait.ge [sflag:s14], $0xD000  }
0x1dc: {  	[sflag:s14] =	ssyncset.done $0x0  }
0x1dd: {  	[sflag:s14] =	ssyncadd.s32 $0xFFFF3000;
	s14 =	sld [smem:$0x7D1];
	_ =	sdelay $0x1  }
0x1de: {  	s5 =	simm.s32 $0x340  }
0x1df: {  	s6 =	simm.s32 $0x4;
	s7 =	simm.s32 $0x3C0;
	s8 =	sadd.s32 $0x0, s14  }
.LBB2_46:
0x1e0: {  	[hbm4b:s8+s1] =	stream.linear.scatter [tilespmem:s5], [sflag:$0x3], $0x20, $0x38;
	[tilespmem:$0x1A340] =	vst v63  }
0x1e1: {  	s8 =	smov.u32 s6;
	s5 =	smov.u32 s7;
	p0 =	sne.s32 s6, $0x67C  }
.Ltmp22:
0x1e2: {  	s6 =	sadd.s32 $0x4, s6;
	(pc) =	sbr.rel @p0 .LBB2_46-.Ltmp22, $2  }
0x1e3: {  	_ =	sdelay $0x2  }
0x1e4: {  	s7 =	sadd.s32 $0x80, s7;
	s8 =	sadd.s32 s8, s14  }
0x1e5: {  	[hbm4b:s8+s1] =	stream.linear.scatter [tilespmem:s5], [sflag:$0x3], $0x20, $0x38;
	[tilespmem:$0x1A340] =	vst v63  }
0x1e6: {  	s7 =	simm.s32 $0x3  }
0x1e7: {  	_ =	swait.ge [sflag:s7], $0x3400  }
0x1e8: {  	[sflag:s7] =	ssyncset.done $0x0  }
0x1e9: {  	s14 =	simm.s32 $0x0;
	s6 =	rddreg [dreg:$0xf];
	[sflag:s7] =	ssyncadd.s32 $0xFFFFCC00  }
0x1ea: {  	[tilespmem:s14], [sflag:$0x3] =	stream.linear.gather [hbm4b:s6+s14], $0x1A0, $0x38;
	[tilespmem:$0x1A340] =	vst v63  }
0x1eb: {  	_ =	swait.ge [sflag:s7], $0x1A0  }
0x1ec: {  	[sflag:s7] =	ssyncset.done $0x0  }
0x1ed: {  	[sflag:s7] =	ssyncadd.s32 $0xFFFFFE60;
	s7 =	sld [smem:$0x7E3];
	_ =	sdelay $0x2  }
0x1ee: {  	s5 =	simm.s32 $0x0;
	s6 =	simm.s32 $0x40;
	v0 =	vmov s7  }
.LBB2_48:
0x1ef: {  	p0 =	sne.s32 s6, $0x640;
	v0 =	vshrl.u32 v0, $0xE;
	v1 =	vld [tilespmem:s5+$0x0]  }
0x1f0: {  	v0 =	vmul.u32 $0x186A0, v0  }
.Ltmp23:
0x1f1: {  	(pc) =	sbr.rel @p0 .LBB2_48-.Ltmp23, $3  }
0x1f2: {  	v0 =	vbroadcast v0, $0x0;
	_ =	sdelay $0x1  }
0x1f3: {  	s7 =	sadd.s32 $0x10, s7;
	v1 =	vadd.s32 v0, v1  }
0x1f4: {  	v0 =	vmov s7;
	[tilespmem:s5+$0x0] =	vst v1;
	s5 =	sshra.s32 s6, $0x2;
	s6 =	sadd.s32 $0x40, s6  }
0x1f5: {  	v0 =	vshrl.u32 v0, $0xE;
	v1 =	vld [tilespmem:s5+$0x0]  }
0x1f6: {  	v0 =	vmul.u32 $0x186A0, v0;
	_ =	sdelay $0x1  }
0x1f7: {  	v0 =	vbroadcast v0, $0x0  }
0x1f8: {  	s6 =	sld [smem:$0x7D5]  }
0x1f9: {  	s13 =	simm.s32 $0x0;
	v0 =	vadd.s32 v0, v1  }
0x1fa: {  	s7 =	simm.s32 $0x1A0;
	s8 =	simm.s32 $0x340;
	s14 =	simm.s32 $0x2;
	[tilespmem:s5+$0x0] =	vst v0  }
0x1fb: {  	[tilespmem:s8], [sflag:$0x1] =	stream.indirect.gather [hbm4b:s6+s7], $0x80, s13, s7, $0xb8;
	[tilespmem:$0x1A340] =	vst v63  }
0x1fc: {  	_ =	swait.ge [sflag:s14], $0xD000  }
0x1fd: {  	[sflag:s14] =	ssyncset.done $0x0  }
0x1fe: {  	[sflag:s14] =	ssyncadd.s32 $0xFFFF3000;
	s14 =	sld [smem:$0x7FD];
	_ =	sdelay $0x1  }
0x1ff: {  	s5 =	simm.s32 $0xD340  }
0x200: {  	s6 =	simm.s32 $0x4;
	s7 =	simm.s32 $0xD3C0;
	s8 =	sadd.s32 $0x0, s14  }
.LBB2_50:
0x201: {  	[hbm4b:s8+s1] =	stream.linear.scatter [tilespmem:s5], [sflag:$0x3], $0x20, $0x38;
	[tilespmem:$0x1A340] =	vst v63  }
0x202: {  	s8 =	smov.u32 s6;
	s5 =	smov.u32 s7;
	p0 =	sne.s32 s6, $0x67C  }
.Ltmp24:
0x203: {  	s6 =	sadd.s32 $0x4, s6;
	(pc) =	sbr.rel @p0 .LBB2_50-.Ltmp24, $2  }
0x204: {  	_ =	sdelay $0x2  }
0x205: {  	s7 =	sadd.s32 $0x80, s7;
	s8 =	sadd.s32 s8, s14  }
0x206: {  	[hbm4b:s8+s1] =	stream.linear.scatter [tilespmem:s5], [sflag:$0x3], $0x20, $0x38;
	[tilespmem:$0x1A340] =	vst v63  }
0x207: {  	s7 =	simm.s32 $0x3  }
0x208: {  	_ =	swait.ge [sflag:s7], $0x3400  }
0x209: {  	s13 =	simm.s32 $0x0;
	[sflag:s7] =	ssyncset.done $0x0  }
0x20a: {  	s14 =	simm.s32 $0x1A0;
	s6 =	rddreg [dreg:$0x10];
	[sflag:s7] =	ssyncadd.s32 $0xFFFFCC00  }
0x20b: {  	[tilespmem:s14], [sflag:$0x3] =	stream.linear.gather [hbm4b:s6+s13], $0x1A0, $0x38;
	[tilespmem:$0x1A340] =	vst v63  }
0x20c: {  	_ =	swait.ge [sflag:s7], $0x1A0  }
0x20d: {  	[sflag:s7] =	ssyncset.done $0x0  }
0x20e: {  	[sflag:s7] =	ssyncadd.s32 $0xFFFFFE60;
	s7 =	sld [smem:$0x7E4];
	_ =	sdelay $0x2  }
0x20f: {  	s5 =	simm.s32 $0x0;
	s6 =	simm.s32 $0x40;
	v0 =	vmov s7  }
.LBB2_52:
0x210: {  	p0 =	sne.s32 s6, $0x640;
	v0 =	vshrl.u32 v0, $0xE;
	v1 =	vld [tilespmem:s5+$0x1A0]  }
0x211: {  	v0 =	vmul.u32 $0x186A0, v0  }
.Ltmp25:
0x212: {  	(pc) =	sbr.rel @p0 .LBB2_52-.Ltmp25, $3  }
0x213: {  	v0 =	vbroadcast v0, $0x0;
	_ =	sdelay $0x1  }
0x214: {  	s7 =	sadd.s32 $0x10, s7;
	v1 =	vadd.s32 v0, v1  }
0x215: {  	v0 =	vmov s7;
	[tilespmem:s5+$0x1A0] =	vst v1;
	s5 =	sshra.s32 s6, $0x2;
	s6 =	sadd.s32 $0x40, s6  }
0x216: {  	v0 =	vshrl.u32 v0, $0xE;
	v1 =	vld [tilespmem:s5+$0x1A0]  }
0x217: {  	v0 =	vmul.u32 $0x186A0, v0;
	_ =	sdelay $0x1  }
0x218: {  	v0 =	vbroadcast v0, $0x0  }
0x219: {  	s13 =	sld [smem:$0x7D5]  }
0x21a: {  	v0 =	vadd.s32 v0, v1  }
0x21b: {  	s6 =	simm.s32 $0x1A0;
	s7 =	simm.s32 $0xD340;
	s14 =	simm.s32 $0x1;
	[tilespmem:s5+$0x1A0] =	vst v0  }
0x21c: {  	[tilespmem:s7], [sflag:$0x2] =	stream.indirect.gather [hbm4b:s13+s6], $0x80, s6, s6, $0xb8;
	[tilespmem:$0x1A340] =	vst v63  }
0x21d: {  	_ =	swait.ge [sflag:s14], $0xD000  }
0x21e: {  	s8 =	sadd.s32 $0x0, s15;
	s5 =	simm.s32 $0x340;
	[sflag:s14] =	ssyncset.done $0x0  }
0x21f: {  	s6 =	simm.s32 $0x4;
	s7 =	simm.s32 $0x3C0;
	[sflag:s14] =	ssyncadd.s32 $0xFFFF3000  }
.LBB2_54:
0x220: {  	[hbm4b:s8+s1] =	stream.linear.scatter [tilespmem:s5], [sflag:$0x3], $0x20, $0x38;
	[tilespmem:$0x1A340] =	vst v63  }
0x221: {  	s8 =	smov.u32 s6;
	s5 =	smov.u32 s7;
	p0 =	sne.s32 s6, $0x67C  }
.Ltmp26:
0x222: {  	s6 =	sadd.s32 $0x4, s6;
	(pc) =	sbr.rel @p0 .LBB2_54-.Ltmp26, $2  }
0x223: {  	_ =	sdelay $0x2  }
0x224: {  	s7 =	sadd.s32 $0x80, s7;
	s8 =	sadd.s32 s8, s15  }
0x225: {  	[hbm4b:s8+s1] =	stream.linear.scatter [tilespmem:s5], [sflag:$0x3], $0x20, $0x38;
	[tilespmem:$0x1A340] =	vst v63  }
0x226: {  	s7 =	simm.s32 $0x3  }
0x227: {  	_ =	swait.ge [sflag:s7], $0x3400  }
0x228: {  	[sflag:s7] =	ssyncset.done $0x0  }
0x229: {  	s14 =	simm.s32 $0x0;
	s6 =	rddreg [dreg:$0x11];
	[sflag:s7] =	ssyncadd.s32 $0xFFFFCC00  }
0x22a: {  	[tilespmem:s14], [sflag:$0x3] =	stream.linear.gather [hbm4b:s6+s14], $0x1A0, $0x38;
	[tilespmem:$0x1A340] =	vst v63  }
0x22b: {  	_ =	swait.ge [sflag:s7], $0x1A0  }
0x22c: {  	[sflag:s7] =	ssyncset.done $0x0  }
0x22d: {  	[sflag:s7] =	ssyncadd.s32 $0xFFFFFE60;
	s7 =	sld [smem:$0x7E5];
	_ =	sdelay $0x2  }
0x22e: {  	s5 =	simm.s32 $0x0;
	s6 =	simm.s32 $0x40;
	v0 =	vmov s7  }
.LBB2_56:
0x22f: {  	p0 =	sne.s32 s6, $0x640;
	v0 =	vshrl.u32 v0, $0xE;
	v1 =	vld [tilespmem:s5+$0x0]  }
0x230: {  	v0 =	vmul.u32 $0x186A0, v0  }
.Ltmp27:
0x231: {  	(pc) =	sbr.rel @p0 .LBB2_56-.Ltmp27, $3  }
0x232: {  	v0 =	vbroadcast v0, $0x0;
	_ =	sdelay $0x1  }
0x233: {  	s7 =	sadd.s32 $0x10, s7;
	v1 =	vadd.s32 v0, v1  }
0x234: {  	v0 =	vmov s7;
	[tilespmem:s5+$0x0] =	vst v1;
	s5 =	sshra.s32 s6, $0x2;
	s6 =	sadd.s32 $0x40, s6  }
0x235: {  	v0 =	vshrl.u32 v0, $0xE;
	v1 =	vld [tilespmem:s5+$0x0]  }
0x236: {  	v0 =	vmul.u32 $0x186A0, v0;
	_ =	sdelay $0x1  }
0x237: {  	v0 =	vbroadcast v0, $0x0  }
0x238: {  	s6 =	sld [smem:$0x7D5]  }
0x239: {  	s13 =	simm.s32 $0x0;
	v0 =	vadd.s32 v0, v1  }
0x23a: {  	s7 =	simm.s32 $0x1A0;
	s8 =	simm.s32 $0x340;
	s14 =	simm.s32 $0x2;
	[tilespmem:s5+$0x0] =	vst v0  }
0x23b: {  	[tilespmem:s8], [sflag:$0x1] =	stream.indirect.gather [hbm4b:s6+s7], $0x80, s13, s7, $0xb8;
	[tilespmem:$0x1A340] =	vst v63  }
0x23c: {  	_ =	swait.ge [sflag:s14], $0xD000  }
0x23d: {  	s5 =	simm.s32 $0xD340;
	s6 =	simm.s32 $0x4;
	[sflag:s14] =	ssyncset.done $0x0  }
0x23e: {  	s8 =	sadd.s32 $0x0, s16;
	s7 =	simm.s32 $0xD3C0;
	[sflag:s14] =	ssyncadd.s32 $0xFFFF3000  }
.LBB2_58:
0x23f: {  	[hbm4b:s8+s1] =	stream.linear.scatter [tilespmem:s5], [sflag:$0x3], $0x20, $0x38;
	[tilespmem:$0x1A340] =	vst v63  }
0x240: {  	s8 =	smov.u32 s6;
	s5 =	smov.u32 s7;
	p0 =	sne.s32 s6, $0x67C  }
.Ltmp28:
0x241: {  	s6 =	sadd.s32 $0x4, s6;
	(pc) =	sbr.rel @p0 .LBB2_58-.Ltmp28, $2  }
0x242: {  	_ =	sdelay $0x2  }
0x243: {  	s7 =	sadd.s32 $0x80, s7;
	s8 =	sadd.s32 s8, s16  }
0x244: {  	[hbm4b:s8+s1] =	stream.linear.scatter [tilespmem:s5], [sflag:$0x3], $0x20, $0x38;
	[tilespmem:$0x1A340] =	vst v63  }
0x245: {  	s7 =	simm.s32 $0x3  }
0x246: {  	_ =	swait.ge [sflag:s7], $0x3400  }
0x247: {  	s13 =	simm.s32 $0x0;
	[sflag:s7] =	ssyncset.done $0x0  }
0x248: {  	s14 =	simm.s32 $0x1A0;
	s6 =	rddreg [dreg:$0x12];
	[sflag:s7] =	ssyncadd.s32 $0xFFFFCC00  }
0x249: {  	[tilespmem:s14], [sflag:$0x3] =	stream.linear.gather [hbm4b:s6+s13], $0x1A0, $0x38;
	[tilespmem:$0x1A340] =	vst v63  }
0x24a: {  	_ =	swait.ge [sflag:s7], $0x1A0  }
0x24b: {  	[sflag:s7] =	ssyncset.done $0x0  }
0x24c: {  	[sflag:s7] =	ssyncadd.s32 $0xFFFFFE60;
	s7 =	sld [smem:$0x7E6];
	_ =	sdelay $0x2  }
0x24d: {  	s5 =	simm.s32 $0x0;
	s6 =	simm.s32 $0x40;
	v0 =	vmov s7  }
.LBB2_60:
0x24e: {  	p0 =	sne.s32 s6, $0x640;
	v0 =	vshrl.u32 v0, $0xE;
	v1 =	vld [tilespmem:s5+$0x1A0]  }
0x24f: {  	v0 =	vmul.u32 $0x186A0, v0  }
.Ltmp29:
0x250: {  	(pc) =	sbr.rel @p0 .LBB2_60-.Ltmp29, $3  }
0x251: {  	v0 =	vbroadcast v0, $0x0;
	_ =	sdelay $0x1  }
0x252: {  	s7 =	sadd.s32 $0x10, s7;
	v1 =	vadd.s32 v0, v1  }
0x253: {  	v0 =	vmov s7;
	[tilespmem:s5+$0x1A0] =	vst v1;
	s5 =	sshra.s32 s6, $0x2;
	s6 =	sadd.s32 $0x40, s6  }
0x254: {  	v0 =	vshrl.u32 v0, $0xE;
	v1 =	vld [tilespmem:s5+$0x1A0]  }
0x255: {  	v0 =	vmul.u32 $0x186A0, v0;
	_ =	sdelay $0x1  }
0x256: {  	v0 =	vbroadcast v0, $0x0  }
0x257: {  	s13 =	sld [smem:$0x7D5]  }
0x258: {  	v0 =	vadd.s32 v0, v1  }
0x259: {  	s6 =	simm.s32 $0x1A0;
	s7 =	simm.s32 $0xD340;
	s14 =	simm.s32 $0x1;
	[tilespmem:s5+$0x1A0] =	vst v0  }
0x25a: {  	[tilespmem:s7], [sflag:$0x2] =	stream.indirect.gather [hbm4b:s13+s6], $0x80, s6, s6, $0xb8;
	[tilespmem:$0x1A340] =	vst v63  }
0x25b: {  	_ =	swait.ge [sflag:s14], $0xD000  }
0x25c: {  	s8 =	sadd.s32 $0x0, s17;
	s5 =	simm.s32 $0x340;
	[sflag:s14] =	ssyncset.done $0x0  }
0x25d: {  	s6 =	simm.s32 $0x4;
	s7 =	simm.s32 $0x3C0;
	[sflag:s14] =	ssyncadd.s32 $0xFFFF3000  }
.LBB2_62:
0x25e: {  	[hbm4b:s8+s1] =	stream.linear.scatter [tilespmem:s5], [sflag:$0x3], $0x20, $0x38;
	[tilespmem:$0x1A340] =	vst v63  }
0x25f: {  	s8 =	smov.u32 s6;
	s5 =	smov.u32 s7;
	p0 =	sne.s32 s6, $0x67C  }
.Ltmp30:
0x260: {  	s6 =	sadd.s32 $0x4, s6;
	(pc) =	sbr.rel @p0 .LBB2_62-.Ltmp30, $2  }
0x261: {  	_ =	sdelay $0x2  }
0x262: {  	s7 =	sadd.s32 $0x80, s7;
	s8 =	sadd.s32 s8, s17  }
0x263: {  	[hbm4b:s8+s1] =	stream.linear.scatter [tilespmem:s5], [sflag:$0x3], $0x20, $0x38;
	[tilespmem:$0x1A340] =	vst v63  }
0x264: {  	s7 =	simm.s32 $0x3  }
0x265: {  	_ =	swait.ge [sflag:s7], $0x3400  }
0x266: {  	[sflag:s7] =	ssyncset.done $0x0  }
0x267: {  	s14 =	simm.s32 $0x0;
	s6 =	rddreg [dreg:$0x13];
	[sflag:s7] =	ssyncadd.s32 $0xFFFFCC00  }
0x268: {  	[tilespmem:s14], [sflag:$0x3] =	stream.linear.gather [hbm4b:s6+s14], $0x1A0, $0x38;
	[tilespmem:$0x1A340] =	vst v63  }
0x269: {  	_ =	swait.ge [sflag:s7], $0x1A0  }
0x26a: {  	[sflag:s7] =	ssyncset.done $0x0  }
0x26b: {  	[sflag:s7] =	ssyncadd.s32 $0xFFFFFE60;
	s7 =	sld [smem:$0x7E7];
	_ =	sdelay $0x2  }
0x26c: {  	s5 =	simm.s32 $0x0;
	s6 =	simm.s32 $0x40;
	v0 =	vmov s7  }
.LBB2_64:
0x26d: {  	p0 =	sne.s32 s6, $0x640;
	v0 =	vshrl.u32 v0, $0xE;
	v1 =	vld [tilespmem:s5+$0x0]  }
0x26e: {  	v0 =	vmul.u32 $0x186A0, v0  }
.Ltmp31:
0x26f: {  	(pc) =	sbr.rel @p0 .LBB2_64-.Ltmp31, $3  }
0x270: {  	v0 =	vbroadcast v0, $0x0;
	_ =	sdelay $0x1  }
0x271: {  	s7 =	sadd.s32 $0x10, s7;
	v1 =	vadd.s32 v0, v1  }
0x272: {  	v0 =	vmov s7;
	[tilespmem:s5+$0x0] =	vst v1;
	s5 =	sshra.s32 s6, $0x2;
	s6 =	sadd.s32 $0x40, s6  }
0x273: {  	v0 =	vshrl.u32 v0, $0xE;
	v1 =	vld [tilespmem:s5+$0x0]  }
0x274: {  	v0 =	vmul.u32 $0x186A0, v0;
	_ =	sdelay $0x1  }
0x275: {  	v0 =	vbroadcast v0, $0x0  }
0x276: {  	s6 =	sld [smem:$0x7D5]  }
0x277: {  	s13 =	simm.s32 $0x0;
	v0 =	vadd.s32 v0, v1  }
0x278: {  	s7 =	simm.s32 $0x1A0;
	s8 =	simm.s32 $0x340;
	s14 =	simm.s32 $0x2;
	[tilespmem:s5+$0x0] =	vst v0  }
0x279: {  	[tilespmem:s8], [sflag:$0x1] =	stream.indirect.gather [hbm4b:s6+s7], $0x80, s13, s7, $0xb8;
	[tilespmem:$0x1A340] =	vst v63  }
0x27a: {  	_ =	swait.ge [sflag:s14], $0xD000  }
0x27b: {  	s5 =	simm.s32 $0xD340;
	s6 =	simm.s32 $0x4;
	[sflag:s14] =	ssyncset.done $0x0  }
0x27c: {  	s8 =	sadd.s32 $0x0, s18;
	s7 =	simm.s32 $0xD3C0;
	[sflag:s14] =	ssyncadd.s32 $0xFFFF3000  }
.LBB2_66:
0x27d: {  	[hbm4b:s8+s1] =	stream.linear.scatter [tilespmem:s5], [sflag:$0x3], $0x20, $0x38;
	[tilespmem:$0x1A340] =	vst v63  }
0x27e: {  	s8 =	smov.u32 s6;
	s5 =	smov.u32 s7;
	p0 =	sne.s32 s6, $0x67C  }
.Ltmp32:
0x27f: {  	s6 =	sadd.s32 $0x4, s6;
	(pc) =	sbr.rel @p0 .LBB2_66-.Ltmp32, $2  }
0x280: {  	_ =	sdelay $0x2  }
0x281: {  	s7 =	sadd.s32 $0x80, s7;
	s8 =	sadd.s32 s8, s18  }
0x282: {  	[hbm4b:s8+s1] =	stream.linear.scatter [tilespmem:s5], [sflag:$0x3], $0x20, $0x38;
	[tilespmem:$0x1A340] =	vst v63  }
0x283: {  	s7 =	simm.s32 $0x3  }
0x284: {  	_ =	swait.ge [sflag:s7], $0x3400  }
0x285: {  	s13 =	simm.s32 $0x0;
	[sflag:s7] =	ssyncset.done $0x0  }
0x286: {  	s14 =	simm.s32 $0x1A0;
	s6 =	rddreg [dreg:$0x14];
	[sflag:s7] =	ssyncadd.s32 $0xFFFFCC00  }
0x287: {  	[tilespmem:s14], [sflag:$0x3] =	stream.linear.gather [hbm4b:s6+s13], $0x1A0, $0x38;
	[tilespmem:$0x1A340] =	vst v63  }
0x288: {  	_ =	swait.ge [sflag:s7], $0x1A0  }
0x289: {  	[sflag:s7] =	ssyncset.done $0x0  }
0x28a: {  	[sflag:s7] =	ssyncadd.s32 $0xFFFFFE60;
	s7 =	sld [smem:$0x7E8];
	_ =	sdelay $0x2  }
0x28b: {  	s5 =	simm.s32 $0x0;
	s6 =	simm.s32 $0x40;
	v0 =	vmov s7  }
.LBB2_68:
0x28c: {  	p0 =	sne.s32 s6, $0x640;
	v0 =	vshrl.u32 v0, $0xE;
	v1 =	vld [tilespmem:s5+$0x1A0]  }
0x28d: {  	v0 =	vmul.u32 $0x186A0, v0  }
.Ltmp33:
0x28e: {  	(pc) =	sbr.rel @p0 .LBB2_68-.Ltmp33, $3  }
0x28f: {  	v0 =	vbroadcast v0, $0x0;
	_ =	sdelay $0x1  }
0x290: {  	s7 =	sadd.s32 $0x10, s7;
	v1 =	vadd.s32 v0, v1  }
0x291: {  	v0 =	vmov s7;
	[tilespmem:s5+$0x1A0] =	vst v1;
	s5 =	sshra.s32 s6, $0x2;
	s6 =	sadd.s32 $0x40, s6  }
0x292: {  	v0 =	vshrl.u32 v0, $0xE;
	v1 =	vld [tilespmem:s5+$0x1A0]  }
0x293: {  	v0 =	vmul.u32 $0x186A0, v0;
	_ =	sdelay $0x1  }
0x294: {  	v0 =	vbroadcast v0, $0x0  }
0x295: {  	s13 =	sld [smem:$0x7D5]  }
0x296: {  	v0 =	vadd.s32 v0, v1  }
0x297: {  	s6 =	simm.s32 $0x1A0;
	s7 =	simm.s32 $0xD340;
	s14 =	simm.s32 $0x1;
	[tilespmem:s5+$0x1A0] =	vst v0  }
0x298: {  	[tilespmem:s7], [sflag:$0x2] =	stream.indirect.gather [hbm4b:s13+s6], $0x80, s6, s6, $0xb8;
	[tilespmem:$0x1A340] =	vst v63  }
0x299: {  	_ =	swait.ge [sflag:s14], $0xD000  }
0x29a: {  	s8 =	sadd.s32 $0x0, s19;
	s5 =	simm.s32 $0x340;
	[sflag:s14] =	ssyncset.done $0x0  }
0x29b: {  	s6 =	simm.s32 $0x4;
	s7 =	simm.s32 $0x3C0;
	[sflag:s14] =	ssyncadd.s32 $0xFFFF3000  }
.LBB2_70:
0x29c: {  	[hbm4b:s8+s1] =	stream.linear.scatter [tilespmem:s5], [sflag:$0x3], $0x20, $0x38;
	[tilespmem:$0x1A340] =	vst v63  }
0x29d: {  	s8 =	smov.u32 s6;
	s5 =	smov.u32 s7;
	p0 =	sne.s32 s6, $0x67C  }
.Ltmp34:
0x29e: {  	s6 =	sadd.s32 $0x4, s6;
	(pc) =	sbr.rel @p0 .LBB2_70-.Ltmp34, $2  }
0x29f: {  	_ =	sdelay $0x2  }
0x2a0: {  	s7 =	sadd.s32 $0x80, s7;
	s8 =	sadd.s32 s8, s19  }
0x2a1: {  	[hbm4b:s8+s1] =	stream.linear.scatter [tilespmem:s5], [sflag:$0x3], $0x20, $0x38;
	[tilespmem:$0x1A340] =	vst v63  }
0x2a2: {  	s7 =	simm.s32 $0x3  }
0x2a3: {  	_ =	swait.ge [sflag:s7], $0x3400  }
0x2a4: {  	[sflag:s7] =	ssyncset.done $0x0  }
0x2a5: {  	s14 =	simm.s32 $0x0;
	s6 =	rddreg [dreg:$0x15];
	[sflag:s7] =	ssyncadd.s32 $0xFFFFCC00  }
0x2a6: {  	[tilespmem:s14], [sflag:$0x3] =	stream.linear.gather [hbm4b:s6+s14], $0x1A0, $0x38;
	[tilespmem:$0x1A340] =	vst v63  }
0x2a7: {  	_ =	swait.ge [sflag:s7], $0x1A0  }
0x2a8: {  	[sflag:s7] =	ssyncset.done $0x0  }
0x2a9: {  	[sflag:s7] =	ssyncadd.s32 $0xFFFFFE60;
	s7 =	sld [smem:$0x7E9];
	_ =	sdelay $0x2  }
0x2aa: {  	s5 =	simm.s32 $0x0;
	s6 =	simm.s32 $0x40;
	v0 =	vmov s7  }
.LBB2_72:
0x2ab: {  	p0 =	sne.s32 s6, $0x640;
	v0 =	vshrl.u32 v0, $0xE;
	v1 =	vld [tilespmem:s5+$0x0]  }
0x2ac: {  	v0 =	vmul.u32 $0x186A0, v0  }
.Ltmp35:
0x2ad: {  	(pc) =	sbr.rel @p0 .LBB2_72-.Ltmp35, $3  }
0x2ae: {  	v0 =	vbroadcast v0, $0x0;
	_ =	sdelay $0x1  }
0x2af: {  	s7 =	sadd.s32 $0x10, s7;
	v1 =	vadd.s32 v0, v1  }
0x2b0: {  	v0 =	vmov s7;
	[tilespmem:s5+$0x0] =	vst v1;
	s5 =	sshra.s32 s6, $0x2;
	s6 =	sadd.s32 $0x40, s6  }
0x2b1: {  	v0 =	vshrl.u32 v0, $0xE;
	v1 =	vld [tilespmem:s5+$0x0]  }
0x2b2: {  	v0 =	vmul.u32 $0x186A0, v0;
	_ =	sdelay $0x1  }
0x2b3: {  	v0 =	vbroadcast v0, $0x0  }
0x2b4: {  	s6 =	sld [smem:$0x7D5]  }
0x2b5: {  	s13 =	simm.s32 $0x0;
	v0 =	vadd.s32 v0, v1  }
0x2b6: {  	s7 =	simm.s32 $0x1A0;
	s8 =	simm.s32 $0x340;
	s14 =	simm.s32 $0x2;
	[tilespmem:s5+$0x0] =	vst v0  }
0x2b7: {  	[tilespmem:s8], [sflag:$0x1] =	stream.indirect.gather [hbm4b:s6+s7], $0x80, s13, s7, $0xb8;
	[tilespmem:$0x1A340] =	vst v63  }
0x2b8: {  	_ =	swait.ge [sflag:s14], $0xD000  }
0x2b9: {  	s5 =	simm.s32 $0xD340;
	s6 =	simm.s32 $0x4;
	[sflag:s14] =	ssyncset.done $0x0  }
0x2ba: {  	s8 =	sadd.s32 $0x0, s20;
	s7 =	simm.s32 $0xD3C0;
	[sflag:s14] =	ssyncadd.s32 $0xFFFF3000  }
.LBB2_74:
0x2bb: {  	[hbm4b:s8+s1] =	stream.linear.scatter [tilespmem:s5], [sflag:$0x3], $0x20, $0x38;
	[tilespmem:$0x1A340] =	vst v63  }
0x2bc: {  	s8 =	smov.u32 s6;
	s5 =	smov.u32 s7;
	p0 =	sne.s32 s6, $0x67C  }
.Ltmp36:
0x2bd: {  	s6 =	sadd.s32 $0x4, s6;
	(pc) =	sbr.rel @p0 .LBB2_74-.Ltmp36, $2  }
0x2be: {  	_ =	sdelay $0x2  }
0x2bf: {  	s7 =	sadd.s32 $0x80, s7;
	s8 =	sadd.s32 s8, s20  }
0x2c0: {  	[hbm4b:s8+s1] =	stream.linear.scatter [tilespmem:s5], [sflag:$0x3], $0x20, $0x38;
	[tilespmem:$0x1A340] =	vst v63  }
0x2c1: {  	s7 =	simm.s32 $0x3  }
0x2c2: {  	_ =	swait.ge [sflag:s7], $0x3400  }
0x2c3: {  	s13 =	simm.s32 $0x0;
	[sflag:s7] =	ssyncset.done $0x0  }
0x2c4: {  	s14 =	simm.s32 $0x1A0;
	s6 =	rddreg [dreg:$0x16];
	[sflag:s7] =	ssyncadd.s32 $0xFFFFCC00  }
0x2c5: {  	[tilespmem:s14], [sflag:$0x3] =	stream.linear.gather [hbm4b:s6+s13], $0x1A0, $0x38;
	[tilespmem:$0x1A340] =	vst v63  }
0x2c6: {  	_ =	swait.ge [sflag:s7], $0x1A0  }
0x2c7: {  	[sflag:s7] =	ssyncset.done $0x0  }
0x2c8: {  	[sflag:s7] =	ssyncadd.s32 $0xFFFFFE60;
	s7 =	sld [smem:$0x7EA];
	_ =	sdelay $0x2  }
0x2c9: {  	s5 =	simm.s32 $0x0;
	s6 =	simm.s32 $0x40;
	v0 =	vmov s7  }
.LBB2_76:
0x2ca: {  	p0 =	sne.s32 s6, $0x640;
	v0 =	vshrl.u32 v0, $0xE;
	v1 =	vld [tilespmem:s5+$0x1A0]  }
0x2cb: {  	v0 =	vmul.u32 $0x186A0, v0  }
.Ltmp37:
0x2cc: {  	(pc) =	sbr.rel @p0 .LBB2_76-.Ltmp37, $3  }
0x2cd: {  	v0 =	vbroadcast v0, $0x0;
	_ =	sdelay $0x1  }
0x2ce: {  	s7 =	sadd.s32 $0x10, s7;
	v1 =	vadd.s32 v0, v1  }
0x2cf: {  	v0 =	vmov s7;
	[tilespmem:s5+$0x1A0] =	vst v1;
	s5 =	sshra.s32 s6, $0x2;
	s6 =	sadd.s32 $0x40, s6  }
0x2d0: {  	v0 =	vshrl.u32 v0, $0xE;
	v1 =	vld [tilespmem:s5+$0x1A0]  }
0x2d1: {  	v0 =	vmul.u32 $0x186A0, v0;
	_ =	sdelay $0x1  }
0x2d2: {  	v0 =	vbroadcast v0, $0x0  }
0x2d3: {  	s13 =	sld [smem:$0x7D5]  }
0x2d4: {  	v0 =	vadd.s32 v0, v1  }
0x2d5: {  	s6 =	simm.s32 $0x1A0;
	s7 =	simm.s32 $0xD340;
	s14 =	simm.s32 $0x1;
	[tilespmem:s5+$0x1A0] =	vst v0  }
0x2d6: {  	[tilespmem:s7], [sflag:$0x2] =	stream.indirect.gather [hbm4b:s13+s6], $0x80, s6, s6, $0xb8;
	[tilespmem:$0x1A340] =	vst v63  }
0x2d7: {  	_ =	swait.ge [sflag:s14], $0xD000  }
0x2d8: {  	s8 =	sadd.s32 $0x0, s21;
	s5 =	simm.s32 $0x340;
	[sflag:s14] =	ssyncset.done $0x0  }
0x2d9: {  	s6 =	simm.s32 $0x4;
	s7 =	simm.s32 $0x3C0;
	[sflag:s14] =	ssyncadd.s32 $0xFFFF3000  }
.LBB2_78:
0x2da: {  	[hbm4b:s8+s1] =	stream.linear.scatter [tilespmem:s5], [sflag:$0x3], $0x20, $0x38;
	[tilespmem:$0x1A340] =	vst v63  }
0x2db: {  	s8 =	smov.u32 s6;
	s5 =	smov.u32 s7;
	p0 =	sne.s32 s6, $0x67C  }
.Ltmp38:
0x2dc: {  	s6 =	sadd.s32 $0x4, s6;
	(pc) =	sbr.rel @p0 .LBB2_78-.Ltmp38, $2  }
0x2dd: {  	_ =	sdelay $0x2  }
0x2de: {  	s7 =	sadd.s32 $0x80, s7;
	s8 =	sadd.s32 s8, s21  }
0x2df: {  	[hbm4b:s8+s1] =	stream.linear.scatter [tilespmem:s5], [sflag:$0x3], $0x20, $0x38;
	[tilespmem:$0x1A340] =	vst v63  }
0x2e0: {  	s7 =	simm.s32 $0x3  }
0x2e1: {  	_ =	swait.ge [sflag:s7], $0x3400  }
0x2e2: {  	[sflag:s7] =	ssyncset.done $0x0  }
0x2e3: {  	s14 =	simm.s32 $0x0;
	s6 =	rddreg [dreg:$0x17];
	[sflag:s7] =	ssyncadd.s32 $0xFFFFCC00  }
0x2e4: {  	[tilespmem:s14], [sflag:$0x3] =	stream.linear.gather [hbm4b:s6+s14], $0x1A0, $0x38;
	[tilespmem:$0x1A340] =	vst v63  }
0x2e5: {  	_ =	swait.ge [sflag:s7], $0x1A0  }
0x2e6: {  	[sflag:s7] =	ssyncset.done $0x0  }
0x2e7: {  	[sflag:s7] =	ssyncadd.s32 $0xFFFFFE60;
	s7 =	sld [smem:$0x7EB];
	_ =	sdelay $0x2  }
0x2e8: {  	s5 =	simm.s32 $0x0;
	s6 =	simm.s32 $0x40;
	v0 =	vmov s7  }
.LBB2_80:
0x2e9: {  	p0 =	sne.s32 s6, $0x640;
	v0 =	vshrl.u32 v0, $0xE;
	v1 =	vld [tilespmem:s5+$0x0]  }
0x2ea: {  	v0 =	vmul.u32 $0x186A0, v0  }
.Ltmp39:
0x2eb: {  	(pc) =	sbr.rel @p0 .LBB2_80-.Ltmp39, $3  }
0x2ec: {  	v0 =	vbroadcast v0, $0x0;
	_ =	sdelay $0x1  }
0x2ed: {  	s7 =	sadd.s32 $0x10, s7;
	v1 =	vadd.s32 v0, v1  }
0x2ee: {  	v0 =	vmov s7;
	[tilespmem:s5+$0x0] =	vst v1;
	s5 =	sshra.s32 s6, $0x2;
	s6 =	sadd.s32 $0x40, s6  }
0x2ef: {  	v0 =	vshrl.u32 v0, $0xE;
	v1 =	vld [tilespmem:s5+$0x0]  }
0x2f0: {  	v0 =	vmul.u32 $0x186A0, v0;
	_ =	sdelay $0x1  }
0x2f1: {  	v0 =	vbroadcast v0, $0x0  }
0x2f2: {  	s6 =	sld [smem:$0x7D5]  }
0x2f3: {  	s13 =	simm.s32 $0x0;
	v0 =	vadd.s32 v0, v1  }
0x2f4: {  	s7 =	simm.s32 $0x1A0;
	s8 =	simm.s32 $0x340;
	s14 =	simm.s32 $0x2;
	[tilespmem:s5+$0x0] =	vst v0  }
0x2f5: {  	[tilespmem:s8], [sflag:$0x1] =	stream.indirect.gather [hbm4b:s6+s7], $0x80, s13, s7, $0xb8;
	[tilespmem:$0x1A340] =	vst v63  }
0x2f6: {  	_ =	swait.ge [sflag:s14], $0xD000  }
0x2f7: {  	s5 =	simm.s32 $0xD340;
	s6 =	simm.s32 $0x4;
	[sflag:s14] =	ssyncset.done $0x0  }
0x2f8: {  	s8 =	sadd.s32 $0x0, s22;
	s7 =	simm.s32 $0xD3C0;
	[sflag:s14] =	ssyncadd.s32 $0xFFFF3000  }
.LBB2_82:
0x2f9: {  	[hbm4b:s8+s1] =	stream.linear.scatter [tilespmem:s5], [sflag:$0x3], $0x20, $0x38;
	[tilespmem:$0x1A340] =	vst v63  }
0x2fa: {  	s8 =	smov.u32 s6;
	s5 =	smov.u32 s7;
	p0 =	sne.s32 s6, $0x67C  }
.Ltmp40:
0x2fb: {  	s6 =	sadd.s32 $0x4, s6;
	(pc) =	sbr.rel @p0 .LBB2_82-.Ltmp40, $2  }
0x2fc: {  	_ =	sdelay $0x2  }
0x2fd: {  	s7 =	sadd.s32 $0x80, s7;
	s8 =	sadd.s32 s8, s22  }
0x2fe: {  	[hbm4b:s8+s1] =	stream.linear.scatter [tilespmem:s5], [sflag:$0x3], $0x20, $0x38;
	[tilespmem:$0x1A340] =	vst v63  }
0x2ff: {  	s7 =	simm.s32 $0x3  }
0x300: {  	_ =	swait.ge [sflag:s7], $0x3400  }
0x301: {  	s13 =	simm.s32 $0x0;
	[sflag:s7] =	ssyncset.done $0x0  }
0x302: {  	s14 =	simm.s32 $0x1A0;
	s6 =	rddreg [dreg:$0x18];
	[sflag:s7] =	ssyncadd.s32 $0xFFFFCC00  }
0x303: {  	[tilespmem:s14], [sflag:$0x3] =	stream.linear.gather [hbm4b:s6+s13], $0x1A0, $0x38;
	[tilespmem:$0x1A340] =	vst v63  }
0x304: {  	_ =	swait.ge [sflag:s7], $0x1A0  }
0x305: {  	[sflag:s7] =	ssyncset.done $0x0  }
0x306: {  	[sflag:s7] =	ssyncadd.s32 $0xFFFFFE60;
	s7 =	sld [smem:$0x7EC];
	_ =	sdelay $0x2  }
0x307: {  	s5 =	simm.s32 $0x0;
	s6 =	simm.s32 $0x40;
	v0 =	vmov s7  }
.LBB2_84:
0x308: {  	p0 =	sne.s32 s6, $0x640;
	v0 =	vshrl.u32 v0, $0xE;
	v1 =	vld [tilespmem:s5+$0x1A0]  }
0x309: {  	v0 =	vmul.u32 $0x186A0, v0  }
.Ltmp41:
0x30a: {  	(pc) =	sbr.rel @p0 .LBB2_84-.Ltmp41, $3  }
0x30b: {  	v0 =	vbroadcast v0, $0x0;
	_ =	sdelay $0x1  }
0x30c: {  	s7 =	sadd.s32 $0x10, s7;
	v1 =	vadd.s32 v0, v1  }
0x30d: {  	v0 =	vmov s7;
	[tilespmem:s5+$0x1A0] =	vst v1;
	s5 =	sshra.s32 s6, $0x2;
	s6 =	sadd.s32 $0x40, s6  }
0x30e: {  	v0 =	vshrl.u32 v0, $0xE;
	v1 =	vld [tilespmem:s5+$0x1A0]  }
0x30f: {  	v0 =	vmul.u32 $0x186A0, v0;
	_ =	sdelay $0x1  }
0x310: {  	v0 =	vbroadcast v0, $0x0  }
0x311: {  	s13 =	sld [smem:$0x7D5]  }
0x312: {  	v0 =	vadd.s32 v0, v1  }
0x313: {  	s6 =	simm.s32 $0x1A0;
	s7 =	simm.s32 $0xD340;
	s14 =	simm.s32 $0x1;
	[tilespmem:s5+$0x1A0] =	vst v0  }
0x314: {  	[tilespmem:s7], [sflag:$0x2] =	stream.indirect.gather [hbm4b:s13+s6], $0x80, s6, s6, $0xb8;
	[tilespmem:$0x1A340] =	vst v63  }
0x315: {  	_ =	swait.ge [sflag:s14], $0xD000  }
0x316: {  	s8 =	sadd.s32 $0x0, s23;
	s5 =	simm.s32 $0x340;
	[sflag:s14] =	ssyncset.done $0x0  }
0x317: {  	s6 =	simm.s32 $0x4;
	s7 =	simm.s32 $0x3C0;
	[sflag:s14] =	ssyncadd.s32 $0xFFFF3000  }
.LBB2_86:
0x318: {  	[hbm4b:s8+s1] =	stream.linear.scatter [tilespmem:s5], [sflag:$0x3], $0x20, $0x38;
	[tilespmem:$0x1A340] =	vst v63  }
0x319: {  	s8 =	smov.u32 s6;
	s5 =	smov.u32 s7;
	p0 =	sne.s32 s6, $0x67C  }
.Ltmp42:
0x31a: {  	s6 =	sadd.s32 $0x4, s6;
	(pc) =	sbr.rel @p0 .LBB2_86-.Ltmp42, $2  }
0x31b: {  	_ =	sdelay $0x2  }
0x31c: {  	s7 =	sadd.s32 $0x80, s7;
	s8 =	sadd.s32 s8, s23  }
0x31d: {  	[hbm4b:s8+s1] =	stream.linear.scatter [tilespmem:s5], [sflag:$0x3], $0x20, $0x38;
	[tilespmem:$0x1A340] =	vst v63  }
0x31e: {  	s7 =	simm.s32 $0x3  }
0x31f: {  	_ =	swait.ge [sflag:s7], $0x3400  }
0x320: {  	[sflag:s7] =	ssyncset.done $0x0  }
0x321: {  	s14 =	simm.s32 $0x0;
	s6 =	rddreg [dreg:$0x19];
	[sflag:s7] =	ssyncadd.s32 $0xFFFFCC00  }
0x322: {  	[tilespmem:s14], [sflag:$0x3] =	stream.linear.gather [hbm4b:s6+s14], $0x1A0, $0x38;
	[tilespmem:$0x1A340] =	vst v63  }
0x323: {  	_ =	swait.ge [sflag:s7], $0x1A0  }
0x324: {  	[sflag:s7] =	ssyncset.done $0x0  }
0x325: {  	[sflag:s7] =	ssyncadd.s32 $0xFFFFFE60;
	s7 =	sld [smem:$0x7ED];
	_ =	sdelay $0x2  }
0x326: {  	s5 =	simm.s32 $0x0;
	s6 =	simm.s32 $0x40;
	v0 =	vmov s7  }
.LBB2_88:
0x327: {  	p0 =	sne.s32 s6, $0x640;
	v0 =	vshrl.u32 v0, $0xE;
	v1 =	vld [tilespmem:s5+$0x0]  }
0x328: {  	v0 =	vmul.u32 $0x186A0, v0  }
.Ltmp43:
0x329: {  	(pc) =	sbr.rel @p0 .LBB2_88-.Ltmp43, $3  }
0x32a: {  	v0 =	vbroadcast v0, $0x0;
	_ =	sdelay $0x1  }
0x32b: {  	s7 =	sadd.s32 $0x10, s7;
	v1 =	vadd.s32 v0, v1  }
0x32c: {  	v0 =	vmov s7;
	[tilespmem:s5+$0x0] =	vst v1;
	s5 =	sshra.s32 s6, $0x2;
	s6 =	sadd.s32 $0x40, s6  }
0x32d: {  	v0 =	vshrl.u32 v0, $0xE;
	v1 =	vld [tilespmem:s5+$0x0]  }
0x32e: {  	v0 =	vmul.u32 $0x186A0, v0;
	_ =	sdelay $0x1  }
0x32f: {  	v0 =	vbroadcast v0, $0x0  }
0x330: {  	s6 =	sld [smem:$0x7D5]  }
0x331: {  	s13 =	simm.s32 $0x0;
	v0 =	vadd.s32 v0, v1  }
0x332: {  	s7 =	simm.s32 $0x1A0;
	s8 =	simm.s32 $0x340;
	s14 =	simm.s32 $0x2;
	[tilespmem:s5+$0x0] =	vst v0  }
0x333: {  	[tilespmem:s8], [sflag:$0x1] =	stream.indirect.gather [hbm4b:s6+s7], $0x80, s13, s7, $0xb8;
	[tilespmem:$0x1A340] =	vst v63  }
0x334: {  	_ =	swait.ge [sflag:s14], $0xD000  }
0x335: {  	s5 =	simm.s32 $0xD340;
	s6 =	simm.s32 $0x4;
	[sflag:s14] =	ssyncset.done $0x0  }
0x336: {  	s8 =	sadd.s32 $0x0, s24;
	s7 =	simm.s32 $0xD3C0;
	[sflag:s14] =	ssyncadd.s32 $0xFFFF3000  }
.LBB2_90:
0x337: {  	[hbm4b:s8+s1] =	stream.linear.scatter [tilespmem:s5], [sflag:$0x3], $0x20, $0x38;
	[tilespmem:$0x1A340] =	vst v63  }
0x338: {  	s8 =	smov.u32 s6;
	s5 =	smov.u32 s7;
	p0 =	sne.s32 s6, $0x67C  }
.Ltmp44:
0x339: {  	s6 =	sadd.s32 $0x4, s6;
	(pc) =	sbr.rel @p0 .LBB2_90-.Ltmp44, $2  }
0x33a: {  	_ =	sdelay $0x2  }
0x33b: {  	s7 =	sadd.s32 $0x80, s7;
	s8 =	sadd.s32 s8, s24  }
0x33c: {  	[hbm4b:s8+s1] =	stream.linear.scatter [tilespmem:s5], [sflag:$0x3], $0x20, $0x38;
	[tilespmem:$0x1A340] =	vst v63  }
0x33d: {  	s7 =	simm.s32 $0x3  }
0x33e: {  	_ =	swait.ge [sflag:s7], $0x3400  }
0x33f: {  	s13 =	simm.s32 $0x0;
	[sflag:s7] =	ssyncset.done $0x0  }
0x340: {  	s14 =	simm.s32 $0x1A0;
	s6 =	rddreg [dreg:$0x1a];
	[sflag:s7] =	ssyncadd.s32 $0xFFFFCC00  }
0x341: {  	[tilespmem:s14], [sflag:$0x3] =	stream.linear.gather [hbm4b:s6+s13], $0x1A0, $0x38;
	[tilespmem:$0x1A340] =	vst v63  }
0x342: {  	_ =	swait.ge [sflag:s7], $0x1A0  }
0x343: {  	[sflag:s7] =	ssyncset.done $0x0  }
0x344: {  	[sflag:s7] =	ssyncadd.s32 $0xFFFFFE60;
	s7 =	sld [smem:$0x7EE];
	_ =	sdelay $0x2  }
0x345: {  	s5 =	simm.s32 $0x0;
	s6 =	simm.s32 $0x40;
	v0 =	vmov s7  }
.LBB2_92:
0x346: {  	p0 =	sne.s32 s6, $0x640;
	v0 =	vshrl.u32 v0, $0xE;
	v1 =	vld [tilespmem:s5+$0x1A0]  }
0x347: {  	v0 =	vmul.u32 $0x186A0, v0  }
.Ltmp45:
0x348: {  	(pc) =	sbr.rel @p0 .LBB2_92-.Ltmp45, $3  }
0x349: {  	v0 =	vbroadcast v0, $0x0;
	_ =	sdelay $0x1  }
0x34a: {  	s7 =	sadd.s32 $0x10, s7;
	v1 =	vadd.s32 v0, v1  }
0x34b: {  	v0 =	vmov s7;
	[tilespmem:s5+$0x1A0] =	vst v1;
	s5 =	sshra.s32 s6, $0x2;
	s6 =	sadd.s32 $0x40, s6  }
0x34c: {  	v0 =	vshrl.u32 v0, $0xE;
	v1 =	vld [tilespmem:s5+$0x1A0]  }
0x34d: {  	v0 =	vmul.u32 $0x186A0, v0;
	_ =	sdelay $0x1  }
0x34e: {  	v0 =	vbroadcast v0, $0x0  }
0x34f: {  	s13 =	sld [smem:$0x7D5]  }
0x350: {  	v0 =	vadd.s32 v0, v1  }
0x351: {  	s6 =	simm.s32 $0x1A0;
	s7 =	simm.s32 $0xD340;
	s14 =	simm.s32 $0x1;
	[tilespmem:s5+$0x1A0] =	vst v0  }
0x352: {  	[tilespmem:s7], [sflag:$0x2] =	stream.indirect.gather [hbm4b:s13+s6], $0x80, s6, s6, $0xb8;
	[tilespmem:$0x1A340] =	vst v63  }
0x353: {  	_ =	swait.ge [sflag:s14], $0xD000  }
0x354: {  	s8 =	sadd.s32 $0x0, s25;
	s5 =	simm.s32 $0x340;
	[sflag:s14] =	ssyncset.done $0x0  }
0x355: {  	s6 =	simm.s32 $0x4;
	s7 =	simm.s32 $0x3C0;
	[sflag:s14] =	ssyncadd.s32 $0xFFFF3000  }
.LBB2_94:
0x356: {  	[hbm4b:s8+s1] =	stream.linear.scatter [tilespmem:s5], [sflag:$0x3], $0x20, $0x38;
	[tilespmem:$0x1A340] =	vst v63  }
0x357: {  	s8 =	smov.u32 s6;
	s5 =	smov.u32 s7;
	p0 =	sne.s32 s6, $0x67C  }
.Ltmp46:
0x358: {  	s6 =	sadd.s32 $0x4, s6;
	(pc) =	sbr.rel @p0 .LBB2_94-.Ltmp46, $2  }
0x359: {  	_ =	sdelay $0x2  }
0x35a: {  	s7 =	sadd.s32 $0x80, s7;
	s8 =	sadd.s32 s8, s25  }
0x35b: {  	[hbm4b:s8+s1] =	stream.linear.scatter [tilespmem:s5], [sflag:$0x3], $0x20, $0x38;
	[tilespmem:$0x1A340] =	vst v63  }
0x35c: {  	s7 =	simm.s32 $0x3  }
0x35d: {  	_ =	swait.ge [sflag:s7], $0x3400  }
0x35e: {  	[sflag:s7] =	ssyncset.done $0x0  }
0x35f: {  	s14 =	simm.s32 $0x0;
	s6 =	rddreg [dreg:$0x1b];
	[sflag:s7] =	ssyncadd.s32 $0xFFFFCC00  }
0x360: {  	[tilespmem:s14], [sflag:$0x3] =	stream.linear.gather [hbm4b:s6+s14], $0x1A0, $0x38;
	[tilespmem:$0x1A340] =	vst v63  }
0x361: {  	_ =	swait.ge [sflag:s7], $0x1A0  }
0x362: {  	[sflag:s7] =	ssyncset.done $0x0  }
0x363: {  	[sflag:s7] =	ssyncadd.s32 $0xFFFFFE60;
	s7 =	sld [smem:$0x7EF];
	_ =	sdelay $0x2  }
0x364: {  	s5 =	simm.s32 $0x0;
	s6 =	simm.s32 $0x40;
	v0 =	vmov s7  }
.LBB2_96:
0x365: {  	p0 =	sne.s32 s6, $0x640;
	v0 =	vshrl.u32 v0, $0xE;
	v1 =	vld [tilespmem:s5+$0x0]  }
0x366: {  	v0 =	vmul.u32 $0x186A0, v0  }
.Ltmp47:
0x367: {  	(pc) =	sbr.rel @p0 .LBB2_96-.Ltmp47, $3  }
0x368: {  	v0 =	vbroadcast v0, $0x0;
	_ =	sdelay $0x1  }
0x369: {  	s7 =	sadd.s32 $0x10, s7;
	v1 =	vadd.s32 v0, v1  }
0x36a: {  	v0 =	vmov s7;
	[tilespmem:s5+$0x0] =	vst v1;
	s5 =	sshra.s32 s6, $0x2;
	s6 =	sadd.s32 $0x40, s6  }
0x36b: {  	v0 =	vshrl.u32 v0, $0xE;
	v1 =	vld [tilespmem:s5+$0x0]  }
0x36c: {  	v0 =	vmul.u32 $0x186A0, v0;
	_ =	sdelay $0x1  }
0x36d: {  	v0 =	vbroadcast v0, $0x0  }
0x36e: {  	s6 =	sld [smem:$0x7D5]  }
0x36f: {  	s13 =	simm.s32 $0x0;
	v0 =	vadd.s32 v0, v1  }
0x370: {  	s7 =	simm.s32 $0x1A0;
	s8 =	simm.s32 $0x340;
	s14 =	simm.s32 $0x2;
	[tilespmem:s5+$0x0] =	vst v0  }
0x371: {  	[tilespmem:s8], [sflag:$0x1] =	stream.indirect.gather [hbm4b:s6+s7], $0x80, s13, s7, $0xb8;
	[tilespmem:$0x1A340] =	vst v63  }
0x372: {  	_ =	swait.ge [sflag:s14], $0xD000  }
0x373: {  	s5 =	simm.s32 $0xD340;
	s6 =	simm.s32 $0x4;
	[sflag:s14] =	ssyncset.done $0x0  }
0x374: {  	s8 =	sadd.s32 $0x0, s26;
	s7 =	simm.s32 $0xD3C0;
	[sflag:s14] =	ssyncadd.s32 $0xFFFF3000  }
.LBB2_98:
0x375: {  	[hbm4b:s8+s1] =	stream.linear.scatter [tilespmem:s5], [sflag:$0x3], $0x20, $0x38;
	[tilespmem:$0x1A340] =	vst v63  }
0x376: {  	s8 =	smov.u32 s6;
	s5 =	smov.u32 s7;
	p0 =	sne.s32 s6, $0x67C  }
.Ltmp48:
0x377: {  	s6 =	sadd.s32 $0x4, s6;
	(pc) =	sbr.rel @p0 .LBB2_98-.Ltmp48, $2  }
0x378: {  	_ =	sdelay $0x2  }
0x379: {  	s7 =	sadd.s32 $0x80, s7;
	s8 =	sadd.s32 s8, s26  }
0x37a: {  	[hbm4b:s8+s1] =	stream.linear.scatter [tilespmem:s5], [sflag:$0x3], $0x20, $0x38;
	[tilespmem:$0x1A340] =	vst v63  }
0x37b: {  	s7 =	simm.s32 $0x3  }
0x37c: {  	_ =	swait.ge [sflag:s7], $0x3400  }
0x37d: {  	s13 =	simm.s32 $0x0;
	[sflag:s7] =	ssyncset.done $0x0  }
0x37e: {  	s14 =	simm.s32 $0x1A0;
	s6 =	rddreg [dreg:$0x1c];
	[sflag:s7] =	ssyncadd.s32 $0xFFFFCC00  }
0x37f: {  	[tilespmem:s14], [sflag:$0x3] =	stream.linear.gather [hbm4b:s6+s13], $0x1A0, $0x38;
	[tilespmem:$0x1A340] =	vst v63  }
0x380: {  	_ =	swait.ge [sflag:s7], $0x1A0  }
0x381: {  	[sflag:s7] =	ssyncset.done $0x0  }
0x382: {  	[sflag:s7] =	ssyncadd.s32 $0xFFFFFE60;
	s7 =	sld [smem:$0x7F0];
	_ =	sdelay $0x2  }
0x383: {  	s5 =	simm.s32 $0x0;
	s6 =	simm.s32 $0x40;
	v0 =	vmov s7  }
.LBB2_100:
0x384: {  	p0 =	sne.s32 s6, $0x640;
	v0 =	vshrl.u32 v0, $0xE;
	v1 =	vld [tilespmem:s5+$0x1A0]  }
0x385: {  	v0 =	vmul.u32 $0x186A0, v0  }
.Ltmp49:
0x386: {  	(pc) =	sbr.rel @p0 .LBB2_100-.Ltmp49, $3  }
0x387: {  	v0 =	vbroadcast v0, $0x0;
	_ =	sdelay $0x1  }
0x388: {  	s7 =	sadd.s32 $0x10, s7;
	v1 =	vadd.s32 v0, v1  }
0x389: {  	v0 =	vmov s7;
	[tilespmem:s5+$0x1A0] =	vst v1;
	s5 =	sshra.s32 s6, $0x2;
	s6 =	sadd.s32 $0x40, s6  }
0x38a: {  	v0 =	vshrl.u32 v0, $0xE;
	v1 =	vld [tilespmem:s5+$0x1A0]  }
0x38b: {  	v0 =	vmul.u32 $0x186A0, v0;
	_ =	sdelay $0x1  }
0x38c: {  	v0 =	vbroadcast v0, $0x0  }
0x38d: {  	s13 =	sld [smem:$0x7D5]  }
0x38e: {  	v0 =	vadd.s32 v0, v1  }
0x38f: {  	s6 =	simm.s32 $0x1A0;
	s7 =	simm.s32 $0xD340;
	s14 =	simm.s32 $0x1;
	[tilespmem:s5+$0x1A0] =	vst v0  }
0x390: {  	[tilespmem:s7], [sflag:$0x2] =	stream.indirect.gather [hbm4b:s13+s6], $0x80, s6, s6, $0xb8;
	[tilespmem:$0x1A340] =	vst v63  }
0x391: {  	_ =	swait.ge [sflag:s14], $0xD000  }
0x392: {  	s8 =	sadd.s32 $0x0, s28;
	s5 =	simm.s32 $0x340;
	[sflag:s14] =	ssyncset.done $0x0  }
0x393: {  	s6 =	simm.s32 $0x4;
	s7 =	simm.s32 $0x3C0;
	[sflag:s14] =	ssyncadd.s32 $0xFFFF3000  }
.LBB2_102:
0x394: {  	[hbm4b:s8+s1] =	stream.linear.scatter [tilespmem:s5], [sflag:$0x3], $0x20, $0x38;
	[tilespmem:$0x1A340] =	vst v63  }
0x395: {  	s8 =	smov.u32 s6;
	s5 =	smov.u32 s7;
	p0 =	sne.s32 s6, $0x67C  }
.Ltmp50:
0x396: {  	s6 =	sadd.s32 $0x4, s6;
	(pc) =	sbr.rel @p0 .LBB2_102-.Ltmp50, $2  }
0x397: {  	_ =	sdelay $0x2  }
0x398: {  	s7 =	sadd.s32 $0x80, s7;
	s8 =	sadd.s32 s8, s28  }
0x399: {  	[hbm4b:s8+s1] =	stream.linear.scatter [tilespmem:s5], [sflag:$0x3], $0x20, $0x38;
	[tilespmem:$0x1A340] =	vst v63  }
0x39a: {  	s7 =	simm.s32 $0x3  }
0x39b: {  	_ =	swait.ge [sflag:s7], $0x3400  }
0x39c: {  	[sflag:s7] =	ssyncset.done $0x0  }
0x39d: {  	s14 =	simm.s32 $0x0;
	s6 =	rddreg [dreg:$0x1d];
	[sflag:s7] =	ssyncadd.s32 $0xFFFFCC00  }
0x39e: {  	[tilespmem:s14], [sflag:$0x3] =	stream.linear.gather [hbm4b:s6+s14], $0x1A0, $0x38;
	[tilespmem:$0x1A340] =	vst v63  }
0x39f: {  	_ =	swait.ge [sflag:s7], $0x1A0  }
0x3a0: {  	[sflag:s7] =	ssyncset.done $0x0  }
0x3a1: {  	[sflag:s7] =	ssyncadd.s32 $0xFFFFFE60;
	s7 =	sld [smem:$0x7F1];
	_ =	sdelay $0x2  }
0x3a2: {  	s5 =	simm.s32 $0x0;
	s6 =	simm.s32 $0x40;
	v0 =	vmov s7  }
.LBB2_104:
0x3a3: {  	p0 =	sne.s32 s6, $0x640;
	v0 =	vshrl.u32 v0, $0xE;
	v1 =	vld [tilespmem:s5+$0x0]  }
0x3a4: {  	v0 =	vmul.u32 $0x186A0, v0  }
.Ltmp51:
0x3a5: {  	(pc) =	sbr.rel @p0 .LBB2_104-.Ltmp51, $3  }
0x3a6: {  	v0 =	vbroadcast v0, $0x0;
	_ =	sdelay $0x1  }
0x3a7: {  	s7 =	sadd.s32 $0x10, s7;
	v1 =	vadd.s32 v0, v1  }
0x3a8: {  	v0 =	vmov s7;
	[tilespmem:s5+$0x0] =	vst v1;
	s5 =	sshra.s32 s6, $0x2;
	s6 =	sadd.s32 $0x40, s6  }
0x3a9: {  	v0 =	vshrl.u32 v0, $0xE;
	v1 =	vld [tilespmem:s5+$0x0]  }
0x3aa: {  	v0 =	vmul.u32 $0x186A0, v0;
	_ =	sdelay $0x1  }
0x3ab: {  	v0 =	vbroadcast v0, $0x0  }
0x3ac: {  	s6 =	sld [smem:$0x7D5]  }
0x3ad: {  	s13 =	simm.s32 $0x0;
	v0 =	vadd.s32 v0, v1  }
0x3ae: {  	s7 =	simm.s32 $0x1A0;
	s8 =	simm.s32 $0x340;
	s14 =	simm.s32 $0x2;
	[tilespmem:s5+$0x0] =	vst v0  }
0x3af: {  	[tilespmem:s8], [sflag:$0x1] =	stream.indirect.gather [hbm4b:s6+s7], $0x80, s13, s7, $0xb8;
	[tilespmem:$0x1A340] =	vst v63  }
0x3b0: {  	_ =	swait.ge [sflag:s14], $0xD000  }
0x3b1: {  	s5 =	simm.s32 $0xD340;
	s6 =	simm.s32 $0x4;
	[sflag:s14] =	ssyncset.done $0x0  }
0x3b2: {  	s8 =	sadd.s32 $0x0, s29;
	s7 =	simm.s32 $0xD3C0;
	[sflag:s14] =	ssyncadd.s32 $0xFFFF3000  }
.LBB2_106:
0x3b3: {  	[hbm4b:s8+s1] =	stream.linear.scatter [tilespmem:s5], [sflag:$0x3], $0x20, $0x38;
	[tilespmem:$0x1A340] =	vst v63  }
0x3b4: {  	s8 =	smov.u32 s6;
	s5 =	smov.u32 s7;
	p0 =	sne.s32 s6, $0x67C  }
.Ltmp52:
0x3b5: {  	s6 =	sadd.s32 $0x4, s6;
	(pc) =	sbr.rel @p0 .LBB2_106-.Ltmp52, $2  }
0x3b6: {  	_ =	sdelay $0x2  }
0x3b7: {  	s7 =	sadd.s32 $0x80, s7;
	s8 =	sadd.s32 s8, s29  }
0x3b8: {  	[hbm4b:s8+s1] =	stream.linear.scatter [tilespmem:s5], [sflag:$0x3], $0x20, $0x38;
	[tilespmem:$0x1A340] =	vst v63  }
0x3b9: {  	s7 =	simm.s32 $0x3  }
0x3ba: {  	_ =	swait.ge [sflag:s7], $0x3400  }
0x3bb: {  	s13 =	simm.s32 $0x0;
	[sflag:s7] =	ssyncset.done $0x0  }
0x3bc: {  	s14 =	simm.s32 $0x1A0;
	s6 =	rddreg [dreg:$0x1e];
	[sflag:s7] =	ssyncadd.s32 $0xFFFFCC00  }
0x3bd: {  	[tilespmem:s14], [sflag:$0x3] =	stream.linear.gather [hbm4b:s6+s13], $0x1A0, $0x38;
	[tilespmem:$0x1A340] =	vst v63  }
0x3be: {  	_ =	swait.ge [sflag:s7], $0x1A0  }
0x3bf: {  	[sflag:s7] =	ssyncset.done $0x0  }
0x3c0: {  	[sflag:s7] =	ssyncadd.s32 $0xFFFFFE60;
	s7 =	sld [smem:$0x7F2];
	_ =	sdelay $0x2  }
0x3c1: {  	s5 =	simm.s32 $0x0;
	s6 =	simm.s32 $0x40;
	v0 =	vmov s7  }
.LBB2_108:
0x3c2: {  	p0 =	sne.s32 s6, $0x640;
	v0 =	vshrl.u32 v0, $0xE;
	v1 =	vld [tilespmem:s5+$0x1A0]  }
0x3c3: {  	v0 =	vmul.u32 $0x186A0, v0  }
.Ltmp53:
0x3c4: {  	(pc) =	sbr.rel @p0 .LBB2_108-.Ltmp53, $3  }
0x3c5: {  	v0 =	vbroadcast v0, $0x0;
	_ =	sdelay $0x1  }
0x3c6: {  	s7 =	sadd.s32 $0x10, s7;
	v1 =	vadd.s32 v0, v1  }
0x3c7: {  	v0 =	vmov s7;
	[tilespmem:s5+$0x1A0] =	vst v1;
	s5 =	sshra.s32 s6, $0x2;
	s6 =	sadd.s32 $0x40, s6  }
0x3c8: {  	v0 =	vshrl.u32 v0, $0xE;
	v1 =	vld [tilespmem:s5+$0x1A0]  }
0x3c9: {  	v0 =	vmul.u32 $0x186A0, v0;
	_ =	sdelay $0x1  }
0x3ca: {  	v0 =	vbroadcast v0, $0x0  }
0x3cb: {  	s13 =	sld [smem:$0x7D5]  }
0x3cc: {  	v0 =	vadd.s32 v0, v1  }
0x3cd: {  	s6 =	simm.s32 $0x1A0;
	s7 =	simm.s32 $0xD340;
	s14 =	simm.s32 $0x1;
	[tilespmem:s5+$0x1A0] =	vst v0  }
0x3ce: {  	[tilespmem:s7], [sflag:$0x2] =	stream.indirect.gather [hbm4b:s13+s6], $0x80, s6, s6, $0xb8;
	[tilespmem:$0x1A340] =	vst v63  }
0x3cf: {  	_ =	swait.ge [sflag:s14], $0xD000  }
0x3d0: {  	s8 =	sadd.s32 $0x0, s30;
	s5 =	simm.s32 $0x340;
	[sflag:s14] =	ssyncset.done $0x0  }
0x3d1: {  	s6 =	simm.s32 $0x4;
	s7 =	simm.s32 $0x3C0;
	[sflag:s14] =	ssyncadd.s32 $0xFFFF3000  }
.LBB2_110:
0x3d2: {  	[hbm4b:s8+s1] =	stream.linear.scatter [tilespmem:s5], [sflag:$0x3], $0x20, $0x38;
	[tilespmem:$0x1A340] =	vst v63  }
0x3d3: {  	s8 =	smov.u32 s6;
	s5 =	smov.u32 s7;
	p0 =	sne.s32 s6, $0x67C  }
.Ltmp54:
0x3d4: {  	s6 =	sadd.s32 $0x4, s6;
	(pc) =	sbr.rel @p0 .LBB2_110-.Ltmp54, $2  }
0x3d5: {  	_ =	sdelay $0x2  }
0x3d6: {  	s7 =	sadd.s32 $0x80, s7;
	s8 =	sadd.s32 s8, s30  }
0x3d7: {  	[hbm4b:s8+s1] =	stream.linear.scatter [tilespmem:s5], [sflag:$0x3], $0x20, $0x38;
	[tilespmem:$0x1A340] =	vst v63  }
0x3d8: {  	s7 =	simm.s32 $0x3  }
0x3d9: {  	_ =	swait.ge [sflag:s7], $0x3400  }
0x3da: {  	[sflag:s7] =	ssyncset.done $0x0  }
0x3db: {  	s14 =	simm.s32 $0x0;
	s6 =	rddreg [dreg:$0x1f];
	[sflag:s7] =	ssyncadd.s32 $0xFFFFCC00  }
0x3dc: {  	[tilespmem:s14], [sflag:$0x3] =	stream.linear.gather [hbm4b:s6+s14], $0x1A0, $0x38;
	[tilespmem:$0x1A340] =	vst v63  }
0x3dd: {  	_ =	swait.ge [sflag:s7], $0x1A0  }
0x3de: {  	[sflag:s7] =	ssyncset.done $0x0  }
0x3df: {  	[sflag:s7] =	ssyncadd.s32 $0xFFFFFE60;
	s7 =	sld [smem:$0x7F3];
	_ =	sdelay $0x2  }
0x3e0: {  	s5 =	simm.s32 $0x0;
	s6 =	simm.s32 $0x40;
	v0 =	vmov s7  }
.LBB2_112:
0x3e1: {  	p0 =	sne.s32 s6, $0x640;
	v0 =	vshrl.u32 v0, $0xE;
	v1 =	vld [tilespmem:s5+$0x0]  }
0x3e2: {  	v0 =	vmul.u32 $0x186A0, v0  }
.Ltmp55:
0x3e3: {  	(pc) =	sbr.rel @p0 .LBB2_112-.Ltmp55, $3  }
0x3e4: {  	v0 =	vbroadcast v0, $0x0;
	_ =	sdelay $0x1  }
0x3e5: {  	s7 =	sadd.s32 $0x10, s7;
	v1 =	vadd.s32 v0, v1  }
0x3e6: {  	v0 =	vmov s7;
	[tilespmem:s5+$0x0] =	vst v1;
	s5 =	sshra.s32 s6, $0x2;
	s6 =	sadd.s32 $0x40, s6  }
0x3e7: {  	v0 =	vshrl.u32 v0, $0xE;
	v1 =	vld [tilespmem:s5+$0x0]  }
0x3e8: {  	v0 =	vmul.u32 $0x186A0, v0;
	_ =	sdelay $0x1  }
0x3e9: {  	v0 =	vbroadcast v0, $0x0  }
0x3ea: {  	s6 =	sld [smem:$0x7D5]  }
0x3eb: {  	s13 =	simm.s32 $0x0;
	v0 =	vadd.s32 v0, v1  }
0x3ec: {  	s7 =	simm.s32 $0x1A0;
	s8 =	simm.s32 $0x340;
	s14 =	simm.s32 $0x2;
	[tilespmem:s5+$0x0] =	vst v0  }
0x3ed: {  	[tilespmem:s8], [sflag:$0x1] =	stream.indirect.gather [hbm4b:s6+s7], $0x80, s13, s7, $0xb8;
	[tilespmem:$0x1A340] =	vst v63  }
0x3ee: {  	_ =	swait.ge [sflag:s14], $0xD000  }
0x3ef: {  	s5 =	simm.s32 $0xD340;
	s6 =	simm.s32 $0x4;
	[sflag:s14] =	ssyncset.done $0x0  }
0x3f0: {  	s8 =	sadd.s32 $0x0, s31;
	s7 =	simm.s32 $0xD3C0;
	[sflag:s14] =	ssyncadd.s32 $0xFFFF3000  }
.LBB2_114:
0x3f1: {  	[hbm4b:s8+s1] =	stream.linear.scatter [tilespmem:s5], [sflag:$0x3], $0x20, $0x38;
	[tilespmem:$0x1A340] =	vst v63  }
0x3f2: {  	s8 =	smov.u32 s6;
	s5 =	smov.u32 s7;
	p0 =	sne.s32 s6, $0x67C  }
.Ltmp56:
0x3f3: {  	s6 =	sadd.s32 $0x4, s6;
	(pc) =	sbr.rel @p0 .LBB2_114-.Ltmp56, $2  }
0x3f4: {  	_ =	sdelay $0x2  }
0x3f5: {  	s7 =	sadd.s32 $0x80, s7;
	s8 =	sadd.s32 s8, s31  }
0x3f6: {  	[hbm4b:s8+s1] =	stream.linear.scatter [tilespmem:s5], [sflag:$0x3], $0x20, $0x38;
	[tilespmem:$0x1A340] =	vst v63  }
0x3f7: {  	s7 =	simm.s32 $0x3  }
0x3f8: {  	_ =	swait.ge [sflag:s7], $0x3400  }
0x3f9: {  	s6 =	sld [smem:$0x7C6]  }
0x3fa: {  	[sflag:s7] =	ssyncset.done $0x0  }
0x3fb: {  	s13 =	simm.s32 $0x0;
	s14 =	simm.s32 $0x1A0;
	[sflag:s7] =	ssyncadd.s32 $0xFFFFCC00  }
0x3fc: {  	[tilespmem:s14], [sflag:$0x3] =	stream.linear.gather [hbm4b:s6+s13], $0x1A0, $0x38;
	[tilespmem:$0x1A340] =	vst v63  }
0x3fd: {  	_ =	swait.ge [sflag:s7], $0x1A0  }
0x3fe: {  	[sflag:s7] =	ssyncset.done $0x0  }
0x3ff: {  	[sflag:s7] =	ssyncadd.s32 $0xFFFFFE60;
	s7 =	sld [smem:$0x7F4];
	_ =	sdelay $0x2  }
0x400: {  	s5 =	simm.s32 $0x0;
	s6 =	simm.s32 $0x40;
	v0 =	vmov s7  }
.LBB2_116:
0x401: {  	p0 =	sne.s32 s6, $0x640;
	v0 =	vshrl.u32 v0, $0xE;
	v1 =	vld [tilespmem:s5+$0x1A0]  }
0x402: {  	v0 =	vmul.u32 $0x186A0, v0  }
.Ltmp57:
0x403: {  	(pc) =	sbr.rel @p0 .LBB2_116-.Ltmp57, $3  }
0x404: {  	v0 =	vbroadcast v0, $0x0;
	_ =	sdelay $0x1  }
0x405: {  	s7 =	sadd.s32 $0x10, s7;
	v1 =	vadd.s32 v0, v1  }
0x406: {  	v0 =	vmov s7;
	[tilespmem:s5+$0x1A0] =	vst v1;
	s5 =	sshra.s32 s6, $0x2;
	s6 =	sadd.s32 $0x40, s6  }
0x407: {  	v0 =	vshrl.u32 v0, $0xE;
	v1 =	vld [tilespmem:s5+$0x1A0]  }
0x408: {  	v0 =	vmul.u32 $0x186A0, v0;
	_ =	sdelay $0x1  }
0x409: {  	v0 =	vbroadcast v0, $0x0  }
0x40a: {  	s13 =	sld [smem:$0x7D5]  }
0x40b: {  	v0 =	vadd.s32 v0, v1  }
0x40c: {  	s6 =	simm.s32 $0x1A0;
	s7 =	simm.s32 $0xD340;
	s14 =	simm.s32 $0x1;
	[tilespmem:s5+$0x1A0] =	vst v0  }
0x40d: {  	[tilespmem:s7], [sflag:$0x2] =	stream.indirect.gather [hbm4b:s13+s6], $0x80, s6, s6, $0xb8;
	[tilespmem:$0x1A340] =	vst v63  }
0x40e: {  	_ =	swait.ge [sflag:s14], $0xD000  }
0x40f: {  	s8 =	sadd.s32 $0x0, s0;
	s5 =	simm.s32 $0x340;
	[sflag:s14] =	ssyncset.done $0x0  }
0x410: {  	s6 =	simm.s32 $0x4;
	s7 =	simm.s32 $0x3C0;
	[sflag:s14] =	ssyncadd.s32 $0xFFFF3000  }
.LBB2_118:
0x411: {  	[hbm4b:s8+s1] =	stream.linear.scatter [tilespmem:s5], [sflag:$0x3], $0x20, $0x38;
	[tilespmem:$0x1A340] =	vst v63  }
0x412: {  	s8 =	smov.u32 s6;
	s5 =	smov.u32 s7;
	p0 =	sne.s32 s6, $0x67C  }
.Ltmp58:
0x413: {  	s6 =	sadd.s32 $0x4, s6;
	(pc) =	sbr.rel @p0 .LBB2_118-.Ltmp58, $2  }
0x414: {  	_ =	sdelay $0x2  }
0x415: {  	s7 =	sadd.s32 $0x80, s7;
	s8 =	sadd.s32 s8, s0  }
0x416: {  	[hbm4b:s8+s1] =	stream.linear.scatter [tilespmem:s5], [sflag:$0x3], $0x20, $0x38;
	[tilespmem:$0x1A340] =	vst v63  }
0x417: {  	s7 =	simm.s32 $0x3  }
0x418: {  	_ =	swait.ge [sflag:s7], $0x3400  }
0x419: {  	s6 =	sld [smem:$0x7C7]  }
0x41a: {  	[sflag:s7] =	ssyncset.done $0x0  }
0x41b: {  	s14 =	simm.s32 $0x0;
	[sflag:s7] =	ssyncadd.s32 $0xFFFFCC00  }
0x41c: {  	[tilespmem:s14], [sflag:$0x3] =	stream.linear.gather [hbm4b:s6+s14], $0x1A0, $0x38;
	[tilespmem:$0x1A340] =	vst v63  }
0x41d: {  	_ =	swait.ge [sflag:s7], $0x1A0  }
0x41e: {  	[sflag:s7] =	ssyncset.done $0x0  }
0x41f: {  	[sflag:s7] =	ssyncadd.s32 $0xFFFFFE60;
	s7 =	sld [smem:$0x7F5];
	_ =	sdelay $0x2  }
0x420: {  	s5 =	simm.s32 $0x0;
	s6 =	simm.s32 $0x40;
	v0 =	vmov s7  }
.LBB2_120:
0x421: {  	p0 =	sne.s32 s6, $0x640;
	v0 =	vshrl.u32 v0, $0xE;
	v1 =	vld [tilespmem:s5+$0x0]  }
0x422: {  	v0 =	vmul.u32 $0x186A0, v0  }
.Ltmp59:
0x423: {  	(pc) =	sbr.rel @p0 .LBB2_120-.Ltmp59, $3  }
0x424: {  	v0 =	vbroadcast v0, $0x0;
	_ =	sdelay $0x1  }
0x425: {  	s7 =	sadd.s32 $0x10, s7;
	v1 =	vadd.s32 v0, v1  }
0x426: {  	v0 =	vmov s7;
	[tilespmem:s5+$0x0] =	vst v1;
	s5 =	sshra.s32 s6, $0x2;
	s6 =	sadd.s32 $0x40, s6  }
0x427: {  	v0 =	vshrl.u32 v0, $0xE;
	v1 =	vld [tilespmem:s5+$0x0]  }
0x428: {  	v0 =	vmul.u32 $0x186A0, v0;
	_ =	sdelay $0x1  }
0x429: {  	v0 =	vbroadcast v0, $0x0  }
0x42a: {  	s6 =	sld [smem:$0x7D5]  }
0x42b: {  	s13 =	simm.s32 $0x0;
	v0 =	vadd.s32 v0, v1  }
0x42c: {  	s7 =	simm.s32 $0x1A0;
	s8 =	simm.s32 $0x340;
	s14 =	simm.s32 $0x2;
	[tilespmem:s5+$0x0] =	vst v0  }
0x42d: {  	[tilespmem:s8], [sflag:$0x1] =	stream.indirect.gather [hbm4b:s6+s7], $0x80, s13, s7, $0xb8;
	[tilespmem:$0x1A340] =	vst v63  }
0x42e: {  	_ =	swait.ge [sflag:s14], $0xD000  }
0x42f: {  	s5 =	simm.s32 $0xD340;
	s6 =	simm.s32 $0x4;
	[sflag:s14] =	ssyncset.done $0x0  }
0x430: {  	s8 =	sadd.s32 $0x0, s2;
	s7 =	simm.s32 $0xD3C0;
	[sflag:s14] =	ssyncadd.s32 $0xFFFF3000  }
.LBB2_122:
0x431: {  	[hbm4b:s8+s1] =	stream.linear.scatter [tilespmem:s5], [sflag:$0x3], $0x20, $0x38;
	[tilespmem:$0x1A340] =	vst v63  }
0x432: {  	s8 =	smov.u32 s6;
	s5 =	smov.u32 s7;
	p0 =	sne.s32 s6, $0x67C  }
.Ltmp60:
0x433: {  	s6 =	sadd.s32 $0x4, s6;
	(pc) =	sbr.rel @p0 .LBB2_122-.Ltmp60, $2  }
0x434: {  	_ =	sdelay $0x2  }
0x435: {  	s7 =	sadd.s32 $0x80, s7;
	s8 =	sadd.s32 s8, s2  }
0x436: {  	[hbm4b:s8+s1] =	stream.linear.scatter [tilespmem:s5], [sflag:$0x3], $0x20, $0x38;
	[tilespmem:$0x1A340] =	vst v63  }
0x437: {  	s7 =	simm.s32 $0x3  }
0x438: {  	_ =	swait.ge [sflag:s7], $0x3400  }
0x439: {  	s6 =	sld [smem:$0x7C8]  }
0x43a: {  	[sflag:s7] =	ssyncset.done $0x0  }
0x43b: {  	s13 =	simm.s32 $0x0;
	s14 =	simm.s32 $0x1A0;
	[sflag:s7] =	ssyncadd.s32 $0xFFFFCC00  }
0x43c: {  	[tilespmem:s14], [sflag:$0x3] =	stream.linear.gather [hbm4b:s6+s13], $0x1A0, $0x38;
	[tilespmem:$0x1A340] =	vst v63  }
0x43d: {  	_ =	swait.ge [sflag:s7], $0x1A0  }
0x43e: {  	[sflag:s7] =	ssyncset.done $0x0  }
0x43f: {  	[sflag:s7] =	ssyncadd.s32 $0xFFFFFE60;
	s7 =	sld [smem:$0x7F7];
	_ =	sdelay $0x2  }
0x440: {  	s5 =	simm.s32 $0x0;
	s6 =	simm.s32 $0x40;
	v0 =	vmov s7  }
.LBB2_124:
0x441: {  	p0 =	sne.s32 s6, $0x640;
	v0 =	vshrl.u32 v0, $0xE;
	v1 =	vld [tilespmem:s5+$0x1A0]  }
0x442: {  	v0 =	vmul.u32 $0x186A0, v0  }
.Ltmp61:
0x443: {  	(pc) =	sbr.rel @p0 .LBB2_124-.Ltmp61, $3  }
0x444: {  	v0 =	vbroadcast v0, $0x0;
	_ =	sdelay $0x1  }
0x445: {  	s7 =	sadd.s32 $0x10, s7;
	v1 =	vadd.s32 v0, v1  }
0x446: {  	v0 =	vmov s7;
	[tilespmem:s5+$0x1A0] =	vst v1;
	s5 =	sshra.s32 s6, $0x2;
	s6 =	sadd.s32 $0x40, s6  }
0x447: {  	v0 =	vshrl.u32 v0, $0xE;
	v1 =	vld [tilespmem:s5+$0x1A0]  }
0x448: {  	v0 =	vmul.u32 $0x186A0, v0;
	_ =	sdelay $0x1  }
0x449: {  	v0 =	vbroadcast v0, $0x0  }
0x44a: {  	s13 =	sld [smem:$0x7D5]  }
0x44b: {  	v0 =	vadd.s32 v0, v1  }
0x44c: {  	s6 =	simm.s32 $0x1A0;
	s7 =	simm.s32 $0xD340;
	s14 =	simm.s32 $0x1;
	[tilespmem:s5+$0x1A0] =	vst v0  }
0x44d: {  	[tilespmem:s7], [sflag:$0x2] =	stream.indirect.gather [hbm4b:s13+s6], $0x80, s6, s6, $0xb8;
	[tilespmem:$0x1A340] =	vst v63  }
0x44e: {  	_ =	swait.ge [sflag:s14], $0xD000  }
0x44f: {  	s8 =	sadd.s32 $0x0, s3;
	s5 =	simm.s32 $0x340;
	[sflag:s14] =	ssyncset.done $0x0  }
0x450: {  	s6 =	simm.s32 $0x4;
	s7 =	simm.s32 $0x3C0;
	[sflag:s14] =	ssyncadd.s32 $0xFFFF3000  }
.LBB2_126:
0x451: {  	[hbm4b:s8+s1] =	stream.linear.scatter [tilespmem:s5], [sflag:$0x3], $0x20, $0x38;
	[tilespmem:$0x1A340] =	vst v63  }
0x452: {  	s8 =	smov.u32 s6;
	s5 =	smov.u32 s7;
	p0 =	sne.s32 s6, $0x67C  }
.Ltmp62:
0x453: {  	s6 =	sadd.s32 $0x4, s6;
	(pc) =	sbr.rel @p0 .LBB2_126-.Ltmp62, $2  }
0x454: {  	_ =	sdelay $0x2  }
0x455: {  	s7 =	sadd.s32 $0x80, s7;
	s8 =	sadd.s32 s8, s3  }
0x456: {  	[hbm4b:s8+s1] =	stream.linear.scatter [tilespmem:s5], [sflag:$0x3], $0x20, $0x38;
	[tilespmem:$0x1A340] =	vst v63  }
0x457: {  	s13 =	simm.s32 $0x3  }
0x458: {  	_ =	swait.ge [sflag:s13], $0x3400  }
0x459: {  	[sflag:s13] =	ssyncset.done $0x0  }
0x45a: {  	s14 =	simm.s32 $0x2;
	[sflag:s13] =	ssyncadd.s32 $0xFFFFCC00  }
0x45b: {  	_ =	swait.ge [sflag:s14], $0xD000  }
0x45c: {  	s5 =	simm.s32 $0xD340;
	s6 =	simm.s32 $0x4;
	[sflag:s14] =	ssyncset.done $0x0  }
0x45d: {  	s8 =	sadd.s32 $0x0, s4;
	s7 =	simm.s32 $0xD3C0;
	[sflag:s14] =	ssyncadd.s32 $0xFFFF3000  }
.LBB2_128:
0x45e: {  	[hbm4b:s8+s1] =	stream.linear.scatter [tilespmem:s5], [sflag:$0x3], $0x20, $0x38;
	[tilespmem:$0x1A340] =	vst v63  }
0x45f: {  	s8 =	smov.u32 s6;
	s5 =	smov.u32 s7;
	p0 =	sne.s32 s6, $0x67C  }
.Ltmp63:
0x460: {  	s6 =	sadd.s32 $0x4, s6;
	(pc) =	sbr.rel @p0 .LBB2_128-.Ltmp63, $2  }
0x461: {  	_ =	sdelay $0x2  }
0x462: {  	s7 =	sadd.s32 $0x80, s7;
	s8 =	sadd.s32 s8, s4  }
0x463: {  	[hbm4b:s8+s1] =	stream.linear.scatter [tilespmem:s5], [sflag:$0x3], $0x20, $0x38;
	[tilespmem:$0x1A340] =	vst v63  }
0x464: {  	s8 =	simm.s32 $0x3  }
0x465: {  	_ =	swait.ge [sflag:s8], $0x3400  }
0x466: {  	s6 =	sld [smem:$0x7C5]  }
0x467: {  	s14 =	sld [smem:$0x7D7];
	_ =	sdelay $0x1  }
0x468: {  	s6 =	sadd.s32 $0x1, s6  }
0x469: {  	p0 =	sne.s32 s6, s14  }
.Ltmp64:
0x46a: {  	_ = 	snop;
	(pc) =	sbr.rel @p0 .LBB2_1-.Ltmp64, $3  }
0x46b: {  	_ =	sdelay $0x1  }
0x46c: {  	[sflag:s8] =	ssyncset.done $0x0  }
0x46d: {  	[sflag:s8] =	ssyncadd.s32 $0xFFFFCC00  }
0x46e: {  	_ =	sfence.sel $0x180000  }
0x46f: {  	[bflag:$0x0] =	sbarrier.arrive $0xFFFF  }
0x470: {  	_ =	strace $0x90000047  }
0x471: {  	s0 =	stileid.u32;
	[bflag:$0x2] =	sbarrier.arrive $0xFFFF  }
0x472: {  	p0 =	sne.s32 s0, $0x0;
	s0 =	rddreg [dreg:$0x2]  }
0x473: {  	s0 =	sadd.s32 @!p0 $0x100000, s0  }
0x474: {  	[sflag:s0] =	ssyncadd.tile.s32 @!p0 $0x1;
	_ =	shalt  }
.Lfunc_end2:
_tile_overlayer_lowered:
.L_overlay_start_2:
0x475: {  	(tag) =	ssettag $0x2  }
0x476: {  	s0 =	rddreg [dreg:$0x0];
	s2 =	stileid.u32  }
0x477: {  	s1 =	rddreg [dreg:$0x1];
	p0 =	sne.s32 s2, $0x0  }
0x478: {  	s3 =	rddreg [dreg:$0x2];
	[bflag:$0x3] =	sbarrier.arrive $0xFFFF;
	s2 =	simm.s32 @!p0 $0x1C03  }
0x479: {  	[timem:s3], [sflag:s2] =	dma.local @!p0 [hbm:s0], s1  }
0x47a: {  	s0 =	simm.s32 @!p0 $0x3  }
0x47b: {  	_ =	swait.ge @!p0 [sflag:s0], s1  }
0x47c: {  	s1 =	ssub.s32 @!p0 $0x0, s1;
	[sflag:s0] =	ssyncset.done @!p0 $0x0  }
0x47d: {  	[sflag:s0] =	ssyncadd.s32 @!p0 s1  }
0x47e: {  	[bflag:$0x3] =	sbarrier.arrive $0xFFFF  }
0x47f: {  	_ =	shalt  }

</sc_bundles>
